<compile_context>
chip_gen: v7x
topology: tpu7x:2x2x1
jax: 0.10.2.dev20260603
libtpu: 0.0.44.dev20260713+nightly
codegen_flags: <defaults>
</compile_context>

<pallas_src>
import functools

import jax
import jax.numpy as jnp
from jax import lax
from jax.experimental import pallas as pl
from jax.experimental.pallas import tpu as pltpu
from jax.experimental.pallas import tpu_sc as plsc

B, N, M = 8, 4096, 1024
C1, C2 = 128, 256
H1, H2 = 256, 256
NBLK = 512
CBLK = 4096
P = B * N

NC, NS, L = 2, 16, 16
NW = NC * NS
S = 32

NSPLIT = 2
NB = B // NSPLIT
PS = NB * N
PPW = PS // NW
NCHUNK = PPW // S

def _splat(vec, pos):
    dnums = lax.GatherDimensionNumbers(
        offset_dims=(), collapsed_slice_dims=(0,), start_index_map=(0,))
    return lax.gather(vec, pos[:, None], dnums, slice_sizes=(1,),
                      mode=lax.GatherScatterMode.PROMISE_IN_BOUNDS)


def _top3_body(ut_ref, kn_ref, idx_ref, w_ref, *, boff):
    b = pl.program_id(0)
    u = ut_ref[0]
    kn = kn_ref[0]
    cross = jnp.dot(kn, u, preferred_element_type=jnp.float32)
    un2 = jnp.sum(u * u, axis=0, keepdims=True)
    kn2 = jnp.sum(kn * kn, axis=1, keepdims=True)
    d2 = jnp.maximum(kn2 + un2 - 2.0 * cross, 0.0)

    col = lax.broadcasted_iota(jnp.int32, (M, NBLK), 0)
    keys = (lax.bitcast_convert_type(d2, jnp.int32) & jnp.int32(~1023)) | col

    mins = []
    for k in range(3):
        mn = jnp.min(keys, axis=0, keepdims=True)
        mins.append(mn)
        if k < 2:
            keys = jnp.where(keys == mn, jnp.int32(0x7FFFFFFF), keys)

    idxs = [mn & jnp.int32(1023) for mn in mins]
    d2s = [lax.bitcast_convert_type(mn & jnp.int32(~1023), jnp.float32)
           for mn in mins]
    recips = [1.0 / (d + 1e-8) for d in d2s]
    norm = recips[0] + recips[1] + recips[2]
    ws = [r / norm for r in recips]

    zi = jnp.zeros((1, NBLK), jnp.int32)
    zf = jnp.zeros((1, NBLK), jnp.float32)
    goff = (b + boff) * M
    idx_ref[0, 0] = jnp.concatenate(
        [idxs[0] + goff, idxs[1] + goff, idxs[2] + goff, zi, zi, zi, zi, zi],
        axis=0)
    w_ref[0, 0] = jnp.concatenate([ws[0], ws[1], ws[2], zf, zf, zf, zf, zf],
                                  axis=0)


def _top3(ut8, kn8, boff):
    wpb = N // NBLK
    return pl.pallas_call(
        functools.partial(_top3_body, boff=boff),
        grid=(NB, wpb),
        in_specs=[
            pl.BlockSpec((1, 8, NBLK), lambda b, i: (b + boff, 0, i)),
            pl.BlockSpec((1, M, 8), lambda b, i: (b + boff, 0, 0)),
        ],
        out_specs=[
            pl.BlockSpec((1, 1, 8, NBLK), lambda b, i: (b, i, 0, 0)),
            pl.BlockSpec((1, 1, 8, NBLK), lambda b, i: (b, i, 0, 0)),
        ],
        out_shape=[
            jax.ShapeDtypeStruct((NB, wpb, 8, NBLK), jnp.int32),
            jax.ShapeDtypeStruct((NB, wpb, 8, NBLK), jnp.float32),
        ],
    )(ut8, kn8)


def _interp_sc(idx_w, w_w, table):
    mesh = plsc.VectorSubcoreMesh(core_axis_name="c", subcore_axis_name="s")

    @functools.partial(
        pl.kernel,
        mesh=mesh,
        out_type=jax.ShapeDtypeStruct((PS, C2), jnp.float32),
        scratch_types=[
            pltpu.VMEM((8, NCHUNK, S), jnp.int32),
            pltpu.VMEM((3, PPW), jnp.float32),
            pltpu.VMEM((2, 3, S, C2), jnp.float32),
            pltpu.VMEM((2, S, C2), jnp.float32),
            pltpu.SemaphoreType.DMA,
            pltpu.SemaphoreType.DMA,
            pltpu.SemaphoreType.DMA,
            pltpu.SemaphoreType.DMA,
        ],
    )
    def body(idx_hbm, w_hbm, table_hbm, out_hbm, idx_v, w_v, rows_v, out_v,
             semg0, semg1, semo0, semo1):
        wid = lax.axis_index("s") * NC + lax.axis_index("c")
        base = wid * PPW
        semg = [semg0, semg1]
        semo = [semo0, semo1]
        pltpu.sync_copy(idx_hbm.at[wid], idx_v)
        pltpu.sync_copy(w_hbm.at[wid, pl.ds(0, 3)], w_v)

        def start_gather(c, buf):
            for k in range(3):
                pltpu.async_copy(table_hbm.at[idx_v.at[k, c]],
                                 rows_v.at[buf, k], semg[buf])

        def wait_gather(c, buf):
            for k in range(3):
                pltpu.make_async_copy(table_hbm.at[idx_v.at[k, c]],
                                      rows_v.at[buf, k], semg[buf]).wait()

        def start_out(c, buf):
            pltpu.async_copy(out_v.at[buf],
                             out_hbm.at[pl.ds(base + c * S, S)], semo[buf])

        def wait_out(buf):
            pltpu.make_async_copy(out_v.at[buf],
                                  out_hbm.at[pl.ds(base, S)],
                                  semo[buf]).wait()

        def compute(c, buf):
            start = c * S

            def point_body(p, carry2):
                al = start + pl.multiple_of((p // L) * L, L)
                pos = jnp.full((L,), p % L, jnp.int32)
                w0 = _splat(w_v[0, pl.ds(al, L)], pos)
                w1 = _splat(w_v[1, pl.ds(al, L)], pos)
                w2 = _splat(w_v[2, pl.ds(al, L)], pos)
                for j in range(C2 // L):
                    sl = pl.ds(j * L, L)
                    acc = (w0 * rows_v[buf, 0, p, sl]
                           + w1 * rows_v[buf, 1, p, sl]
                           + w2 * rows_v[buf, 2, p, sl])
                    out_v[buf, p, sl] = acc
                return carry2

            lax.fori_loop(0, S, point_body, 0)

        start_gather(0, 0)
        nhalf = NCHUNK // 2

        def pair_body(g, carry):
            c0 = g * 2
            wait_gather(c0, 0)
            start_gather(c0 + 1, 1)

            @pl.when(g > 0)
            def _():
                wait_out(0)

            compute(c0, 0)
            start_out(c0, 0)

            wait_gather(c0 + 1, 1)

            @pl.when(g < nhalf - 1)
            def _():
                start_gather(c0 + 2, 0)

            @pl.when(g > 0)
            def _():
                wait_out(1)

            compute(c0 + 1, 1)
            start_out(c0 + 1, 1)
            return carry

        lax.fori_loop(0, nhalf, pair_body, 0)
        wait_out(0)
        wait_out(1)

    return body(idx_w, w_w, table)


def _mlp_half_body(it_ref, uf_ref, w1a_ref, w1b_ref, b1_ref, w2_ref,
                   b2_ref, out_ref):
    x = (jnp.dot(it_ref[...], w1a_ref[...], preferred_element_type=jnp.float32)
         + jnp.dot(uf_ref[...], w1b_ref[...],
                   preferred_element_type=jnp.float32)
         + b1_ref[...])
    x = jnp.maximum(x, 0.0)
    y = (jnp.dot(x, w2_ref[...], preferred_element_type=jnp.float32)
         + b2_ref[...])
    out_ref[...] = jnp.maximum(y, 0.0)


def _mlp_half(interp, uf, w1a, w1b, b1f, w2f, b2f, boff, prev=None):
    nblk = PS // CBLK

    def _pb(prev_ref, it_ref, uf_ref, w1a_ref, w1b_ref, b1_ref, w2_ref,
            b2_ref, out_ref):
        _mlp_half_body(it_ref, uf_ref, w1a_ref, w1b_ref, b1_ref, w2_ref,
                       b2_ref, out_ref)

    in_specs = [
        pl.BlockSpec((CBLK, C2), lambda i: (i, 0)),
        pl.BlockSpec((CBLK, C1), lambda i: (i + boff, 0)),
        pl.BlockSpec((C2, H1), lambda i: (0, 0)),
        pl.BlockSpec((C1, H1), lambda i: (0, 0)),
        pl.BlockSpec((1, H1), lambda i: (0, 0)),
        pl.BlockSpec((H1, H2), lambda i: (0, 0)),
        pl.BlockSpec((1, H2), lambda i: (0, 0)),
    ]
    args = (interp, uf, w1a, w1b, b1f, w2f, b2f)
    kwargs = {}
    body = _mlp_half_body
    if prev is not None:
        in_specs = [pl.BlockSpec(memory_space=pl.ANY)] + in_specs
        args = (prev,) + args
        kwargs = dict(input_output_aliases={0: 0})
        body = _pb
    return pl.pallas_call(
        body,
        grid=(nblk,),
        in_specs=in_specs,
        out_specs=pl.BlockSpec((CBLK, H2), lambda i: (i + boff, 0)),
        out_shape=jax.ShapeDtypeStruct((P, H2), jnp.float32),
        **kwargs,
    )(*args)


def kernel(unknown, known, unknow_feats, known_feats, grouped_xyz, inds,
           W1, b1, gamma1, beta1, W2, b2, gamma2, beta2):
    ut8 = jnp.zeros((B, 8, N), jnp.float32).at[:, :3, :].set(
        jnp.transpose(unknown, (0, 2, 1)))
    kn8 = jnp.zeros((B, M, 8), jnp.float32).at[:, :, :3].set(known)

    table = known_feats.reshape(B * M, C2)

    s1 = gamma1 / jnp.sqrt(1.0 + 1e-3)
    s2 = gamma2 / jnp.sqrt(1.0 + 1e-3)
    w1f = W1 * s1[None, :]
    b1f = (b1 * s1 + beta1).reshape(1, H1)
    w2f = W2 * s2[None, :]
    b2f = (b2 * s2 + beta2).reshape(1, H2)
    w1a = w1f[:C2]
    w1b = w1f[C2:]

    interps = []
    for s in range(NSPLIT):
        idx_pad, w_pad = _top3(ut8, kn8, s * NB)
        idx_w = idx_pad.reshape(NW, 8, NCHUNK, S)
        w_w = w_pad.reshape(NW, 8, PPW)
        interps.append(_interp_sc(idx_w, w_w, table))

    uf = unknow_feats.reshape(P, C1)
    nblk = PS // CBLK
    out = _mlp_half(interps[0], uf, w1a, w1b, b1f, w2f, b2f, 0)
    out = _mlp_half(interps[1], uf, w1a, w1b, b1f, w2f, b2f, nblk,
                    prev=out)
    return out.reshape(B, N, H2)

# --- scband reference (transcript-rebuilt; emitter-appended) ---
"""Pipeline reference for scband-pointnet-fpmodule-16260746183081 (READ-ONLY COPY).

The authoritative reference and input builder live on the scoring server;
editing this copy changes nothing except your own understanding.
"""

import jax, jax.numpy as jnp
import numpy as np


def setup_inputs(seed: int = 0) -> dict:
    key = jax.random.key(seed)
    ks = jax.random.split(key, 14)
    B, n, m, C1, C2 = 8, 4096, 1024, 128, 256
    Cin, H1, H2 = C1 + C2, 256, 256
    return {
        "unknown": jax.random.uniform(ks[0], (B, n, 3), dtype=jnp.float32),
        "known": jax.random.uniform(ks[1], (B, m, 3), dtype=jnp.float32),
        "unknow_feats": jax.random.normal(ks[2], (B, n, C1), dtype=jnp.float32),
        "known_feats": jax.random.normal(ks[3], (B, m, C2), dtype=jnp.float32),
        "grouped_xyz": jax.random.normal(ks[4], (B, n, 3, 3), dtype=jnp.float32),
        "inds": jax.random.randint(ks[5], (B, n), 0, m, dtype=jnp.int32),
        "W1": jax.random.normal(ks[6], (Cin, H1), dtype=jnp.float32) * 0.05,
        "b1": jnp.zeros((H1,), dtype=jnp.float32),
        "gamma1": jnp.ones((H1,), dtype=jnp.float32),
        "beta1": jnp.zeros((H1,), dtype=jnp.float32),
        "W2": jax.random.normal(ks[7], (H1, H2), dtype=jnp.float32) * 0.05,
        "b2": jnp.zeros((H2,), dtype=jnp.float32),
        "gamma2": jnp.ones((H2,), dtype=jnp.float32),
        "beta2": jnp.zeros((H2,), dtype=jnp.float32),
    }


def _three_nn(unknown, known):
    # squared-distance 3-NN, as in the pointnet2 three_nn op
    un2 = jnp.sum(unknown * unknown, axis=-1)
    kn2 = jnp.sum(known * known, axis=-1)
    cross = jnp.einsum('bnd,bmd->bnm', unknown, known)
    d2 = jnp.maximum(un2[:, :, None] + kn2[:, None, :] - 2.0 * cross, 0.0)
    neg_vals, idx = jax.lax.top_k(-d2, 3)
    return -neg_vals, idx


def reference(unknown, known, unknow_feats, known_feats, grouped_xyz, inds,
              W1, b1, gamma1, beta1, W2, b2, gamma2, beta2):
    dist, idx = _three_nn(unknown, known)
    dist_recip = 1.0 / (dist + 1e-08)
    norm = jnp.sum(dist_recip, axis=2, keepdims=True)
    weight = dist_recip / norm
    B = known_feats.shape[0]
    batch_idx = jnp.arange(B)[:, None, None]
    gathered = known_feats[batch_idx, idx]  # (B, n, 3, C2)
    interpolated_feats = jnp.sum(weight[..., None] * gathered, axis=2)
    new_features = jnp.concatenate([interpolated_feats, unknow_feats], axis=2)
    # SharedMLP: 1x1 conv + BN (inference-mode: moving_mean=0, moving_var=1) + ReLU
    eps = 1e-3
    x = new_features @ W1 + b1
    x = x / jnp.sqrt(1.0 + eps) * gamma1 + beta1
    x = jax.nn.relu(x)
    x = x @ W2 + b2
    x = x / jnp.sqrt(1.0 + eps) * gamma2 + beta2
    x = jax.nn.relu(x)
    return x

if __name__ == "__main__":
    import jax
    _d = setup_inputs()
    print(jax.jit(kernel)(*tuple(_d.values())))

</pallas_src>

<mosaic_0001>
#map = affine_map<(d0, d1) -> (0, 0, 0, 0)>
#map1 = affine_map<(d0, d1) -> (0, 0, 0)>
#map2 = affine_map<(d0, d1) -> (0, 0)>
module attributes {stable_mosaic.version = 14 : i64} {
  func.func @body(%arg0: i32, %arg1: i32, %arg2: memref<32x8x16x32xi32, #tpu.memory_space<hbm>>, %arg3: memref<32x8x512xf32, #tpu.memory_space<hbm>>, %arg4: memref<8192x256xf32, #tpu.memory_space<hbm>>, %arg5: memref<16384x256xf32, #tpu.memory_space<hbm>>, %arg6: memref<8x16x32xi32, #tpu.memory_space<vmem>>, %arg7: memref<3x512xf32, #tpu.memory_space<vmem>>, %arg8: memref<2x3x32x256xf32, #tpu.memory_space<vmem>>, %arg9: memref<2x32x256xf32, #tpu.memory_space<vmem>>, %arg10: memref<!tpu.dma_semaphore, #tpu.memory_space<semaphore_mem>>, %arg11: memref<!tpu.dma_semaphore, #tpu.memory_space<semaphore_mem>>, %arg12: memref<!tpu.dma_semaphore, #tpu.memory_space<semaphore_mem>>, %arg13: memref<!tpu.dma_semaphore, #tpu.memory_space<semaphore_mem>>) attributes {dimension_semantics = [#tpu.dimension_semantics<core_parallel>, #tpu.dimension_semantics<subcore_parallel>], iteration_bounds = array<i64: 2, 16>, scalar_prefetch = 0 : i64, scratch_operands = 8 : i64, tpu.core_type = #tpu.core_type<sc_vector_subcore>, window_params = [{transform_indices = #map}, {transform_indices = #map1}, {transform_indices = #map2}, {transform_indices = #map2}]} {
    %mul3A = arith.constant 2 : i32
    %mul3A_0 = arith.muli %arg1, %mul3A : i32
    %add3A = arith.addi %mul3A_0, %arg0 : i32
    %mul3A_1 = arith.constant 512 : i32
    %mul3A_2 = arith.muli %add3A, %mul3A_1 : i32
    "tpu.region"() ({
      %run_scoped3A = tpu.sem_alloc : memref<!tpu.dma_semaphore, #tpu.memory_space<semaphore_mem>>
      %dma_start3A_74 = arith.constant 0 : i32
      %dma_start3A_75 = arith.constant 0 : i32
      %dma_start3A_76 = arith.constant 0 : i32
      %dma_start3A_77 = tpu.memref_slice %arg2[%add3A, %dma_start3A_74, %dma_start3A_75, %dma_start3A_76] : memref<32x8x16x32xi32, #tpu.memory_space<hbm>> -> memref<1x8x16x32xi32, #tpu.memory_space<hbm>>
      %dma_start3A_78 = tpu.memref_squeeze %dma_start3A_77 : memref<1x8x16x32xi32, #tpu.memory_space<hbm>> -> memref<8x16x32xi32, #tpu.memory_space<hbm>>
      %dma_start3A_79 = arith.constant 0 : i32
      %dma_start3A_80 = arith.constant 0 : i32
      %dma_start3A_81 = arith.constant 0 : i32
      %dma_start3A_82 = tpu.memref_slice %arg2[%add3A, %dma_start3A_79, %dma_start3A_80, %dma_start3A_81] : memref<32x8x16x32xi32, #tpu.memory_space<hbm>> -> memref<1x8x16x32xi32, #tpu.memory_space<hbm>>
      %dma_start3A_83 = tpu.memref_squeeze %dma_start3A_82 : memref<1x8x16x32xi32, #tpu.memory_space<hbm>> -> memref<8x16x32xi32, #tpu.memory_space<hbm>>
      tpu.enqueue_dma source(%dma_start3A_83 : memref<8x16x32xi32, #tpu.memory_space<hbm>>) target(%arg6 : memref<8x16x32xi32, #tpu.memory_space<vmem>>) target_semaphore(%run_scoped3A : memref<!tpu.dma_semaphore, #tpu.memory_space<semaphore_mem>>)
      %dma_wait3A_84 = arith.constant 0 : i32
      %dma_wait3A_85 = arith.constant 0 : i32
      %dma_wait3A_86 = arith.constant 0 : i32
      %dma_wait3A_87 = tpu.memref_slice %arg2[%add3A, %dma_wait3A_84, %dma_wait3A_85, %dma_wait3A_86] : memref<32x8x16x32xi32, #tpu.memory_space<hbm>> -> memref<1x8x16x32xi32, #tpu.memory_space<hbm>>
      %dma_wait3A_88 = tpu.memref_squeeze %dma_wait3A_87 : memref<1x8x16x32xi32, #tpu.memory_space<hbm>> -> memref<8x16x32xi32, #tpu.memory_space<hbm>>
      %dma_wait3A_89 = arith.constant 0 : i32
      %dma_wait3A_90 = arith.constant 0 : i32
      %dma_wait3A_91 = arith.constant 0 : i32
      %dma_wait3A_92 = tpu.memref_slice %arg2[%add3A, %dma_wait3A_89, %dma_wait3A_90, %dma_wait3A_91] : memref<32x8x16x32xi32, #tpu.memory_space<hbm>> -> memref<1x8x16x32xi32, #tpu.memory_space<hbm>>
      %dma_wait3A_93 = tpu.memref_squeeze %dma_wait3A_92 : memref<1x8x16x32xi32, #tpu.memory_space<hbm>> -> memref<8x16x32xi32, #tpu.memory_space<hbm>>
      tpu.wait_dma2 semaphore(%run_scoped3A : memref<!tpu.dma_semaphore, #tpu.memory_space<semaphore_mem>>) src(%dma_wait3A_93 : memref<8x16x32xi32, #tpu.memory_space<hbm>>) dst(%arg6 : memref<8x16x32xi32, #tpu.memory_space<vmem>>)
      tpu.yield
    }) : () -> ()
    "tpu.region"() ({
      %run_scoped3A = tpu.sem_alloc : memref<!tpu.dma_semaphore, #tpu.memory_space<semaphore_mem>>
      %dma_start3A_74 = arith.constant 0 : i32
      %dma_start3A_75 = arith.constant 0 : i32
      %dma_start3A_76 = tpu.memref_slice %arg3[%add3A, %dma_start3A_74, %dma_start3A_75] : memref<32x8x512xf32, #tpu.memory_space<hbm>> -> memref<1x3x512xf32, #tpu.memory_space<hbm>>
      %dma_start3A_77 = tpu.memref_squeeze %dma_start3A_76 : memref<1x3x512xf32, #tpu.memory_space<hbm>> -> memref<3x512xf32, #tpu.memory_space<hbm>>
      %dma_start3A_78 = arith.constant 0 : i32
      %dma_start3A_79 = arith.constant 0 : i32
      %dma_start3A_80 = tpu.memref_slice %arg3[%add3A, %dma_start3A_78, %dma_start3A_79] : memref<32x8x512xf32, #tpu.memory_space<hbm>> -> memref<1x3x512xf32, #tpu.memory_space<hbm>>
      %dma_start3A_81 = tpu.memref_squeeze %dma_start3A_80 : memref<1x3x512xf32, #tpu.memory_space<hbm>> -> memref<3x512xf32, #tpu.memory_space<hbm>>
      tpu.enqueue_dma source(%dma_start3A_81 : memref<3x512xf32, #tpu.memory_space<hbm>>) target(%arg7 : memref<3x512xf32, #tpu.memory_space<vmem>>) target_semaphore(%run_scoped3A : memref<!tpu.dma_semaphore, #tpu.memory_space<semaphore_mem>>)
      %dma_wait3A_82 = arith.constant 0 : i32
      %dma_wait3A_83 = arith.constant 0 : i32
      %dma_wait3A_84 = tpu.memref_slice %arg3[%add3A, %dma_wait3A_82, %dma_wait3A_83] : memref<32x8x512xf32, #tpu.memory_space<hbm>> -> memref<1x3x512xf32, #tpu.memory_space<hbm>>
      %dma_wait3A_85 = tpu.memref_squeeze %dma_wait3A_84 : memref<1x3x512xf32, #tpu.memory_space<hbm>> -> memref<3x512xf32, #tpu.memory_space<hbm>>
      %dma_wait3A_86 = arith.constant 0 : i32
      %dma_wait3A_87 = arith.constant 0 : i32
      %dma_wait3A_88 = tpu.memref_slice %arg3[%add3A, %dma_wait3A_86, %dma_wait3A_87] : memref<32x8x512xf32, #tpu.memory_space<hbm>> -> memref<1x3x512xf32, #tpu.memory_space<hbm>>
      %dma_wait3A_89 = tpu.memref_squeeze %dma_wait3A_88 : memref<1x3x512xf32, #tpu.memory_space<hbm>> -> memref<3x512xf32, #tpu.memory_space<hbm>>
      tpu.wait_dma2 semaphore(%run_scoped3A : memref<!tpu.dma_semaphore, #tpu.memory_space<semaphore_mem>>) src(%dma_wait3A_89 : memref<3x512xf32, #tpu.memory_space<hbm>>) dst(%arg7 : memref<3x512xf32, #tpu.memory_space<vmem>>)
      tpu.yield
    }) : () -> ()
    %dma_start3A = arith.constant 0 : i32
    %dma_start3A_3 = arith.constant 0 : i32
    %dma_start3A_4 = arith.constant 0 : i32
    %dma_start3A_5 = arith.constant 0 : i32
    %dma_start3A_6 = arith.constant 0 : i32
    %dma_start3A_7 = arith.constant 0 : i32
    %dma_start3A_8 = tpu.memref_slice %arg8[%dma_start3A_4, %dma_start3A_5, %dma_start3A_6, %dma_start3A_7] : memref<2x3x32x256xf32, #tpu.memory_space<vmem>> -> memref<1x1x32x256xf32, #tpu.memory_space<vmem>>
    %dma_start3A_9 = tpu.memref_squeeze %dma_start3A_8 : memref<1x1x32x256xf32, #tpu.memory_space<vmem>> -> memref<32x256xf32, #tpu.memory_space<vmem>>
    %dma_start3A_10 = arith.constant 0 : i32
    %dma_start3A_11 = tpu.memref_slice %arg6[%dma_start3A, %dma_start3A_3, %dma_start3A_10] : memref<8x16x32xi32, #tpu.memory_space<vmem>> -> memref<1x1x32xi32, #tpu.memory_space<vmem>>
    %dma_start3A_12 = tpu.memref_squeeze %dma_start3A_11 : memref<1x1x32xi32, #tpu.memory_space<vmem>> -> memref<32xi32, #tpu.memory_space<vmem>>
    %dma_start3A_13 = arith.constant 0 : i32
    %dma_start3A_14 = arith.constant 0 : i32
    %dma_start3A_15 = tpu.memref_slice %arg4[%dma_start3A_13, %dma_start3A_14] : memref<8192x256xf32, #tpu.memory_space<hbm>> -> memref<8192x256xf32, #tpu.memory_space<hbm>>
    tpu.enqueue_indirect_dma source(%dma_start3A_15 : memref<8192x256xf32, #tpu.memory_space<hbm>>) target(%dma_start3A_9 : memref<32x256xf32, #tpu.memory_space<vmem>>) offsets(%dma_start3A_12 : memref<32xi32, #tpu.memory_space<vmem>>) semaphore(%arg10 : memref<!tpu.dma_semaphore, #tpu.memory_space<semaphore_mem>>)
    %dma_start3A_16 = arith.constant 1 : i32
    %dma_start3A_17 = arith.constant 0 : i32
    %dma_start3A_18 = arith.constant 0 : i32
    %dma_start3A_19 = arith.constant 1 : i32
    %dma_start3A_20 = arith.constant 0 : i32
    %dma_start3A_21 = arith.constant 0 : i32
    %dma_start3A_22 = tpu.memref_slice %arg8[%dma_start3A_18, %dma_start3A_19, %dma_start3A_20, %dma_start3A_21] : memref<2x3x32x256xf32, #tpu.memory_space<vmem>> -> memref<1x1x32x256xf32, #tpu.memory_space<vmem>>
    %dma_start3A_23 = tpu.memref_squeeze %dma_start3A_22 : memref<1x1x32x256xf32, #tpu.memory_space<vmem>> -> memref<32x256xf32, #tpu.memory_space<vmem>>
    %dma_start3A_24 = arith.constant 0 : i32
    %dma_start3A_25 = tpu.memref_slice %arg6[%dma_start3A_16, %dma_start3A_17, %dma_start3A_24] : memref<8x16x32xi32, #tpu.memory_space<vmem>> -> memref<1x1x32xi32, #tpu.memory_space<vmem>>
    %dma_start3A_26 = tpu.memref_squeeze %dma_start3A_25 : memref<1x1x32xi32, #tpu.memory_space<vmem>> -> memref<32xi32, #tpu.memory_space<vmem>>
    %dma_start3A_27 = arith.constant 0 : i32
    %dma_start3A_28 = arith.constant 0 : i32
    %dma_start3A_29 = tpu.memref_slice %arg4[%dma_start3A_27, %dma_start3A_28] : memref<8192x256xf32, #tpu.memory_space<hbm>> -> memref<8192x256xf32, #tpu.memory_space<hbm>>
    tpu.enqueue_indirect_dma source(%dma_start3A_29 : memref<8192x256xf32, #tpu.memory_space<hbm>>) target(%dma_start3A_23 : memref<32x256xf32, #tpu.memory_space<vmem>>) offsets(%dma_start3A_26 : memref<32xi32, #tpu.memory_space<vmem>>) semaphore(%arg10 : memref<!tpu.dma_semaphore, #tpu.memory_space<semaphore_mem>>)
    %dma_start3A_30 = arith.constant 2 : i32
    %dma_start3A_31 = arith.constant 0 : i32
    %dma_start3A_32 = arith.constant 0 : i32
    %dma_start3A_33 = arith.constant 2 : i32
    %dma_start3A_34 = arith.constant 0 : i32
    %dma_start3A_35 = arith.constant 0 : i32
    %dma_start3A_36 = tpu.memref_slice %arg8[%dma_start3A_32, %dma_start3A_33, %dma_start3A_34, %dma_start3A_35] : memref<2x3x32x256xf32, #tpu.memory_space<vmem>> -> memref<1x1x32x256xf32, #tpu.memory_space<vmem>>
    %dma_start3A_37 = tpu.memref_squeeze %dma_start3A_36 : memref<1x1x32x256xf32, #tpu.memory_space<vmem>> -> memref<32x256xf32, #tpu.memory_space<vmem>>
    %dma_start3A_38 = arith.constant 0 : i32
    %dma_start3A_39 = tpu.memref_slice %arg6[%dma_start3A_30, %dma_start3A_31, %dma_start3A_38] : memref<8x16x32xi32, #tpu.memory_space<vmem>> -> memref<1x1x32xi32, #tpu.memory_space<vmem>>
    %dma_start3A_40 = tpu.memref_squeeze %dma_start3A_39 : memref<1x1x32xi32, #tpu.memory_space<vmem>> -> memref<32xi32, #tpu.memory_space<vmem>>
    %dma_start3A_41 = arith.constant 0 : i32
    %dma_start3A_42 = arith.constant 0 : i32
    %dma_start3A_43 = tpu.memref_slice %arg4[%dma_start3A_41, %dma_start3A_42] : memref<8192x256xf32, #tpu.memory_space<hbm>> -> memref<8192x256xf32, #tpu.memory_space<hbm>>
    tpu.enqueue_indirect_dma source(%dma_start3A_43 : memref<8192x256xf32, #tpu.memory_space<hbm>>) target(%dma_start3A_37 : memref<32x256xf32, #tpu.memory_space<vmem>>) offsets(%dma_start3A_40 : memref<32xi32, #tpu.memory_space<vmem>>) semaphore(%arg10 : memref<!tpu.dma_semaphore, #tpu.memory_space<semaphore_mem>>)
    %scan3A = arith.constant 0 : i32
    %scan3A_44 = arith.constant 0 : i32
    %scan3A_45 = arith.constant 8 : i32
    %scan3A_46 = arith.addi %scan3A_44, %scan3A_45 : i32
    %scan3A_47 = arith.constant 1 : i32
    scf.for %scan3A_74 = %scan3A_44 to %scan3A_46 step %scan3A_47  : i32 {
      %mul3A_75 = arith.constant 2 : i32
      %mul3A_76 = arith.muli %scan3A_74, %mul3A_75 : i32
      %dma_wait3A_77 = arith.constant 0 : i32
      %dma_wait3A_78 = arith.constant 0 : i32
      %dma_wait3A_79 = arith.constant 0 : i32
      %dma_wait3A_80 = arith.constant 0 : i32
      %dma_wait3A_81 = arith.constant 0 : i32
      %dma_wait3A_82 = tpu.memref_slice %arg8[%dma_wait3A_78, %dma_wait3A_79, %dma_wait3A_80, %dma_wait3A_81] : memref<2x3x32x256xf32, #tpu.memory_space<vmem>> -> memref<1x1x32x256xf32, #tpu.memory_space<vmem>>
      %dma_wait3A_83 = tpu.memref_squeeze %dma_wait3A_82 : memref<1x1x32x256xf32, #tpu.memory_space<vmem>> -> memref<32x256xf32, #tpu.memory_space<vmem>>
      %dma_wait3A_84 = arith.constant 0 : i32
      %dma_wait3A_85 = tpu.memref_slice %arg6[%dma_wait3A_77, %mul3A_76, %dma_wait3A_84] : memref<8x16x32xi32, #tpu.memory_space<vmem>> -> memref<1x1x32xi32, #tpu.memory_space<vmem>>
      %dma_wait3A_86 = tpu.memref_squeeze %dma_wait3A_85 : memref<1x1x32xi32, #tpu.memory_space<vmem>> -> memref<32xi32, #tpu.memory_space<vmem>>
      %dma_wait3A_87 = arith.constant 0 : i32
      %dma_wait3A_88 = arith.constant 0 : i32
      %dma_wait3A_89 = tpu.memref_slice %arg4[%dma_wait3A_87, %dma_wait3A_88] : memref<8192x256xf32, #tpu.memory_space<hbm>> -> memref<8192x256xf32, #tpu.memory_space<hbm>>
      tpu.wait_indirect_dma semaphore(%arg10 : memref<!tpu.dma_semaphore, #tpu.memory_space<semaphore_mem>>) src(%dma_wait3A_89 : memref<8192x256xf32, #tpu.memory_space<hbm>>) dst(%dma_wait3A_83 : memref<32x256xf32, #tpu.memory_space<vmem>>)
      %dma_wait3A_90 = arith.constant 1 : i32
      %dma_wait3A_91 = arith.constant 0 : i32
      %dma_wait3A_92 = arith.constant 1 : i32
      %dma_wait3A_93 = arith.constant 0 : i32
      %dma_wait3A_94 = arith.constant 0 : i32
      %dma_wait3A_95 = tpu.memref_slice %arg8[%dma_wait3A_91, %dma_wait3A_92, %dma_wait3A_93, %dma_wait3A_94] : memref<2x3x32x256xf32, #tpu.memory_space<vmem>> -> memref<1x1x32x256xf32, #tpu.memory_space<vmem>>
      %dma_wait3A_96 = tpu.memref_squeeze %dma_wait3A_95 : memref<1x1x32x256xf32, #tpu.memory_space<vmem>> -> memref<32x256xf32, #tpu.memory_space<vmem>>
      %dma_wait3A_97 = arith.constant 0 : i32
      %dma_wait3A_98 = tpu.memref_slice %arg6[%dma_wait3A_90, %mul3A_76, %dma_wait3A_97] : memref<8x16x32xi32, #tpu.memory_space<vmem>> -> memref<1x1x32xi32, #tpu.memory_space<vmem>>
      %dma_wait3A_99 = tpu.memref_squeeze %dma_wait3A_98 : memref<1x1x32xi32, #tpu.memory_space<vmem>> -> memref<32xi32, #tpu.memory_space<vmem>>
      %dma_wait3A_100 = arith.constant 0 : i32
      %dma_wait3A_101 = arith.constant 0 : i32
      %dma_wait3A_102 = tpu.memref_slice %arg4[%dma_wait3A_100, %dma_wait3A_101] : memref<8192x256xf32, #tpu.memory_space<hbm>> -> memref<8192x256xf32, #tpu.memory_space<hbm>>
      tpu.wait_indirect_dma semaphore(%arg10 : memref<!tpu.dma_semaphore, #tpu.memory_space<semaphore_mem>>) src(%dma_wait3A_102 : memref<8192x256xf32, #tpu.memory_space<hbm>>) dst(%dma_wait3A_96 : memref<32x256xf32, #tpu.memory_space<vmem>>)
      %dma_wait3A_103 = arith.constant 2 : i32
      %dma_wait3A_104 = arith.constant 0 : i32
      %dma_wait3A_105 = arith.constant 2 : i32
      %dma_wait3A_106 = arith.constant 0 : i32
      %dma_wait3A_107 = arith.constant 0 : i32
      %dma_wait3A_108 = tpu.memref_slice %arg8[%dma_wait3A_104, %dma_wait3A_105, %dma_wait3A_106, %dma_wait3A_107] : memref<2x3x32x256xf32, #tpu.memory_space<vmem>> -> memref<1x1x32x256xf32, #tpu.memory_space<vmem>>
      %dma_wait3A_109 = tpu.memref_squeeze %dma_wait3A_108 : memref<1x1x32x256xf32, #tpu.memory_space<vmem>> -> memref<32x256xf32, #tpu.memory_space<vmem>>
      %dma_wait3A_110 = arith.constant 0 : i32
      %dma_wait3A_111 = tpu.memref_slice %arg6[%dma_wait3A_103, %mul3A_76, %dma_wait3A_110] : memref<8x16x32xi32, #tpu.memory_space<vmem>> -> memref<1x1x32xi32, #tpu.memory_space<vmem>>
      %dma_wait3A_112 = tpu.memref_squeeze %dma_wait3A_111 : memref<1x1x32xi32, #tpu.memory_space<vmem>> -> memref<32xi32, #tpu.memory_space<vmem>>
      %dma_wait3A_113 = arith.constant 0 : i32
      %dma_wait3A_114 = arith.constant 0 : i32
      %dma_wait3A_115 = tpu.memref_slice %arg4[%dma_wait3A_113, %dma_wait3A_114] : memref<8192x256xf32, #tpu.memory_space<hbm>> -> memref<8192x256xf32, #tpu.memory_space<hbm>>
      tpu.wait_indirect_dma semaphore(%arg10 : memref<!tpu.dma_semaphore, #tpu.memory_space<semaphore_mem>>) src(%dma_wait3A_115 : memref<8192x256xf32, #tpu.memory_space<hbm>>) dst(%dma_wait3A_109 : memref<32x256xf32, #tpu.memory_space<vmem>>)
      %add3A_116 = arith.constant 1 : i32
      %add3A_117 = arith.addi %mul3A_76, %add3A_116 : i32
      %dma_start3A_118 = arith.constant 0 : i32
      %dma_start3A_119 = arith.constant 1 : i32
      %dma_start3A_120 = arith.constant 0 : i32
      %dma_start3A_121 = arith.constant 0 : i32
      %dma_start3A_122 = arith.constant 0 : i32
      %dma_start3A_123 = tpu.memref_slice %arg8[%dma_start3A_119, %dma_start3A_120, %dma_start3A_121, %dma_start3A_122] : memref<2x3x32x256xf32, #tpu.memory_space<vmem>> -> memref<1x1x32x256xf32, #tpu.memory_space<vmem>>
      %dma_start3A_124 = tpu.memref_squeeze %dma_start3A_123 : memref<1x1x32x256xf32, #tpu.memory_space<vmem>> -> memref<32x256xf32, #tpu.memory_space<vmem>>
      %dma_start3A_125 = arith.constant 0 : i32
      %dma_start3A_126 = tpu.memref_slice %arg6[%dma_start3A_118, %add3A_117, %dma_start3A_125] : memref<8x16x32xi32, #tpu.memory_space<vmem>> -> memref<1x1x32xi32, #tpu.memory_space<vmem>>
      %dma_start3A_127 = tpu.memref_squeeze %dma_start3A_126 : memref<1x1x32xi32, #tpu.memory_space<vmem>> -> memref<32xi32, #tpu.memory_space<vmem>>
      %dma_start3A_128 = arith.constant 0 : i32
      %dma_start3A_129 = arith.constant 0 : i32
      %dma_start3A_130 = tpu.memref_slice %arg4[%dma_start3A_128, %dma_start3A_129] : memref<8192x256xf32, #tpu.memory_space<hbm>> -> memref<8192x256xf32, #tpu.memory_space<hbm>>
      tpu.enqueue_indirect_dma source(%dma_start3A_130 : memref<8192x256xf32, #tpu.memory_space<hbm>>) target(%dma_start3A_124 : memref<32x256xf32, #tpu.memory_space<vmem>>) offsets(%dma_start3A_127 : memref<32xi32, #tpu.memory_space<vmem>>) semaphore(%arg11 : memref<!tpu.dma_semaphore, #tpu.memory_space<semaphore_mem>>)
      %dma_start3A_131 = arith.constant 1 : i32
      %dma_start3A_132 = arith.constant 1 : i32
      %dma_start3A_133 = arith.constant 1 : i32
      %dma_start3A_134 = arith.constant 0 : i32
      %dma_start3A_135 = arith.constant 0 : i32
      %dma_start3A_136 = tpu.memref_slice %arg8[%dma_start3A_132, %dma_start3A_133, %dma_start3A_134, %dma_start3A_135] : memref<2x3x32x256xf32, #tpu.memory_space<vmem>> -> memref<1x1x32x256xf32, #tpu.memory_space<vmem>>
      %dma_start3A_137 = tpu.memref_squeeze %dma_start3A_136 : memref<1x1x32x256xf32, #tpu.memory_space<vmem>> -> memref<32x256xf32, #tpu.memory_space<vmem>>
      %dma_start3A_138 = arith.constant 0 : i32
      %dma_start3A_139 = tpu.memref_slice %arg6[%dma_start3A_131, %add3A_117, %dma_start3A_138] : memref<8x16x32xi32, #tpu.memory_space<vmem>> -> memref<1x1x32xi32, #tpu.memory_space<vmem>>
      %dma_start3A_140 = tpu.memref_squeeze %dma_start3A_139 : memref<1x1x32xi32, #tpu.memory_space<vmem>> -> memref<32xi32, #tpu.memory_space<vmem>>
      %dma_start3A_141 = arith.constant 0 : i32
      %dma_start3A_142 = arith.constant 0 : i32
      %dma_start3A_143 = tpu.memref_slice %arg4[%dma_start3A_141, %dma_start3A_142] : memref<8192x256xf32, #tpu.memory_space<hbm>> -> memref<8192x256xf32, #tpu.memory_space<hbm>>
      tpu.enqueue_indirect_dma source(%dma_start3A_143 : memref<8192x256xf32, #tpu.memory_space<hbm>>) target(%dma_start3A_137 : memref<32x256xf32, #tpu.memory_space<vmem>>) offsets(%dma_start3A_140 : memref<32xi32, #tpu.memory_space<vmem>>) semaphore(%arg11 : memref<!tpu.dma_semaphore, #tpu.memory_space<semaphore_mem>>)
      %dma_start3A_144 = arith.constant 2 : i32
      %dma_start3A_145 = arith.constant 1 : i32
      %dma_start3A_146 = arith.constant 2 : i32
      %dma_start3A_147 = arith.constant 0 : i32
      %dma_start3A_148 = arith.constant 0 : i32
      %dma_start3A_149 = tpu.memref_slice %arg8[%dma_start3A_145, %dma_start3A_146, %dma_start3A_147, %dma_start3A_148] : memref<2x3x32x256xf32, #tpu.memory_space<vmem>> -> memref<1x1x32x256xf32, #tpu.memory_space<vmem>>
      %dma_start3A_150 = tpu.memref_squeeze %dma_start3A_149 : memref<1x1x32x256xf32, #tpu.memory_space<vmem>> -> memref<32x256xf32, #tpu.memory_space<vmem>>
      %dma_start3A_151 = arith.constant 0 : i32
      %dma_start3A_152 = tpu.memref_slice %arg6[%dma_start3A_144, %add3A_117, %dma_start3A_151] : memref<8x16x32xi32, #tpu.memory_space<vmem>> -> memref<1x1x32xi32, #tpu.memory_space<vmem>>
      %dma_start3A_153 = tpu.memref_squeeze %dma_start3A_152 : memref<1x1x32xi32, #tpu.memory_space<vmem>> -> memref<32xi32, #tpu.memory_space<vmem>>
      %dma_start3A_154 = arith.constant 0 : i32
      %dma_start3A_155 = arith.constant 0 : i32
      %dma_start3A_156 = tpu.memref_slice %arg4[%dma_start3A_154, %dma_start3A_155] : memref<8192x256xf32, #tpu.memory_space<hbm>> -> memref<8192x256xf32, #tpu.memory_space<hbm>>
      tpu.enqueue_indirect_dma source(%dma_start3A_156 : memref<8192x256xf32, #tpu.memory_space<hbm>>) target(%dma_start3A_150 : memref<32x256xf32, #tpu.memory_space<vmem>>) offsets(%dma_start3A_153 : memref<32xi32, #tpu.memory_space<vmem>>) semaphore(%arg11 : memref<!tpu.dma_semaphore, #tpu.memory_space<semaphore_mem>>)
      %gt3A = arith.constant 0 : i32
      %gt3A_157 = arith.cmpi sgt, %scan3A_74, %gt3A : i32
      %convert_element_type3A = arith.extui %gt3A_157 : i1 to i32
      %cond3A = arith.constant 0 : i32
      %cond3A_158 = arith.cmpi ne, %convert_element_type3A, %cond3A : i32
      scf.if %cond3A_158 {
        %dma_wait3A_261 = arith.constant 0 : i32
        %dma_wait3A_262 = arith.constant 0 : i32
        %dma_wait3A_263 = arith.constant 0 : i32
        %dma_wait3A_264 = tpu.memref_slice %arg9[%dma_wait3A_261, %dma_wait3A_262, %dma_wait3A_263] : memref<2x32x256xf32, #tpu.memory_space<vmem>> -> memref<1x32x256xf32, #tpu.memory_space<vmem>>
        %dma_wait3A_265 = tpu.memref_squeeze %dma_wait3A_264 : memref<1x32x256xf32, #tpu.memory_space<vmem>> -> memref<32x256xf32, #tpu.memory_space<vmem>>
        %dma_wait3A_266 = arith.constant 0 : i32
        %dma_wait3A_267 = tpu.memref_slice %arg5[%mul3A_2, %dma_wait3A_266] : memref<16384x256xf32, #tpu.memory_space<hbm>> -> memref<32x256xf32, #tpu.memory_space<hbm>>
        %dma_wait3A_268 = arith.constant 0 : i32
        %dma_wait3A_269 = tpu.memref_slice %arg5[%mul3A_2, %dma_wait3A_268] : memref<16384x256xf32, #tpu.memory_space<hbm>> -> memref<32x256xf32, #tpu.memory_space<hbm>>
        %dma_wait3A_270 = arith.constant 0 : i32
        %dma_wait3A_271 = arith.constant 0 : i32
        %dma_wait3A_272 = tpu.memref_slice %arg9[%dma_wait3A_261, %dma_wait3A_270, %dma_wait3A_271] : memref<2x32x256xf32, #tpu.memory_space<vmem>> -> memref<1x32x256xf32, #tpu.memory_space<vmem>>
        %dma_wait3A_273 = tpu.memref_squeeze %dma_wait3A_272 : memref<1x32x256xf32, #tpu.memory_space<vmem>> -> memref<32x256xf32, #tpu.memory_space<vmem>>
        tpu.wait_dma2 semaphore(%arg12 : memref<!tpu.dma_semaphore, #tpu.memory_space<semaphore_mem>>) src(%dma_wait3A_273 : memref<32x256xf32, #tpu.memory_space<vmem>>) dst(%dma_wait3A_269 : memref<32x256xf32, #tpu.memory_space<hbm>>)
      } else {
      }
      %mul3A_159 = arith.constant 32 : i32
      %mul3A_160 = arith.muli %mul3A_76, %mul3A_159 : i32
      %scan3A_161 = arith.constant 0 : i32
      %scan3A_162 = arith.constant 0 : i32
      %scan3A_163 = arith.constant 32 : i32
      %scan3A_164 = arith.addi %scan3A_162, %scan3A_163 : i32
      %scan3A_165 = arith.constant 1 : i32
      scf.for %scan3A_261 = %scan3A_162 to %scan3A_164 step %scan3A_165  : i32 {
        %jit3A = arith.constant 16 : i32
        %div3A = arith.divsi %scan3A_261, %jit3A : i32
        %sign3A = arith.constant 0 : i32
        %sign3A_262 = arith.cmpi sgt, %scan3A_261, %sign3A : i32
        %sign3A_263 = arith.extui %sign3A_262 : i1 to i32
        %sign3A_264 = arith.constant 0 : i32
        %sign3A_265 = arith.cmpi slt, %scan3A_261, %sign3A_264 : i32
        %sign3A_266 = arith.extui %sign3A_265 : i1 to i32
        %sign3A_267 = arith.subi %sign3A_263, %sign3A_266 : i32
        %sign3A_268 = arith.constant 0 : i32
        %sign3A_269 = arith.cmpi sgt, %jit3A, %sign3A_268 : i32
        %sign3A_270 = arith.extui %sign3A_269 : i1 to i32
        %sign3A_271 = arith.constant 0 : i32
        %sign3A_272 = arith.cmpi slt, %jit3A, %sign3A_271 : i32
        %sign3A_273 = arith.extui %sign3A_272 : i1 to i32
        %sign3A_274 = arith.subi %sign3A_270, %sign3A_273 : i32
        %ne3A = arith.cmpi ne, %sign3A_267, %sign3A_274 : i32
        %rem3A = arith.remsi %scan3A_261, %jit3A : i32
        %ne3A_275 = arith.constant 0 : i32
        %ne3A_276 = arith.cmpi ne, %rem3A, %ne3A_275 : i32
        %and3A = arith.andi %ne3A, %ne3A_276 : i1
        %sub3A = arith.constant 1 : i32
        %sub3A_277 = arith.subi %div3A, %sub3A : i32
        %select_n3A = arith.select %and3A, %sub3A_277, %div3A : i32
        %mul3A_278 = arith.constant 16 : i32
        %mul3A_279 = arith.muli %select_n3A, %mul3A_278 : i32
        %multiple_of3A = tpu.assume_multiple %mul3A_279, 16 : i32
        %add3A_280 = arith.addi %mul3A_160, %multiple_of3A : i32
        %jit3A_281 = arith.constant 16 : i32
        %eq3A = arith.constant 0 : i32
        %eq3A_282 = arith.cmpi eq, %jit3A_281, %eq3A : i32
        %jit3A_283 = arith.constant 1 : i32
        %select_n3A_284 = arith.select %eq3A_282, %jit3A_283, %jit3A_281 : i32
        %rem3A_285 = arith.remsi %scan3A_261, %select_n3A_284 : i32
        %ne3A_286 = arith.constant 0 : i32
        %ne3A_287 = arith.cmpi ne, %rem3A_285, %ne3A_286 : i32
        %lt3A_288 = arith.constant 0 : i32
        %lt3A_289 = arith.cmpi slt, %rem3A_285, %lt3A_288 : i32
        %lt3A_290 = arith.constant 0 : i32
        %lt3A_291 = arith.cmpi slt, %select_n3A_284, %lt3A_290 : i32
        %ne3A_292 = arith.xori %lt3A_289, %lt3A_291 : i1
        %and3A_293 = arith.andi %ne3A_292, %ne3A_287 : i1
        %add3A_294 = arith.addi %rem3A_285, %select_n3A_284 : i32
        %select_n3A_295 = arith.select %and3A_293, %add3A_294, %rem3A_285 : i32
        %broadcast_in_dim3A = vector.broadcast %select_n3A_295 : i32 to vector<16xi32>
        %get3A = arith.constant 0 : i32
        %get3A_296 = arith.index_cast %get3A : i32 to index
        %get3A_297 = arith.index_cast %add3A_280 : i32 to index
        %get3A_298 = tpu.vector_load %arg7[%get3A_296, %get3A_297] {strides = array<i32>} : memref<3x512xf32, #tpu.memory_space<vmem>>, vector<1x16xf32>,
        %get3A_299 = vector.shape_cast %get3A_298 : vector<1x16xf32> to vector<16xf32>
        %broadcast_in_dim3A_300 = vector.shape_cast %broadcast_in_dim3A : vector<16xi32> to vector<16x1xi32>
        %gather3A = vector.shape_cast %broadcast_in_dim3A_300 : vector<16x1xi32> to vector<16xi32>
        %gather3A_301 = tpu.dynamic_gather %get3A_299[%gather3A] in [0] : vector<16xf32>, vector<16xi32> -> vector<16xf32>
        %get3A_302 = arith.constant 1 : i32
        %get3A_303 = arith.index_cast %get3A_302 : i32 to index
        %get3A_304 = arith.index_cast %add3A_280 : i32 to index
        %get3A_305 = tpu.vector_load %arg7[%get3A_303, %get3A_304] {strides = array<i32>} : memref<3x512xf32, #tpu.memory_space<vmem>>, vector<1x16xf32>,
        %get3A_306 = vector.shape_cast %get3A_305 : vector<1x16xf32> to vector<16xf32>
        %broadcast_in_dim3A_307 = vector.shape_cast %broadcast_in_dim3A : vector<16xi32> to vector<16x1xi32>
        %gather3A_308 = vector.shape_cast %broadcast_in_dim3A_307 : vector<16x1xi32> to vector<16xi32>
        %gather3A_309 = tpu.dynamic_gather %get3A_306[%gather3A_308] in [0] : vector<16xf32>, vector<16xi32> -> vector<16xf32>
        %get3A_310 = arith.constant 2 : i32
        %get3A_311 = arith.index_cast %get3A_310 : i32 to index
        %get3A_312 = arith.index_cast %add3A_280 : i32 to index
        %get3A_313 = tpu.vector_load %arg7[%get3A_311, %get3A_312] {strides = array<i32>} : memref<3x512xf32, #tpu.memory_space<vmem>>, vector<1x16xf32>,
        %get3A_314 = vector.shape_cast %get3A_313 : vector<1x16xf32> to vector<16xf32>
        %broadcast_in_dim3A_315 = vector.shape_cast %broadcast_in_dim3A : vector<16xi32> to vector<16x1xi32>
        %gather3A_316 = vector.shape_cast %broadcast_in_dim3A_315 : vector<16x1xi32> to vector<16xi32>
        %gather3A_317 = tpu.dynamic_gather %get3A_314[%gather3A_316] in [0] : vector<16xf32>, vector<16xi32> -> vector<16xf32>
        %get3A_318 = arith.constant 0 : i32
        %get3A_319 = arith.constant 0 : i32
        %get3A_320 = arith.index_cast %get3A_318 : i32 to index
        %get3A_321 = arith.index_cast %get3A_319 : i32 to index
        %get3A_322 = arith.index_cast %scan3A_261 : i32 to index
        %get3A_323 = arith.constant 0 : index
        %get3A_324 = tpu.vector_load %arg8[%get3A_320, %get3A_321, %get3A_322, %get3A_323] {strides = array<i32>} : memref<2x3x32x256xf32, #tpu.memory_space<vmem>>, vector<1x1x1x16xf32>,
        %get3A_325 = vector.shape_cast %get3A_324 : vector<1x1x1x16xf32> to vector<16xf32>
        %mul3A_326 = arith.mulf %gather3A_301, %get3A_325 : vector<16xf32>
        %get3A_327 = arith.constant 0 : i32
        %get3A_328 = arith.constant 1 : i32
        %get3A_329 = arith.index_cast %get3A_327 : i32 to index
        %get3A_330 = arith.index_cast %get3A_328 : i32 to index
        %get3A_331 = arith.index_cast %scan3A_261 : i32 to index
        %get3A_332 = arith.constant 0 : index
        %get3A_333 = tpu.vector_load %arg8[%get3A_329, %get3A_330, %get3A_331, %get3A_332] {strides = array<i32>} : memref<2x3x32x256xf32, #tpu.memory_space<vmem>>, vector<1x1x1x16xf32>,
        %get3A_334 = vector.shape_cast %get3A_333 : vector<1x1x1x16xf32> to vector<16xf32>
        %mul3A_335 = arith.mulf %gather3A_309, %get3A_334 : vector<16xf32>
        %add3A_336 = arith.addf %mul3A_326, %mul3A_335 : vector<16xf32>
        %get3A_337 = arith.constant 0 : i32
        %get3A_338 = arith.constant 2 : i32
        %get3A_339 = arith.index_cast %get3A_337 : i32 to index
        %get3A_340 = arith.index_cast %get3A_338 : i32 to index
        %get3A_341 = arith.index_cast %scan3A_261 : i32 to index
        %get3A_342 = arith.constant 0 : index
        %get3A_343 = tpu.vector_load %arg8[%get3A_339, %get3A_340, %get3A_341, %get3A_342] {strides = array<i32>} : memref<2x3x32x256xf32, #tpu.memory_space<vmem>>, vector<1x1x1x16xf32>,
        %get3A_344 = vector.shape_cast %get3A_343 : vector<1x1x1x16xf32> to vector<16xf32>
        %mul3A_345 = arith.mulf %gather3A_317, %get3A_344 : vector<16xf32>
        %add3A_346 = arith.addf %add3A_336, %mul3A_345 : vector<16xf32>
        %swap3A = arith.constant 0 : i32
        %swap3A_347 = arith.index_cast %swap3A : i32 to index
        %swap3A_348 = arith.index_cast %scan3A_261 : i32 to index
        %swap3A_349 = arith.constant 0 : index
        %swap3A_350 = tpu.vector_load %arg9[%swap3A_347, %swap3A_348, %swap3A_349] {strides = array<i32>} : memref<2x32x256xf32, #tpu.memory_space<vmem>>, vector<1x1x16xf32>,
        %swap3A_351 = vector.shape_cast %swap3A_350 : vector<1x1x16xf32> to vector<16xf32>
        %swap3A_352 = vector.shape_cast %add3A_346 : vector<16xf32> to vector<1x1x16xf32>
        tpu.vector_store %arg9[%swap3A_347, %swap3A_348, %swap3A_349], %swap3A_352 {strides = array<i32>} : memref<2x32x256xf32, #tpu.memory_space<vmem>>, vector<1x1x16xf32>,
        %get3A_353 = arith.constant 0 : i32
        %get3A_354 = arith.constant 0 : i32
        %get3A_355 = arith.index_cast %get3A_353 : i32 to index
        %get3A_356 = arith.index_cast %get3A_354 : i32 to index
        %get3A_357 = arith.index_cast %scan3A_261 : i32 to index
        %get3A_358 = arith.constant 16 : index
        %get3A_359 = tpu.vector_load %arg8[%get3A_355, %get3A_356, %get3A_357, %get3A_358] {strides = array<i32>} : memref<2x3x32x256xf32, #tpu.memory_space<vmem>>, vector<1x1x1x16xf32>,
        %get3A_360 = vector.shape_cast %get3A_359 : vector<1x1x1x16xf32> to vector<16xf32>
        %mul3A_361 = arith.mulf %gather3A_301, %get3A_360 : vector<16xf32>
        %get3A_362 = arith.constant 0 : i32
        %get3A_363 = arith.constant 1 : i32
        %get3A_364 = arith.index_cast %get3A_362 : i32 to index
        %get3A_365 = arith.index_cast %get3A_363 : i32 to index
        %get3A_366 = arith.index_cast %scan3A_261 : i32 to index
        %get3A_367 = arith.constant 16 : index
        %get3A_368 = tpu.vector_load %arg8[%get3A_364, %get3A_365, %get3A_366, %get3A_367] {strides = array<i32>} : memref<2x3x32x256xf32, #tpu.memory_space<vmem>>, vector<1x1x1x16xf32>,
        %get3A_369 = vector.shape_cast %get3A_368 : vector<1x1x1x16xf32> to vector<16xf32>
        %mul3A_370 = arith.mulf %gather3A_309, %get3A_369 : vector<16xf32>
        %add3A_371 = arith.addf %mul3A_361, %mul3A_370 : vector<16xf32>
        %get3A_372 = arith.constant 0 : i32
        %get3A_373 = arith.constant 2 : i32
        %get3A_374 = arith.index_cast %get3A_372 : i32 to index
        %get3A_375 = arith.index_cast %get3A_373 : i32 to index
        %get3A_376 = arith.index_cast %scan3A_261 : i32 to index
        %get3A_377 = arith.constant 16 : index
        %get3A_378 = tpu.vector_load %arg8[%get3A_374, %get3A_375, %get3A_376, %get3A_377] {strides = array<i32>} : memref<2x3x32x256xf32, #tpu.memory_space<vmem>>, vector<1x1x1x16xf32>,
        %get3A_379 = vector.shape_cast %get3A_378 : vector<1x1x1x16xf32> to vector<16xf32>
        %mul3A_380 = arith.mulf %gather3A_317, %get3A_379 : vector<16xf32>
        %add3A_381 = arith.addf %add3A_371, %mul3A_380 : vector<16xf32>
        %swap3A_382 = arith.constant 0 : i32
        %swap3A_383 = arith.index_cast %swap3A_382 : i32 to index
        %swap3A_384 = arith.index_cast %scan3A_261 : i32 to index
        %swap3A_385 = arith.constant 16 : index
        %swap3A_386 = tpu.vector_load %arg9[%swap3A_383, %swap3A_384, %swap3A_385] {strides = array<i32>} : memref<2x32x256xf32, #tpu.memory_space<vmem>>, vector<1x1x16xf32>,
        %swap3A_387 = vector.shape_cast %swap3A_386 : vector<1x1x16xf32> to vector<16xf32>
        %swap3A_388 = vector.shape_cast %add3A_381 : vector<16xf32> to vector<1x1x16xf32>
        tpu.vector_store %arg9[%swap3A_383, %swap3A_384, %swap3A_385], %swap3A_388 {strides = array<i32>} : memref<2x32x256xf32, #tpu.memory_space<vmem>>, vector<1x1x16xf32>,
        %get3A_389 = arith.constant 0 : i32
        %get3A_390 = arith.constant 0 : i32
        %get3A_391 = arith.index_cast %get3A_389 : i32 to index
        %get3A_392 = arith.index_cast %get3A_390 : i32 to index
        %get3A_393 = arith.index_cast %scan3A_261 : i32 to index
        %get3A_394 = arith.constant 32 : index
        %get3A_395 = tpu.vector_load %arg8[%get3A_391, %get3A_392, %get3A_393, %get3A_394] {strides = array<i32>} : memref<2x3x32x256xf32, #tpu.memory_space<vmem>>, vector<1x1x1x16xf32>,
        %get3A_396 = vector.shape_cast %get3A_395 : vector<1x1x1x16xf32> to vector<16xf32>
        %mul3A_397 = arith.mulf %gather3A_301, %get3A_396 : vector<16xf32>
        %get3A_398 = arith.constant 0 : i32
        %get3A_399 = arith.constant 1 : i32
        %get3A_400 = arith.index_cast %get3A_398 : i32 to index
        %get3A_401 = arith.index_cast %get3A_399 : i32 to index
        %get3A_402 = arith.index_cast %scan3A_261 : i32 to index
        %get3A_403 = arith.constant 32 : index
        %get3A_404 = tpu.vector_load %arg8[%get3A_400, %get3A_401, %get3A_402, %get3A_403] {strides = array<i32>} : memref<2x3x32x256xf32, #tpu.memory_space<vmem>>, vector<1x1x1x16xf32>,
        %get3A_405 = vector.shape_cast %get3A_404 : vector<1x1x1x16xf32> to vector<16xf32>
        %mul3A_406 = arith.mulf %gather3A_309, %get3A_405 : vector<16xf32>
        %add3A_407 = arith.addf %mul3A_397, %mul3A_406 : vector<16xf32>
        %get3A_408 = arith.constant 0 : i32
        %get3A_409 = arith.constant 2 : i32
        %get3A_410 = arith.index_cast %get3A_408 : i32 to index
        %get3A_411 = arith.index_cast %get3A_409 : i32 to index
        %get3A_412 = arith.index_cast %scan3A_261 : i32 to index
        %get3A_413 = arith.constant 32 : index
        %get3A_414 = tpu.vector_load %arg8[%get3A_410, %get3A_411, %get3A_412, %get3A_413] {strides = array<i32>} : memref<2x3x32x256xf32, #tpu.memory_space<vmem>>, vector<1x1x1x16xf32>,
        %get3A_415 = vector.shape_cast %get3A_414 : vector<1x1x1x16xf32> to vector<16xf32>
        %mul3A_416 = arith.mulf %gather3A_317, %get3A_415 : vector<16xf32>
        %add3A_417 = arith.addf %add3A_407, %mul3A_416 : vector<16xf32>
        %swap3A_418 = arith.constant 0 : i32
        %swap3A_419 = arith.index_cast %swap3A_418 : i32 to index
        %swap3A_420 = arith.index_cast %scan3A_261 : i32 to index
        %swap3A_421 = arith.constant 32 : index
        %swap3A_422 = tpu.vector_load %arg9[%swap3A_419, %swap3A_420, %swap3A_421] {strides = array<i32>} : memref<2x32x256xf32, #tpu.memory_space<vmem>>, vector<1x1x16xf32>,
        %swap3A_423 = vector.shape_cast %swap3A_422 : vector<1x1x16xf32> to vector<16xf32>
        %swap3A_424 = vector.shape_cast %add3A_417 : vector<16xf32> to vector<1x1x16xf32>
        tpu.vector_store %arg9[%swap3A_419, %swap3A_420, %swap3A_421], %swap3A_424 {strides = array<i32>} : memref<2x32x256xf32, #tpu.memory_space<vmem>>, vector<1x1x16xf32>,
        %get3A_425 = arith.constant 0 : i32
        %get3A_426 = arith.constant 0 : i32
        %get3A_427 = arith.index_cast %get3A_425 : i32 to index
        %get3A_428 = arith.index_cast %get3A_426 : i32 to index
        %get3A_429 = arith.index_cast %scan3A_261 : i32 to index
        %get3A_430 = arith.constant 48 : index
        %get3A_431 = tpu.vector_load %arg8[%get3A_427, %get3A_428, %get3A_429, %get3A_430] {strides = array<i32>} : memref<2x3x32x256xf32, #tpu.memory_space<vmem>>, vector<1x1x1x16xf32>,
        %get3A_432 = vector.shape_cast %get3A_431 : vector<1x1x1x16xf32> to vector<16xf32>
        %mul3A_433 = arith.mulf %gather3A_301, %get3A_432 : vector<16xf32>
        %get3A_434 = arith.constant 0 : i32
        %get3A_435 = arith.constant 1 : i32
        %get3A_436 = arith.index_cast %get3A_434 : i32 to index
        %get3A_437 = arith.index_cast %get3A_435 : i32 to index
        %get3A_438 = arith.index_cast %scan3A_261 : i32 to index
        %get3A_439 = arith.constant 48 : index
        %get3A_440 = tpu.vector_load %arg8[%get3A_436, %get3A_437, %get3A_438, %get3A_439] {strides = array<i32>} : memref<2x3x32x256xf32, #tpu.memory_space<vmem>>, vector<1x1x1x16xf32>,
        %get3A_441 = vector.shape_cast %get3A_440 : vector<1x1x1x16xf32> to vector<16xf32>
        %mul3A_442 = arith.mulf %gather3A_309, %get3A_441 : vector<16xf32>
        %add3A_443 = arith.addf %mul3A_433, %mul3A_442 : vector<16xf32>
        %get3A_444 = arith.constant 0 : i32
        %get3A_445 = arith.constant 2 : i32
        %get3A_446 = arith.index_cast %get3A_444 : i32 to index
        %get3A_447 = arith.index_cast %get3A_445 : i32 to index
        %get3A_448 = arith.index_cast %scan3A_261 : i32 to index
        %get3A_449 = arith.constant 48 : index
        %get3A_450 = tpu.vector_load %arg8[%get3A_446, %get3A_447, %get3A_448, %get3A_449] {strides = array<i32>} : memref<2x3x32x256xf32, #tpu.memory_space<vmem>>, vector<1x1x1x16xf32>,
        %get3A_451 = vector.shape_cast %get3A_450 : vector<1x1x1x16xf32> to vector<16xf32>
        %mul3A_452 = arith.mulf %gather3A_317, %get3A_451 : vector<16xf32>
        %add3A_453 = arith.addf %add3A_443, %mul3A_452 : vector<16xf32>
        %swap3A_454 = arith.constant 0 : i32
        %swap3A_455 = arith.index_cast %swap3A_454 : i32 to index
        %swap3A_456 = arith.index_cast %scan3A_261 : i32 to index
        %swap3A_457 = arith.constant 48 : index
        %swap3A_458 = tpu.vector_load %arg9[%swap3A_455, %swap3A_456, %swap3A_457] {strides = array<i32>} : memref<2x32x256xf32, #tpu.memory_space<vmem>>, vector<1x1x16xf32>,
        %swap3A_459 = vector.shape_cast %swap3A_458 : vector<1x1x16xf32> to vector<16xf32>
        %swap3A_460 = vector.shape_cast %add3A_453 : vector<16xf32> to vector<1x1x16xf32>
        tpu.vector_store %arg9[%swap3A_455, %swap3A_456, %swap3A_457], %swap3A_460 {strides = array<i32>} : memref<2x32x256xf32, #tpu.memory_space<vmem>>, vector<1x1x16xf32>,
        %get3A_461 = arith.constant 0 : i32
        %get3A_462 = arith.constant 0 : i32
        %get3A_463 = arith.index_cast %get3A_461 : i32 to index
        %get3A_464 = arith.index_cast %get3A_462 : i32 to index
        %get3A_465 = arith.index_cast %scan3A_261 : i32 to index
        %get3A_466 = arith.constant 64 : index
        %get3A_467 = tpu.vector_load %arg8[%get3A_463, %get3A_464, %get3A_465, %get3A_466] {strides = array<i32>} : memref<2x3x32x256xf32, #tpu.memory_space<vmem>>, vector<1x1x1x16xf32>,
        %get3A_468 = vector.shape_cast %get3A_467 : vector<1x1x1x16xf32> to vector<16xf32>
        %mul3A_469 = arith.mulf %gather3A_301, %get3A_468 : vector<16xf32>
        %get3A_470 = arith.constant 0 : i32
        %get3A_471 = arith.constant 1 : i32
        %get3A_472 = arith.index_cast %get3A_470 : i32 to index
        %get3A_473 = arith.index_cast %get3A_471 : i32 to index
        %get3A_474 = arith.index_cast %scan3A_261 : i32 to index
        %get3A_475 = arith.constant 64 : index
        %get3A_476 = tpu.vector_load %arg8[%get3A_472, %get3A_473, %get3A_474, %get3A_475] {strides = array<i32>} : memref<2x3x32x256xf32, #tpu.memory_space<vmem>>, vector<1x1x1x16xf32>,
        %get3A_477 = vector.shape_cast %get3A_476 : vector<1x1x1x16xf32> to vector<16xf32>
        %mul3A_478 = arith.mulf %gather3A_309, %get3A_477 : vector<16xf32>
        %add3A_479 = arith.addf %mul3A_469, %mul3A_478 : vector<16xf32>
        %get3A_480 = arith.constant 0 : i32
        %get3A_481 = arith.constant 2 : i32
        %get3A_482 = arith.index_cast %get3A_480 : i32 to index
        %get3A_483 = arith.index_cast %get3A_481 : i32 to index
        %get3A_484 = arith.index_cast %scan3A_261 : i32 to index
        %get3A_485 = arith.constant 64 : index
        %get3A_486 = tpu.vector_load %arg8[%get3A_482, %get3A_483, %get3A_484, %get3A_485] {strides = array<i32>} : memref<2x3x32x256xf32, #tpu.memory_space<vmem>>, vector<1x1x1x16xf32>,
        %get3A_487 = vector.shape_cast %get3A_486 : vector<1x1x1x16xf32> to vector<16xf32>
        %mul3A_488 = arith.mulf %gather3A_317, %get3A_487 : vector<16xf32>
        %add3A_489 = arith.addf %add3A_479, %mul3A_488 : vector<16xf32>
        %swap3A_490 = arith.constant 0 : i32
        %swap3A_491 = arith.index_cast %swap3A_490 : i32 to index
        %swap3A_492 = arith.index_cast %scan3A_261 : i32 to index
        %swap3A_493 = arith.constant 64 : index
        %swap3A_494 = tpu.vector_load %arg9[%swap3A_491, %swap3A_492, %swap3A_493] {strides = array<i32>} : memref<2x32x256xf32, #tpu.memory_space<vmem>>, vector<1x1x16xf32>,
        %swap3A_495 = vector.shape_cast %swap3A_494 : vector<1x1x16xf32> to vector<16xf32>
        %swap3A_496 = vector.shape_cast %add3A_489 : vector<16xf32> to vector<1x1x16xf32>
        tpu.vector_store %arg9[%swap3A_491, %swap3A_492, %swap3A_493], %swap3A_496 {strides = array<i32>} : memref<2x32x256xf32, #tpu.memory_space<vmem>>, vector<1x1x16xf32>,
        %get3A_497 = arith.constant 0 : i32
        %get3A_498 = arith.constant 0 : i32
        %get3A_499 = arith.index_cast %get3A_497 : i32 to index
        %get3A_500 = arith.index_cast %get3A_498 : i32 to index
        %get3A_501 = arith.index_cast %scan3A_261 : i32 to index
        %get3A_502 = arith.constant 80 : index
        %get3A_503 = tpu.vector_load %arg8[%get3A_499, %get3A_500, %get3A_501, %get3A_502] {strides = array<i32>} : memref<2x3x32x256xf32, #tpu.memory_space<vmem>>, vector<1x1x1x16xf32>,
        %get3A_504 = vector.shape_cast %get3A_503 : vector<1x1x1x16xf32> to vector<16xf32>
        %mul3A_505 = arith.mulf %gather3A_301, %get3A_504 : vector<16xf32>
        %get3A_506 = arith.constant 0 : i32
        %get3A_507 = arith.constant 1 : i32
        %get3A_508 = arith.index_cast %get3A_506 : i32 to index
        %get3A_509 = arith.index_cast %get3A_507 : i32 to index
        %get3A_510 = arith.index_cast %scan3A_261 : i32 to index
        %get3A_511 = arith.constant 80 : index
        %get3A_512 = tpu.vector_load %arg8[%get3A_508, %get3A_509, %get3A_510, %get3A_511] {strides = array<i32>} : memref<2x3x32x256xf32, #tpu.memory_space<vmem>>, vector<1x1x1x16xf32>,
        %get3A_513 = vector.shape_cast %get3A_512 : vector<1x1x1x16xf32> to vector<16xf32>
        %mul3A_514 = arith.mulf %gather3A_309, %get3A_513 : vector<16xf32>
        %add3A_515 = arith.addf %mul3A_505, %mul3A_514 : vector<16xf32>
        %get3A_516 = arith.constant 0 : i32
        %get3A_517 = arith.constant 2 : i32
        %get3A_518 = arith.index_cast %get3A_516 : i32 to index
        %get3A_519 = arith.index_cast %get3A_517 : i32 to index
        %get3A_520 = arith.index_cast %scan3A_261 : i32 to index
        %get3A_521 = arith.constant 80 : index
        %get3A_522 = tpu.vector_load %arg8[%get3A_518, %get3A_519, %get3A_520, %get3A_521] {strides = array<i32>} : memref<2x3x32x256xf32, #tpu.memory_space<vmem>>, vector<1x1x1x16xf32>,
        %get3A_523 = vector.shape_cast %get3A_522 : vector<1x1x1x16xf32> to vector<16xf32>
        %mul3A_524 = arith.mulf %gather3A_317, %get3A_523 : vector<16xf32>
        %add3A_525 = arith.addf %add3A_515, %mul3A_524 : vector<16xf32>
        %swap3A_526 = arith.constant 0 : i32
        %swap3A_527 = arith.index_cast %swap3A_526 : i32 to index
        %swap3A_528 = arith.index_cast %scan3A_261 : i32 to index
        %swap3A_529 = arith.constant 80 : index
        %swap3A_530 = tpu.vector_load %arg9[%swap3A_527, %swap3A_528, %swap3A_529] {strides = array<i32>} : memref<2x32x256xf32, #tpu.memory_space<vmem>>, vector<1x1x16xf32>,
        %swap3A_531 = vector.shape_cast %swap3A_530 : vector<1x1x16xf32> to vector<16xf32>
        %swap3A_532 = vector.shape_cast %add3A_525 : vector<16xf32> to vector<1x1x16xf32>
        tpu.vector_store %arg9[%swap3A_527, %swap3A_528, %swap3A_529], %swap3A_532 {strides = array<i32>} : memref<2x32x256xf32, #tpu.memory_space<vmem>>, vector<1x1x16xf32>,
        %get3A_533 = arith.constant 0 : i32
        %get3A_534 = arith.constant 0 : i32
        %get3A_535 = arith.index_cast %get3A_533 : i32 to index
        %get3A_536 = arith.index_cast %get3A_534 : i32 to index
        %get3A_537 = arith.index_cast %scan3A_261 : i32 to index
        %get3A_538 = arith.constant 96 : index
        %get3A_539 = tpu.vector_load %arg8[%get3A_535, %get3A_536, %get3A_537, %get3A_538] {strides = array<i32>} : memref<2x3x32x256xf32, #tpu.memory_space<vmem>>, vector<1x1x1x16xf32>,
        %get3A_540 = vector.shape_cast %get3A_539 : vector<1x1x1x16xf32> to vector<16xf32>
        %mul3A_541 = arith.mulf %gather3A_301, %get3A_540 : vector<16xf32>
        %get3A_542 = arith.constant 0 : i32
        %get3A_543 = arith.constant 1 : i32
        %get3A_544 = arith.index_cast %get3A_542 : i32 to index
        %get3A_545 = arith.index_cast %get3A_543 : i32 to index
        %get3A_546 = arith.index_cast %scan3A_261 : i32 to index
        %get3A_547 = arith.constant 96 : index
        %get3A_548 = tpu.vector_load %arg8[%get3A_544, %get3A_545, %get3A_546, %get3A_547] {strides = array<i32>} : memref<2x3x32x256xf32, #tpu.memory_space<vmem>>, vector<1x1x1x16xf32>,
        %get3A_549 = vector.shape_cast %get3A_548 : vector<1x1x1x16xf32> to vector<16xf32>
        %mul3A_550 = arith.mulf %gather3A_309, %get3A_549 : vector<16xf32>
        %add3A_551 = arith.addf %mul3A_541, %mul3A_550 : vector<16xf32>
        %get3A_552 = arith.constant 0 : i32
        %get3A_553 = arith.constant 2 : i32
        %get3A_554 = arith.index_cast %get3A_552 : i32 to index
        %get3A_555 = arith.index_cast %get3A_553 : i32 to index
        %get3A_556 = arith.index_cast %scan3A_261 : i32 to index
        %get3A_557 = arith.constant 96 : index
        %get3A_558 = tpu.vector_load %arg8[%get3A_554, %get3A_555, %get3A_556, %get3A_557] {strides = array<i32>} : memref<2x3x32x256xf32, #tpu.memory_space<vmem>>, vector<1x1x1x16xf32>,
        %get3A_559 = vector.shape_cast %get3A_558 : vector<1x1x1x16xf32> to vector<16xf32>
        %mul3A_560 = arith.mulf %gather3A_317, %get3A_559 : vector<16xf32>
        %add3A_561 = arith.addf %add3A_551, %mul3A_560 : vector<16xf32>
        %swap3A_562 = arith.constant 0 : i32
        %swap3A_563 = arith.index_cast %swap3A_562 : i32 to index
        %swap3A_564 = arith.index_cast %scan3A_261 : i32 to index
        %swap3A_565 = arith.constant 96 : index
        %swap3A_566 = tpu.vector_load %arg9[%swap3A_563, %swap3A_564, %swap3A_565] {strides = array<i32>} : memref<2x32x256xf32, #tpu.memory_space<vmem>>, vector<1x1x16xf32>,
        %swap3A_567 = vector.shape_cast %swap3A_566 : vector<1x1x16xf32> to vector<16xf32>
        %swap3A_568 = vector.shape_cast %add3A_561 : vector<16xf32> to vector<1x1x16xf32>
        tpu.vector_store %arg9[%swap3A_563, %swap3A_564, %swap3A_565], %swap3A_568 {strides = array<i32>} : memref<2x32x256xf32, #tpu.memory_space<vmem>>, vector<1x1x16xf32>,
        %get3A_569 = arith.constant 0 : i32
        %get3A_570 = arith.constant 0 : i32
        %get3A_571 = arith.index_cast %get3A_569 : i32 to index
        %get3A_572 = arith.index_cast %get3A_570 : i32 to index
        %get3A_573 = arith.index_cast %scan3A_261 : i32 to index
        %get3A_574 = arith.constant 112 : index
        %get3A_575 = tpu.vector_load %arg8[%get3A_571, %get3A_572, %get3A_573, %get3A_574] {strides = array<i32>} : memref<2x3x32x256xf32, #tpu.memory_space<vmem>>, vector<1x1x1x16xf32>,
        %get3A_576 = vector.shape_cast %get3A_575 : vector<1x1x1x16xf32> to vector<16xf32>
        %mul3A_577 = arith.mulf %gather3A_301, %get3A_576 : vector<16xf32>
        %get3A_578 = arith.constant 0 : i32
        %get3A_579 = arith.constant 1 : i32
        %get3A_580 = arith.index_cast %get3A_578 : i32 to index
        %get3A_581 = arith.index_cast %get3A_579 : i32 to index
        %get3A_582 = arith.index_cast %scan3A_261 : i32 to index
        %get3A_583 = arith.constant 112 : index
        %get3A_584 = tpu.vector_load %arg8[%get3A_580, %get3A_581, %get3A_582, %get3A_583] {strides = array<i32>} : memref<2x3x32x256xf32, #tpu.memory_space<vmem>>, vector<1x1x1x16xf32>,
        %get3A_585 = vector.shape_cast %get3A_584 : vector<1x1x1x16xf32> to vector<16xf32>
        %mul3A_586 = arith.mulf %gather3A_309, %get3A_585 : vector<16xf32>
        %add3A_587 = arith.addf %mul3A_577, %mul3A_586 : vector<16xf32>
        %get3A_588 = arith.constant 0 : i32
        %get3A_589 = arith.constant 2 : i32
        %get3A_590 = arith.index_cast %get3A_588 : i32 to index
        %get3A_591 = arith.index_cast %get3A_589 : i32 to index
        %get3A_592 = arith.index_cast %scan3A_261 : i32 to index
        %get3A_593 = arith.constant 112 : index
        %get3A_594 = tpu.vector_load %arg8[%get3A_590, %get3A_591, %get3A_592, %get3A_593] {strides = array<i32>} : memref<2x3x32x256xf32, #tpu.memory_space<vmem>>, vector<1x1x1x16xf32>,
        %get3A_595 = vector.shape_cast %get3A_594 : vector<1x1x1x16xf32> to vector<16xf32>
        %mul3A_596 = arith.mulf %gather3A_317, %get3A_595 : vector<16xf32>
        %add3A_597 = arith.addf %add3A_587, %mul3A_596 : vector<16xf32>
        %swap3A_598 = arith.constant 0 : i32
        %swap3A_599 = arith.index_cast %swap3A_598 : i32 to index
        %swap3A_600 = arith.index_cast %scan3A_261 : i32 to index
        %swap3A_601 = arith.constant 112 : index
        %swap3A_602 = tpu.vector_load %arg9[%swap3A_599, %swap3A_600, %swap3A_601] {strides = array<i32>} : memref<2x32x256xf32, #tpu.memory_space<vmem>>, vector<1x1x16xf32>,
        %swap3A_603 = vector.shape_cast %swap3A_602 : vector<1x1x16xf32> to vector<16xf32>
        %swap3A_604 = vector.shape_cast %add3A_597 : vector<16xf32> to vector<1x1x16xf32>
        tpu.vector_store %arg9[%swap3A_599, %swap3A_600, %swap3A_601], %swap3A_604 {strides = array<i32>} : memref<2x32x256xf32, #tpu.memory_space<vmem>>, vector<1x1x16xf32>,
        %get3A_605 = arith.constant 0 : i32
        %get3A_606 = arith.constant 0 : i32
        %get3A_607 = arith.index_cast %get3A_605 : i32 to index
        %get3A_608 = arith.index_cast %get3A_606 : i32 to index
        %get3A_609 = arith.index_cast %scan3A_261 : i32 to index
        %get3A_610 = arith.constant 128 : index
        %get3A_611 = tpu.vector_load %arg8[%get3A_607, %get3A_608, %get3A_609, %get3A_610] {strides = array<i32>} : memref<2x3x32x256xf32, #tpu.memory_space<vmem>>, vector<1x1x1x16xf32>,
        %get3A_612 = vector.shape_cast %get3A_611 : vector<1x1x1x16xf32> to vector<16xf32>
        %mul3A_613 = arith.mulf %gather3A_301, %get3A_612 : vector<16xf32>
        %get3A_614 = arith.constant 0 : i32
        %get3A_615 = arith.constant 1 : i32
        %get3A_616 = arith.index_cast %get3A_614 : i32 to index
        %get3A_617 = arith.index_cast %get3A_615 : i32 to index
        %get3A_618 = arith.index_cast %scan3A_261 : i32 to index
        %get3A_619 = arith.constant 128 : index
        %get3A_620 = tpu.vector_load %arg8[%get3A_616, %get3A_617, %get3A_618, %get3A_619] {strides = array<i32>} : memref<2x3x32x256xf32, #tpu.memory_space<vmem>>, vector<1x1x1x16xf32>,
        %get3A_621 = vector.shape_cast %get3A_620 : vector<1x1x1x16xf32> to vector<16xf32>
        %mul3A_622 = arith.mulf %gather3A_309, %get3A_621 : vector<16xf32>
        %add3A_623 = arith.addf %mul3A_613, %mul3A_622 : vector<16xf32>
        %get3A_624 = arith.constant 0 : i32
        %get3A_625 = arith.constant 2 : i32
        %get3A_626 = arith.index_cast %get3A_624 : i32 to index
        %get3A_627 = arith.index_cast %get3A_625 : i32 to index
        %get3A_628 = arith.index_cast %scan3A_261 : i32 to index
        %get3A_629 = arith.constant 128 : index
        %get3A_630 = tpu.vector_load %arg8[%get3A_626, %get3A_627, %get3A_628, %get3A_629] {strides = array<i32>} : memref<2x3x32x256xf32, #tpu.memory_space<vmem>>, vector<1x1x1x16xf32>,
        %get3A_631 = vector.shape_cast %get3A_630 : vector<1x1x1x16xf32> to vector<16xf32>
        %mul3A_632 = arith.mulf %gather3A_317, %get3A_631 : vector<16xf32>
        %add3A_633 = arith.addf %add3A_623, %mul3A_632 : vector<16xf32>
        %swap3A_634 = arith.constant 0 : i32
        %swap3A_635 = arith.index_cast %swap3A_634 : i32 to index
        %swap3A_636 = arith.index_cast %scan3A_261 : i32 to index
        %swap3A_637 = arith.constant 128 : index
        %swap3A_638 = tpu.vector_load %arg9[%swap3A_635, %swap3A_636, %swap3A_637] {strides = array<i32>} : memref<2x32x256xf32, #tpu.memory_space<vmem>>, vector<1x1x16xf32>,
        %swap3A_639 = vector.shape_cast %swap3A_638 : vector<1x1x16xf32> to vector<16xf32>
        %swap3A_640 = vector.shape_cast %add3A_633 : vector<16xf32> to vector<1x1x16xf32>
        tpu.vector_store %arg9[%swap3A_635, %swap3A_636, %swap3A_637], %swap3A_640 {strides = array<i32>} : memref<2x32x256xf32, #tpu.memory_space<vmem>>, vector<1x1x16xf32>,
        %get3A_641 = arith.constant 0 : i32
        %get3A_642 = arith.constant 0 : i32
        %get3A_643 = arith.index_cast %get3A_641 : i32 to index
        %get3A_644 = arith.index_cast %get3A_642 : i32 to index
        %get3A_645 = arith.index_cast %scan3A_261 : i32 to index
        %get3A_646 = arith.constant 144 : index
        %get3A_647 = tpu.vector_load %arg8[%get3A_643, %get3A_644, %get3A_645, %get3A_646] {strides = array<i32>} : memref<2x3x32x256xf32, #tpu.memory_space<vmem>>, vector<1x1x1x16xf32>,
        %get3A_648 = vector.shape_cast %get3A_647 : vector<1x1x1x16xf32> to vector<16xf32>
        %mul3A_649 = arith.mulf %gather3A_301, %get3A_648 : vector<16xf32>
        %get3A_650 = arith.constant 0 : i32
        %get3A_651 = arith.constant 1 : i32
        %get3A_652 = arith.index_cast %get3A_650 : i32 to index
        %get3A_653 = arith.index_cast %get3A_651 : i32 to index
        %get3A_654 = arith.index_cast %scan3A_261 : i32 to index
        %get3A_655 = arith.constant 144 : index
        %get3A_656 = tpu.vector_load %arg8[%get3A_652, %get3A_653, %get3A_654, %get3A_655] {strides = array<i32>} : memref<2x3x32x256xf32, #tpu.memory_space<vmem>>, vector<1x1x1x16xf32>,
        %get3A_657 = vector.shape_cast %get3A_656 : vector<1x1x1x16xf32> to vector<16xf32>
        %mul3A_658 = arith.mulf %gather3A_309, %get3A_657 : vector<16xf32>
        %add3A_659 = arith.addf %mul3A_649, %mul3A_658 : vector<16xf32>
        %get3A_660 = arith.constant 0 : i32
        %get3A_661 = arith.constant 2 : i32
        %get3A_662 = arith.index_cast %get3A_660 : i32 to index
        %get3A_663 = arith.index_cast %get3A_661 : i32 to index
        %get3A_664 = arith.index_cast %scan3A_261 : i32 to index
        %get3A_665 = arith.constant 144 : index
        %get3A_666 = tpu.vector_load %arg8[%get3A_662, %get3A_663, %get3A_664, %get3A_665] {strides = array<i32>} : memref<2x3x32x256xf32, #tpu.memory_space<vmem>>, vector<1x1x1x16xf32>,
        %get3A_667 = vector.shape_cast %get3A_666 : vector<1x1x1x16xf32> to vector<16xf32>
        %mul3A_668 = arith.mulf %gather3A_317, %get3A_667 : vector<16xf32>
        %add3A_669 = arith.addf %add3A_659, %mul3A_668 : vector<16xf32>
        %swap3A_670 = arith.constant 0 : i32
        %swap3A_671 = arith.index_cast %swap3A_670 : i32 to index
        %swap3A_672 = arith.index_cast %scan3A_261 : i32 to index
        %swap3A_673 = arith.constant 144 : index
        %swap3A_674 = tpu.vector_load %arg9[%swap3A_671, %swap3A_672, %swap3A_673] {strides = array<i32>} : memref<2x32x256xf32, #tpu.memory_space<vmem>>, vector<1x1x16xf32>,
        %swap3A_675 = vector.shape_cast %swap3A_674 : vector<1x1x16xf32> to vector<16xf32>
        %swap3A_676 = vector.shape_cast %add3A_669 : vector<16xf32> to vector<1x1x16xf32>
        tpu.vector_store %arg9[%swap3A_671, %swap3A_672, %swap3A_673], %swap3A_676 {strides = array<i32>} : memref<2x32x256xf32, #tpu.memory_space<vmem>>, vector<1x1x16xf32>,
        %get3A_677 = arith.constant 0 : i32
        %get3A_678 = arith.constant 0 : i32
        %get3A_679 = arith.index_cast %get3A_677 : i32 to index
        %get3A_680 = arith.index_cast %get3A_678 : i32 to index
        %get3A_681 = arith.index_cast %scan3A_261 : i32 to index
        %get3A_682 = arith.constant 160 : index
        %get3A_683 = tpu.vector_load %arg8[%get3A_679, %get3A_680, %get3A_681, %get3A_682] {strides = array<i32>} : memref<2x3x32x256xf32, #tpu.memory_space<vmem>>, vector<1x1x1x16xf32>,
        %get3A_684 = vector.shape_cast %get3A_683 : vector<1x1x1x16xf32> to vector<16xf32>
        %mul3A_685 = arith.mulf %gather3A_301, %get3A_684 : vector<16xf32>
        %get3A_686 = arith.constant 0 : i32
        %get3A_687 = arith.constant 1 : i32
        %get3A_688 = arith.index_cast %get3A_686 : i32 to index
        %get3A_689 = arith.index_cast %get3A_687 : i32 to index
        %get3A_690 = arith.index_cast %scan3A_261 : i32 to index
        %get3A_691 = arith.constant 160 : index
        %get3A_692 = tpu.vector_load %arg8[%get3A_688, %get3A_689, %get3A_690, %get3A_691] {strides = array<i32>} : memref<2x3x32x256xf32, #tpu.memory_space<vmem>>, vector<1x1x1x16xf32>,
        %get3A_693 = vector.shape_cast %get3A_692 : vector<1x1x1x16xf32> to vector<16xf32>
        %mul3A_694 = arith.mulf %gather3A_309, %get3A_693 : vector<16xf32>
        %add3A_695 = arith.addf %mul3A_685, %mul3A_694 : vector<16xf32>
        %get3A_696 = arith.constant 0 : i32
        %get3A_697 = arith.constant 2 : i32
        %get3A_698 = arith.index_cast %get3A_696 : i32 to index
        %get3A_699 = arith.index_cast %get3A_697 : i32 to index
        %get3A_700 = arith.index_cast %scan3A_261 : i32 to index
        %get3A_701 = arith.constant 160 : index
        %get3A_702 = tpu.vector_load %arg8[%get3A_698, %get3A_699, %get3A_700, %get3A_701] {strides = array<i32>} : memref<2x3x32x256xf32, #tpu.memory_space<vmem>>, vector<1x1x1x16xf32>,
        %get3A_703 = vector.shape_cast %get3A_702 : vector<1x1x1x16xf32> to vector<16xf32>
        %mul3A_704 = arith.mulf %gather3A_317, %get3A_703 : vector<16xf32>
        %add3A_705 = arith.addf %add3A_695, %mul3A_704 : vector<16xf32>
        %swap3A_706 = arith.constant 0 : i32
        %swap3A_707 = arith.index_cast %swap3A_706 : i32 to index
        %swap3A_708 = arith.index_cast %scan3A_261 : i32 to index
        %swap3A_709 = arith.constant 160 : index
        %swap3A_710 = tpu.vector_load %arg9[%swap3A_707, %swap3A_708, %swap3A_709] {strides = array<i32>} : memref<2x32x256xf32, #tpu.memory_space<vmem>>, vector<1x1x16xf32>,
        %swap3A_711 = vector.shape_cast %swap3A_710 : vector<1x1x16xf32> to vector<16xf32>
        %swap3A_712 = vector.shape_cast %add3A_705 : vector<16xf32> to vector<1x1x16xf32>
        tpu.vector_store %arg9[%swap3A_707, %swap3A_708, %swap3A_709], %swap3A_712 {strides = array<i32>} : memref<2x32x256xf32, #tpu.memory_space<vmem>>, vector<1x1x16xf32>,
        %get3A_713 = arith.constant 0 : i32
        %get3A_714 = arith.constant 0 : i32
        %get3A_715 = arith.index_cast %get3A_713 : i32 to index
        %get3A_716 = arith.index_cast %get3A_714 : i32 to index
        %get3A_717 = arith.index_cast %scan3A_261 : i32 to index
        %get3A_718 = arith.constant 176 : index
        %get3A_719 = tpu.vector_load %arg8[%get3A_715, %get3A_716, %get3A_717, %get3A_718] {strides = array<i32>} : memref<2x3x32x256xf32, #tpu.memory_space<vmem>>, vector<1x1x1x16xf32>,
        %get3A_720 = vector.shape_cast %get3A_719 : vector<1x1x1x16xf32> to vector<16xf32>
        %mul3A_721 = arith.mulf %gather3A_301, %get3A_720 : vector<16xf32>
        %get3A_722 = arith.constant 0 : i32
        %get3A_723 = arith.constant 1 : i32
        %get3A_724 = arith.index_cast %get3A_722 : i32 to index
        %get3A_725 = arith.index_cast %get3A_723 : i32 to index
        %get3A_726 = arith.index_cast %scan3A_261 : i32 to index
        %get3A_727 = arith.constant 176 : index
        %get3A_728 = tpu.vector_load %arg8[%get3A_724, %get3A_725, %get3A_726, %get3A_727] {strides = array<i32>} : memref<2x3x32x256xf32, #tpu.memory_space<vmem>>, vector<1x1x1x16xf32>,
        %get3A_729 = vector.shape_cast %get3A_728 : vector<1x1x1x16xf32> to vector<16xf32>
        %mul3A_730 = arith.mulf %gather3A_309, %get3A_729 : vector<16xf32>
        %add3A_731 = arith.addf %mul3A_721, %mul3A_730 : vector<16xf32>
        %get3A_732 = arith.constant 0 : i32
        %get3A_733 = arith.constant 2 : i32
        %get3A_734 = arith.index_cast %get3A_732 : i32 to index
        %get3A_735 = arith.index_cast %get3A_733 : i32 to index
        %get3A_736 = arith.index_cast %scan3A_261 : i32 to index
        %get3A_737 = arith.constant 176 : index
        %get3A_738 = tpu.vector_load %arg8[%get3A_734, %get3A_735, %get3A_736, %get3A_737] {strides = array<i32>} : memref<2x3x32x256xf32, #tpu.memory_space<vmem>>, vector<1x1x1x16xf32>,
        %get3A_739 = vector.shape_cast %get3A_738 : vector<1x1x1x16xf32> to vector<16xf32>
        %mul3A_740 = arith.mulf %gather3A_317, %get3A_739 : vector<16xf32>
        %add3A_741 = arith.addf %add3A_731, %mul3A_740 : vector<16xf32>
        %swap3A_742 = arith.constant 0 : i32
        %swap3A_743 = arith.index_cast %swap3A_742 : i32 to index
        %swap3A_744 = arith.index_cast %scan3A_261 : i32 to index
        %swap3A_745 = arith.constant 176 : index
        %swap3A_746 = tpu.vector_load %arg9[%swap3A_743, %swap3A_744, %swap3A_745] {strides = array<i32>} : memref<2x32x256xf32, #tpu.memory_space<vmem>>, vector<1x1x16xf32>,
        %swap3A_747 = vector.shape_cast %swap3A_746 : vector<1x1x16xf32> to vector<16xf32>
        %swap3A_748 = vector.shape_cast %add3A_741 : vector<16xf32> to vector<1x1x16xf32>
        tpu.vector_store %arg9[%swap3A_743, %swap3A_744, %swap3A_745], %swap3A_748 {strides = array<i32>} : memref<2x32x256xf32, #tpu.memory_space<vmem>>, vector<1x1x16xf32>,
        %get3A_749 = arith.constant 0 : i32
        %get3A_750 = arith.constant 0 : i32
        %get3A_751 = arith.index_cast %get3A_749 : i32 to index
        %get3A_752 = arith.index_cast %get3A_750 : i32 to index
        %get3A_753 = arith.index_cast %scan3A_261 : i32 to index
        %get3A_754 = arith.constant 192 : index
        %get3A_755 = tpu.vector_load %arg8[%get3A_751, %get3A_752, %get3A_753, %get3A_754] {strides = array<i32>} : memref<2x3x32x256xf32, #tpu.memory_space<vmem>>, vector<1x1x1x16xf32>,
        %get3A_756 = vector.shape_cast %get3A_755 : vector<1x1x1x16xf32> to vector<16xf32>
        %mul3A_757 = arith.mulf %gather3A_301, %get3A_756 : vector<16xf32>
        %get3A_758 = arith.constant 0 : i32
        %get3A_759 = arith.constant 1 : i32
        %get3A_760 = arith.index_cast %get3A_758 : i32 to index
        %get3A_761 = arith.index_cast %get3A_759 : i32 to index
        %get3A_762 = arith.index_cast %scan3A_261 : i32 to index
        %get3A_763 = arith.constant 192 : index
        %get3A_764 = tpu.vector_load %arg8[%get3A_760, %get3A_761, %get3A_762, %get3A_763] {strides = array<i32>} : memref<2x3x32x256xf32, #tpu.memory_space<vmem>>, vector<1x1x1x16xf32>,
        %get3A_765 = vector.shape_cast %get3A_764 : vector<1x1x1x16xf32> to vector<16xf32>
        %mul3A_766 = arith.mulf %gather3A_309, %get3A_765 : vector<16xf32>
        %add3A_767 = arith.addf %mul3A_757, %mul3A_766 : vector<16xf32>
        %get3A_768 = arith.constant 0 : i32
        %get3A_769 = arith.constant 2 : i32
        %get3A_770 = arith.index_cast %get3A_768 : i32 to index
        %get3A_771 = arith.index_cast %get3A_769 : i32 to index
        %get3A_772 = arith.index_cast %scan3A_261 : i32 to index
        %get3A_773 = arith.constant 192 : index
        %get3A_774 = tpu.vector_load %arg8[%get3A_770, %get3A_771, %get3A_772, %get3A_773] {strides = array<i32>} : memref<2x3x32x256xf32, #tpu.memory_space<vmem>>, vector<1x1x1x16xf32>,
        %get3A_775 = vector.shape_cast %get3A_774 : vector<1x1x1x16xf32> to vector<16xf32>
        %mul3A_776 = arith.mulf %gather3A_317, %get3A_775 : vector<16xf32>
        %add3A_777 = arith.addf %add3A_767, %mul3A_776 : vector<16xf32>
        %swap3A_778 = arith.constant 0 : i32
        %swap3A_779 = arith.index_cast %swap3A_778 : i32 to index
        %swap3A_780 = arith.index_cast %scan3A_261 : i32 to index
        %swap3A_781 = arith.constant 192 : index
        %swap3A_782 = tpu.vector_load %arg9[%swap3A_779, %swap3A_780, %swap3A_781] {strides = array<i32>} : memref<2x32x256xf32, #tpu.memory_space<vmem>>, vector<1x1x16xf32>,
        %swap3A_783 = vector.shape_cast %swap3A_782 : vector<1x1x16xf32> to vector<16xf32>
        %swap3A_784 = vector.shape_cast %add3A_777 : vector<16xf32> to vector<1x1x16xf32>
        tpu.vector_store %arg9[%swap3A_779, %swap3A_780, %swap3A_781], %swap3A_784 {strides = array<i32>} : memref<2x32x256xf32, #tpu.memory_space<vmem>>, vector<1x1x16xf32>,
        %get3A_785 = arith.constant 0 : i32
        %get3A_786 = arith.constant 0 : i32
        %get3A_787 = arith.index_cast %get3A_785 : i32 to index
        %get3A_788 = arith.index_cast %get3A_786 : i32 to index
        %get3A_789 = arith.index_cast %scan3A_261 : i32 to index
        %get3A_790 = arith.constant 208 : index
        %get3A_791 = tpu.vector_load %arg8[%get3A_787, %get3A_788, %get3A_789, %get3A_790] {strides = array<i32>} : memref<2x3x32x256xf32, #tpu.memory_space<vmem>>, vector<1x1x1x16xf32>,
        %get3A_792 = vector.shape_cast %get3A_791 : vector<1x1x1x16xf32> to vector<16xf32>
        %mul3A_793 = arith.mulf %gather3A_301, %get3A_792 : vector<16xf32>
        %get3A_794 = arith.constant 0 : i32
        %get3A_795 = arith.constant 1 : i32
        %get3A_796 = arith.index_cast %get3A_794 : i32 to index
        %get3A_797 = arith.index_cast %get3A_795 : i32 to index
        %get3A_798 = arith.index_cast %scan3A_261 : i32 to index
        %get3A_799 = arith.constant 208 : index
        %get3A_800 = tpu.vector_load %arg8[%get3A_796, %get3A_797, %get3A_798, %get3A_799] {strides = array<i32>} : memref<2x3x32x256xf32, #tpu.memory_space<vmem>>, vector<1x1x1x16xf32>,
        %get3A_801 = vector.shape_cast %get3A_800 : vector<1x1x1x16xf32> to vector<16xf32>
        %mul3A_802 = arith.mulf %gather3A_309, %get3A_801 : vector<16xf32>
        %add3A_803 = arith.addf %mul3A_793, %mul3A_802 : vector<16xf32>
        %get3A_804 = arith.constant 0 : i32
        %get3A_805 = arith.constant 2 : i32
        %get3A_806 = arith.index_cast %get3A_804 : i32 to index
        %get3A_807 = arith.index_cast %get3A_805 : i32 to index
        %get3A_808 = arith.index_cast %scan3A_261 : i32 to index
        %get3A_809 = arith.constant 208 : index
        %get3A_810 = tpu.vector_load %arg8[%get3A_806, %get3A_807, %get3A_808, %get3A_809] {strides = array<i32>} : memref<2x3x32x256xf32, #tpu.memory_space<vmem>>, vector<1x1x1x16xf32>,
        %get3A_811 = vector.shape_cast %get3A_810 : vector<1x1x1x16xf32> to vector<16xf32>
        %mul3A_812 = arith.mulf %gather3A_317, %get3A_811 : vector<16xf32>
        %add3A_813 = arith.addf %add3A_803, %mul3A_812 : vector<16xf32>
        %swap3A_814 = arith.constant 0 : i32
        %swap3A_815 = arith.index_cast %swap3A_814 : i32 to index
        %swap3A_816 = arith.index_cast %scan3A_261 : i32 to index
        %swap3A_817 = arith.constant 208 : index
        %swap3A_818 = tpu.vector_load %arg9[%swap3A_815, %swap3A_816, %swap3A_817] {strides = array<i32>} : memref<2x32x256xf32, #tpu.memory_space<vmem>>, vector<1x1x16xf32>,
        %swap3A_819 = vector.shape_cast %swap3A_818 : vector<1x1x16xf32> to vector<16xf32>
        %swap3A_820 = vector.shape_cast %add3A_813 : vector<16xf32> to vector<1x1x16xf32>
        tpu.vector_store %arg9[%swap3A_815, %swap3A_816, %swap3A_817], %swap3A_820 {strides = array<i32>} : memref<2x32x256xf32, #tpu.memory_space<vmem>>, vector<1x1x16xf32>,
        %get3A_821 = arith.constant 0 : i32
        %get3A_822 = arith.constant 0 : i32
        %get3A_823 = arith.index_cast %get3A_821 : i32 to index
        %get3A_824 = arith.index_cast %get3A_822 : i32 to index
        %get3A_825 = arith.index_cast %scan3A_261 : i32 to index
        %get3A_826 = arith.constant 224 : index
        %get3A_827 = tpu.vector_load %arg8[%get3A_823, %get3A_824, %get3A_825, %get3A_826] {strides = array<i32>} : memref<2x3x32x256xf32, #tpu.memory_space<vmem>>, vector<1x1x1x16xf32>,
        %get3A_828 = vector.shape_cast %get3A_827 : vector<1x1x1x16xf32> to vector<16xf32>
        %mul3A_829 = arith.mulf %gather3A_301, %get3A_828 : vector<16xf32>
        %get3A_830 = arith.constant 0 : i32
        %get3A_831 = arith.constant 1 : i32
        %get3A_832 = arith.index_cast %get3A_830 : i32 to index
        %get3A_833 = arith.index_cast %get3A_831 : i32 to index
        %get3A_834 = arith.index_cast %scan3A_261 : i32 to index
        %get3A_835 = arith.constant 224 : index
        %get3A_836 = tpu.vector_load %arg8[%get3A_832, %get3A_833, %get3A_834, %get3A_835] {strides = array<i32>} : memref<2x3x32x256xf32, #tpu.memory_space<vmem>>, vector<1x1x1x16xf32>,
        %get3A_837 = vector.shape_cast %get3A_836 : vector<1x1x1x16xf32> to vector<16xf32>
        %mul3A_838 = arith.mulf %gather3A_309, %get3A_837 : vector<16xf32>
        %add3A_839 = arith.addf %mul3A_829, %mul3A_838 : vector<16xf32>
        %get3A_840 = arith.constant 0 : i32
        %get3A_841 = arith.constant 2 : i32
        %get3A_842 = arith.index_cast %get3A_840 : i32 to index
        %get3A_843 = arith.index_cast %get3A_841 : i32 to index
        %get3A_844 = arith.index_cast %scan3A_261 : i32 to index
        %get3A_845 = arith.constant 224 : index
        %get3A_846 = tpu.vector_load %arg8[%get3A_842, %get3A_843, %get3A_844, %get3A_845] {strides = array<i32>} : memref<2x3x32x256xf32, #tpu.memory_space<vmem>>, vector<1x1x1x16xf32>,
        %get3A_847 = vector.shape_cast %get3A_846 : vector<1x1x1x16xf32> to vector<16xf32>
        %mul3A_848 = arith.mulf %gather3A_317, %get3A_847 : vector<16xf32>
        %add3A_849 = arith.addf %add3A_839, %mul3A_848 : vector<16xf32>
        %swap3A_850 = arith.constant 0 : i32
        %swap3A_851 = arith.index_cast %swap3A_850 : i32 to index
        %swap3A_852 = arith.index_cast %scan3A_261 : i32 to index
        %swap3A_853 = arith.constant 224 : index
        %swap3A_854 = tpu.vector_load %arg9[%swap3A_851, %swap3A_852, %swap3A_853] {strides = array<i32>} : memref<2x32x256xf32, #tpu.memory_space<vmem>>, vector<1x1x16xf32>,
        %swap3A_855 = vector.shape_cast %swap3A_854 : vector<1x1x16xf32> to vector<16xf32>
        %swap3A_856 = vector.shape_cast %add3A_849 : vector<16xf32> to vector<1x1x16xf32>
        tpu.vector_store %arg9[%swap3A_851, %swap3A_852, %swap3A_853], %swap3A_856 {strides = array<i32>} : memref<2x32x256xf32, #tpu.memory_space<vmem>>, vector<1x1x16xf32>,
        %get3A_857 = arith.constant 0 : i32
        %get3A_858 = arith.constant 0 : i32
        %get3A_859 = arith.index_cast %get3A_857 : i32 to index
        %get3A_860 = arith.index_cast %get3A_858 : i32 to index
        %get3A_861 = arith.index_cast %scan3A_261 : i32 to index
        %get3A_862 = arith.constant 240 : index
        %get3A_863 = tpu.vector_load %arg8[%get3A_859, %get3A_860, %get3A_861, %get3A_862] {strides = array<i32>} : memref<2x3x32x256xf32, #tpu.memory_space<vmem>>, vector<1x1x1x16xf32>,
        %get3A_864 = vector.shape_cast %get3A_863 : vector<1x1x1x16xf32> to vector<16xf32>
        %mul3A_865 = arith.mulf %gather3A_301, %get3A_864 : vector<16xf32>
        %get3A_866 = arith.constant 0 : i32
        %get3A_867 = arith.constant 1 : i32
        %get3A_868 = arith.index_cast %get3A_866 : i32 to index
        %get3A_869 = arith.index_cast %get3A_867 : i32 to index
        %get3A_870 = arith.index_cast %scan3A_261 : i32 to index
        %get3A_871 = arith.constant 240 : index
        %get3A_872 = tpu.vector_load %arg8[%get3A_868, %get3A_869, %get3A_870, %get3A_871] {strides = array<i32>} : memref<2x3x32x256xf32, #tpu.memory_space<vmem>>, vector<1x1x1x16xf32>,
        %get3A_873 = vector.shape_cast %get3A_872 : vector<1x1x1x16xf32> to vector<16xf32>
        %mul3A_874 = arith.mulf %gather3A_309, %get3A_873 : vector<16xf32>
        %add3A_875 = arith.addf %mul3A_865, %mul3A_874 : vector<16xf32>
        %get3A_876 = arith.constant 0 : i32
        %get3A_877 = arith.constant 2 : i32
        %get3A_878 = arith.index_cast %get3A_876 : i32 to index
        %get3A_879 = arith.index_cast %get3A_877 : i32 to index
        %get3A_880 = arith.index_cast %scan3A_261 : i32 to index
        %get3A_881 = arith.constant 240 : index
        %get3A_882 = tpu.vector_load %arg8[%get3A_878, %get3A_879, %get3A_880, %get3A_881] {strides = array<i32>} : memref<2x3x32x256xf32, #tpu.memory_space<vmem>>, vector<1x1x1x16xf32>,
        %get3A_883 = vector.shape_cast %get3A_882 : vector<1x1x1x16xf32> to vector<16xf32>
        %mul3A_884 = arith.mulf %gather3A_317, %get3A_883 : vector<16xf32>
        %add3A_885 = arith.addf %add3A_875, %mul3A_884 : vector<16xf32>
        %swap3A_886 = arith.constant 0 : i32
        %swap3A_887 = arith.index_cast %swap3A_886 : i32 to index
        %swap3A_888 = arith.index_cast %scan3A_261 : i32 to index
        %swap3A_889 = arith.constant 240 : index
        %swap3A_890 = tpu.vector_load %arg9[%swap3A_887, %swap3A_888, %swap3A_889] {strides = array<i32>} : memref<2x32x256xf32, #tpu.memory_space<vmem>>, vector<1x1x16xf32>,
        %swap3A_891 = vector.shape_cast %swap3A_890 : vector<1x1x16xf32> to vector<16xf32>
        %swap3A_892 = vector.shape_cast %add3A_885 : vector<16xf32> to vector<1x1x16xf32>
        tpu.vector_store %arg9[%swap3A_887, %swap3A_888, %swap3A_889], %swap3A_892 {strides = array<i32>} : memref<2x32x256xf32, #tpu.memory_space<vmem>>, vector<1x1x16xf32>,
      }
      %scan3A_166 = arith.constant 32 : i32
      %mul3A_167 = arith.constant 32 : i32
      %mul3A_168 = arith.muli %mul3A_76, %mul3A_167 : i32
      %add3A_169 = arith.addi %mul3A_2, %mul3A_168 : i32
      %dma_start3A_170 = arith.constant 0 : i32
      %dma_start3A_171 = arith.constant 0 : i32
      %dma_start3A_172 = arith.constant 0 : i32
      %dma_start3A_173 = tpu.memref_slice %arg9[%dma_start3A_170, %dma_start3A_171, %dma_start3A_172] : memref<2x32x256xf32, #tpu.memory_space<vmem>> -> memref<1x32x256xf32, #tpu.memory_space<vmem>>
      %dma_start3A_174 = tpu.memref_squeeze %dma_start3A_173 : memref<1x32x256xf32, #tpu.memory_space<vmem>> -> memref<32x256xf32, #tpu.memory_space<vmem>>
      %dma_start3A_175 = arith.constant 0 : i32
      %dma_start3A_176 = tpu.memref_slice %arg5[%add3A_169, %dma_start3A_175] : memref<16384x256xf32, #tpu.memory_space<hbm>> -> memref<32x256xf32, #tpu.memory_space<hbm>>
      %dma_start3A_177 = arith.constant 0 : i32
      %dma_start3A_178 = tpu.memref_slice %arg5[%add3A_169, %dma_start3A_177] : memref<16384x256xf32, #tpu.memory_space<hbm>> -> memref<32x256xf32, #tpu.memory_space<hbm>>
      %dma_start3A_179 = arith.constant 0 : i32
      %dma_start3A_180 = arith.constant 0 : i32
      %dma_start3A_181 = tpu.memref_slice %arg9[%dma_start3A_170, %dma_start3A_179, %dma_start3A_180] : memref<2x32x256xf32, #tpu.memory_space<vmem>> -> memref<1x32x256xf32, #tpu.memory_space<vmem>>
      %dma_start3A_182 = tpu.memref_squeeze %dma_start3A_181 : memref<1x32x256xf32, #tpu.memory_space<vmem>> -> memref<32x256xf32, #tpu.memory_space<vmem>>
      tpu.enqueue_dma source(%dma_start3A_182 : memref<32x256xf32, #tpu.memory_space<vmem>>) target(%dma_start3A_178 : memref<32x256xf32, #tpu.memory_space<hbm>>) target_semaphore(%arg12 : memref<!tpu.dma_semaphore, #tpu.memory_space<semaphore_mem>>)
      %add3A_183 = arith.constant 1 : i32
      %add3A_184 = arith.addi %mul3A_76, %add3A_183 : i32
      %dma_wait3A_185 = arith.constant 0 : i32
      %dma_wait3A_186 = arith.constant 1 : i32
      %dma_wait3A_187 = arith.constant 0 : i32
      %dma_wait3A_188 = arith.constant 0 : i32
      %dma_wait3A_189 = arith.constant 0 : i32
      %dma_wait3A_190 = tpu.memref_slice %arg8[%dma_wait3A_186, %dma_wait3A_187, %dma_wait3A_188, %dma_wait3A_189] : memref<2x3x32x256xf32, #tpu.memory_space<vmem>> -> memref<1x1x32x256xf32, #tpu.memory_space<vmem>>
      %dma_wait3A_191 = tpu.memref_squeeze %dma_wait3A_190 : memref<1x1x32x256xf32, #tpu.memory_space<vmem>> -> memref<32x256xf32, #tpu.memory_space<vmem>>
      %dma_wait3A_192 = arith.constant 0 : i32
      %dma_wait3A_193 = tpu.memref_slice %arg6[%dma_wait3A_185, %add3A_184, %dma_wait3A_192] : memref<8x16x32xi32, #tpu.memory_space<vmem>> -> memref<1x1x32xi32, #tpu.memory_space<vmem>>
      %dma_wait3A_194 = tpu.memref_squeeze %dma_wait3A_193 : memref<1x1x32xi32, #tpu.memory_space<vmem>> -> memref<32xi32, #tpu.memory_space<vmem>>
      %dma_wait3A_195 = arith.constant 0 : i32
      %dma_wait3A_196 = arith.constant 0 : i32
      %dma_wait3A_197 = tpu.memref_slice %arg4[%dma_wait3A_195, %dma_wait3A_196] : memref<8192x256xf32, #tpu.memory_space<hbm>> -> memref<8192x256xf32, #tpu.memory_space<hbm>>
      tpu.wait_indirect_dma semaphore(%arg11 : memref<!tpu.dma_semaphore, #tpu.memory_space<semaphore_mem>>) src(%dma_wait3A_197 : memref<8192x256xf32, #tpu.memory_space<hbm>>) dst(%dma_wait3A_191 : memref<32x256xf32, #tpu.memory_space<vmem>>)
      %dma_wait3A_198 = arith.constant 1 : i32
      %dma_wait3A_199 = arith.constant 1 : i32
      %dma_wait3A_200 = arith.constant 1 : i32
      %dma_wait3A_201 = arith.constant 0 : i32
      %dma_wait3A_202 = arith.constant 0 : i32
      %dma_wait3A_203 = tpu.memref_slice %arg8[%dma_wait3A_199, %dma_wait3A_200, %dma_wait3A_201, %dma_wait3A_202] : memref<2x3x32x256xf32, #tpu.memory_space<vmem>> -> memref<1x1x32x256xf32, #tpu.memory_space<vmem>>
      %dma_wait3A_204 = tpu.memref_squeeze %dma_wait3A_203 : memref<1x1x32x256xf32, #tpu.memory_space<vmem>> -> memref<32x256xf32, #tpu.memory_space<vmem>>
      %dma_wait3A_205 = arith.constant 0 : i32
      %dma_wait3A_206 = tpu.memref_slice %arg6[%dma_wait3A_198, %add3A_184, %dma_wait3A_205] : memref<8x16x32xi32, #tpu.memory_space<vmem>> -> memref<1x1x32xi32, #tpu.memory_space<vmem>>
      %dma_wait3A_207 = tpu.memref_squeeze %dma_wait3A_206 : memref<1x1x32xi32, #tpu.memory_space<vmem>> -> memref<32xi32, #tpu.memory_space<vmem>>
      %dma_wait3A_208 = arith.constant 0 : i32
      %dma_wait3A_209 = arith.constant 0 : i32
      %dma_wait3A_210 = tpu.memref_slice %arg4[%dma_wait3A_208, %dma_wait3A_209] : memref<8192x256xf32, #tpu.memory_space<hbm>> -> memref<8192x256xf32, #tpu.memory_space<hbm>>
      tpu.wait_indirect_dma semaphore(%arg11 : memref<!tpu.dma_semaphore, #tpu.memory_space<semaphore_mem>>) src(%dma_wait3A_210 : memref<8192x256xf32, #tpu.memory_space<hbm>>) dst(%dma_wait3A_204 : memref<32x256xf32, #tpu.memory_space<vmem>>)
      %dma_wait3A_211 = arith.constant 2 : i32
      %dma_wait3A_212 = arith.constant 1 : i32
      %dma_wait3A_213 = arith.constant 2 : i32
      %dma_wait3A_214 = arith.constant 0 : i32
      %dma_wait3A_215 = arith.constant 0 : i32
      %dma_wait3A_216 = tpu.memref_slice %arg8[%dma_wait3A_212, %dma_wait3A_213, %dma_wait3A_214, %dma_wait3A_215] : memref<2x3x32x256xf32, #tpu.memory_space<vmem>> -> memref<1x1x32x256xf32, #tpu.memory_space<vmem>>
      %dma_wait3A_217 = tpu.memref_squeeze %dma_wait3A_216 : memref<1x1x32x256xf32, #tpu.memory_space<vmem>> -> memref<32x256xf32, #tpu.memory_space<vmem>>
      %dma_wait3A_218 = arith.constant 0 : i32
      %dma_wait3A_219 = tpu.memref_slice %arg6[%dma_wait3A_211, %add3A_184, %dma_wait3A_218] : memref<8x16x32xi32, #tpu.memory_space<vmem>> -> memref<1x1x32xi32, #tpu.memory_space<vmem>>
      %dma_wait3A_220 = tpu.memref_squeeze %dma_wait3A_219 : memref<1x1x32xi32, #tpu.memory_space<vmem>> -> memref<32xi32, #tpu.memory_space<vmem>>
      %dma_wait3A_221 = arith.constant 0 : i32
      %dma_wait3A_222 = arith.constant 0 : i32
      %dma_wait3A_223 = tpu.memref_slice %arg4[%dma_wait3A_221, %dma_wait3A_222] : memref<8192x256xf32, #tpu.memory_space<hbm>> -> memref<8192x256xf32, #tpu.memory_space<hbm>>
      tpu.wait_indirect_dma semaphore(%arg11 : memref<!tpu.dma_semaphore, #tpu.memory_space<semaphore_mem>>) src(%dma_wait3A_223 : memref<8192x256xf32, #tpu.memory_space<hbm>>) dst(%dma_wait3A_217 : memref<32x256xf32, #tpu.memory_space<vmem>>)
      %lt3A = arith.constant 7 : i32
      %lt3A_224 = arith.cmpi slt, %scan3A_74, %lt3A : i32
      %convert_element_type3A_225 = arith.extui %lt3A_224 : i1 to i32
      %cond3A_226 = arith.constant 0 : i32
      %cond3A_227 = arith.cmpi ne, %convert_element_type3A_225, %cond3A_226 : i32
      scf.if %cond3A_227 {
        %add3A_261 = arith.constant 2 : i32
        %add3A_262 = arith.addi %mul3A_76, %add3A_261 : i32
        %dma_start3A_263 = arith.constant 0 : i32
        %dma_start3A_264 = arith.constant 0 : i32
        %dma_start3A_265 = arith.constant 0 : i32
        %dma_start3A_266 = arith.constant 0 : i32
        %dma_start3A_267 = arith.constant 0 : i32
        %dma_start3A_268 = tpu.memref_slice %arg8[%dma_start3A_264, %dma_start3A_265, %dma_start3A_266, %dma_start3A_267] : memref<2x3x32x256xf32, #tpu.memory_space<vmem>> -> memref<1x1x32x256xf32, #tpu.memory_space<vmem>>
        %dma_start3A_269 = tpu.memref_squeeze %dma_start3A_268 : memref<1x1x32x256xf32, #tpu.memory_space<vmem>> -> memref<32x256xf32, #tpu.memory_space<vmem>>
        %dma_start3A_270 = arith.constant 0 : i32
        %dma_start3A_271 = tpu.memref_slice %arg6[%dma_start3A_263, %add3A_262, %dma_start3A_270] : memref<8x16x32xi32, #tpu.memory_space<vmem>> -> memref<1x1x32xi32, #tpu.memory_space<vmem>>
        %dma_start3A_272 = tpu.memref_squeeze %dma_start3A_271 : memref<1x1x32xi32, #tpu.memory_space<vmem>> -> memref<32xi32, #tpu.memory_space<vmem>>
        %dma_start3A_273 = arith.constant 0 : i32
        %dma_start3A_274 = arith.constant 0 : i32
        %dma_start3A_275 = tpu.memref_slice %arg4[%dma_start3A_273, %dma_start3A_274] : memref<8192x256xf32, #tpu.memory_space<hbm>> -> memref<8192x256xf32, #tpu.memory_space<hbm>>
        tpu.enqueue_indirect_dma source(%dma_start3A_275 : memref<8192x256xf32, #tpu.memory_space<hbm>>) target(%dma_start3A_269 : memref<32x256xf32, #tpu.memory_space<vmem>>) offsets(%dma_start3A_272 : memref<32xi32, #tpu.memory_space<vmem>>) semaphore(%arg10 : memref<!tpu.dma_semaphore, #tpu.memory_space<semaphore_mem>>)
        %dma_start3A_276 = arith.constant 1 : i32
        %dma_start3A_277 = arith.constant 0 : i32
        %dma_start3A_278 = arith.constant 1 : i32
        %dma_start3A_279 = arith.constant 0 : i32
        %dma_start3A_280 = arith.constant 0 : i32
        %dma_start3A_281 = tpu.memref_slice %arg8[%dma_start3A_277, %dma_start3A_278, %dma_start3A_279, %dma_start3A_280] : memref<2x3x32x256xf32, #tpu.memory_space<vmem>> -> memref<1x1x32x256xf32, #tpu.memory_space<vmem>>
        %dma_start3A_282 = tpu.memref_squeeze %dma_start3A_281 : memref<1x1x32x256xf32, #tpu.memory_space<vmem>> -> memref<32x256xf32, #tpu.memory_space<vmem>>
        %dma_start3A_283 = arith.constant 0 : i32
        %dma_start3A_284 = tpu.memref_slice %arg6[%dma_start3A_276, %add3A_262, %dma_start3A_283] : memref<8x16x32xi32, #tpu.memory_space<vmem>> -> memref<1x1x32xi32, #tpu.memory_space<vmem>>
        %dma_start3A_285 = tpu.memref_squeeze %dma_start3A_284 : memref<1x1x32xi32, #tpu.memory_space<vmem>> -> memref<32xi32, #tpu.memory_space<vmem>>
        %dma_start3A_286 = arith.constant 0 : i32
        %dma_start3A_287 = arith.constant 0 : i32
        %dma_start3A_288 = tpu.memref_slice %arg4[%dma_start3A_286, %dma_start3A_287] : memref<8192x256xf32, #tpu.memory_space<hbm>> -> memref<8192x256xf32, #tpu.memory_space<hbm>>
        tpu.enqueue_indirect_dma source(%dma_start3A_288 : memref<8192x256xf32, #tpu.memory_space<hbm>>) target(%dma_start3A_282 : memref<32x256xf32, #tpu.memory_space<vmem>>) offsets(%dma_start3A_285 : memref<32xi32, #tpu.memory_space<vmem>>) semaphore(%arg10 : memref<!tpu.dma_semaphore, #tpu.memory_space<semaphore_mem>>)
        %dma_start3A_289 = arith.constant 2 : i32
        %dma_start3A_290 = arith.constant 0 : i32
        %dma_start3A_291 = arith.constant 2 : i32
        %dma_start3A_292 = arith.constant 0 : i32
        %dma_start3A_293 = arith.constant 0 : i32
        %dma_start3A_294 = tpu.memref_slice %arg8[%dma_start3A_290, %dma_start3A_291, %dma_start3A_292, %dma_start3A_293] : memref<2x3x32x256xf32, #tpu.memory_space<vmem>> -> memref<1x1x32x256xf32, #tpu.memory_space<vmem>>
        %dma_start3A_295 = tpu.memref_squeeze %dma_start3A_294 : memref<1x1x32x256xf32, #tpu.memory_space<vmem>> -> memref<32x256xf32, #tpu.memory_space<vmem>>
        %dma_start3A_296 = arith.constant 0 : i32
        %dma_start3A_297 = tpu.memref_slice %arg6[%dma_start3A_289, %add3A_262, %dma_start3A_296] : memref<8x16x32xi32, #tpu.memory_space<vmem>> -> memref<1x1x32xi32, #tpu.memory_space<vmem>>
        %dma_start3A_298 = tpu.memref_squeeze %dma_start3A_297 : memref<1x1x32xi32, #tpu.memory_space<vmem>> -> memref<32xi32, #tpu.memory_space<vmem>>
        %dma_start3A_299 = arith.constant 0 : i32
        %dma_start3A_300 = arith.constant 0 : i32
        %dma_start3A_301 = tpu.memref_slice %arg4[%dma_start3A_299, %dma_start3A_300] : memref<8192x256xf32, #tpu.memory_space<hbm>> -> memref<8192x256xf32, #tpu.memory_space<hbm>>
        tpu.enqueue_indirect_dma source(%dma_start3A_301 : memref<8192x256xf32, #tpu.memory_space<hbm>>) target(%dma_start3A_295 : memref<32x256xf32, #tpu.memory_space<vmem>>) offsets(%dma_start3A_298 : memref<32xi32, #tpu.memory_space<vmem>>) semaphore(%arg10 : memref<!tpu.dma_semaphore, #tpu.memory_space<semaphore_mem>>)
      } else {
      }
      %gt3A_228 = arith.constant 0 : i32
      %gt3A_229 = arith.cmpi sgt, %scan3A_74, %gt3A_228 : i32
      %convert_element_type3A_230 = arith.extui %gt3A_229 : i1 to i32
      %cond3A_231 = arith.constant 0 : i32
      %cond3A_232 = arith.cmpi ne, %convert_element_type3A_230, %cond3A_231 : i32
      scf.if %cond3A_232 {
        %dma_wait3A_261 = arith.constant 1 : i32
        %dma_wait3A_262 = arith.constant 0 : i32
        %dma_wait3A_263 = arith.constant 0 : i32
        %dma_wait3A_264 = tpu.memref_slice %arg9[%dma_wait3A_261, %dma_wait3A_262, %dma_wait3A_263] : memref<2x32x256xf32, #tpu.memory_space<vmem>> -> memref<1x32x256xf32, #tpu.memory_space<vmem>>
        %dma_wait3A_265 = tpu.memref_squeeze %dma_wait3A_264 : memref<1x32x256xf32, #tpu.memory_space<vmem>> -> memref<32x256xf32, #tpu.memory_space<vmem>>
        %dma_wait3A_266 = arith.constant 0 : i32
        %dma_wait3A_267 = tpu.memref_slice %arg5[%mul3A_2, %dma_wait3A_266] : memref<16384x256xf32, #tpu.memory_space<hbm>> -> memref<32x256xf32, #tpu.memory_space<hbm>>
        %dma_wait3A_268 = arith.constant 0 : i32
        %dma_wait3A_269 = tpu.memref_slice %arg5[%mul3A_2, %dma_wait3A_268] : memref<16384x256xf32, #tpu.memory_space<hbm>> -> memref<32x256xf32, #tpu.memory_space<hbm>>
        %dma_wait3A_270 = arith.constant 0 : i32
        %dma_wait3A_271 = arith.constant 0 : i32
        %dma_wait3A_272 = tpu.memref_slice %arg9[%dma_wait3A_261, %dma_wait3A_270, %dma_wait3A_271] : memref<2x32x256xf32, #tpu.memory_space<vmem>> -> memref<1x32x256xf32, #tpu.memory_space<vmem>>
        %dma_wait3A_273 = tpu.memref_squeeze %dma_wait3A_272 : memref<1x32x256xf32, #tpu.memory_space<vmem>> -> memref<32x256xf32, #tpu.memory_space<vmem>>
        tpu.wait_dma2 semaphore(%arg13 : memref<!tpu.dma_semaphore, #tpu.memory_space<semaphore_mem>>) src(%dma_wait3A_273 : memref<32x256xf32, #tpu.memory_space<vmem>>) dst(%dma_wait3A_269 : memref<32x256xf32, #tpu.memory_space<hbm>>)
      } else {
      }
      %add3A_233 = arith.constant 1 : i32
      %add3A_234 = arith.addi %mul3A_76, %add3A_233 : i32
      %mul3A_235 = arith.constant 32 : i32
      %mul3A_236 = arith.muli %add3A_234, %mul3A_235 : i32
      %scan3A_237 = arith.constant 0 : i32
      %scan3A_238 = arith.constant 0 : i32
      %scan3A_239 = arith.constant 32 : i32
      %scan3A_240 = arith.addi %scan3A_238, %scan3A_239 : i32
      %scan3A_241 = arith.constant 1 : i32
      scf.for %scan3A_261 = %scan3A_238 to %scan3A_240 step %scan3A_241  : i32 {
        %jit3A = arith.constant 16 : i32
        %div3A = arith.divsi %scan3A_261, %jit3A : i32
        %sign3A = arith.constant 0 : i32
        %sign3A_262 = arith.cmpi sgt, %scan3A_261, %sign3A : i32
        %sign3A_263 = arith.extui %sign3A_262 : i1 to i32
        %sign3A_264 = arith.constant 0 : i32
        %sign3A_265 = arith.cmpi slt, %scan3A_261, %sign3A_264 : i32
        %sign3A_266 = arith.extui %sign3A_265 : i1 to i32
        %sign3A_267 = arith.subi %sign3A_263, %sign3A_266 : i32
        %sign3A_268 = arith.constant 0 : i32
        %sign3A_269 = arith.cmpi sgt, %jit3A, %sign3A_268 : i32
        %sign3A_270 = arith.extui %sign3A_269 : i1 to i32
        %sign3A_271 = arith.constant 0 : i32
        %sign3A_272 = arith.cmpi slt, %jit3A, %sign3A_271 : i32
        %sign3A_273 = arith.extui %sign3A_272 : i1 to i32
        %sign3A_274 = arith.subi %sign3A_270, %sign3A_273 : i32
        %ne3A = arith.cmpi ne, %sign3A_267, %sign3A_274 : i32
        %rem3A = arith.remsi %scan3A_261, %jit3A : i32
        %ne3A_275 = arith.constant 0 : i32
        %ne3A_276 = arith.cmpi ne, %rem3A, %ne3A_275 : i32
        %and3A = arith.andi %ne3A, %ne3A_276 : i1
        %sub3A = arith.constant 1 : i32
        %sub3A_277 = arith.subi %div3A, %sub3A : i32
        %select_n3A = arith.select %and3A, %sub3A_277, %div3A : i32
        %mul3A_278 = arith.constant 16 : i32
        %mul3A_279 = arith.muli %select_n3A, %mul3A_278 : i32
        %multiple_of3A = tpu.assume_multiple %mul3A_279, 16 : i32
        %add3A_280 = arith.addi %mul3A_236, %multiple_of3A : i32
        %jit3A_281 = arith.constant 16 : i32
        %eq3A = arith.constant 0 : i32
        %eq3A_282 = arith.cmpi eq, %jit3A_281, %eq3A : i32
        %jit3A_283 = arith.constant 1 : i32
        %select_n3A_284 = arith.select %eq3A_282, %jit3A_283, %jit3A_281 : i32
        %rem3A_285 = arith.remsi %scan3A_261, %select_n3A_284 : i32
        %ne3A_286 = arith.constant 0 : i32
        %ne3A_287 = arith.cmpi ne, %rem3A_285, %ne3A_286 : i32
        %lt3A_288 = arith.constant 0 : i32
        %lt3A_289 = arith.cmpi slt, %rem3A_285, %lt3A_288 : i32
        %lt3A_290 = arith.constant 0 : i32
        %lt3A_291 = arith.cmpi slt, %select_n3A_284, %lt3A_290 : i32
        %ne3A_292 = arith.xori %lt3A_289, %lt3A_291 : i1
        %and3A_293 = arith.andi %ne3A_292, %ne3A_287 : i1
        %add3A_294 = arith.addi %rem3A_285, %select_n3A_284 : i32
        %select_n3A_295 = arith.select %and3A_293, %add3A_294, %rem3A_285 : i32
        %broadcast_in_dim3A = vector.broadcast %select_n3A_295 : i32 to vector<16xi32>
        %get3A = arith.constant 0 : i32
        %get3A_296 = arith.index_cast %get3A : i32 to index
        %get3A_297 = arith.index_cast %add3A_280 : i32 to index
        %get3A_298 = tpu.vector_load %arg7[%get3A_296, %get3A_297] {strides = array<i32>} : memref<3x512xf32, #tpu.memory_space<vmem>>, vector<1x16xf32>,
        %get3A_299 = vector.shape_cast %get3A_298 : vector<1x16xf32> to vector<16xf32>
        %broadcast_in_dim3A_300 = vector.shape_cast %broadcast_in_dim3A : vector<16xi32> to vector<16x1xi32>
        %gather3A = vector.shape_cast %broadcast_in_dim3A_300 : vector<16x1xi32> to vector<16xi32>
        %gather3A_301 = tpu.dynamic_gather %get3A_299[%gather3A] in [0] : vector<16xf32>, vector<16xi32> -> vector<16xf32>
        %get3A_302 = arith.constant 1 : i32
        %get3A_303 = arith.index_cast %get3A_302 : i32 to index
        %get3A_304 = arith.index_cast %add3A_280 : i32 to index
        %get3A_305 = tpu.vector_load %arg7[%get3A_303, %get3A_304] {strides = array<i32>} : memref<3x512xf32, #tpu.memory_space<vmem>>, vector<1x16xf32>,
        %get3A_306 = vector.shape_cast %get3A_305 : vector<1x16xf32> to vector<16xf32>
        %broadcast_in_dim3A_307 = vector.shape_cast %broadcast_in_dim3A : vector<16xi32> to vector<16x1xi32>
        %gather3A_308 = vector.shape_cast %broadcast_in_dim3A_307 : vector<16x1xi32> to vector<16xi32>
        %gather3A_309 = tpu.dynamic_gather %get3A_306[%gather3A_308] in [0] : vector<16xf32>, vector<16xi32> -> vector<16xf32>
        %get3A_310 = arith.constant 2 : i32
        %get3A_311 = arith.index_cast %get3A_310 : i32 to index
        %get3A_312 = arith.index_cast %add3A_280 : i32 to index
        %get3A_313 = tpu.vector_load %arg7[%get3A_311, %get3A_312] {strides = array<i32>} : memref<3x512xf32, #tpu.memory_space<vmem>>, vector<1x16xf32>,
        %get3A_314 = vector.shape_cast %get3A_313 : vector<1x16xf32> to vector<16xf32>
        %broadcast_in_dim3A_315 = vector.shape_cast %broadcast_in_dim3A : vector<16xi32> to vector<16x1xi32>
        %gather3A_316 = vector.shape_cast %broadcast_in_dim3A_315 : vector<16x1xi32> to vector<16xi32>
        %gather3A_317 = tpu.dynamic_gather %get3A_314[%gather3A_316] in [0] : vector<16xf32>, vector<16xi32> -> vector<16xf32>
        %get3A_318 = arith.constant 1 : i32
        %get3A_319 = arith.constant 0 : i32
        %get3A_320 = arith.index_cast %get3A_318 : i32 to index
        %get3A_321 = arith.index_cast %get3A_319 : i32 to index
        %get3A_322 = arith.index_cast %scan3A_261 : i32 to index
        %get3A_323 = arith.constant 0 : index
        %get3A_324 = tpu.vector_load %arg8[%get3A_320, %get3A_321, %get3A_322, %get3A_323] {strides = array<i32>} : memref<2x3x32x256xf32, #tpu.memory_space<vmem>>, vector<1x1x1x16xf32>,
        %get3A_325 = vector.shape_cast %get3A_324 : vector<1x1x1x16xf32> to vector<16xf32>
        %mul3A_326 = arith.mulf %gather3A_301, %get3A_325 : vector<16xf32>
        %get3A_327 = arith.constant 1 : i32
        %get3A_328 = arith.constant 1 : i32
        %get3A_329 = arith.index_cast %get3A_327 : i32 to index
        %get3A_330 = arith.index_cast %get3A_328 : i32 to index
        %get3A_331 = arith.index_cast %scan3A_261 : i32 to index
        %get3A_332 = arith.constant 0 : index
        %get3A_333 = tpu.vector_load %arg8[%get3A_329, %get3A_330, %get3A_331, %get3A_332] {strides = array<i32>} : memref<2x3x32x256xf32, #tpu.memory_space<vmem>>, vector<1x1x1x16xf32>,
        %get3A_334 = vector.shape_cast %get3A_333 : vector<1x1x1x16xf32> to vector<16xf32>
        %mul3A_335 = arith.mulf %gather3A_309, %get3A_334 : vector<16xf32>
        %add3A_336 = arith.addf %mul3A_326, %mul3A_335 : vector<16xf32>
        %get3A_337 = arith.constant 1 : i32
        %get3A_338 = arith.constant 2 : i32
        %get3A_339 = arith.index_cast %get3A_337 : i32 to index
        %get3A_340 = arith.index_cast %get3A_338 : i32 to index
        %get3A_341 = arith.index_cast %scan3A_261 : i32 to index
        %get3A_342 = arith.constant 0 : index
        %get3A_343 = tpu.vector_load %arg8[%get3A_339, %get3A_340, %get3A_341, %get3A_342] {strides = array<i32>} : memref<2x3x32x256xf32, #tpu.memory_space<vmem>>, vector<1x1x1x16xf32>,
        %get3A_344 = vector.shape_cast %get3A_343 : vector<1x1x1x16xf32> to vector<16xf32>
        %mul3A_345 = arith.mulf %gather3A_317, %get3A_344 : vector<16xf32>
        %add3A_346 = arith.addf %add3A_336, %mul3A_345 : vector<16xf32>
        %swap3A = arith.constant 1 : i32
        %swap3A_347 = arith.index_cast %swap3A : i32 to index
        %swap3A_348 = arith.index_cast %scan3A_261 : i32 to index
        %swap3A_349 = arith.constant 0 : index
        %swap3A_350 = tpu.vector_load %arg9[%swap3A_347, %swap3A_348, %swap3A_349] {strides = array<i32>} : memref<2x32x256xf32, #tpu.memory_space<vmem>>, vector<1x1x16xf32>,
        %swap3A_351 = vector.shape_cast %swap3A_350 : vector<1x1x16xf32> to vector<16xf32>
        %swap3A_352 = vector.shape_cast %add3A_346 : vector<16xf32> to vector<1x1x16xf32>
        tpu.vector_store %arg9[%swap3A_347, %swap3A_348, %swap3A_349], %swap3A_352 {strides = array<i32>} : memref<2x32x256xf32, #tpu.memory_space<vmem>>, vector<1x1x16xf32>,
        %get3A_353 = arith.constant 1 : i32
        %get3A_354 = arith.constant 0 : i32
        %get3A_355 = arith.index_cast %get3A_353 : i32 to index
        %get3A_356 = arith.index_cast %get3A_354 : i32 to index
        %get3A_357 = arith.index_cast %scan3A_261 : i32 to index
        %get3A_358 = arith.constant 16 : index
        %get3A_359 = tpu.vector_load %arg8[%get3A_355, %get3A_356, %get3A_357, %get3A_358] {strides = array<i32>} : memref<2x3x32x256xf32, #tpu.memory_space<vmem>>, vector<1x1x1x16xf32>,
        %get3A_360 = vector.shape_cast %get3A_359 : vector<1x1x1x16xf32> to vector<16xf32>
        %mul3A_361 = arith.mulf %gather3A_301, %get3A_360 : vector<16xf32>
        %get3A_362 = arith.constant 1 : i32
        %get3A_363 = arith.constant 1 : i32
        %get3A_364 = arith.index_cast %get3A_362 : i32 to index
        %get3A_365 = arith.index_cast %get3A_363 : i32 to index
        %get3A_366 = arith.index_cast %scan3A_261 : i32 to index
        %get3A_367 = arith.constant 16 : index
        %get3A_368 = tpu.vector_load %arg8[%get3A_364, %get3A_365, %get3A_366, %get3A_367] {strides = array<i32>} : memref<2x3x32x256xf32, #tpu.memory_space<vmem>>, vector<1x1x1x16xf32>,
        %get3A_369 = vector.shape_cast %get3A_368 : vector<1x1x1x16xf32> to vector<16xf32>
        %mul3A_370 = arith.mulf %gather3A_309, %get3A_369 : vector<16xf32>
        %add3A_371 = arith.addf %mul3A_361, %mul3A_370 : vector<16xf32>
        %get3A_372 = arith.constant 1 : i32
        %get3A_373 = arith.constant 2 : i32
        %get3A_374 = arith.index_cast %get3A_372 : i32 to index
        %get3A_375 = arith.index_cast %get3A_373 : i32 to index
        %get3A_376 = arith.index_cast %scan3A_261 : i32 to index
        %get3A_377 = arith.constant 16 : index
        %get3A_378 = tpu.vector_load %arg8[%get3A_374, %get3A_375, %get3A_376, %get3A_377] {strides = array<i32>} : memref<2x3x32x256xf32, #tpu.memory_space<vmem>>, vector<1x1x1x16xf32>,
        %get3A_379 = vector.shape_cast %get3A_378 : vector<1x1x1x16xf32> to vector<16xf32>
        %mul3A_380 = arith.mulf %gather3A_317, %get3A_379 : vector<16xf32>
        %add3A_381 = arith.addf %add3A_371, %mul3A_380 : vector<16xf32>
        %swap3A_382 = arith.constant 1 : i32
        %swap3A_383 = arith.index_cast %swap3A_382 : i32 to index
        %swap3A_384 = arith.index_cast %scan3A_261 : i32 to index
        %swap3A_385 = arith.constant 16 : index
        %swap3A_386 = tpu.vector_load %arg9[%swap3A_383, %swap3A_384, %swap3A_385] {strides = array<i32>} : memref<2x32x256xf32, #tpu.memory_space<vmem>>, vector<1x1x16xf32>,
        %swap3A_387 = vector.shape_cast %swap3A_386 : vector<1x1x16xf32> to vector<16xf32>
        %swap3A_388 = vector.shape_cast %add3A_381 : vector<16xf32> to vector<1x1x16xf32>
        tpu.vector_store %arg9[%swap3A_383, %swap3A_384, %swap3A_385], %swap3A_388 {strides = array<i32>} : memref<2x32x256xf32, #tpu.memory_space<vmem>>, vector<1x1x16xf32>,
        %get3A_389 = arith.constant 1 : i32
        %get3A_390 = arith.constant 0 : i32
        %get3A_391 = arith.index_cast %get3A_389 : i32 to index
        %get3A_392 = arith.index_cast %get3A_390 : i32 to index
        %get3A_393 = arith.index_cast %scan3A_261 : i32 to index
        %get3A_394 = arith.constant 32 : index
        %get3A_395 = tpu.vector_load %arg8[%get3A_391, %get3A_392, %get3A_393, %get3A_394] {strides = array<i32>} : memref<2x3x32x256xf32, #tpu.memory_space<vmem>>, vector<1x1x1x16xf32>,
        %get3A_396 = vector.shape_cast %get3A_395 : vector<1x1x1x16xf32> to vector<16xf32>
        %mul3A_397 = arith.mulf %gather3A_301, %get3A_396 : vector<16xf32>
        %get3A_398 = arith.constant 1 : i32
        %get3A_399 = arith.constant 1 : i32
        %get3A_400 = arith.index_cast %get3A_398 : i32 to index
        %get3A_401 = arith.index_cast %get3A_399 : i32 to index
        %get3A_402 = arith.index_cast %scan3A_261 : i32 to index
        %get3A_403 = arith.constant 32 : index
        %get3A_404 = tpu.vector_load %arg8[%get3A_400, %get3A_401, %get3A_402, %get3A_403] {strides = array<i32>} : memref<2x3x32x256xf32, #tpu.memory_space<vmem>>, vector<1x1x1x16xf32>,
        %get3A_405 = vector.shape_cast %get3A_404 : vector<1x1x1x16xf32> to vector<16xf32>
        %mul3A_406 = arith.mulf %gather3A_309, %get3A_405 : vector<16xf32>
        %add3A_407 = arith.addf %mul3A_397, %mul3A_406 : vector<16xf32>
        %get3A_408 = arith.constant 1 : i32
        %get3A_409 = arith.constant 2 : i32
        %get3A_410 = arith.index_cast %get3A_408 : i32 to index
        %get3A_411 = arith.index_cast %get3A_409 : i32 to index
        %get3A_412 = arith.index_cast %scan3A_261 : i32 to index
        %get3A_413 = arith.constant 32 : index
        %get3A_414 = tpu.vector_load %arg8[%get3A_410, %get3A_411, %get3A_412, %get3A_413] {strides = array<i32>} : memref<2x3x32x256xf32, #tpu.memory_space<vmem>>, vector<1x1x1x16xf32>,
        %get3A_415 = vector.shape_cast %get3A_414 : vector<1x1x1x16xf32> to vector<16xf32>
        %mul3A_416 = arith.mulf %gather3A_317, %get3A_415 : vector<16xf32>
        %add3A_417 = arith.addf %add3A_407, %mul3A_416 : vector<16xf32>
        %swap3A_418 = arith.constant 1 : i32
        %swap3A_419 = arith.index_cast %swap3A_418 : i32 to index
        %swap3A_420 = arith.index_cast %scan3A_261 : i32 to index
        %swap3A_421 = arith.constant 32 : index
        %swap3A_422 = tpu.vector_load %arg9[%swap3A_419, %swap3A_420, %swap3A_421] {strides = array<i32>} : memref<2x32x256xf32, #tpu.memory_space<vmem>>, vector<1x1x16xf32>,
        %swap3A_423 = vector.shape_cast %swap3A_422 : vector<1x1x16xf32> to vector<16xf32>
        %swap3A_424 = vector.shape_cast %add3A_417 : vector<16xf32> to vector<1x1x16xf32>
        tpu.vector_store %arg9[%swap3A_419, %swap3A_420, %swap3A_421], %swap3A_424 {strides = array<i32>} : memref<2x32x256xf32, #tpu.memory_space<vmem>>, vector<1x1x16xf32>,
        %get3A_425 = arith.constant 1 : i32
        %get3A_426 = arith.constant 0 : i32
        %get3A_427 = arith.index_cast %get3A_425 : i32 to index
        %get3A_428 = arith.index_cast %get3A_426 : i32 to index
        %get3A_429 = arith.index_cast %scan3A_261 : i32 to index
        %get3A_430 = arith.constant 48 : index
        %get3A_431 = tpu.vector_load %arg8[%get3A_427, %get3A_428, %get3A_429, %get3A_430] {strides = array<i32>} : memref<2x3x32x256xf32, #tpu.memory_space<vmem>>, vector<1x1x1x16xf32>,
        %get3A_432 = vector.shape_cast %get3A_431 : vector<1x1x1x16xf32> to vector<16xf32>
        %mul3A_433 = arith.mulf %gather3A_301, %get3A_432 : vector<16xf32>
        %get3A_434 = arith.constant 1 : i32
        %get3A_435 = arith.constant 1 : i32
        %get3A_436 = arith.index_cast %get3A_434 : i32 to index
        %get3A_437 = arith.index_cast %get3A_435 : i32 to index
        %get3A_438 = arith.index_cast %scan3A_261 : i32 to index
        %get3A_439 = arith.constant 48 : index
        %get3A_440 = tpu.vector_load %arg8[%get3A_436, %get3A_437, %get3A_438, %get3A_439] {strides = array<i32>} : memref<2x3x32x256xf32, #tpu.memory_space<vmem>>, vector<1x1x1x16xf32>,
        %get3A_441 = vector.shape_cast %get3A_440 : vector<1x1x1x16xf32> to vector<16xf32>
        %mul3A_442 = arith.mulf %gather3A_309, %get3A_441 : vector<16xf32>
        %add3A_443 = arith.addf %mul3A_433, %mul3A_442 : vector<16xf32>
        %get3A_444 = arith.constant 1 : i32
        %get3A_445 = arith.constant 2 : i32
        %get3A_446 = arith.index_cast %get3A_444 : i32 to index
        %get3A_447 = arith.index_cast %get3A_445 : i32 to index
        %get3A_448 = arith.index_cast %scan3A_261 : i32 to index
        %get3A_449 = arith.constant 48 : index
        %get3A_450 = tpu.vector_load %arg8[%get3A_446, %get3A_447, %get3A_448, %get3A_449] {strides = array<i32>} : memref<2x3x32x256xf32, #tpu.memory_space<vmem>>, vector<1x1x1x16xf32>,
        %get3A_451 = vector.shape_cast %get3A_450 : vector<1x1x1x16xf32> to vector<16xf32>
        %mul3A_452 = arith.mulf %gather3A_317, %get3A_451 : vector<16xf32>
        %add3A_453 = arith.addf %add3A_443, %mul3A_452 : vector<16xf32>
        %swap3A_454 = arith.constant 1 : i32
        %swap3A_455 = arith.index_cast %swap3A_454 : i32 to index
        %swap3A_456 = arith.index_cast %scan3A_261 : i32 to index
        %swap3A_457 = arith.constant 48 : index
        %swap3A_458 = tpu.vector_load %arg9[%swap3A_455, %swap3A_456, %swap3A_457] {strides = array<i32>} : memref<2x32x256xf32, #tpu.memory_space<vmem>>, vector<1x1x16xf32>,
        %swap3A_459 = vector.shape_cast %swap3A_458 : vector<1x1x16xf32> to vector<16xf32>
        %swap3A_460 = vector.shape_cast %add3A_453 : vector<16xf32> to vector<1x1x16xf32>
        tpu.vector_store %arg9[%swap3A_455, %swap3A_456, %swap3A_457], %swap3A_460 {strides = array<i32>} : memref<2x32x256xf32, #tpu.memory_space<vmem>>, vector<1x1x16xf32>,
        %get3A_461 = arith.constant 1 : i32
        %get3A_462 = arith.constant 0 : i32
        %get3A_463 = arith.index_cast %get3A_461 : i32 to index
        %get3A_464 = arith.index_cast %get3A_462 : i32 to index
        %get3A_465 = arith.index_cast %scan3A_261 : i32 to index
        %get3A_466 = arith.constant 64 : index
        %get3A_467 = tpu.vector_load %arg8[%get3A_463, %get3A_464, %get3A_465, %get3A_466] {strides = array<i32>} : memref<2x3x32x256xf32, #tpu.memory_space<vmem>>, vector<1x1x1x16xf32>,
        %get3A_468 = vector.shape_cast %get3A_467 : vector<1x1x1x16xf32> to vector<16xf32>
        %mul3A_469 = arith.mulf %gather3A_301, %get3A_468 : vector<16xf32>
        %get3A_470 = arith.constant 1 : i32
        %get3A_471 = arith.constant 1 : i32
        %get3A_472 = arith.index_cast %get3A_470 : i32 to index
        %get3A_473 = arith.index_cast %get3A_471 : i32 to index
        %get3A_474 = arith.index_cast %scan3A_261 : i32 to index
        %get3A_475 = arith.constant 64 : index
        %get3A_476 = tpu.vector_load %arg8[%get3A_472, %get3A_473, %get3A_474, %get3A_475] {strides = array<i32>} : memref<2x3x32x256xf32, #tpu.memory_space<vmem>>, vector<1x1x1x16xf32>,
        %get3A_477 = vector.shape_cast %get3A_476 : vector<1x1x1x16xf32> to vector<16xf32>
        %mul3A_478 = arith.mulf %gather3A_309, %get3A_477 : vector<16xf32>
        %add3A_479 = arith.addf %mul3A_469, %mul3A_478 : vector<16xf32>
        %get3A_480 = arith.constant 1 : i32
        %get3A_481 = arith.constant 2 : i32
        %get3A_482 = arith.index_cast %get3A_480 : i32 to index
        %get3A_483 = arith.index_cast %get3A_481 : i32 to index
        %get3A_484 = arith.index_cast %scan3A_261 : i32 to index
        %get3A_485 = arith.constant 64 : index
        %get3A_486 = tpu.vector_load %arg8[%get3A_482, %get3A_483, %get3A_484, %get3A_485] {strides = array<i32>} : memref<2x3x32x256xf32, #tpu.memory_space<vmem>>, vector<1x1x1x16xf32>,
        %get3A_487 = vector.shape_cast %get3A_486 : vector<1x1x1x16xf32> to vector<16xf32>
        %mul3A_488 = arith.mulf %gather3A_317, %get3A_487 : vector<16xf32>
        %add3A_489 = arith.addf %add3A_479, %mul3A_488 : vector<16xf32>
        %swap3A_490 = arith.constant 1 : i32
        %swap3A_491 = arith.index_cast %swap3A_490 : i32 to index
        %swap3A_492 = arith.index_cast %scan3A_261 : i32 to index
        %swap3A_493 = arith.constant 64 : index
        %swap3A_494 = tpu.vector_load %arg9[%swap3A_491, %swap3A_492, %swap3A_493] {strides = array<i32>} : memref<2x32x256xf32, #tpu.memory_space<vmem>>, vector<1x1x16xf32>,
        %swap3A_495 = vector.shape_cast %swap3A_494 : vector<1x1x16xf32> to vector<16xf32>
        %swap3A_496 = vector.shape_cast %add3A_489 : vector<16xf32> to vector<1x1x16xf32>
        tpu.vector_store %arg9[%swap3A_491, %swap3A_492, %swap3A_493], %swap3A_496 {strides = array<i32>} : memref<2x32x256xf32, #tpu.memory_space<vmem>>, vector<1x1x16xf32>,
        %get3A_497 = arith.constant 1 : i32
        %get3A_498 = arith.constant 0 : i32
        %get3A_499 = arith.index_cast %get3A_497 : i32 to index
        %get3A_500 = arith.index_cast %get3A_498 : i32 to index
        %get3A_501 = arith.index_cast %scan3A_261 : i32 to index
        %get3A_502 = arith.constant 80 : index
        %get3A_503 = tpu.vector_load %arg8[%get3A_499, %get3A_500, %get3A_501, %get3A_502] {strides = array<i32>} : memref<2x3x32x256xf32, #tpu.memory_space<vmem>>, vector<1x1x1x16xf32>,
        %get3A_504 = vector.shape_cast %get3A_503 : vector<1x1x1x16xf32> to vector<16xf32>
        %mul3A_505 = arith.mulf %gather3A_301, %get3A_504 : vector<16xf32>
        %get3A_506 = arith.constant 1 : i32
        %get3A_507 = arith.constant 1 : i32
        %get3A_508 = arith.index_cast %get3A_506 : i32 to index
        %get3A_509 = arith.index_cast %get3A_507 : i32 to index
        %get3A_510 = arith.index_cast %scan3A_261 : i32 to index
        %get3A_511 = arith.constant 80 : index
        %get3A_512 = tpu.vector_load %arg8[%get3A_508, %get3A_509, %get3A_510, %get3A_511] {strides = array<i32>} : memref<2x3x32x256xf32, #tpu.memory_space<vmem>>, vector<1x1x1x16xf32>,
        %get3A_513 = vector.shape_cast %get3A_512 : vector<1x1x1x16xf32> to vector<16xf32>
        %mul3A_514 = arith.mulf %gather3A_309, %get3A_513 : vector<16xf32>
        %add3A_515 = arith.addf %mul3A_505, %mul3A_514 : vector<16xf32>
        %get3A_516 = arith.constant 1 : i32
        %get3A_517 = arith.constant 2 : i32
        %get3A_518 = arith.index_cast %get3A_516 : i32 to index
        %get3A_519 = arith.index_cast %get3A_517 : i32 to index
        %get3A_520 = arith.index_cast %scan3A_261 : i32 to index
        %get3A_521 = arith.constant 80 : index
        %get3A_522 = tpu.vector_load %arg8[%get3A_518, %get3A_519, %get3A_520, %get3A_521] {strides = array<i32>} : memref<2x3x32x256xf32, #tpu.memory_space<vmem>>, vector<1x1x1x16xf32>,
        %get3A_523 = vector.shape_cast %get3A_522 : vector<1x1x1x16xf32> to vector<16xf32>
        %mul3A_524 = arith.mulf %gather3A_317, %get3A_523 : vector<16xf32>
        %add3A_525 = arith.addf %add3A_515, %mul3A_524 : vector<16xf32>
        %swap3A_526 = arith.constant 1 : i32
        %swap3A_527 = arith.index_cast %swap3A_526 : i32 to index
        %swap3A_528 = arith.index_cast %scan3A_261 : i32 to index
        %swap3A_529 = arith.constant 80 : index
        %swap3A_530 = tpu.vector_load %arg9[%swap3A_527, %swap3A_528, %swap3A_529] {strides = array<i32>} : memref<2x32x256xf32, #tpu.memory_space<vmem>>, vector<1x1x16xf32>,
        %swap3A_531 = vector.shape_cast %swap3A_530 : vector<1x1x16xf32> to vector<16xf32>
        %swap3A_532 = vector.shape_cast %add3A_525 : vector<16xf32> to vector<1x1x16xf32>
        tpu.vector_store %arg9[%swap3A_527, %swap3A_528, %swap3A_529], %swap3A_532 {strides = array<i32>} : memref<2x32x256xf32, #tpu.memory_space<vmem>>, vector<1x1x16xf32>,
        %get3A_533 = arith.constant 1 : i32
        %get3A_534 = arith.constant 0 : i32
        %get3A_535 = arith.index_cast %get3A_533 : i32 to index
        %get3A_536 = arith.index_cast %get3A_534 : i32 to index
        %get3A_537 = arith.index_cast %scan3A_261 : i32 to index
        %get3A_538 = arith.constant 96 : index
        %get3A_539 = tpu.vector_load %arg8[%get3A_535, %get3A_536, %get3A_537, %get3A_538] {strides = array<i32>} : memref<2x3x32x256xf32, #tpu.memory_space<vmem>>, vector<1x1x1x16xf32>,
        %get3A_540 = vector.shape_cast %get3A_539 : vector<1x1x1x16xf32> to vector<16xf32>
        %mul3A_541 = arith.mulf %gather3A_301, %get3A_540 : vector<16xf32>
        %get3A_542 = arith.constant 1 : i32
        %get3A_543 = arith.constant 1 : i32
        %get3A_544 = arith.index_cast %get3A_542 : i32 to index
        %get3A_545 = arith.index_cast %get3A_543 : i32 to index
        %get3A_546 = arith.index_cast %scan3A_261 : i32 to index
        %get3A_547 = arith.constant 96 : index
        %get3A_548 = tpu.vector_load %arg8[%get3A_544, %get3A_545, %get3A_546, %get3A_547] {strides = array<i32>} : memref<2x3x32x256xf32, #tpu.memory_space<vmem>>, vector<1x1x1x16xf32>,
        %get3A_549 = vector.shape_cast %get3A_548 : vector<1x1x1x16xf32> to vector<16xf32>
        %mul3A_550 = arith.mulf %gather3A_309, %get3A_549 : vector<16xf32>
        %add3A_551 = arith.addf %mul3A_541, %mul3A_550 : vector<16xf32>
        %get3A_552 = arith.constant 1 : i32
        %get3A_553 = arith.constant 2 : i32
        %get3A_554 = arith.index_cast %get3A_552 : i32 to index
        %get3A_555 = arith.index_cast %get3A_553 : i32 to index
        %get3A_556 = arith.index_cast %scan3A_261 : i32 to index
        %get3A_557 = arith.constant 96 : index
        %get3A_558 = tpu.vector_load %arg8[%get3A_554, %get3A_555, %get3A_556, %get3A_557] {strides = array<i32>} : memref<2x3x32x256xf32, #tpu.memory_space<vmem>>, vector<1x1x1x16xf32>,
        %get3A_559 = vector.shape_cast %get3A_558 : vector<1x1x1x16xf32> to vector<16xf32>
        %mul3A_560 = arith.mulf %gather3A_317, %get3A_559 : vector<16xf32>
        %add3A_561 = arith.addf %add3A_551, %mul3A_560 : vector<16xf32>
        %swap3A_562 = arith.constant 1 : i32
        %swap3A_563 = arith.index_cast %swap3A_562 : i32 to index
        %swap3A_564 = arith.index_cast %scan3A_261 : i32 to index
        %swap3A_565 = arith.constant 96 : index
        %swap3A_566 = tpu.vector_load %arg9[%swap3A_563, %swap3A_564, %swap3A_565] {strides = array<i32>} : memref<2x32x256xf32, #tpu.memory_space<vmem>>, vector<1x1x16xf32>,
        %swap3A_567 = vector.shape_cast %swap3A_566 : vector<1x1x16xf32> to vector<16xf32>
        %swap3A_568 = vector.shape_cast %add3A_561 : vector<16xf32> to vector<1x1x16xf32>
        tpu.vector_store %arg9[%swap3A_563, %swap3A_564, %swap3A_565], %swap3A_568 {strides = array<i32>} : memref<2x32x256xf32, #tpu.memory_space<vmem>>, vector<1x1x16xf32>,
        %get3A_569 = arith.constant 1 : i32
        %get3A_570 = arith.constant 0 : i32
        %get3A_571 = arith.index_cast %get3A_569 : i32 to index
        %get3A_572 = arith.index_cast %get3A_570 : i32 to index
        %get3A_573 = arith.index_cast %scan3A_261 : i32 to index
        %get3A_574 = arith.constant 112 : index
        %get3A_575 = tpu.vector_load %arg8[%get3A_571, %get3A_572, %get3A_573, %get3A_574] {strides = array<i32>} : memref<2x3x32x256xf32, #tpu.memory_space<vmem>>, vector<1x1x1x16xf32>,
        %get3A_576 = vector.shape_cast %get3A_575 : vector<1x1x1x16xf32> to vector<16xf32>
        %mul3A_577 = arith.mulf %gather3A_301, %get3A_576 : vector<16xf32>
        %get3A_578 = arith.constant 1 : i32
        %get3A_579 = arith.constant 1 : i32
        %get3A_580 = arith.index_cast %get3A_578 : i32 to index
        %get3A_581 = arith.index_cast %get3A_579 : i32 to index
        %get3A_582 = arith.index_cast %scan3A_261 : i32 to index
        %get3A_583 = arith.constant 112 : index
        %get3A_584 = tpu.vector_load %arg8[%get3A_580, %get3A_581, %get3A_582, %get3A_583] {strides = array<i32>} : memref<2x3x32x256xf32, #tpu.memory_space<vmem>>, vector<1x1x1x16xf32>,
        %get3A_585 = vector.shape_cast %get3A_584 : vector<1x1x1x16xf32> to vector<16xf32>
        %mul3A_586 = arith.mulf %gather3A_309, %get3A_585 : vector<16xf32>
        %add3A_587 = arith.addf %mul3A_577, %mul3A_586 : vector<16xf32>
        %get3A_588 = arith.constant 1 : i32
        %get3A_589 = arith.constant 2 : i32
        %get3A_590 = arith.index_cast %get3A_588 : i32 to index
        %get3A_591 = arith.index_cast %get3A_589 : i32 to index
        %get3A_592 = arith.index_cast %scan3A_261 : i32 to index
        %get3A_593 = arith.constant 112 : index
        %get3A_594 = tpu.vector_load %arg8[%get3A_590, %get3A_591, %get3A_592, %get3A_593] {strides = array<i32>} : memref<2x3x32x256xf32, #tpu.memory_space<vmem>>, vector<1x1x1x16xf32>,
        %get3A_595 = vector.shape_cast %get3A_594 : vector<1x1x1x16xf32> to vector<16xf32>
        %mul3A_596 = arith.mulf %gather3A_317, %get3A_595 : vector<16xf32>
        %add3A_597 = arith.addf %add3A_587, %mul3A_596 : vector<16xf32>
        %swap3A_598 = arith.constant 1 : i32
        %swap3A_599 = arith.index_cast %swap3A_598 : i32 to index
        %swap3A_600 = arith.index_cast %scan3A_261 : i32 to index
        %swap3A_601 = arith.constant 112 : index
        %swap3A_602 = tpu.vector_load %arg9[%swap3A_599, %swap3A_600, %swap3A_601] {strides = array<i32>} : memref<2x32x256xf32, #tpu.memory_space<vmem>>, vector<1x1x16xf32>,
        %swap3A_603 = vector.shape_cast %swap3A_602 : vector<1x1x16xf32> to vector<16xf32>
        %swap3A_604 = vector.shape_cast %add3A_597 : vector<16xf32> to vector<1x1x16xf32>
        tpu.vector_store %arg9[%swap3A_599, %swap3A_600, %swap3A_601], %swap3A_604 {strides = array<i32>} : memref<2x32x256xf32, #tpu.memory_space<vmem>>, vector<1x1x16xf32>,
        %get3A_605 = arith.constant 1 : i32
        %get3A_606 = arith.constant 0 : i32
        %get3A_607 = arith.index_cast %get3A_605 : i32 to index
        %get3A_608 = arith.index_cast %get3A_606 : i32 to index
        %get3A_609 = arith.index_cast %scan3A_261 : i32 to index
        %get3A_610 = arith.constant 128 : index
        %get3A_611 = tpu.vector_load %arg8[%get3A_607, %get3A_608, %get3A_609, %get3A_610] {strides = array<i32>} : memref<2x3x32x256xf32, #tpu.memory_space<vmem>>, vector<1x1x1x16xf32>,
        %get3A_612 = vector.shape_cast %get3A_611 : vector<1x1x1x16xf32> to vector<16xf32>
        %mul3A_613 = arith.mulf %gather3A_301, %get3A_612 : vector<16xf32>
        %get3A_614 = arith.constant 1 : i32
        %get3A_615 = arith.constant 1 : i32
        %get3A_616 = arith.index_cast %get3A_614 : i32 to index
        %get3A_617 = arith.index_cast %get3A_615 : i32 to index
        %get3A_618 = arith.index_cast %scan3A_261 : i32 to index
        %get3A_619 = arith.constant 128 : index
        %get3A_620 = tpu.vector_load %arg8[%get3A_616, %get3A_617, %get3A_618, %get3A_619] {strides = array<i32>} : memref<2x3x32x256xf32, #tpu.memory_space<vmem>>, vector<1x1x1x16xf32>,
        %get3A_621 = vector.shape_cast %get3A_620 : vector<1x1x1x16xf32> to vector<16xf32>
        %mul3A_622 = arith.mulf %gather3A_309, %get3A_621 : vector<16xf32>
        %add3A_623 = arith.addf %mul3A_613, %mul3A_622 : vector<16xf32>
        %get3A_624 = arith.constant 1 : i32
        %get3A_625 = arith.constant 2 : i32
        %get3A_626 = arith.index_cast %get3A_624 : i32 to index
        %get3A_627 = arith.index_cast %get3A_625 : i32 to index
        %get3A_628 = arith.index_cast %scan3A_261 : i32 to index
        %get3A_629 = arith.constant 128 : index
        %get3A_630 = tpu.vector_load %arg8[%get3A_626, %get3A_627, %get3A_628, %get3A_629] {strides = array<i32>} : memref<2x3x32x256xf32, #tpu.memory_space<vmem>>, vector<1x1x1x16xf32>,
        %get3A_631 = vector.shape_cast %get3A_630 : vector<1x1x1x16xf32> to vector<16xf32>
        %mul3A_632 = arith.mulf %gather3A_317, %get3A_631 : vector<16xf32>
        %add3A_633 = arith.addf %add3A_623, %mul3A_632 : vector<16xf32>
        %swap3A_634 = arith.constant 1 : i32
        %swap3A_635 = arith.index_cast %swap3A_634 : i32 to index
        %swap3A_636 = arith.index_cast %scan3A_261 : i32 to index
        %swap3A_637 = arith.constant 128 : index
        %swap3A_638 = tpu.vector_load %arg9[%swap3A_635, %swap3A_636, %swap3A_637] {strides = array<i32>} : memref<2x32x256xf32, #tpu.memory_space<vmem>>, vector<1x1x16xf32>,
        %swap3A_639 = vector.shape_cast %swap3A_638 : vector<1x1x16xf32> to vector<16xf32>
        %swap3A_640 = vector.shape_cast %add3A_633 : vector<16xf32> to vector<1x1x16xf32>
        tpu.vector_store %arg9[%swap3A_635, %swap3A_636, %swap3A_637], %swap3A_640 {strides = array<i32>} : memref<2x32x256xf32, #tpu.memory_space<vmem>>, vector<1x1x16xf32>,
        %get3A_641 = arith.constant 1 : i32
        %get3A_642 = arith.constant 0 : i32
        %get3A_643 = arith.index_cast %get3A_641 : i32 to index
        %get3A_644 = arith.index_cast %get3A_642 : i32 to index
        %get3A_645 = arith.index_cast %scan3A_261 : i32 to index
        %get3A_646 = arith.constant 144 : index
        %get3A_647 = tpu.vector_load %arg8[%get3A_643, %get3A_644, %get3A_645, %get3A_646] {strides = array<i32>} : memref<2x3x32x256xf32, #tpu.memory_space<vmem>>, vector<1x1x1x16xf32>,
        %get3A_648 = vector.shape_cast %get3A_647 : vector<1x1x1x16xf32> to vector<16xf32>
        %mul3A_649 = arith.mulf %gather3A_301, %get3A_648 : vector<16xf32>
        %get3A_650 = arith.constant 1 : i32
        %get3A_651 = arith.constant 1 : i32
        %get3A_652 = arith.index_cast %get3A_650 : i32 to index
        %get3A_653 = arith.index_cast %get3A_651 : i32 to index
        %get3A_654 = arith.index_cast %scan3A_261 : i32 to index
        %get3A_655 = arith.constant 144 : index
        %get3A_656 = tpu.vector_load %arg8[%get3A_652, %get3A_653, %get3A_654, %get3A_655] {strides = array<i32>} : memref<2x3x32x256xf32, #tpu.memory_space<vmem>>, vector<1x1x1x16xf32>,
        %get3A_657 = vector.shape_cast %get3A_656 : vector<1x1x1x16xf32> to vector<16xf32>
        %mul3A_658 = arith.mulf %gather3A_309, %get3A_657 : vector<16xf32>
        %add3A_659 = arith.addf %mul3A_649, %mul3A_658 : vector<16xf32>
        %get3A_660 = arith.constant 1 : i32
        %get3A_661 = arith.constant 2 : i32
        %get3A_662 = arith.index_cast %get3A_660 : i32 to index
        %get3A_663 = arith.index_cast %get3A_661 : i32 to index
        %get3A_664 = arith.index_cast %scan3A_261 : i32 to index
        %get3A_665 = arith.constant 144 : index
        %get3A_666 = tpu.vector_load %arg8[%get3A_662, %get3A_663, %get3A_664, %get3A_665] {strides = array<i32>} : memref<2x3x32x256xf32, #tpu.memory_space<vmem>>, vector<1x1x1x16xf32>,
        %get3A_667 = vector.shape_cast %get3A_666 : vector<1x1x1x16xf32> to vector<16xf32>
        %mul3A_668 = arith.mulf %gather3A_317, %get3A_667 : vector<16xf32>
        %add3A_669 = arith.addf %add3A_659, %mul3A_668 : vector<16xf32>
        %swap3A_670 = arith.constant 1 : i32
        %swap3A_671 = arith.index_cast %swap3A_670 : i32 to index
        %swap3A_672 = arith.index_cast %scan3A_261 : i32 to index
        %swap3A_673 = arith.constant 144 : index
        %swap3A_674 = tpu.vector_load %arg9[%swap3A_671, %swap3A_672, %swap3A_673] {strides = array<i32>} : memref<2x32x256xf32, #tpu.memory_space<vmem>>, vector<1x1x16xf32>,
        %swap3A_675 = vector.shape_cast %swap3A_674 : vector<1x1x16xf32> to vector<16xf32>
        %swap3A_676 = vector.shape_cast %add3A_669 : vector<16xf32> to vector<1x1x16xf32>
        tpu.vector_store %arg9[%swap3A_671, %swap3A_672, %swap3A_673], %swap3A_676 {strides = array<i32>} : memref<2x32x256xf32, #tpu.memory_space<vmem>>, vector<1x1x16xf32>,
        %get3A_677 = arith.constant 1 : i32
        %get3A_678 = arith.constant 0 : i32
        %get3A_679 = arith.index_cast %get3A_677 : i32 to index
        %get3A_680 = arith.index_cast %get3A_678 : i32 to index
        %get3A_681 = arith.index_cast %scan3A_261 : i32 to index
        %get3A_682 = arith.constant 160 : index
        %get3A_683 = tpu.vector_load %arg8[%get3A_679, %get3A_680, %get3A_681, %get3A_682] {strides = array<i32>} : memref<2x3x32x256xf32, #tpu.memory_space<vmem>>, vector<1x1x1x16xf32>,
        %get3A_684 = vector.shape_cast %get3A_683 : vector<1x1x1x16xf32> to vector<16xf32>
        %mul3A_685 = arith.mulf %gather3A_301, %get3A_684 : vector<16xf32>
        %get3A_686 = arith.constant 1 : i32
        %get3A_687 = arith.constant 1 : i32
        %get3A_688 = arith.index_cast %get3A_686 : i32 to index
        %get3A_689 = arith.index_cast %get3A_687 : i32 to index
        %get3A_690 = arith.index_cast %scan3A_261 : i32 to index
        %get3A_691 = arith.constant 160 : index
        %get3A_692 = tpu.vector_load %arg8[%get3A_688, %get3A_689, %get3A_690, %get3A_691] {strides = array<i32>} : memref<2x3x32x256xf32, #tpu.memory_space<vmem>>, vector<1x1x1x16xf32>,
        %get3A_693 = vector.shape_cast %get3A_692 : vector<1x1x1x16xf32> to vector<16xf32>
        %mul3A_694 = arith.mulf %gather3A_309, %get3A_693 : vector<16xf32>
        %add3A_695 = arith.addf %mul3A_685, %mul3A_694 : vector<16xf32>
        %get3A_696 = arith.constant 1 : i32
        %get3A_697 = arith.constant 2 : i32
        %get3A_698 = arith.index_cast %get3A_696 : i32 to index
        %get3A_699 = arith.index_cast %get3A_697 : i32 to index
        %get3A_700 = arith.index_cast %scan3A_261 : i32 to index
        %get3A_701 = arith.constant 160 : index
        %get3A_702 = tpu.vector_load %arg8[%get3A_698, %get3A_699, %get3A_700, %get3A_701] {strides = array<i32>} : memref<2x3x32x256xf32, #tpu.memory_space<vmem>>, vector<1x1x1x16xf32>,
        %get3A_703 = vector.shape_cast %get3A_702 : vector<1x1x1x16xf32> to vector<16xf32>
        %mul3A_704 = arith.mulf %gather3A_317, %get3A_703 : vector<16xf32>
        %add3A_705 = arith.addf %add3A_695, %mul3A_704 : vector<16xf32>
        %swap3A_706 = arith.constant 1 : i32
        %swap3A_707 = arith.index_cast %swap3A_706 : i32 to index
        %swap3A_708 = arith.index_cast %scan3A_261 : i32 to index
        %swap3A_709 = arith.constant 160 : index
        %swap3A_710 = tpu.vector_load %arg9[%swap3A_707, %swap3A_708, %swap3A_709] {strides = array<i32>} : memref<2x32x256xf32, #tpu.memory_space<vmem>>, vector<1x1x16xf32>,
        %swap3A_711 = vector.shape_cast %swap3A_710 : vector<1x1x16xf32> to vector<16xf32>
        %swap3A_712 = vector.shape_cast %add3A_705 : vector<16xf32> to vector<1x1x16xf32>
        tpu.vector_store %arg9[%swap3A_707, %swap3A_708, %swap3A_709], %swap3A_712 {strides = array<i32>} : memref<2x32x256xf32, #tpu.memory_space<vmem>>, vector<1x1x16xf32>,
        %get3A_713 = arith.constant 1 : i32
        %get3A_714 = arith.constant 0 : i32
        %get3A_715 = arith.index_cast %get3A_713 : i32 to index
        %get3A_716 = arith.index_cast %get3A_714 : i32 to index
        %get3A_717 = arith.index_cast %scan3A_261 : i32 to index
        %get3A_718 = arith.constant 176 : index
        %get3A_719 = tpu.vector_load %arg8[%get3A_715, %get3A_716, %get3A_717, %get3A_718] {strides = array<i32>} : memref<2x3x32x256xf32, #tpu.memory_space<vmem>>, vector<1x1x1x16xf32>,
        %get3A_720 = vector.shape_cast %get3A_719 : vector<1x1x1x16xf32> to vector<16xf32>
        %mul3A_721 = arith.mulf %gather3A_301, %get3A_720 : vector<16xf32>
        %get3A_722 = arith.constant 1 : i32
        %get3A_723 = arith.constant 1 : i32
        %get3A_724 = arith.index_cast %get3A_722 : i32 to index
        %get3A_725 = arith.index_cast %get3A_723 : i32 to index
        %get3A_726 = arith.index_cast %scan3A_261 : i32 to index
        %get3A_727 = arith.constant 176 : index
        %get3A_728 = tpu.vector_load %arg8[%get3A_724, %get3A_725, %get3A_726, %get3A_727] {strides = array<i32>} : memref<2x3x32x256xf32, #tpu.memory_space<vmem>>, vector<1x1x1x16xf32>,
        %get3A_729 = vector.shape_cast %get3A_728 : vector<1x1x1x16xf32> to vector<16xf32>
        %mul3A_730 = arith.mulf %gather3A_309, %get3A_729 : vector<16xf32>
        %add3A_731 = arith.addf %mul3A_721, %mul3A_730 : vector<16xf32>
        %get3A_732 = arith.constant 1 : i32
        %get3A_733 = arith.constant 2 : i32
        %get3A_734 = arith.index_cast %get3A_732 : i32 to index
        %get3A_735 = arith.index_cast %get3A_733 : i32 to index
        %get3A_736 = arith.index_cast %scan3A_261 : i32 to index
        %get3A_737 = arith.constant 176 : index
        %get3A_738 = tpu.vector_load %arg8[%get3A_734, %get3A_735, %get3A_736, %get3A_737] {strides = array<i32>} : memref<2x3x32x256xf32, #tpu.memory_space<vmem>>, vector<1x1x1x16xf32>,
        %get3A_739 = vector.shape_cast %get3A_738 : vector<1x1x1x16xf32> to vector<16xf32>
        %mul3A_740 = arith.mulf %gather3A_317, %get3A_739 : vector<16xf32>
        %add3A_741 = arith.addf %add3A_731, %mul3A_740 : vector<16xf32>
        %swap3A_742 = arith.constant 1 : i32
        %swap3A_743 = arith.index_cast %swap3A_742 : i32 to index
        %swap3A_744 = arith.index_cast %scan3A_261 : i32 to index
        %swap3A_745 = arith.constant 176 : index
        %swap3A_746 = tpu.vector_load %arg9[%swap3A_743, %swap3A_744, %swap3A_745] {strides = array<i32>} : memref<2x32x256xf32, #tpu.memory_space<vmem>>, vector<1x1x16xf32>,
        %swap3A_747 = vector.shape_cast %swap3A_746 : vector<1x1x16xf32> to vector<16xf32>
        %swap3A_748 = vector.shape_cast %add3A_741 : vector<16xf32> to vector<1x1x16xf32>
        tpu.vector_store %arg9[%swap3A_743, %swap3A_744, %swap3A_745], %swap3A_748 {strides = array<i32>} : memref<2x32x256xf32, #tpu.memory_space<vmem>>, vector<1x1x16xf32>,
        %get3A_749 = arith.constant 1 : i32
        %get3A_750 = arith.constant 0 : i32
        %get3A_751 = arith.index_cast %get3A_749 : i32 to index
        %get3A_752 = arith.index_cast %get3A_750 : i32 to index
        %get3A_753 = arith.index_cast %scan3A_261 : i32 to index
        %get3A_754 = arith.constant 192 : index
        %get3A_755 = tpu.vector_load %arg8[%get3A_751, %get3A_752, %get3A_753, %get3A_754] {strides = array<i32>} : memref<2x3x32x256xf32, #tpu.memory_space<vmem>>, vector<1x1x1x16xf32>,
        %get3A_756 = vector.shape_cast %get3A_755 : vector<1x1x1x16xf32> to vector<16xf32>
        %mul3A_757 = arith.mulf %gather3A_301, %get3A_756 : vector<16xf32>
        %get3A_758 = arith.constant 1 : i32
        %get3A_759 = arith.constant 1 : i32
        %get3A_760 = arith.index_cast %get3A_758 : i32 to index
        %get3A_761 = arith.index_cast %get3A_759 : i32 to index
        %get3A_762 = arith.index_cast %scan3A_261 : i32 to index
        %get3A_763 = arith.constant 192 : index
        %get3A_764 = tpu.vector_load %arg8[%get3A_760, %get3A_761, %get3A_762, %get3A_763] {strides = array<i32>} : memref<2x3x32x256xf32, #tpu.memory_space<vmem>>, vector<1x1x1x16xf32>,
        %get3A_765 = vector.shape_cast %get3A_764 : vector<1x1x1x16xf32> to vector<16xf32>
        %mul3A_766 = arith.mulf %gather3A_309, %get3A_765 : vector<16xf32>
        %add3A_767 = arith.addf %mul3A_757, %mul3A_766 : vector<16xf32>
        %get3A_768 = arith.constant 1 : i32
        %get3A_769 = arith.constant 2 : i32
        %get3A_770 = arith.index_cast %get3A_768 : i32 to index
        %get3A_771 = arith.index_cast %get3A_769 : i32 to index
        %get3A_772 = arith.index_cast %scan3A_261 : i32 to index
        %get3A_773 = arith.constant 192 : index
        %get3A_774 = tpu.vector_load %arg8[%get3A_770, %get3A_771, %get3A_772, %get3A_773] {strides = array<i32>} : memref<2x3x32x256xf32, #tpu.memory_space<vmem>>, vector<1x1x1x16xf32>,
        %get3A_775 = vector.shape_cast %get3A_774 : vector<1x1x1x16xf32> to vector<16xf32>
        %mul3A_776 = arith.mulf %gather3A_317, %get3A_775 : vector<16xf32>
        %add3A_777 = arith.addf %add3A_767, %mul3A_776 : vector<16xf32>
        %swap3A_778 = arith.constant 1 : i32
        %swap3A_779 = arith.index_cast %swap3A_778 : i32 to index
        %swap3A_780 = arith.index_cast %scan3A_261 : i32 to index
        %swap3A_781 = arith.constant 192 : index
        %swap3A_782 = tpu.vector_load %arg9[%swap3A_779, %swap3A_780, %swap3A_781] {strides = array<i32>} : memref<2x32x256xf32, #tpu.memory_space<vmem>>, vector<1x1x16xf32>,
        %swap3A_783 = vector.shape_cast %swap3A_782 : vector<1x1x16xf32> to vector<16xf32>
        %swap3A_784 = vector.shape_cast %add3A_777 : vector<16xf32> to vector<1x1x16xf32>
        tpu.vector_store %arg9[%swap3A_779, %swap3A_780, %swap3A_781], %swap3A_784 {strides = array<i32>} : memref<2x32x256xf32, #tpu.memory_space<vmem>>, vector<1x1x16xf32>,
        %get3A_785 = arith.constant 1 : i32
        %get3A_786 = arith.constant 0 : i32
        %get3A_787 = arith.index_cast %get3A_785 : i32 to index
        %get3A_788 = arith.index_cast %get3A_786 : i32 to index
        %get3A_789 = arith.index_cast %scan3A_261 : i32 to index
        %get3A_790 = arith.constant 208 : index
        %get3A_791 = tpu.vector_load %arg8[%get3A_787, %get3A_788, %get3A_789, %get3A_790] {strides = array<i32>} : memref<2x3x32x256xf32, #tpu.memory_space<vmem>>, vector<1x1x1x16xf32>,
        %get3A_792 = vector.shape_cast %get3A_791 : vector<1x1x1x16xf32> to vector<16xf32>
        %mul3A_793 = arith.mulf %gather3A_301, %get3A_792 : vector<16xf32>
        %get3A_794 = arith.constant 1 : i32
        %get3A_795 = arith.constant 1 : i32
        %get3A_796 = arith.index_cast %get3A_794 : i32 to index
        %get3A_797 = arith.index_cast %get3A_795 : i32 to index
        %get3A_798 = arith.index_cast %scan3A_261 : i32 to index
        %get3A_799 = arith.constant 208 : index
        %get3A_800 = tpu.vector_load %arg8[%get3A_796, %get3A_797, %get3A_798, %get3A_799] {strides = array<i32>} : memref<2x3x32x256xf32, #tpu.memory_space<vmem>>, vector<1x1x1x16xf32>,
        %get3A_801 = vector.shape_cast %get3A_800 : vector<1x1x1x16xf32> to vector<16xf32>
        %mul3A_802 = arith.mulf %gather3A_309, %get3A_801 : vector<16xf32>
        %add3A_803 = arith.addf %mul3A_793, %mul3A_802 : vector<16xf32>
        %get3A_804 = arith.constant 1 : i32
        %get3A_805 = arith.constant 2 : i32
        %get3A_806 = arith.index_cast %get3A_804 : i32 to index
        %get3A_807 = arith.index_cast %get3A_805 : i32 to index
        %get3A_808 = arith.index_cast %scan3A_261 : i32 to index
        %get3A_809 = arith.constant 208 : index
        %get3A_810 = tpu.vector_load %arg8[%get3A_806, %get3A_807, %get3A_808, %get3A_809] {strides = array<i32>} : memref<2x3x32x256xf32, #tpu.memory_space<vmem>>, vector<1x1x1x16xf32>,
        %get3A_811 = vector.shape_cast %get3A_810 : vector<1x1x1x16xf32> to vector<16xf32>
        %mul3A_812 = arith.mulf %gather3A_317, %get3A_811 : vector<16xf32>
        %add3A_813 = arith.addf %add3A_803, %mul3A_812 : vector<16xf32>
        %swap3A_814 = arith.constant 1 : i32
        %swap3A_815 = arith.index_cast %swap3A_814 : i32 to index
        %swap3A_816 = arith.index_cast %scan3A_261 : i32 to index
        %swap3A_817 = arith.constant 208 : index
        %swap3A_818 = tpu.vector_load %arg9[%swap3A_815, %swap3A_816, %swap3A_817] {strides = array<i32>} : memref<2x32x256xf32, #tpu.memory_space<vmem>>, vector<1x1x16xf32>,
        %swap3A_819 = vector.shape_cast %swap3A_818 : vector<1x1x16xf32> to vector<16xf32>
        %swap3A_820 = vector.shape_cast %add3A_813 : vector<16xf32> to vector<1x1x16xf32>
        tpu.vector_store %arg9[%swap3A_815, %swap3A_816, %swap3A_817], %swap3A_820 {strides = array<i32>} : memref<2x32x256xf32, #tpu.memory_space<vmem>>, vector<1x1x16xf32>,
        %get3A_821 = arith.constant 1 : i32
        %get3A_822 = arith.constant 0 : i32
        %get3A_823 = arith.index_cast %get3A_821 : i32 to index
        %get3A_824 = arith.index_cast %get3A_822 : i32 to index
        %get3A_825 = arith.index_cast %scan3A_261 : i32 to index
        %get3A_826 = arith.constant 224 : index
        %get3A_827 = tpu.vector_load %arg8[%get3A_823, %get3A_824, %get3A_825, %get3A_826] {strides = array<i32>} : memref<2x3x32x256xf32, #tpu.memory_space<vmem>>, vector<1x1x1x16xf32>,
        %get3A_828 = vector.shape_cast %get3A_827 : vector<1x1x1x16xf32> to vector<16xf32>
        %mul3A_829 = arith.mulf %gather3A_301, %get3A_828 : vector<16xf32>
        %get3A_830 = arith.constant 1 : i32
        %get3A_831 = arith.constant 1 : i32
        %get3A_832 = arith.index_cast %get3A_830 : i32 to index
        %get3A_833 = arith.index_cast %get3A_831 : i32 to index
        %get3A_834 = arith.index_cast %scan3A_261 : i32 to index
        %get3A_835 = arith.constant 224 : index
        %get3A_836 = tpu.vector_load %arg8[%get3A_832, %get3A_833, %get3A_834, %get3A_835] {strides = array<i32>} : memref<2x3x32x256xf32, #tpu.memory_space<vmem>>, vector<1x1x1x16xf32>,
        %get3A_837 = vector.shape_cast %get3A_836 : vector<1x1x1x16xf32> to vector<16xf32>
        %mul3A_838 = arith.mulf %gather3A_309, %get3A_837 : vector<16xf32>
        %add3A_839 = arith.addf %mul3A_829, %mul3A_838 : vector<16xf32>
        %get3A_840 = arith.constant 1 : i32
        %get3A_841 = arith.constant 2 : i32
        %get3A_842 = arith.index_cast %get3A_840 : i32 to index
        %get3A_843 = arith.index_cast %get3A_841 : i32 to index
        %get3A_844 = arith.index_cast %scan3A_261 : i32 to index
        %get3A_845 = arith.constant 224 : index
        %get3A_846 = tpu.vector_load %arg8[%get3A_842, %get3A_843, %get3A_844, %get3A_845] {strides = array<i32>} : memref<2x3x32x256xf32, #tpu.memory_space<vmem>>, vector<1x1x1x16xf32>,
        %get3A_847 = vector.shape_cast %get3A_846 : vector<1x1x1x16xf32> to vector<16xf32>
        %mul3A_848 = arith.mulf %gather3A_317, %get3A_847 : vector<16xf32>
        %add3A_849 = arith.addf %add3A_839, %mul3A_848 : vector<16xf32>
        %swap3A_850 = arith.constant 1 : i32
        %swap3A_851 = arith.index_cast %swap3A_850 : i32 to index
        %swap3A_852 = arith.index_cast %scan3A_261 : i32 to index
        %swap3A_853 = arith.constant 224 : index
        %swap3A_854 = tpu.vector_load %arg9[%swap3A_851, %swap3A_852, %swap3A_853] {strides = array<i32>} : memref<2x32x256xf32, #tpu.memory_space<vmem>>, vector<1x1x16xf32>,
        %swap3A_855 = vector.shape_cast %swap3A_854 : vector<1x1x16xf32> to vector<16xf32>
        %swap3A_856 = vector.shape_cast %add3A_849 : vector<16xf32> to vector<1x1x16xf32>
        tpu.vector_store %arg9[%swap3A_851, %swap3A_852, %swap3A_853], %swap3A_856 {strides = array<i32>} : memref<2x32x256xf32, #tpu.memory_space<vmem>>, vector<1x1x16xf32>,
        %get3A_857 = arith.constant 1 : i32
        %get3A_858 = arith.constant 0 : i32
        %get3A_859 = arith.index_cast %get3A_857 : i32 to index
        %get3A_860 = arith.index_cast %get3A_858 : i32 to index
        %get3A_861 = arith.index_cast %scan3A_261 : i32 to index
        %get3A_862 = arith.constant 240 : index
        %get3A_863 = tpu.vector_load %arg8[%get3A_859, %get3A_860, %get3A_861, %get3A_862] {strides = array<i32>} : memref<2x3x32x256xf32, #tpu.memory_space<vmem>>, vector<1x1x1x16xf32>,
        %get3A_864 = vector.shape_cast %get3A_863 : vector<1x1x1x16xf32> to vector<16xf32>
        %mul3A_865 = arith.mulf %gather3A_301, %get3A_864 : vector<16xf32>
        %get3A_866 = arith.constant 1 : i32
        %get3A_867 = arith.constant 1 : i32
        %get3A_868 = arith.index_cast %get3A_866 : i32 to index
        %get3A_869 = arith.index_cast %get3A_867 : i32 to index
        %get3A_870 = arith.index_cast %scan3A_261 : i32 to index
        %get3A_871 = arith.constant 240 : index
        %get3A_872 = tpu.vector_load %arg8[%get3A_868, %get3A_869, %get3A_870, %get3A_871] {strides = array<i32>} : memref<2x3x32x256xf32, #tpu.memory_space<vmem>>, vector<1x1x1x16xf32>,
        %get3A_873 = vector.shape_cast %get3A_872 : vector<1x1x1x16xf32> to vector<16xf32>
        %mul3A_874 = arith.mulf %gather3A_309, %get3A_873 : vector<16xf32>
        %add3A_875 = arith.addf %mul3A_865, %mul3A_874 : vector<16xf32>
        %get3A_876 = arith.constant 1 : i32
        %get3A_877 = arith.constant 2 : i32
        %get3A_878 = arith.index_cast %get3A_876 : i32 to index
        %get3A_879 = arith.index_cast %get3A_877 : i32 to index
        %get3A_880 = arith.index_cast %scan3A_261 : i32 to index
        %get3A_881 = arith.constant 240 : index
        %get3A_882 = tpu.vector_load %arg8[%get3A_878, %get3A_879, %get3A_880, %get3A_881] {strides = array<i32>} : memref<2x3x32x256xf32, #tpu.memory_space<vmem>>, vector<1x1x1x16xf32>,
        %get3A_883 = vector.shape_cast %get3A_882 : vector<1x1x1x16xf32> to vector<16xf32>
        %mul3A_884 = arith.mulf %gather3A_317, %get3A_883 : vector<16xf32>
        %add3A_885 = arith.addf %add3A_875, %mul3A_884 : vector<16xf32>
        %swap3A_886 = arith.constant 1 : i32
        %swap3A_887 = arith.index_cast %swap3A_886 : i32 to index
        %swap3A_888 = arith.index_cast %scan3A_261 : i32 to index
        %swap3A_889 = arith.constant 240 : index
        %swap3A_890 = tpu.vector_load %arg9[%swap3A_887, %swap3A_888, %swap3A_889] {strides = array<i32>} : memref<2x32x256xf32, #tpu.memory_space<vmem>>, vector<1x1x16xf32>,
        %swap3A_891 = vector.shape_cast %swap3A_890 : vector<1x1x16xf32> to vector<16xf32>
        %swap3A_892 = vector.shape_cast %add3A_885 : vector<16xf32> to vector<1x1x16xf32>
        tpu.vector_store %arg9[%swap3A_887, %swap3A_888, %swap3A_889], %swap3A_892 {strides = array<i32>} : memref<2x32x256xf32, #tpu.memory_space<vmem>>, vector<1x1x16xf32>,
      }
      %scan3A_242 = arith.constant 32 : i32
      %add3A_243 = arith.constant 1 : i32
      %add3A_244 = arith.addi %mul3A_76, %add3A_243 : i32
      %mul3A_245 = arith.constant 32 : i32
      %mul3A_246 = arith.muli %add3A_244, %mul3A_245 : i32
      %add3A_247 = arith.addi %mul3A_2, %mul3A_246 : i32
      %dma_start3A_248 = arith.constant 1 : i32
      %dma_start3A_249 = arith.constant 0 : i32
      %dma_start3A_250 = arith.constant 0 : i32
      %dma_start3A_251 = tpu.memref_slice %arg9[%dma_start3A_248, %dma_start3A_249, %dma_start3A_250] : memref<2x32x256xf32, #tpu.memory_space<vmem>> -> memref<1x32x256xf32, #tpu.memory_space<vmem>>
      %dma_start3A_252 = tpu.memref_squeeze %dma_start3A_251 : memref<1x32x256xf32, #tpu.memory_space<vmem>> -> memref<32x256xf32, #tpu.memory_space<vmem>>
      %dma_start3A_253 = arith.constant 0 : i32
      %dma_start3A_254 = tpu.memref_slice %arg5[%add3A_247, %dma_start3A_253] : memref<16384x256xf32, #tpu.memory_space<hbm>> -> memref<32x256xf32, #tpu.memory_space<hbm>>
      %dma_start3A_255 = arith.constant 0 : i32
      %dma_start3A_256 = tpu.memref_slice %arg5[%add3A_247, %dma_start3A_255] : memref<16384x256xf32, #tpu.memory_space<hbm>> -> memref<32x256xf32, #tpu.memory_space<hbm>>
      %dma_start3A_257 = arith.constant 0 : i32
      %dma_start3A_258 = arith.constant 0 : i32
      %dma_start3A_259 = tpu.memref_slice %arg9[%dma_start3A_248, %dma_start3A_257, %dma_start3A_258] : memref<2x32x256xf32, #tpu.memory_space<vmem>> -> memref<1x32x256xf32, #tpu.memory_space<vmem>>
      %dma_start3A_260 = tpu.memref_squeeze %dma_start3A_259 : memref<1x32x256xf32, #tpu.memory_space<vmem>> -> memref<32x256xf32, #tpu.memory_space<vmem>>
      tpu.enqueue_dma source(%dma_start3A_260 : memref<32x256xf32, #tpu.memory_space<vmem>>) target(%dma_start3A_256 : memref<32x256xf32, #tpu.memory_space<hbm>>) target_semaphore(%arg13 : memref<!tpu.dma_semaphore, #tpu.memory_space<semaphore_mem>>)
    }
    %scan3A_48 = arith.constant 8 : i32
    %dma_wait3A = arith.constant 0 : i32
    %dma_wait3A_49 = arith.constant 0 : i32
    %dma_wait3A_50 = arith.constant 0 : i32
    %dma_wait3A_51 = tpu.memref_slice %arg9[%dma_wait3A, %dma_wait3A_49, %dma_wait3A_50] : memref<2x32x256xf32, #tpu.memory_space<vmem>> -> memref<1x32x256xf32, #tpu.memory_space<vmem>>
    %dma_wait3A_52 = tpu.memref_squeeze %dma_wait3A_51 : memref<1x32x256xf32, #tpu.memory_space<vmem>> -> memref<32x256xf32, #tpu.memory_space<vmem>>
    %dma_wait3A_53 = arith.constant 0 : i32
    %dma_wait3A_54 = tpu.memref_slice %arg5[%mul3A_2, %dma_wait3A_53] : memref<16384x256xf32, #tpu.memory_space<hbm>> -> memref<32x256xf32, #tpu.memory_space<hbm>>
    %dma_wait3A_55 = arith.constant 0 : i32
    %dma_wait3A_56 = tpu.memref_slice %arg5[%mul3A_2, %dma_wait3A_55] : memref<16384x256xf32, #tpu.memory_space<hbm>> -> memref<32x256xf32, #tpu.memory_space<hbm>>
    %dma_wait3A_57 = arith.constant 0 : i32
    %dma_wait3A_58 = arith.constant 0 : i32
    %dma_wait3A_59 = tpu.memref_slice %arg9[%dma_wait3A, %dma_wait3A_57, %dma_wait3A_58] : memref<2x32x256xf32, #tpu.memory_space<vmem>> -> memref<1x32x256xf32, #tpu.memory_space<vmem>>
    %dma_wait3A_60 = tpu.memref_squeeze %dma_wait3A_59 : memref<1x32x256xf32, #tpu.memory_space<vmem>> -> memref<32x256xf32, #tpu.memory_space<vmem>>
    tpu.wait_dma2 semaphore(%arg12 : memref<!tpu.dma_semaphore, #tpu.memory_space<semaphore_mem>>) src(%dma_wait3A_60 : memref<32x256xf32, #tpu.memory_space<vmem>>) dst(%dma_wait3A_56 : memref<32x256xf32, #tpu.memory_space<hbm>>)
    %dma_wait3A_61 = arith.constant 1 : i32
    %dma_wait3A_62 = arith.constant 0 : i32
    %dma_wait3A_63 = arith.constant 0 : i32
    %dma_wait3A_64 = tpu.memref_slice %arg9[%dma_wait3A_61, %dma_wait3A_62, %dma_wait3A_63] : memref<2x32x256xf32, #tpu.memory_space<vmem>> -> memref<1x32x256xf32, #tpu.memory_space<vmem>>
    %dma_wait3A_65 = tpu.memref_squeeze %dma_wait3A_64 : memref<1x32x256xf32, #tpu.memory_space<vmem>> -> memref<32x256xf32, #tpu.memory_space<vmem>>
    %dma_wait3A_66 = arith.constant 0 : i32
    %dma_wait3A_67 = tpu.memref_slice %arg5[%mul3A_2, %dma_wait3A_66] : memref<16384x256xf32, #tpu.memory_space<hbm>> -> memref<32x256xf32, #tpu.memory_space<hbm>>
    %dma_wait3A_68 = arith.constant 0 : i32
    %dma_wait3A_69 = tpu.memref_slice %arg5[%mul3A_2, %dma_wait3A_68] : memref<16384x256xf32, #tpu.memory_space<hbm>> -> memref<32x256xf32, #tpu.memory_space<hbm>>
    %dma_wait3A_70 = arith.constant 0 : i32
    %dma_wait3A_71 = arith.constant 0 : i32
    %dma_wait3A_72 = tpu.memref_slice %arg9[%dma_wait3A_61, %dma_wait3A_70, %dma_wait3A_71] : memref<2x32x256xf32, #tpu.memory_space<vmem>> -> memref<1x32x256xf32, #tpu.memory_space<vmem>>
    %dma_wait3A_73 = tpu.memref_squeeze %dma_wait3A_72 : memref<1x32x256xf32, #tpu.memory_space<vmem>> -> memref<32x256xf32, #tpu.memory_space<vmem>>
    tpu.wait_dma2 semaphore(%arg13 : memref<!tpu.dma_semaphore, #tpu.memory_space<semaphore_mem>>) src(%dma_wait3A_73 : memref<32x256xf32, #tpu.memory_space<vmem>>) dst(%dma_wait3A_69 : memref<32x256xf32, #tpu.memory_space<hbm>>)
    return
  }
}

#map = affine_map<(d0, d1) -> (0, 0, 0, 0)>
#map1 = affine_map<(d0, d1) -> (0, 0, 0)>
#map2 = affine_map<(d0, d1) -> (0, 0)>
module attributes {stable_mosaic.version = 14 : i64} {
  func.func @body(%arg0: i32, %arg1: i32, %arg2: memref<32x8x16x32xi32, #tpu.memory_space<hbm>>, %arg3: memref<32x8x512xf32, #tpu.memory_space<hbm>>, %arg4: memref<8192x256xf32, #tpu.memory_space<hbm>>, %arg5: memref<16384x256xf32, #tpu.memory_space<hbm>>, %arg6: memref<8x16x32xi32, #tpu.memory_space<vmem>>, %arg7: memref<3x512xf32, #tpu.memory_space<vmem>>, %arg8: memref<2x3x32x256xf32, #tpu.memory_space<vmem>>, %arg9: memref<2x32x256xf32, #tpu.memory_space<vmem>>, %arg10: memref<!tpu.dma_semaphore, #tpu.memory_space<semaphore_mem>>, %arg11: memref<!tpu.dma_semaphore, #tpu.memory_space<semaphore_mem>>, %arg12: memref<!tpu.dma_semaphore, #tpu.memory_space<semaphore_mem>>, %arg13: memref<!tpu.dma_semaphore, #tpu.memory_space<semaphore_mem>>) attributes {dimension_semantics = [#tpu.dimension_semantics<core_parallel>, #tpu.dimension_semantics<subcore_parallel>], iteration_bounds = array<i64: 2, 16>, scalar_prefetch = 0 : i64, scratch_operands = 8 : i64, tpu.core_type = #tpu.core_type<sc_vector_subcore>, window_params = [{transform_indices = #map}, {transform_indices = #map1}, {transform_indices = #map2}, {transform_indices = #map2}]} {
    %mul3A = arith.constant 2 : i32
    %mul3A_0 = arith.muli %arg1, %mul3A : i32
    %add3A = arith.addi %mul3A_0, %arg0 : i32
    %mul3A_1 = arith.constant 512 : i32
    %mul3A_2 = arith.muli %add3A, %mul3A_1 : i32
    "tpu.region"() ({
      %run_scoped3A = tpu.sem_alloc : memref<!tpu.dma_semaphore, #tpu.memory_space<semaphore_mem>>
      %dma_start3A_74 = arith.constant 0 : i32
      %dma_start3A_75 = arith.constant 0 : i32
      %dma_start3A_76 = arith.constant 0 : i32
      %dma_start3A_77 = tpu.memref_slice %arg2[%add3A, %dma_start3A_74, %dma_start3A_75, %dma_start3A_76] : memref<32x8x16x32xi32, #tpu.memory_space<hbm>> -> memref<1x8x16x32xi32, #tpu.memory_space<hbm>>
      %dma_start3A_78 = tpu.memref_squeeze %dma_start3A_77 : memref<1x8x16x32xi32, #tpu.memory_space<hbm>> -> memref<8x16x32xi32, #tpu.memory_space<hbm>>
      %dma_start3A_79 = arith.constant 0 : i32
      %dma_start3A_80 = arith.constant 0 : i32
      %dma_start3A_81 = arith.constant 0 : i32
      %dma_start3A_82 = tpu.memref_slice %arg2[%add3A, %dma_start3A_79, %dma_start3A_80, %dma_start3A_81] : memref<32x8x16x32xi32, #tpu.memory_space<hbm>> -> memref<1x8x16x32xi32, #tpu.memory_space<hbm>>
      %dma_start3A_83 = tpu.memref_squeeze %dma_start3A_82 : memref<1x8x16x32xi32, #tpu.memory_space<hbm>> -> memref<8x16x32xi32, #tpu.memory_space<hbm>>
      tpu.enqueue_dma source(%dma_start3A_83 : memref<8x16x32xi32, #tpu.memory_space<hbm>>) target(%arg6 : memref<8x16x32xi32, #tpu.memory_space<vmem>>) target_semaphore(%run_scoped3A : memref<!tpu.dma_semaphore, #tpu.memory_space<semaphore_mem>>)
      %dma_wait3A_84 = arith.constant 0 : i32
      %dma_wait3A_85 = arith.constant 0 : i32
      %dma_wait3A_86 = arith.constant 0 : i32
      %dma_wait3A_87 = tpu.memref_slice %arg2[%add3A, %dma_wait3A_84, %dma_wait3A_85, %dma_wait3A_86] : memref<32x8x16x32xi32, #tpu.memory_space<hbm>> -> memref<1x8x16x32xi32, #tpu.memory_space<hbm>>
      %dma_wait3A_88 = tpu.memref_squeeze %dma_wait3A_87 : memref<1x8x16x32xi32, #tpu.memory_space<hbm>> -> memref<8x16x32xi32, #tpu.memory_space<hbm>>
      %dma_wait3A_89 = arith.constant 0 : i32
      %dma_wait3A_90 = arith.constant 0 : i32
      %dma_wait3A_91 = arith.constant 0 : i32
      %dma_wait3A_92 = tpu.memref_slice %arg2[%add3A, %dma_wait3A_89, %dma_wait3A_90, %dma_wait3A_91] : memref<32x8x16x32xi32, #tpu.memory_space<hbm>> -> memref<1x8x16x32xi32, #tpu.memory_space<hbm>>
      %dma_wait3A_93 = tpu.memref_squeeze %dma_wait3A_92 : memref<1x8x16x32xi32, #tpu.memory_space<hbm>> -> memref<8x16x32xi32, #tpu.memory_space<hbm>>
      tpu.wait_dma2 semaphore(%run_scoped3A : memref<!tpu.dma_semaphore, #tpu.memory_space<semaphore_mem>>) src(%dma_wait3A_93 : memref<8x16x32xi32, #tpu.memory_space<hbm>>) dst(%arg6 : memref<8x16x32xi32, #tpu.memory_space<vmem>>)
      tpu.yield
    }) : () -> ()
    "tpu.region"() ({
      %run_scoped3A = tpu.sem_alloc : memref<!tpu.dma_semaphore, #tpu.memory_space<semaphore_mem>>
      %dma_start3A_74 = arith.constant 0 : i32
      %dma_start3A_75 = arith.constant 0 : i32
      %dma_start3A_76 = tpu.memref_slice %arg3[%add3A, %dma_start3A_74, %dma_start3A_75] : memref<32x8x512xf32, #tpu.memory_space<hbm>> -> memref<1x3x512xf32, #tpu.memory_space<hbm>>
      %dma_start3A_77 = tpu.memref_squeeze %dma_start3A_76 : memref<1x3x512xf32, #tpu.memory_space<hbm>> -> memref<3x512xf32, #tpu.memory_space<hbm>>
      %dma_start3A_78 = arith.constant 0 : i32
      %dma_start3A_79 = arith.constant 0 : i32
      %dma_start3A_80 = tpu.memref_slice %arg3[%add3A, %dma_start3A_78, %dma_start3A_79] : memref<32x8x512xf32, #tpu.memory_space<hbm>> -> memref<1x3x512xf32, #tpu.memory_space<hbm>>
      %dma_start3A_81 = tpu.memref_squeeze %dma_start3A_80 : memref<1x3x512xf32, #tpu.memory_space<hbm>> -> memref<3x512xf32, #tpu.memory_space<hbm>>
      tpu.enqueue_dma source(%dma_start3A_81 : memref<3x512xf32, #tpu.memory_space<hbm>>) target(%arg7 : memref<3x512xf32, #tpu.memory_space<vmem>>) target_semaphore(%run_scoped3A : memref<!tpu.dma_semaphore, #tpu.memory_space<semaphore_mem>>)
      %dma_wait3A_82 = arith.constant 0 : i32
      %dma_wait3A_83 = arith.constant 0 : i32
      %dma_wait3A_84 = tpu.memref_slice %arg3[%add3A, %dma_wait3A_82, %dma_wait3A_83] : memref<32x8x512xf32, #tpu.memory_space<hbm>> -> memref<1x3x512xf32, #tpu.memory_space<hbm>>
      %dma_wait3A_85 = tpu.memref_squeeze %dma_wait3A_84 : memref<1x3x512xf32, #tpu.memory_space<hbm>> -> memref<3x512xf32, #tpu.memory_space<hbm>>
      %dma_wait3A_86 = arith.constant 0 : i32
      %dma_wait3A_87 = arith.constant 0 : i32
      %dma_wait3A_88 = tpu.memref_slice %arg3[%add3A, %dma_wait3A_86, %dma_wait3A_87] : memref<32x8x512xf32, #tpu.memory_space<hbm>> -> memref<1x3x512xf32, #tpu.memory_space<hbm>>
      %dma_wait3A_89 = tpu.memref_squeeze %dma_wait3A_88 : memref<1x3x512xf32, #tpu.memory_space<hbm>> -> memref<3x512xf32, #tpu.memory_space<hbm>>
      tpu.wait_dma2 semaphore(%run_scoped3A : memref<!tpu.dma_semaphore, #tpu.memory_space<semaphore_mem>>) src(%dma_wait3A_89 : memref<3x512xf32, #tpu.memory_space<hbm>>) dst(%arg7 : memref<3x512xf32, #tpu.memory_space<vmem>>)
      tpu.yield
    }) : () -> ()
    %dma_start3A = arith.constant 0 : i32
    %dma_start3A_3 = arith.constant 0 : i32
    %dma_start3A_4 = arith.constant 0 : i32
    %dma_start3A_5 = arith.constant 0 : i32
    %dma_start3A_6 = arith.constant 0 : i32
    %dma_start3A_7 = arith.constant 0 : i32
    %dma_start3A_8 = tpu.memref_slice %arg8[%dma_start3A_4, %dma_start3A_5, %dma_start3A_6, %dma_start3A_7] : memref<2x3x32x256xf32, #tpu.memory_space<vmem>> -> memref<1x1x32x256xf32, #tpu.memory_space<vmem>>
    %dma_start3A_9 = tpu.memref_squeeze %dma_start3A_8 : memref<1x1x32x256xf32, #tpu.memory_space<vmem>> -> memref<32x256xf32, #tpu.memory_space<vmem>>
    %dma_start3A_10 = arith.constant 0 : i32
    %dma_start3A_11 = tpu.memref_slice %arg6[%dma_start3A, %dma_start3A_3, %dma_start3A_10] : memref<8x16x32xi32, #tpu.memory_space<vmem>> -> memref<1x1x32xi32, #tpu.memory_space<vmem>>
    %dma_start3A_12 = tpu.memref_squeeze %dma_start3A_11 : memref<1x1x32xi32, #tpu.memory_space<vmem>> -> memref<32xi32, #tpu.memory_space<vmem>>
    %dma_start3A_13 = arith.constant 0 : i32
    %dma_start3A_14 = arith.constant 0 : i32
    %dma_start3A_15 = tpu.memref_slice %arg4[%dma_start3A_13, %dma_start3A_14] : memref<8192x256xf32, #tpu.memory_space<hbm>> -> memref<8192x256xf32, #tpu.memory_space<hbm>>
    tpu.enqueue_indirect_dma source(%dma_start3A_15 : memref<8192x256xf32, #tpu.memory_space<hbm>>) target(%dma_start3A_9 : memref<32x256xf32, #tpu.memory_space<vmem>>) offsets(%dma_start3A_12 : memref<32xi32, #tpu.memory_space<vmem>>) semaphore(%arg10 : memref<!tpu.dma_semaphore, #tpu.memory_space<semaphore_mem>>)
    %dma_start3A_16 = arith.constant 1 : i32
    %dma_start3A_17 = arith.constant 0 : i32
    %dma_start3A_18 = arith.constant 0 : i32
    %dma_start3A_19 = arith.constant 1 : i32
    %dma_start3A_20 = arith.constant 0 : i32
    %dma_start3A_21 = arith.constant 0 : i32
    %dma_start3A_22 = tpu.memref_slice %arg8[%dma_start3A_18, %dma_start3A_19, %dma_start3A_20, %dma_start3A_21] : memref<2x3x32x256xf32, #tpu.memory_space<vmem>> -> memref<1x1x32x256xf32, #tpu.memory_space<vmem>>
    %dma_start3A_23 = tpu.memref_squeeze %dma_start3A_22 : memref<1x1x32x256xf32, #tpu.memory_space<vmem>> -> memref<32x256xf32, #tpu.memory_space<vmem>>
    %dma_start3A_24 = arith.constant 0 : i32
    %dma_start3A_25 = tpu.memref_slice %arg6[%dma_start3A_16, %dma_start3A_17, %dma_start3A_24] : memref<8x16x32xi32, #tpu.memory_space<vmem>> -> memref<1x1x32xi32, #tpu.memory_space<vmem>>
    %dma_start3A_26 = tpu.memref_squeeze %dma_start3A_25 : memref<1x1x32xi32, #tpu.memory_space<vmem>> -> memref<32xi32, #tpu.memory_space<vmem>>
    %dma_start3A_27 = arith.constant 0 : i32
    %dma_start3A_28 = arith.constant 0 : i32
    %dma_start3A_29 = tpu.memref_slice %arg4[%dma_start3A_27, %dma_start3A_28] : memref<8192x256xf32, #tpu.memory_space<hbm>> -> memref<8192x256xf32, #tpu.memory_space<hbm>>
    tpu.enqueue_indirect_dma source(%dma_start3A_29 : memref<8192x256xf32, #tpu.memory_space<hbm>>) target(%dma_start3A_23 : memref<32x256xf32, #tpu.memory_space<vmem>>) offsets(%dma_start3A_26 : memref<32xi32, #tpu.memory_space<vmem>>) semaphore(%arg10 : memref<!tpu.dma_semaphore, #tpu.memory_space<semaphore_mem>>)
    %dma_start3A_30 = arith.constant 2 : i32
    %dma_start3A_31 = arith.constant 0 : i32
    %dma_start3A_32 = arith.constant 0 : i32
    %dma_start3A_33 = arith.constant 2 : i32
    %dma_start3A_34 = arith.constant 0 : i32
    %dma_start3A_35 = arith.constant 0 : i32
    %dma_start3A_36 = tpu.memref_slice %arg8[%dma_start3A_32, %dma_start3A_33, %dma_start3A_34, %dma_start3A_35] : memref<2x3x32x256xf32, #tpu.memory_space<vmem>> -> memref<1x1x32x256xf32, #tpu.memory_space<vmem>>
    %dma_start3A_37 = tpu.memref_squeeze %dma_start3A_36 : memref<1x1x32x256xf32, #tpu.memory_space<vmem>> -> memref<32x256xf32, #tpu.memory_space<vmem>>
    %dma_start3A_38 = arith.constant 0 : i32
    %dma_start3A_39 = tpu.memref_slice %arg6[%dma_start3A_30, %dma_start3A_31, %dma_start3A_38] : memref<8x16x32xi32, #tpu.memory_space<vmem>> -> memref<1x1x32xi32, #tpu.memory_space<vmem>>
    %dma_start3A_40 = tpu.memref_squeeze %dma_start3A_39 : memref<1x1x32xi32, #tpu.memory_space<vmem>> -> memref<32xi32, #tpu.memory_space<vmem>>
    %dma_start3A_41 = arith.constant 0 : i32
    %dma_start3A_42 = arith.constant 0 : i32
    %dma_start3A_43 = tpu.memref_slice %arg4[%dma_start3A_41, %dma_start3A_42] : memref<8192x256xf32, #tpu.memory_space<hbm>> -> memref<8192x256xf32, #tpu.memory_space<hbm>>
    tpu.enqueue_indirect_dma source(%dma_start3A_43 : memref<8192x256xf32, #tpu.memory_space<hbm>>) target(%dma_start3A_37 : memref<32x256xf32, #tpu.memory_space<vmem>>) offsets(%dma_start3A_40 : memref<32xi32, #tpu.memory_space<vmem>>) semaphore(%arg10 : memref<!tpu.dma_semaphore, #tpu.memory_space<semaphore_mem>>)
    %scan3A = arith.constant 0 : i32
    %scan3A_44 = arith.constant 0 : i32
    %scan3A_45 = arith.constant 8 : i32
    %scan3A_46 = arith.addi %scan3A_44, %scan3A_45 : i32
    %scan3A_47 = arith.constant 1 : i32
    scf.for %scan3A_74 = %scan3A_44 to %scan3A_46 step %scan3A_47  : i32 {
      %mul3A_75 = arith.constant 2 : i32
      %mul3A_76 = arith.muli %scan3A_74, %mul3A_75 : i32
      %dma_wait3A_77 = arith.constant 0 : i32
      %dma_wait3A_78 = arith.constant 0 : i32
      %dma_wait3A_79 = arith.constant 0 : i32
      %dma_wait3A_80 = arith.constant 0 : i32
      %dma_wait3A_81 = arith.constant 0 : i32
      %dma_wait3A_82 = tpu.memref_slice %arg8[%dma_wait3A_78, %dma_wait3A_79, %dma_wait3A_80, %dma_wait3A_81] : memref<2x3x32x256xf32, #tpu.memory_space<vmem>> -> memref<1x1x32x256xf32, #tpu.memory_space<vmem>>
      %dma_wait3A_83 = tpu.memref_squeeze %dma_wait3A_82 : memref<1x1x32x256xf32, #tpu.memory_space<vmem>> -> memref<32x256xf32, #tpu.memory_space<vmem>>
      %dma_wait3A_84 = arith.constant 0 : i32
      %dma_wait3A_85 = tpu.memref_slice %arg6[%dma_wait3A_77, %mul3A_76, %dma_wait3A_84] : memref<8x16x32xi32, #tpu.memory_space<vmem>> -> memref<1x1x32xi32, #tpu.memory_space<vmem>>
      %dma_wait3A_86 = tpu.memref_squeeze %dma_wait3A_85 : memref<1x1x32xi32, #tpu.memory_space<vmem>> -> memref<32xi32, #tpu.memory_space<vmem>>
      %dma_wait3A_87 = arith.constant 0 : i32
      %dma_wait3A_88 = arith.constant 0 : i32
      %dma_wait3A_89 = tpu.memref_slice %arg4[%dma_wait3A_87, %dma_wait3A_88] : memref<8192x256xf32, #tpu.memory_space<hbm>> -> memref<8192x256xf32, #tpu.memory_space<hbm>>
      tpu.wait_indirect_dma semaphore(%arg10 : memref<!tpu.dma_semaphore, #tpu.memory_space<semaphore_mem>>) src(%dma_wait3A_89 : memref<8192x256xf32, #tpu.memory_space<hbm>>) dst(%dma_wait3A_83 : memref<32x256xf32, #tpu.memory_space<vmem>>)
      %dma_wait3A_90 = arith.constant 1 : i32
      %dma_wait3A_91 = arith.constant 0 : i32
      %dma_wait3A_92 = arith.constant 1 : i32
      %dma_wait3A_93 = arith.constant 0 : i32
      %dma_wait3A_94 = arith.constant 0 : i32
      %dma_wait3A_95 = tpu.memref_slice %arg8[%dma_wait3A_91, %dma_wait3A_92, %dma_wait3A_93, %dma_wait3A_94] : memref<2x3x32x256xf32, #tpu.memory_space<vmem>> -> memref<1x1x32x256xf32, #tpu.memory_space<vmem>>
      %dma_wait3A_96 = tpu.memref_squeeze %dma_wait3A_95 : memref<1x1x32x256xf32, #tpu.memory_space<vmem>> -> memref<32x256xf32, #tpu.memory_space<vmem>>
      %dma_wait3A_97 = arith.constant 0 : i32
      %dma_wait3A_98 = tpu.memref_slice %arg6[%dma_wait3A_90, %mul3A_76, %dma_wait3A_97] : memref<8x16x32xi32, #tpu.memory_space<vmem>> -> memref<1x1x32xi32, #tpu.memory_space<vmem>>
      %dma_wait3A_99 = tpu.memref_squeeze %dma_wait3A_98 : memref<1x1x32xi32, #tpu.memory_space<vmem>> -> memref<32xi32, #tpu.memory_space<vmem>>
      %dma_wait3A_100 = arith.constant 0 : i32
      %dma_wait3A_101 = arith.constant 0 : i32
      %dma_wait3A_102 = tpu.memref_slice %arg4[%dma_wait3A_100, %dma_wait3A_101] : memref<8192x256xf32, #tpu.memory_space<hbm>> -> memref<8192x256xf32, #tpu.memory_space<hbm>>
      tpu.wait_indirect_dma semaphore(%arg10 : memref<!tpu.dma_semaphore, #tpu.memory_space<semaphore_mem>>) src(%dma_wait3A_102 : memref<8192x256xf32, #tpu.memory_space<hbm>>) dst(%dma_wait3A_96 : memref<32x256xf32, #tpu.memory_space<vmem>>)
      %dma_wait3A_103 = arith.constant 2 : i32
      %dma_wait3A_104 = arith.constant 0 : i32
      %dma_wait3A_105 = arith.constant 2 : i32
      %dma_wait3A_106 = arith.constant 0 : i32
      %dma_wait3A_107 = arith.constant 0 : i32
      %dma_wait3A_108 = tpu.memref_slice %arg8[%dma_wait3A_104, %dma_wait3A_105, %dma_wait3A_106, %dma_wait3A_107] : memref<2x3x32x256xf32, #tpu.memory_space<vmem>> -> memref<1x1x32x256xf32, #tpu.memory_space<vmem>>
      %dma_wait3A_109 = tpu.memref_squeeze %dma_wait3A_108 : memref<1x1x32x256xf32, #tpu.memory_space<vmem>> -> memref<32x256xf32, #tpu.memory_space<vmem>>
      %dma_wait3A_110 = arith.constant 0 : i32
      %dma_wait3A_111 = tpu.memref_slice %arg6[%dma_wait3A_103, %mul3A_76, %dma_wait3A_110] : memref<8x16x32xi32, #tpu.memory_space<vmem>> -> memref<1x1x32xi32, #tpu.memory_space<vmem>>
      %dma_wait3A_112 = tpu.memref_squeeze %dma_wait3A_111 : memref<1x1x32xi32, #tpu.memory_space<vmem>> -> memref<32xi32, #tpu.memory_space<vmem>>
      %dma_wait3A_113 = arith.constant 0 : i32
      %dma_wait3A_114 = arith.constant 0 : i32
      %dma_wait3A_115 = tpu.memref_slice %arg4[%dma_wait3A_113, %dma_wait3A_114] : memref<8192x256xf32, #tpu.memory_space<hbm>> -> memref<8192x256xf32, #tpu.memory_space<hbm>>
      tpu.wait_indirect_dma semaphore(%arg10 : memref<!tpu.dma_semaphore, #tpu.memory_space<semaphore_mem>>) src(%dma_wait3A_115 : memref<8192x256xf32, #tpu.memory_space<hbm>>) dst(%dma_wait3A_109 : memref<32x256xf32, #tpu.memory_space<vmem>>)
      %add3A_116 = arith.constant 1 : i32
      %add3A_117 = arith.addi %mul3A_76, %add3A_116 : i32
      %dma_start3A_118 = arith.constant 0 : i32
      %dma_start3A_119 = arith.constant 1 : i32
      %dma_start3A_120 = arith.constant 0 : i32
      %dma_start3A_121 = arith.constant 0 : i32
      %dma_start3A_122 = arith.constant 0 : i32
      %dma_start3A_123 = tpu.memref_slice %arg8[%dma_start3A_119, %dma_start3A_120, %dma_start3A_121, %dma_start3A_122] : memref<2x3x32x256xf32, #tpu.memory_space<vmem>> -> memref<1x1x32x256xf32, #tpu.memory_space<vmem>>
      %dma_start3A_124 = tpu.memref_squeeze %dma_start3A_123 : memref<1x1x32x256xf32, #tpu.memory_space<vmem>> -> memref<32x256xf32, #tpu.memory_space<vmem>>
      %dma_start3A_125 = arith.constant 0 : i32
      %dma_start3A_126 = tpu.memref_slice %arg6[%dma_start3A_118, %add3A_117, %dma_start3A_125] : memref<8x16x32xi32, #tpu.memory_space<vmem>> -> memref<1x1x32xi32, #tpu.memory_space<vmem>>
      %dma_start3A_127 = tpu.memref_squeeze %dma_start3A_126 : memref<1x1x32xi32, #tpu.memory_space<vmem>> -> memref<32xi32, #tpu.memory_space<vmem>>
      %dma_start3A_128 = arith.constant 0 : i32
      %dma_start3A_129 = arith.constant 0 : i32
      %dma_start3A_130 = tpu.memref_slice %arg4[%dma_start3A_128, %dma_start3A_129] : memref<8192x256xf32, #tpu.memory_space<hbm>> -> memref<8192x256xf32, #tpu.memory_space<hbm>>
      tpu.enqueue_indirect_dma source(%dma_start3A_130 : memref<8192x256xf32, #tpu.memory_space<hbm>>) target(%dma_start3A_124 : memref<32x256xf32, #tpu.memory_space<vmem>>) offsets(%dma_start3A_127 : memref<32xi32, #tpu.memory_space<vmem>>) semaphore(%arg11 : memref<!tpu.dma_semaphore, #tpu.memory_space<semaphore_mem>>)
      %dma_start3A_131 = arith.constant 1 : i32
      %dma_start3A_132 = arith.constant 1 : i32
      %dma_start3A_133 = arith.constant 1 : i32
      %dma_start3A_134 = arith.constant 0 : i32
      %dma_start3A_135 = arith.constant 0 : i32
      %dma_start3A_136 = tpu.memref_slice %arg8[%dma_start3A_132, %dma_start3A_133, %dma_start3A_134, %dma_start3A_135] : memref<2x3x32x256xf32, #tpu.memory_space<vmem>> -> memref<1x1x32x256xf32, #tpu.memory_space<vmem>>
      %dma_start3A_137 = tpu.memref_squeeze %dma_start3A_136 : memref<1x1x32x256xf32, #tpu.memory_space<vmem>> -> memref<32x256xf32, #tpu.memory_space<vmem>>
      %dma_start3A_138 = arith.constant 0 : i32
      %dma_start3A_139 = tpu.memref_slice %arg6[%dma_start3A_131, %add3A_117, %dma_start3A_138] : memref<8x16x32xi32, #tpu.memory_space<vmem>> -> memref<1x1x32xi32, #tpu.memory_space<vmem>>
      %dma_start3A_140 = tpu.memref_squeeze %dma_start3A_139 : memref<1x1x32xi32, #tpu.memory_space<vmem>> -> memref<32xi32, #tpu.memory_space<vmem>>
      %dma_start3A_141 = arith.constant 0 : i32
      %dma_start3A_142 = arith.constant 0 : i32
      %dma_start3A_143 = tpu.memref_slice %arg4[%dma_start3A_141, %dma_start3A_142] : memref<8192x256xf32, #tpu.memory_space<hbm>> -> memref<8192x256xf32, #tpu.memory_space<hbm>>
      tpu.enqueue_indirect_dma source(%dma_start3A_143 : memref<8192x256xf32, #tpu.memory_space<hbm>>) target(%dma_start3A_137 : memref<32x256xf32, #tpu.memory_space<vmem>>) offsets(%dma_start3A_140 : memref<32xi32, #tpu.memory_space<vmem>>) semaphore(%arg11 : memref<!tpu.dma_semaphore, #tpu.memory_space<semaphore_mem>>)
      %dma_start3A_144 = arith.constant 2 : i32
      %dma_start3A_145 = arith.constant 1 : i32
      %dma_start3A_146 = arith.constant 2 : i32
      %dma_start3A_147 = arith.constant 0 : i32
      %dma_start3A_148 = arith.constant 0 : i32
      %dma_start3A_149 = tpu.memref_slice %arg8[%dma_start3A_145, %dma_start3A_146, %dma_start3A_147, %dma_start3A_148] : memref<2x3x32x256xf32, #tpu.memory_space<vmem>> -> memref<1x1x32x256xf32, #tpu.memory_space<vmem>>
      %dma_start3A_150 = tpu.memref_squeeze %dma_start3A_149 : memref<1x1x32x256xf32, #tpu.memory_space<vmem>> -> memref<32x256xf32, #tpu.memory_space<vmem>>
      %dma_start3A_151 = arith.constant 0 : i32
      %dma_start3A_152 = tpu.memref_slice %arg6[%dma_start3A_144, %add3A_117, %dma_start3A_151] : memref<8x16x32xi32, #tpu.memory_space<vmem>> -> memref<1x1x32xi32, #tpu.memory_space<vmem>>
      %dma_start3A_153 = tpu.memref_squeeze %dma_start3A_152 : memref<1x1x32xi32, #tpu.memory_space<vmem>> -> memref<32xi32, #tpu.memory_space<vmem>>
      %dma_start3A_154 = arith.constant 0 : i32
      %dma_start3A_155 = arith.constant 0 : i32
      %dma_start3A_156 = tpu.memref_slice %arg4[%dma_start3A_154, %dma_start3A_155] : memref<8192x256xf32, #tpu.memory_space<hbm>> -> memref<8192x256xf32, #tpu.memory_space<hbm>>
      tpu.enqueue_indirect_dma source(%dma_start3A_156 : memref<8192x256xf32, #tpu.memory_space<hbm>>) target(%dma_start3A_150 : memref<32x256xf32, #tpu.memory_space<vmem>>) offsets(%dma_start3A_153 : memref<32xi32, #tpu.memory_space<vmem>>) semaphore(%arg11 : memref<!tpu.dma_semaphore, #tpu.memory_space<semaphore_mem>>)
      %gt3A = arith.constant 0 : i32
      %gt3A_157 = arith.cmpi sgt, %scan3A_74, %gt3A : i32
      %convert_element_type3A = arith.extui %gt3A_157 : i1 to i32
      %cond3A = arith.constant 0 : i32
      %cond3A_158 = arith.cmpi ne, %convert_element_type3A, %cond3A : i32
      scf.if %cond3A_158 {
        %dma_wait3A_261 = arith.constant 0 : i32
        %dma_wait3A_262 = arith.constant 0 : i32
        %dma_wait3A_263 = arith.constant 0 : i32
        %dma_wait3A_264 = tpu.memref_slice %arg9[%dma_wait3A_261, %dma_wait3A_262, %dma_wait3A_263] : memref<2x32x256xf32, #tpu.memory_space<vmem>> -> memref<1x32x256xf32, #tpu.memory_space<vmem>>
        %dma_wait3A_265 = tpu.memref_squeeze %dma_wait3A_264 : memref<1x32x256xf32, #tpu.memory_space<vmem>> -> memref<32x256xf32, #tpu.memory_space<vmem>>
        %dma_wait3A_266 = arith.constant 0 : i32
        %dma_wait3A_267 = tpu.memref_slice %arg5[%mul3A_2, %dma_wait3A_266] : memref<16384x256xf32, #tpu.memory_space<hbm>> -> memref<32x256xf32, #tpu.memory_space<hbm>>
        %dma_wait3A_268 = arith.constant 0 : i32
        %dma_wait3A_269 = tpu.memref_slice %arg5[%mul3A_2, %dma_wait3A_268] : memref<16384x256xf32, #tpu.memory_space<hbm>> -> memref<32x256xf32, #tpu.memory_space<hbm>>
        %dma_wait3A_270 = arith.constant 0 : i32
        %dma_wait3A_271 = arith.constant 0 : i32
        %dma_wait3A_272 = tpu.memref_slice %arg9[%dma_wait3A_261, %dma_wait3A_270, %dma_wait3A_271] : memref<2x32x256xf32, #tpu.memory_space<vmem>> -> memref<1x32x256xf32, #tpu.memory_space<vmem>>
        %dma_wait3A_273 = tpu.memref_squeeze %dma_wait3A_272 : memref<1x32x256xf32, #tpu.memory_space<vmem>> -> memref<32x256xf32, #tpu.memory_space<vmem>>
        tpu.wait_dma2 semaphore(%arg12 : memref<!tpu.dma_semaphore, #tpu.memory_space<semaphore_mem>>) src(%dma_wait3A_273 : memref<32x256xf32, #tpu.memory_space<vmem>>) dst(%dma_wait3A_269 : memref<32x256xf32, #tpu.memory_space<hbm>>)
      } else {
      }
      %mul3A_159 = arith.constant 32 : i32
      %mul3A_160 = arith.muli %mul3A_76, %mul3A_159 : i32
      %scan3A_161 = arith.constant 0 : i32
      %scan3A_162 = arith.constant 0 : i32
      %scan3A_163 = arith.constant 32 : i32
      %scan3A_164 = arith.addi %scan3A_162, %scan3A_163 : i32
      %scan3A_165 = arith.constant 1 : i32
      scf.for %scan3A_261 = %scan3A_162 to %scan3A_164 step %scan3A_165  : i32 {
        %jit3A = arith.constant 16 : i32
        %div3A = arith.divsi %scan3A_261, %jit3A : i32
        %sign3A = arith.constant 0 : i32
        %sign3A_262 = arith.cmpi sgt, %scan3A_261, %sign3A : i32
        %sign3A_263 = arith.extui %sign3A_262 : i1 to i32
        %sign3A_264 = arith.constant 0 : i32
        %sign3A_265 = arith.cmpi slt, %scan3A_261, %sign3A_264 : i32
        %sign3A_266 = arith.extui %sign3A_265 : i1 to i32
        %sign3A_267 = arith.subi %sign3A_263, %sign3A_266 : i32
        %sign3A_268 = arith.constant 0 : i32
        %sign3A_269 = arith.cmpi sgt, %jit3A, %sign3A_268 : i32
        %sign3A_270 = arith.extui %sign3A_269 : i1 to i32
        %sign3A_271 = arith.constant 0 : i32
        %sign3A_272 = arith.cmpi slt, %jit3A, %sign3A_271 : i32
        %sign3A_273 = arith.extui %sign3A_272 : i1 to i32
        %sign3A_274 = arith.subi %sign3A_270, %sign3A_273 : i32
        %ne3A = arith.cmpi ne, %sign3A_267, %sign3A_274 : i32
        %rem3A = arith.remsi %scan3A_261, %jit3A : i32
        %ne3A_275 = arith.constant 0 : i32
        %ne3A_276 = arith.cmpi ne, %rem3A, %ne3A_275 : i32
        %and3A = arith.andi %ne3A, %ne3A_276 : i1
        %sub3A = arith.constant 1 : i32
        %sub3A_277 = arith.subi %div3A, %sub3A : i32
        %select_n3A = arith.select %and3A, %sub3A_277, %div3A : i32
        %mul3A_278 = arith.constant 16 : i32
        %mul3A_279 = arith.muli %select_n3A, %mul3A_278 : i32
        %multiple_of3A = tpu.assume_multiple %mul3A_279, 16 : i32
        %add3A_280 = arith.addi %mul3A_160, %multiple_of3A : i32
        %jit3A_281 = arith.constant 16 : i32
        %eq3A = arith.constant 0 : i32
        %eq3A_282 = arith.cmpi eq, %jit3A_281, %eq3A : i32
        %jit3A_283 = arith.constant 1 : i32
        %select_n3A_284 = arith.select %eq3A_282, %jit3A_283, %jit3A_281 : i32
        %rem3A_285 = arith.remsi %scan3A_261, %select_n3A_284 : i32
        %ne3A_286 = arith.constant 0 : i32
        %ne3A_287 = arith.cmpi ne, %rem3A_285, %ne3A_286 : i32
        %lt3A_288 = arith.constant 0 : i32
        %lt3A_289 = arith.cmpi slt, %rem3A_285, %lt3A_288 : i32
        %lt3A_290 = arith.constant 0 : i32
        %lt3A_291 = arith.cmpi slt, %select_n3A_284, %lt3A_290 : i32
        %ne3A_292 = arith.xori %lt3A_289, %lt3A_291 : i1
        %and3A_293 = arith.andi %ne3A_292, %ne3A_287 : i1
        %add3A_294 = arith.addi %rem3A_285, %select_n3A_284 : i32
        %select_n3A_295 = arith.select %and3A_293, %add3A_294, %rem3A_285 : i32
        %broadcast_in_dim3A = vector.broadcast %select_n3A_295 : i32 to vector<16xi32>
        %get3A = arith.constant 0 : i32
        %get3A_296 = arith.index_cast %get3A : i32 to index
        %get3A_297 = arith.index_cast %add3A_280 : i32 to index
        %get3A_298 = tpu.vector_load %arg7[%get3A_296, %get3A_297] {strides = array<i32>} : memref<3x512xf32, #tpu.memory_space<vmem>>, vector<1x16xf32>,
        %get3A_299 = vector.shape_cast %get3A_298 : vector<1x16xf32> to vector<16xf32>
        %broadcast_in_dim3A_300 = vector.shape_cast %broadcast_in_dim3A : vector<16xi32> to vector<16x1xi32>
        %gather3A = vector.shape_cast %broadcast_in_dim3A_300 : vector<16x1xi32> to vector<16xi32>
        %gather3A_301 = tpu.dynamic_gather %get3A_299[%gather3A] in [0] : vector<16xf32>, vector<16xi32> -> vector<16xf32>
        %get3A_302 = arith.constant 1 : i32
        %get3A_303 = arith.index_cast %get3A_302 : i32 to index
        %get3A_304 = arith.index_cast %add3A_280 : i32 to index
        %get3A_305 = tpu.vector_load %arg7[%get3A_303, %get3A_304] {strides = array<i32>} : memref<3x512xf32, #tpu.memory_space<vmem>>, vector<1x16xf32>,
        %get3A_306 = vector.shape_cast %get3A_305 : vector<1x16xf32> to vector<16xf32>
        %broadcast_in_dim3A_307 = vector.shape_cast %broadcast_in_dim3A : vector<16xi32> to vector<16x1xi32>
        %gather3A_308 = vector.shape_cast %broadcast_in_dim3A_307 : vector<16x1xi32> to vector<16xi32>
        %gather3A_309 = tpu.dynamic_gather %get3A_306[%gather3A_308] in [0] : vector<16xf32>, vector<16xi32> -> vector<16xf32>
        %get3A_310 = arith.constant 2 : i32
        %get3A_311 = arith.index_cast %get3A_310 : i32 to index
        %get3A_312 = arith.index_cast %add3A_280 : i32 to index
        %get3A_313 = tpu.vector_load %arg7[%get3A_311, %get3A_312] {strides = array<i32>} : memref<3x512xf32, #tpu.memory_space<vmem>>, vector<1x16xf32>,
        %get3A_314 = vector.shape_cast %get3A_313 : vector<1x16xf32> to vector<16xf32>
        %broadcast_in_dim3A_315 = vector.shape_cast %broadcast_in_dim3A : vector<16xi32> to vector<16x1xi32>
        %gather3A_316 = vector.shape_cast %broadcast_in_dim3A_315 : vector<16x1xi32> to vector<16xi32>
        %gather3A_317 = tpu.dynamic_gather %get3A_314[%gather3A_316] in [0] : vector<16xf32>, vector<16xi32> -> vector<16xf32>
        %get3A_318 = arith.constant 0 : i32
        %get3A_319 = arith.constant 0 : i32
        %get3A_320 = arith.index_cast %get3A_318 : i32 to index
        %get3A_321 = arith.index_cast %get3A_319 : i32 to index
        %get3A_322 = arith.index_cast %scan3A_261 : i32 to index
        %get3A_323 = arith.constant 0 : index
        %get3A_324 = tpu.vector_load %arg8[%get3A_320, %get3A_321, %get3A_322, %get3A_323] {strides = array<i32>} : memref<2x3x32x256xf32, #tpu.memory_space<vmem>>, vector<1x1x1x16xf32>,
        %get3A_325 = vector.shape_cast %get3A_324 : vector<1x1x1x16xf32> to vector<16xf32>
        %mul3A_326 = arith.mulf %gather3A_301, %get3A_325 : vector<16xf32>
        %get3A_327 = arith.constant 0 : i32
        %get3A_328 = arith.constant 1 : i32
        %get3A_329 = arith.index_cast %get3A_327 : i32 to index
        %get3A_330 = arith.index_cast %get3A_328 : i32 to index
        %get3A_331 = arith.index_cast %scan3A_261 : i32 to index
        %get3A_332 = arith.constant 0 : index
        %get3A_333 = tpu.vector_load %arg8[%get3A_329, %get3A_330, %get3A_331, %get3A_332] {strides = array<i32>} : memref<2x3x32x256xf32, #tpu.memory_space<vmem>>, vector<1x1x1x16xf32>,
        %get3A_334 = vector.shape_cast %get3A_333 : vector<1x1x1x16xf32> to vector<16xf32>
        %mul3A_335 = arith.mulf %gather3A_309, %get3A_334 : vector<16xf32>
        %add3A_336 = arith.addf %mul3A_326, %mul3A_335 : vector<16xf32>
        %get3A_337 = arith.constant 0 : i32
        %get3A_338 = arith.constant 2 : i32
        %get3A_339 = arith.index_cast %get3A_337 : i32 to index
        %get3A_340 = arith.index_cast %get3A_338 : i32 to index
        %get3A_341 = arith.index_cast %scan3A_261 : i32 to index
        %get3A_342 = arith.constant 0 : index
        %get3A_343 = tpu.vector_load %arg8[%get3A_339, %get3A_340, %get3A_341, %get3A_342] {strides = array<i32>} : memref<2x3x32x256xf32, #tpu.memory_space<vmem>>, vector<1x1x1x16xf32>,
        %get3A_344 = vector.shape_cast %get3A_343 : vector<1x1x1x16xf32> to vector<16xf32>
        %mul3A_345 = arith.mulf %gather3A_317, %get3A_344 : vector<16xf32>
        %add3A_346 = arith.addf %add3A_336, %mul3A_345 : vector<16xf32>
        %swap3A = arith.constant 0 : i32
        %swap3A_347 = arith.index_cast %swap3A : i32 to index
        %swap3A_348 = arith.index_cast %scan3A_261 : i32 to index
        %swap3A_349 = arith.constant 0 : index
        %swap3A_350 = tpu.vector_load %arg9[%swap3A_347, %swap3A_348, %swap3A_349] {strides = array<i32>} : memref<2x32x256xf32, #tpu.memory_space<vmem>>, vector<1x1x16xf32>,
        %swap3A_351 = vector.shape_cast %swap3A_350 : vector<1x1x16xf32> to vector<16xf32>
        %swap3A_352 = vector.shape_cast %add3A_346 : vector<16xf32> to vector<1x1x16xf32>
        tpu.vector_store %arg9[%swap3A_347, %swap3A_348, %swap3A_349], %swap3A_352 {strides = array<i32>} : memref<2x32x256xf32, #tpu.memory_space<vmem>>, vector<1x1x16xf32>,
        %get3A_353 = arith.constant 0 : i32
        %get3A_354 = arith.constant 0 : i32
        %get3A_355 = arith.index_cast %get3A_353 : i32 to index
        %get3A_356 = arith.index_cast %get3A_354 : i32 to index
        %get3A_357 = arith.index_cast %scan3A_261 : i32 to index
        %get3A_358 = arith.constant 16 : index
        %get3A_359 = tpu.vector_load %arg8[%get3A_355, %get3A_356, %get3A_357, %get3A_358] {strides = array<i32>} : memref<2x3x32x256xf32, #tpu.memory_space<vmem>>, vector<1x1x1x16xf32>,
        %get3A_360 = vector.shape_cast %get3A_359 : vector<1x1x1x16xf32> to vector<16xf32>
        %mul3A_361 = arith.mulf %gather3A_301, %get3A_360 : vector<16xf32>
        %get3A_362 = arith.constant 0 : i32
        %get3A_363 = arith.constant 1 : i32
        %get3A_364 = arith.index_cast %get3A_362 : i32 to index
        %get3A_365 = arith.index_cast %get3A_363 : i32 to index
        %get3A_366 = arith.index_cast %scan3A_261 : i32 to index
        %get3A_367 = arith.constant 16 : index
        %get3A_368 = tpu.vector_load %arg8[%get3A_364, %get3A_365, %get3A_366, %get3A_367] {strides = array<i32>} : memref<2x3x32x256xf32, #tpu.memory_space<vmem>>, vector<1x1x1x16xf32>,
        %get3A_369 = vector.shape_cast %get3A_368 : vector<1x1x1x16xf32> to vector<16xf32>
        %mul3A_370 = arith.mulf %gather3A_309, %get3A_369 : vector<16xf32>
        %add3A_371 = arith.addf %mul3A_361, %mul3A_370 : vector<16xf32>
        %get3A_372 = arith.constant 0 : i32
        %get3A_373 = arith.constant 2 : i32
        %get3A_374 = arith.index_cast %get3A_372 : i32 to index
        %get3A_375 = arith.index_cast %get3A_373 : i32 to index
        %get3A_376 = arith.index_cast %scan3A_261 : i32 to index
        %get3A_377 = arith.constant 16 : index
        %get3A_378 = tpu.vector_load %arg8[%get3A_374, %get3A_375, %get3A_376, %get3A_377] {strides = array<i32>} : memref<2x3x32x256xf32, #tpu.memory_space<vmem>>, vector<1x1x1x16xf32>,
        %get3A_379 = vector.shape_cast %get3A_378 : vector<1x1x1x16xf32> to vector<16xf32>
        %mul3A_380 = arith.mulf %gather3A_317, %get3A_379 : vector<16xf32>
        %add3A_381 = arith.addf %add3A_371, %mul3A_380 : vector<16xf32>
        %swap3A_382 = arith.constant 0 : i32
        %swap3A_383 = arith.index_cast %swap3A_382 : i32 to index
        %swap3A_384 = arith.index_cast %scan3A_261 : i32 to index
        %swap3A_385 = arith.constant 16 : index
        %swap3A_386 = tpu.vector_load %arg9[%swap3A_383, %swap3A_384, %swap3A_385] {strides = array<i32>} : memref<2x32x256xf32, #tpu.memory_space<vmem>>, vector<1x1x16xf32>,
        %swap3A_387 = vector.shape_cast %swap3A_386 : vector<1x1x16xf32> to vector<16xf32>
        %swap3A_388 = vector.shape_cast %add3A_381 : vector<16xf32> to vector<1x1x16xf32>
        tpu.vector_store %arg9[%swap3A_383, %swap3A_384, %swap3A_385], %swap3A_388 {strides = array<i32>} : memref<2x32x256xf32, #tpu.memory_space<vmem>>, vector<1x1x16xf32>,
        %get3A_389 = arith.constant 0 : i32
        %get3A_390 = arith.constant 0 : i32
        %get3A_391 = arith.index_cast %get3A_389 : i32 to index
        %get3A_392 = arith.index_cast %get3A_390 : i32 to index
        %get3A_393 = arith.index_cast %scan3A_261 : i32 to index
        %get3A_394 = arith.constant 32 : index
        %get3A_395 = tpu.vector_load %arg8[%get3A_391, %get3A_392, %get3A_393, %get3A_394] {strides = array<i32>} : memref<2x3x32x256xf32, #tpu.memory_space<vmem>>, vector<1x1x1x16xf32>,
        %get3A_396 = vector.shape_cast %get3A_395 : vector<1x1x1x16xf32> to vector<16xf32>
        %mul3A_397 = arith.mulf %gather3A_301, %get3A_396 : vector<16xf32>
        %get3A_398 = arith.constant 0 : i32
        %get3A_399 = arith.constant 1 : i32
        %get3A_400 = arith.index_cast %get3A_398 : i32 to index
        %get3A_401 = arith.index_cast %get3A_399 : i32 to index
        %get3A_402 = arith.index_cast %scan3A_261 : i32 to index
        %get3A_403 = arith.constant 32 : index
        %get3A_404 = tpu.vector_load %arg8[%get3A_400, %get3A_401, %get3A_402, %get3A_403] {strides = array<i32>} : memref<2x3x32x256xf32, #tpu.memory_space<vmem>>, vector<1x1x1x16xf32>,
        %get3A_405 = vector.shape_cast %get3A_404 : vector<1x1x1x16xf32> to vector<16xf32>
        %mul3A_406 = arith.mulf %gather3A_309, %get3A_405 : vector<16xf32>
        %add3A_407 = arith.addf %mul3A_397, %mul3A_406 : vector<16xf32>
        %get3A_408 = arith.constant 0 : i32
        %get3A_409 = arith.constant 2 : i32
        %get3A_410 = arith.index_cast %get3A_408 : i32 to index
        %get3A_411 = arith.index_cast %get3A_409 : i32 to index
        %get3A_412 = arith.index_cast %scan3A_261 : i32 to index
        %get3A_413 = arith.constant 32 : index
        %get3A_414 = tpu.vector_load %arg8[%get3A_410, %get3A_411, %get3A_412, %get3A_413] {strides = array<i32>} : memref<2x3x32x256xf32, #tpu.memory_space<vmem>>, vector<1x1x1x16xf32>,
        %get3A_415 = vector.shape_cast %get3A_414 : vector<1x1x1x16xf32> to vector<16xf32>
        %mul3A_416 = arith.mulf %gather3A_317, %get3A_415 : vector<16xf32>
        %add3A_417 = arith.addf %add3A_407, %mul3A_416 : vector<16xf32>
        %swap3A_418 = arith.constant 0 : i32
        %swap3A_419 = arith.index_cast %swap3A_418 : i32 to index
        %swap3A_420 = arith.index_cast %scan3A_261 : i32 to index
        %swap3A_421 = arith.constant 32 : index
        %swap3A_422 = tpu.vector_load %arg9[%swap3A_419, %swap3A_420, %swap3A_421] {strides = array<i32>} : memref<2x32x256xf32, #tpu.memory_space<vmem>>, vector<1x1x16xf32>,
        %swap3A_423 = vector.shape_cast %swap3A_422 : vector<1x1x16xf32> to vector<16xf32>
        %swap3A_424 = vector.shape_cast %add3A_417 : vector<16xf32> to vector<1x1x16xf32>
        tpu.vector_store %arg9[%swap3A_419, %swap3A_420, %swap3A_421], %swap3A_424 {strides = array<i32>} : memref<2x32x256xf32, #tpu.memory_space<vmem>>, vector<1x1x16xf32>,
        %get3A_425 = arith.constant 0 : i32
        %get3A_426 = arith.constant 0 : i32
        %get3A_427 = arith.index_cast %get3A_425 : i32 to index
        %get3A_428 = arith.index_cast %get3A_426 : i32 to index
        %get3A_429 = arith.index_cast %scan3A_261 : i32 to index
        %get3A_430 = arith.constant 48 : index
        %get3A_431 = tpu.vector_load %arg8[%get3A_427, %get3A_428, %get3A_429, %get3A_430] {strides = array<i32>} : memref<2x3x32x256xf32, #tpu.memory_space<vmem>>, vector<1x1x1x16xf32>,
        %get3A_432 = vector.shape_cast %get3A_431 : vector<1x1x1x16xf32> to vector<16xf32>
        %mul3A_433 = arith.mulf %gather3A_301, %get3A_432 : vector<16xf32>
        %get3A_434 = arith.constant 0 : i32
        %get3A_435 = arith.constant 1 : i32
        %get3A_436 = arith.index_cast %get3A_434 : i32 to index
        %get3A_437 = arith.index_cast %get3A_435 : i32 to index
        %get3A_438 = arith.index_cast %scan3A_261 : i32 to index
        %get3A_439 = arith.constant 48 : index
        %get3A_440 = tpu.vector_load %arg8[%get3A_436, %get3A_437, %get3A_438, %get3A_439] {strides = array<i32>} : memref<2x3x32x256xf32, #tpu.memory_space<vmem>>, vector<1x1x1x16xf32>,
        %get3A_441 = vector.shape_cast %get3A_440 : vector<1x1x1x16xf32> to vector<16xf32>
        %mul3A_442 = arith.mulf %gather3A_309, %get3A_441 : vector<16xf32>
        %add3A_443 = arith.addf %mul3A_433, %mul3A_442 : vector<16xf32>
        %get3A_444 = arith.constant 0 : i32
        %get3A_445 = arith.constant 2 : i32
        %get3A_446 = arith.index_cast %get3A_444 : i32 to index
        %get3A_447 = arith.index_cast %get3A_445 : i32 to index
        %get3A_448 = arith.index_cast %scan3A_261 : i32 to index
        %get3A_449 = arith.constant 48 : index
        %get3A_450 = tpu.vector_load %arg8[%get3A_446, %get3A_447, %get3A_448, %get3A_449] {strides = array<i32>} : memref<2x3x32x256xf32, #tpu.memory_space<vmem>>, vector<1x1x1x16xf32>,
        %get3A_451 = vector.shape_cast %get3A_450 : vector<1x1x1x16xf32> to vector<16xf32>
        %mul3A_452 = arith.mulf %gather3A_317, %get3A_451 : vector<16xf32>
        %add3A_453 = arith.addf %add3A_443, %mul3A_452 : vector<16xf32>
        %swap3A_454 = arith.constant 0 : i32
        %swap3A_455 = arith.index_cast %swap3A_454 : i32 to index
        %swap3A_456 = arith.index_cast %scan3A_261 : i32 to index
        %swap3A_457 = arith.constant 48 : index
        %swap3A_458 = tpu.vector_load %arg9[%swap3A_455, %swap3A_456, %swap3A_457] {strides = array<i32>} : memref<2x32x256xf32, #tpu.memory_space<vmem>>, vector<1x1x16xf32>,
        %swap3A_459 = vector.shape_cast %swap3A_458 : vector<1x1x16xf32> to vector<16xf32>
        %swap3A_460 = vector.shape_cast %add3A_453 : vector<16xf32> to vector<1x1x16xf32>
        tpu.vector_store %arg9[%swap3A_455, %swap3A_456, %swap3A_457], %swap3A_460 {strides = array<i32>} : memref<2x32x256xf32, #tpu.memory_space<vmem>>, vector<1x1x16xf32>,
        %get3A_461 = arith.constant 0 : i32
        %get3A_462 = arith.constant 0 : i32
        %get3A_463 = arith.index_cast %get3A_461 : i32 to index
        %get3A_464 = arith.index_cast %get3A_462 : i32 to index
        %get3A_465 = arith.index_cast %scan3A_261 : i32 to index
        %get3A_466 = arith.constant 64 : index
        %get3A_467 = tpu.vector_load %arg8[%get3A_463, %get3A_464, %get3A_465, %get3A_466] {strides = array<i32>} : memref<2x3x32x256xf32, #tpu.memory_space<vmem>>, vector<1x1x1x16xf32>,
        %get3A_468 = vector.shape_cast %get3A_467 : vector<1x1x1x16xf32> to vector<16xf32>
        %mul3A_469 = arith.mulf %gather3A_301, %get3A_468 : vector<16xf32>
        %get3A_470 = arith.constant 0 : i32
        %get3A_471 = arith.constant 1 : i32
        %get3A_472 = arith.index_cast %get3A_470 : i32 to index
        %get3A_473 = arith.index_cast %get3A_471 : i32 to index
        %get3A_474 = arith.index_cast %scan3A_261 : i32 to index
        %get3A_475 = arith.constant 64 : index
        %get3A_476 = tpu.vector_load %arg8[%get3A_472, %get3A_473, %get3A_474, %get3A_475] {strides = array<i32>} : memref<2x3x32x256xf32, #tpu.memory_space<vmem>>, vector<1x1x1x16xf32>,
        %get3A_477 = vector.shape_cast %get3A_476 : vector<1x1x1x16xf32> to vector<16xf32>
        %mul3A_478 = arith.mulf %gather3A_309, %get3A_477 : vector<16xf32>
        %add3A_479 = arith.addf %mul3A_469, %mul3A_478 : vector<16xf32>
        %get3A_480 = arith.constant 0 : i32
        %get3A_481 = arith.constant 2 : i32
        %get3A_482 = arith.index_cast %get3A_480 : i32 to index
        %get3A_483 = arith.index_cast %get3A_481 : i32 to index
        %get3A_484 = arith.index_cast %scan3A_261 : i32 to index
        %get3A_485 = arith.constant 64 : index
        %get3A_486 = tpu.vector_load %arg8[%get3A_482, %get3A_483, %get3A_484, %get3A_485] {strides = array<i32>} : memref<2x3x32x256xf32, #tpu.memory_space<vmem>>, vector<1x1x1x16xf32>,
        %get3A_487 = vector.shape_cast %get3A_486 : vector<1x1x1x16xf32> to vector<16xf32>
        %mul3A_488 = arith.mulf %gather3A_317, %get3A_487 : vector<16xf32>
        %add3A_489 = arith.addf %add3A_479, %mul3A_488 : vector<16xf32>
        %swap3A_490 = arith.constant 0 : i32
        %swap3A_491 = arith.index_cast %swap3A_490 : i32 to index
        %swap3A_492 = arith.index_cast %scan3A_261 : i32 to index
        %swap3A_493 = arith.constant 64 : index
        %swap3A_494 = tpu.vector_load %arg9[%swap3A_491, %swap3A_492, %swap3A_493] {strides = array<i32>} : memref<2x32x256xf32, #tpu.memory_space<vmem>>, vector<1x1x16xf32>,
        %swap3A_495 = vector.shape_cast %swap3A_494 : vector<1x1x16xf32> to vector<16xf32>
        %swap3A_496 = vector.shape_cast %add3A_489 : vector<16xf32> to vector<1x1x16xf32>
        tpu.vector_store %arg9[%swap3A_491, %swap3A_492, %swap3A_493], %swap3A_496 {strides = array<i32>} : memref<2x32x256xf32, #tpu.memory_space<vmem>>, vector<1x1x16xf32>,
        %get3A_497 = arith.constant 0 : i32
        %get3A_498 = arith.constant 0 : i32
        %get3A_499 = arith.index_cast %get3A_497 : i32 to index
        %get3A_500 = arith.index_cast %get3A_498 : i32 to index
        %get3A_501 = arith.index_cast %scan3A_261 : i32 to index
        %get3A_502 = arith.constant 80 : index
        %get3A_503 = tpu.vector_load %arg8[%get3A_499, %get3A_500, %get3A_501, %get3A_502] {strides = array<i32>} : memref<2x3x32x256xf32, #tpu.memory_space<vmem>>, vector<1x1x1x16xf32>,
        %get3A_504 = vector.shape_cast %get3A_503 : vector<1x1x1x16xf32> to vector<16xf32>
        %mul3A_505 = arith.mulf %gather3A_301, %get3A_504 : vector<16xf32>
        %get3A_506 = arith.constant 0 : i32
        %get3A_507 = arith.constant 1 : i32
        %get3A_508 = arith.index_cast %get3A_506 : i32 to index
        %get3A_509 = arith.index_cast %get3A_507 : i32 to index
        %get3A_510 = arith.index_cast %scan3A_261 : i32 to index
        %get3A_511 = arith.constant 80 : index
        %get3A_512 = tpu.vector_load %arg8[%get3A_508, %get3A_509, %get3A_510, %get3A_511] {strides = array<i32>} : memref<2x3x32x256xf32, #tpu.memory_space<vmem>>, vector<1x1x1x16xf32>,
        %get3A_513 = vector.shape_cast %get3A_512 : vector<1x1x1x16xf32> to vector<16xf32>
        %mul3A_514 = arith.mulf %gather3A_309, %get3A_513 : vector<16xf32>
        %add3A_515 = arith.addf %mul3A_505, %mul3A_514 : vector<16xf32>
        %get3A_516 = arith.constant 0 : i32
        %get3A_517 = arith.constant 2 : i32
        %get3A_518 = arith.index_cast %get3A_516 : i32 to index
        %get3A_519 = arith.index_cast %get3A_517 : i32 to index
        %get3A_520 = arith.index_cast %scan3A_261 : i32 to index
        %get3A_521 = arith.constant 80 : index
        %get3A_522 = tpu.vector_load %arg8[%get3A_518, %get3A_519, %get3A_520, %get3A_521] {strides = array<i32>} : memref<2x3x32x256xf32, #tpu.memory_space<vmem>>, vector<1x1x1x16xf32>,
        %get3A_523 = vector.shape_cast %get3A_522 : vector<1x1x1x16xf32> to vector<16xf32>
        %mul3A_524 = arith.mulf %gather3A_317, %get3A_523 : vector<16xf32>
        %add3A_525 = arith.addf %add3A_515, %mul3A_524 : vector<16xf32>
        %swap3A_526 = arith.constant 0 : i32
        %swap3A_527 = arith.index_cast %swap3A_526 : i32 to index
        %swap3A_528 = arith.index_cast %scan3A_261 : i32 to index
        %swap3A_529 = arith.constant 80 : index
        %swap3A_530 = tpu.vector_load %arg9[%swap3A_527, %swap3A_528, %swap3A_529] {strides = array<i32>} : memref<2x32x256xf32, #tpu.memory_space<vmem>>, vector<1x1x16xf32>,
        %swap3A_531 = vector.shape_cast %swap3A_530 : vector<1x1x16xf32> to vector<16xf32>
        %swap3A_532 = vector.shape_cast %add3A_525 : vector<16xf32> to vector<1x1x16xf32>
        tpu.vector_store %arg9[%swap3A_527, %swap3A_528, %swap3A_529], %swap3A_532 {strides = array<i32>} : memref<2x32x256xf32, #tpu.memory_space<vmem>>, vector<1x1x16xf32>,
        %get3A_533 = arith.constant 0 : i32
        %get3A_534 = arith.constant 0 : i32
        %get3A_535 = arith.index_cast %get3A_533 : i32 to index
        %get3A_536 = arith.index_cast %get3A_534 : i32 to index
        %get3A_537 = arith.index_cast %scan3A_261 : i32 to index
        %get3A_538 = arith.constant 96 : index
        %get3A_539 = tpu.vector_load %arg8[%get3A_535, %get3A_536, %get3A_537, %get3A_538] {strides = array<i32>} : memref<2x3x32x256xf32, #tpu.memory_space<vmem>>, vector<1x1x1x16xf32>,
        %get3A_540 = vector.shape_cast %get3A_539 : vector<1x1x1x16xf32> to vector<16xf32>
        %mul3A_541 = arith.mulf %gather3A_301, %get3A_540 : vector<16xf32>
        %get3A_542 = arith.constant 0 : i32
        %get3A_543 = arith.constant 1 : i32
        %get3A_544 = arith.index_cast %get3A_542 : i32 to index
        %get3A_545 = arith.index_cast %get3A_543 : i32 to index
        %get3A_546 = arith.index_cast %scan3A_261 : i32 to index
        %get3A_547 = arith.constant 96 : index
        %get3A_548 = tpu.vector_load %arg8[%get3A_544, %get3A_545, %get3A_546, %get3A_547] {strides = array<i32>} : memref<2x3x32x256xf32, #tpu.memory_space<vmem>>, vector<1x1x1x16xf32>,
        %get3A_549 = vector.shape_cast %get3A_548 : vector<1x1x1x16xf32> to vector<16xf32>
        %mul3A_550 = arith.mulf %gather3A_309, %get3A_549 : vector<16xf32>
        %add3A_551 = arith.addf %mul3A_541, %mul3A_550 : vector<16xf32>
        %get3A_552 = arith.constant 0 : i32
        %get3A_553 = arith.constant 2 : i32
        %get3A_554 = arith.index_cast %get3A_552 : i32 to index
        %get3A_555 = arith.index_cast %get3A_553 : i32 to index
        %get3A_556 = arith.index_cast %scan3A_261 : i32 to index
        %get3A_557 = arith.constant 96 : index
        %get3A_558 = tpu.vector_load %arg8[%get3A_554, %get3A_555, %get3A_556, %get3A_557] {strides = array<i32>} : memref<2x3x32x256xf32, #tpu.memory_space<vmem>>, vector<1x1x1x16xf32>,
        %get3A_559 = vector.shape_cast %get3A_558 : vector<1x1x1x16xf32> to vector<16xf32>
        %mul3A_560 = arith.mulf %gather3A_317, %get3A_559 : vector<16xf32>
        %add3A_561 = arith.addf %add3A_551, %mul3A_560 : vector<16xf32>
        %swap3A_562 = arith.constant 0 : i32
        %swap3A_563 = arith.index_cast %swap3A_562 : i32 to index
        %swap3A_564 = arith.index_cast %scan3A_261 : i32 to index
        %swap3A_565 = arith.constant 96 : index
        %swap3A_566 = tpu.vector_load %arg9[%swap3A_563, %swap3A_564, %swap3A_565] {strides = array<i32>} : memref<2x32x256xf32, #tpu.memory_space<vmem>>, vector<1x1x16xf32>,
        %swap3A_567 = vector.shape_cast %swap3A_566 : vector<1x1x16xf32> to vector<16xf32>
        %swap3A_568 = vector.shape_cast %add3A_561 : vector<16xf32> to vector<1x1x16xf32>
        tpu.vector_store %arg9[%swap3A_563, %swap3A_564, %swap3A_565], %swap3A_568 {strides = array<i32>} : memref<2x32x256xf32, #tpu.memory_space<vmem>>, vector<1x1x16xf32>,
        %get3A_569 = arith.constant 0 : i32
        %get3A_570 = arith.constant 0 : i32
        %get3A_571 = arith.index_cast %get3A_569 : i32 to index
        %get3A_572 = arith.index_cast %get3A_570 : i32 to index
        %get3A_573 = arith.index_cast %scan3A_261 : i32 to index
        %get3A_574 = arith.constant 112 : index
        %get3A_575 = tpu.vector_load %arg8[%get3A_571, %get3A_572, %get3A_573, %get3A_574] {strides = array<i32>} : memref<2x3x32x256xf32, #tpu.memory_space<vmem>>, vector<1x1x1x16xf32>,
        %get3A_576 = vector.shape_cast %get3A_575 : vector<1x1x1x16xf32> to vector<16xf32>
        %mul3A_577 = arith.mulf %gather3A_301, %get3A_576 : vector<16xf32>
        %get3A_578 = arith.constant 0 : i32
        %get3A_579 = arith.constant 1 : i32
        %get3A_580 = arith.index_cast %get3A_578 : i32 to index
        %get3A_581 = arith.index_cast %get3A_579 : i32 to index
        %get3A_582 = arith.index_cast %scan3A_261 : i32 to index
        %get3A_583 = arith.constant 112 : index
        %get3A_584 = tpu.vector_load %arg8[%get3A_580, %get3A_581, %get3A_582, %get3A_583] {strides = array<i32>} : memref<2x3x32x256xf32, #tpu.memory_space<vmem>>, vector<1x1x1x16xf32>,
        %get3A_585 = vector.shape_cast %get3A_584 : vector<1x1x1x16xf32> to vector<16xf32>
        %mul3A_586 = arith.mulf %gather3A_309, %get3A_585 : vector<16xf32>
        %add3A_587 = arith.addf %mul3A_577, %mul3A_586 : vector<16xf32>
        %get3A_588 = arith.constant 0 : i32
        %get3A_589 = arith.constant 2 : i32
        %get3A_590 = arith.index_cast %get3A_588 : i32 to index
        %get3A_591 = arith.index_cast %get3A_589 : i32 to index
        %get3A_592 = arith.index_cast %scan3A_261 : i32 to index
        %get3A_593 = arith.constant 112 : index
        %get3A_594 = tpu.vector_load %arg8[%get3A_590, %get3A_591, %get3A_592, %get3A_593] {strides = array<i32>} : memref<2x3x32x256xf32, #tpu.memory_space<vmem>>, vector<1x1x1x16xf32>,
        %get3A_595 = vector.shape_cast %get3A_594 : vector<1x1x1x16xf32> to vector<16xf32>
        %mul3A_596 = arith.mulf %gather3A_317, %get3A_595 : vector<16xf32>
        %add3A_597 = arith.addf %add3A_587, %mul3A_596 : vector<16xf32>
        %swap3A_598 = arith.constant 0 : i32
        %swap3A_599 = arith.index_cast %swap3A_598 : i32 to index
        %swap3A_600 = arith.index_cast %scan3A_261 : i32 to index
        %swap3A_601 = arith.constant 112 : index
        %swap3A_602 = tpu.vector_load %arg9[%swap3A_599, %swap3A_600, %swap3A_601] {strides = array<i32>} : memref<2x32x256xf32, #tpu.memory_space<vmem>>, vector<1x1x16xf32>,
        %swap3A_603 = vector.shape_cast %swap3A_602 : vector<1x1x16xf32> to vector<16xf32>
        %swap3A_604 = vector.shape_cast %add3A_597 : vector<16xf32> to vector<1x1x16xf32>
        tpu.vector_store %arg9[%swap3A_599, %swap3A_600, %swap3A_601], %swap3A_604 {strides = array<i32>} : memref<2x32x256xf32, #tpu.memory_space<vmem>>, vector<1x1x16xf32>,
        %get3A_605 = arith.constant 0 : i32
        %get3A_606 = arith.constant 0 : i32
        %get3A_607 = arith.index_cast %get3A_605 : i32 to index
        %get3A_608 = arith.index_cast %get3A_606 : i32 to index
        %get3A_609 = arith.index_cast %scan3A_261 : i32 to index
        %get3A_610 = arith.constant 128 : index
        %get3A_611 = tpu.vector_load %arg8[%get3A_607, %get3A_608, %get3A_609, %get3A_610] {strides = array<i32>} : memref<2x3x32x256xf32, #tpu.memory_space<vmem>>, vector<1x1x1x16xf32>,
        %get3A_612 = vector.shape_cast %get3A_611 : vector<1x1x1x16xf32> to vector<16xf32>
        %mul3A_613 = arith.mulf %gather3A_301, %get3A_612 : vector<16xf32>
        %get3A_614 = arith.constant 0 : i32
        %get3A_615 = arith.constant 1 : i32
        %get3A_616 = arith.index_cast %get3A_614 : i32 to index
        %get3A_617 = arith.index_cast %get3A_615 : i32 to index
        %get3A_618 = arith.index_cast %scan3A_261 : i32 to index
        %get3A_619 = arith.constant 128 : index
        %get3A_620 = tpu.vector_load %arg8[%get3A_616, %get3A_617, %get3A_618, %get3A_619] {strides = array<i32>} : memref<2x3x32x256xf32, #tpu.memory_space<vmem>>, vector<1x1x1x16xf32>,
        %get3A_621 = vector.shape_cast %get3A_620 : vector<1x1x1x16xf32> to vector<16xf32>
        %mul3A_622 = arith.mulf %gather3A_309, %get3A_621 : vector<16xf32>
        %add3A_623 = arith.addf %mul3A_613, %mul3A_622 : vector<16xf32>
        %get3A_624 = arith.constant 0 : i32
        %get3A_625 = arith.constant 2 : i32
        %get3A_626 = arith.index_cast %get3A_624 : i32 to index
        %get3A_627 = arith.index_cast %get3A_625 : i32 to index
        %get3A_628 = arith.index_cast %scan3A_261 : i32 to index
        %get3A_629 = arith.constant 128 : index
        %get3A_630 = tpu.vector_load %arg8[%get3A_626, %get3A_627, %get3A_628, %get3A_629] {strides = array<i32>} : memref<2x3x32x256xf32, #tpu.memory_space<vmem>>, vector<1x1x1x16xf32>,
        %get3A_631 = vector.shape_cast %get3A_630 : vector<1x1x1x16xf32> to vector<16xf32>
        %mul3A_632 = arith.mulf %gather3A_317, %get3A_631 : vector<16xf32>
        %add3A_633 = arith.addf %add3A_623, %mul3A_632 : vector<16xf32>
        %swap3A_634 = arith.constant 0 : i32
        %swap3A_635 = arith.index_cast %swap3A_634 : i32 to index
        %swap3A_636 = arith.index_cast %scan3A_261 : i32 to index
        %swap3A_637 = arith.constant 128 : index
        %swap3A_638 = tpu.vector_load %arg9[%swap3A_635, %swap3A_636, %swap3A_637] {strides = array<i32>} : memref<2x32x256xf32, #tpu.memory_space<vmem>>, vector<1x1x16xf32>,
        %swap3A_639 = vector.shape_cast %swap3A_638 : vector<1x1x16xf32> to vector<16xf32>
        %swap3A_640 = vector.shape_cast %add3A_633 : vector<16xf32> to vector<1x1x16xf32>
        tpu.vector_store %arg9[%swap3A_635, %swap3A_636, %swap3A_637], %swap3A_640 {strides = array<i32>} : memref<2x32x256xf32, #tpu.memory_space<vmem>>, vector<1x1x16xf32>,
        %get3A_641 = arith.constant 0 : i32
        %get3A_642 = arith.constant 0 : i32
        %get3A_643 = arith.index_cast %get3A_641 : i32 to index
        %get3A_644 = arith.index_cast %get3A_642 : i32 to index
        %get3A_645 = arith.index_cast %scan3A_261 : i32 to index
        %get3A_646 = arith.constant 144 : index
        %get3A_647 = tpu.vector_load %arg8[%get3A_643, %get3A_644, %get3A_645, %get3A_646] {strides = array<i32>} : memref<2x3x32x256xf32, #tpu.memory_space<vmem>>, vector<1x1x1x16xf32>,
        %get3A_648 = vector.shape_cast %get3A_647 : vector<1x1x1x16xf32> to vector<16xf32>
        %mul3A_649 = arith.mulf %gather3A_301, %get3A_648 : vector<16xf32>
        %get3A_650 = arith.constant 0 : i32
        %get3A_651 = arith.constant 1 : i32
        %get3A_652 = arith.index_cast %get3A_650 : i32 to index
        %get3A_653 = arith.index_cast %get3A_651 : i32 to index
        %get3A_654 = arith.index_cast %scan3A_261 : i32 to index
        %get3A_655 = arith.constant 144 : index
        %get3A_656 = tpu.vector_load %arg8[%get3A_652, %get3A_653, %get3A_654, %get3A_655] {strides = array<i32>} : memref<2x3x32x256xf32, #tpu.memory_space<vmem>>, vector<1x1x1x16xf32>,
        %get3A_657 = vector.shape_cast %get3A_656 : vector<1x1x1x16xf32> to vector<16xf32>
        %mul3A_658 = arith.mulf %gather3A_309, %get3A_657 : vector<16xf32>
        %add3A_659 = arith.addf %mul3A_649, %mul3A_658 : vector<16xf32>
        %get3A_660 = arith.constant 0 : i32
        %get3A_661 = arith.constant 2 : i32
        %get3A_662 = arith.index_cast %get3A_660 : i32 to index
        %get3A_663 = arith.index_cast %get3A_661 : i32 to index
        %get3A_664 = arith.index_cast %scan3A_261 : i32 to index
        %get3A_665 = arith.constant 144 : index
        %get3A_666 = tpu.vector_load %arg8[%get3A_662, %get3A_663, %get3A_664, %get3A_665] {strides = array<i32>} : memref<2x3x32x256xf32, #tpu.memory_space<vmem>>, vector<1x1x1x16xf32>,
        %get3A_667 = vector.shape_cast %get3A_666 : vector<1x1x1x16xf32> to vector<16xf32>
        %mul3A_668 = arith.mulf %gather3A_317, %get3A_667 : vector<16xf32>
        %add3A_669 = arith.addf %add3A_659, %mul3A_668 : vector<16xf32>
        %swap3A_670 = arith.constant 0 : i32
        %swap3A_671 = arith.index_cast %swap3A_670 : i32 to index
        %swap3A_672 = arith.index_cast %scan3A_261 : i32 to index
        %swap3A_673 = arith.constant 144 : index
        %swap3A_674 = tpu.vector_load %arg9[%swap3A_671, %swap3A_672, %swap3A_673] {strides = array<i32>} : memref<2x32x256xf32, #tpu.memory_space<vmem>>, vector<1x1x16xf32>,
        %swap3A_675 = vector.shape_cast %swap3A_674 : vector<1x1x16xf32> to vector<16xf32>
        %swap3A_676 = vector.shape_cast %add3A_669 : vector<16xf32> to vector<1x1x16xf32>
        tpu.vector_store %arg9[%swap3A_671, %swap3A_672, %swap3A_673], %swap3A_676 {strides = array<i32>} : memref<2x32x256xf32, #tpu.memory_space<vmem>>, vector<1x1x16xf32>,
        %get3A_677 = arith.constant 0 : i32
        %get3A_678 = arith.constant 0 : i32
        %get3A_679 = arith.index_cast %get3A_677 : i32 to index
        %get3A_680 = arith.index_cast %get3A_678 : i32 to index
        %get3A_681 = arith.index_cast %scan3A_261 : i32 to index
        %get3A_682 = arith.constant 160 : index
        %get3A_683 = tpu.vector_load %arg8[%get3A_679, %get3A_680, %get3A_681, %get3A_682] {strides = array<i32>} : memref<2x3x32x256xf32, #tpu.memory_space<vmem>>, vector<1x1x1x16xf32>,
        %get3A_684 = vector.shape_cast %get3A_683 : vector<1x1x1x16xf32> to vector<16xf32>
        %mul3A_685 = arith.mulf %gather3A_301, %get3A_684 : vector<16xf32>
        %get3A_686 = arith.constant 0 : i32
        %get3A_687 = arith.constant 1 : i32
        %get3A_688 = arith.index_cast %get3A_686 : i32 to index
        %get3A_689 = arith.index_cast %get3A_687 : i32 to index
        %get3A_690 = arith.index_cast %scan3A_261 : i32 to index
        %get3A_691 = arith.constant 160 : index
        %get3A_692 = tpu.vector_load %arg8[%get3A_688, %get3A_689, %get3A_690, %get3A_691] {strides = array<i32>} : memref<2x3x32x256xf32, #tpu.memory_space<vmem>>, vector<1x1x1x16xf32>,
        %get3A_693 = vector.shape_cast %get3A_692 : vector<1x1x1x16xf32> to vector<16xf32>
        %mul3A_694 = arith.mulf %gather3A_309, %get3A_693 : vector<16xf32>
        %add3A_695 = arith.addf %mul3A_685, %mul3A_694 : vector<16xf32>
        %get3A_696 = arith.constant 0 : i32
        %get3A_697 = arith.constant 2 : i32
        %get3A_698 = arith.index_cast %get3A_696 : i32 to index
        %get3A_699 = arith.index_cast %get3A_697 : i32 to index
        %get3A_700 = arith.index_cast %scan3A_261 : i32 to index
        %get3A_701 = arith.constant 160 : index
        %get3A_702 = tpu.vector_load %arg8[%get3A_698, %get3A_699, %get3A_700, %get3A_701] {strides = array<i32>} : memref<2x3x32x256xf32, #tpu.memory_space<vmem>>, vector<1x1x1x16xf32>,
        %get3A_703 = vector.shape_cast %get3A_702 : vector<1x1x1x16xf32> to vector<16xf32>
        %mul3A_704 = arith.mulf %gather3A_317, %get3A_703 : vector<16xf32>
        %add3A_705 = arith.addf %add3A_695, %mul3A_704 : vector<16xf32>
        %swap3A_706 = arith.constant 0 : i32
        %swap3A_707 = arith.index_cast %swap3A_706 : i32 to index
        %swap3A_708 = arith.index_cast %scan3A_261 : i32 to index
        %swap3A_709 = arith.constant 160 : index
        %swap3A_710 = tpu.vector_load %arg9[%swap3A_707, %swap3A_708, %swap3A_709] {strides = array<i32>} : memref<2x32x256xf32, #tpu.memory_space<vmem>>, vector<1x1x16xf32>,
        %swap3A_711 = vector.shape_cast %swap3A_710 : vector<1x1x16xf32> to vector<16xf32>
        %swap3A_712 = vector.shape_cast %add3A_705 : vector<16xf32> to vector<1x1x16xf32>
        tpu.vector_store %arg9[%swap3A_707, %swap3A_708, %swap3A_709], %swap3A_712 {strides = array<i32>} : memref<2x32x256xf32, #tpu.memory_space<vmem>>, vector<1x1x16xf32>,
        %get3A_713 = arith.constant 0 : i32
        %get3A_714 = arith.constant 0 : i32
        %get3A_715 = arith.index_cast %get3A_713 : i32 to index
        %get3A_716 = arith.index_cast %get3A_714 : i32 to index
        %get3A_717 = arith.index_cast %scan3A_261 : i32 to index
        %get3A_718 = arith.constant 176 : index
        %get3A_719 = tpu.vector_load %arg8[%get3A_715, %get3A_716, %get3A_717, %get3A_718] {strides = array<i32>} : memref<2x3x32x256xf32, #tpu.memory_space<vmem>>, vector<1x1x1x16xf32>,
        %get3A_720 = vector.shape_cast %get3A_719 : vector<1x1x1x16xf32> to vector<16xf32>
        %mul3A_721 = arith.mulf %gather3A_301, %get3A_720 : vector<16xf32>
        %get3A_722 = arith.constant 0 : i32
        %get3A_723 = arith.constant 1 : i32
        %get3A_724 = arith.index_cast %get3A_722 : i32 to index
        %get3A_725 = arith.index_cast %get3A_723 : i32 to index
        %get3A_726 = arith.index_cast %scan3A_261 : i32 to index
        %get3A_727 = arith.constant 176 : index
        %get3A_728 = tpu.vector_load %arg8[%get3A_724, %get3A_725, %get3A_726, %get3A_727] {strides = array<i32>} : memref<2x3x32x256xf32, #tpu.memory_space<vmem>>, vector<1x1x1x16xf32>,
        %get3A_729 = vector.shape_cast %get3A_728 : vector<1x1x1x16xf32> to vector<16xf32>
        %mul3A_730 = arith.mulf %gather3A_309, %get3A_729 : vector<16xf32>
        %add3A_731 = arith.addf %mul3A_721, %mul3A_730 : vector<16xf32>
        %get3A_732 = arith.constant 0 : i32
        %get3A_733 = arith.constant 2 : i32
        %get3A_734 = arith.index_cast %get3A_732 : i32 to index
        %get3A_735 = arith.index_cast %get3A_733 : i32 to index
        %get3A_736 = arith.index_cast %scan3A_261 : i32 to index
        %get3A_737 = arith.constant 176 : index
        %get3A_738 = tpu.vector_load %arg8[%get3A_734, %get3A_735, %get3A_736, %get3A_737] {strides = array<i32>} : memref<2x3x32x256xf32, #tpu.memory_space<vmem>>, vector<1x1x1x16xf32>,
        %get3A_739 = vector.shape_cast %get3A_738 : vector<1x1x1x16xf32> to vector<16xf32>
        %mul3A_740 = arith.mulf %gather3A_317, %get3A_739 : vector<16xf32>
        %add3A_741 = arith.addf %add3A_731, %mul3A_740 : vector<16xf32>
        %swap3A_742 = arith.constant 0 : i32
        %swap3A_743 = arith.index_cast %swap3A_742 : i32 to index
        %swap3A_744 = arith.index_cast %scan3A_261 : i32 to index
        %swap3A_745 = arith.constant 176 : index
        %swap3A_746 = tpu.vector_load %arg9[%swap3A_743, %swap3A_744, %swap3A_745] {strides = array<i32>} : memref<2x32x256xf32, #tpu.memory_space<vmem>>, vector<1x1x16xf32>,
        %swap3A_747 = vector.shape_cast %swap3A_746 : vector<1x1x16xf32> to vector<16xf32>
        %swap3A_748 = vector.shape_cast %add3A_741 : vector<16xf32> to vector<1x1x16xf32>
        tpu.vector_store %arg9[%swap3A_743, %swap3A_744, %swap3A_745], %swap3A_748 {strides = array<i32>} : memref<2x32x256xf32, #tpu.memory_space<vmem>>, vector<1x1x16xf32>,
        %get3A_749 = arith.constant 0 : i32
        %get3A_750 = arith.constant 0 : i32
        %get3A_751 = arith.index_cast %get3A_749 : i32 to index
        %get3A_752 = arith.index_cast %get3A_750 : i32 to index
        %get3A_753 = arith.index_cast %scan3A_261 : i32 to index
        %get3A_754 = arith.constant 192 : index
        %get3A_755 = tpu.vector_load %arg8[%get3A_751, %get3A_752, %get3A_753, %get3A_754] {strides = array<i32>} : memref<2x3x32x256xf32, #tpu.memory_space<vmem>>, vector<1x1x1x16xf32>,
        %get3A_756 = vector.shape_cast %get3A_755 : vector<1x1x1x16xf32> to vector<16xf32>
        %mul3A_757 = arith.mulf %gather3A_301, %get3A_756 : vector<16xf32>
        %get3A_758 = arith.constant 0 : i32
        %get3A_759 = arith.constant 1 : i32
        %get3A_760 = arith.index_cast %get3A_758 : i32 to index
        %get3A_761 = arith.index_cast %get3A_759 : i32 to index
        %get3A_762 = arith.index_cast %scan3A_261 : i32 to index
        %get3A_763 = arith.constant 192 : index
        %get3A_764 = tpu.vector_load %arg8[%get3A_760, %get3A_761, %get3A_762, %get3A_763] {strides = array<i32>} : memref<2x3x32x256xf32, #tpu.memory_space<vmem>>, vector<1x1x1x16xf32>,
        %get3A_765 = vector.shape_cast %get3A_764 : vector<1x1x1x16xf32> to vector<16xf32>
        %mul3A_766 = arith.mulf %gather3A_309, %get3A_765 : vector<16xf32>
        %add3A_767 = arith.addf %mul3A_757, %mul3A_766 : vector<16xf32>
        %get3A_768 = arith.constant 0 : i32
        %get3A_769 = arith.constant 2 : i32
        %get3A_770 = arith.index_cast %get3A_768 : i32 to index
        %get3A_771 = arith.index_cast %get3A_769 : i32 to index
        %get3A_772 = arith.index_cast %scan3A_261 : i32 to index
        %get3A_773 = arith.constant 192 : index
        %get3A_774 = tpu.vector_load %arg8[%get3A_770, %get3A_771, %get3A_772, %get3A_773] {strides = array<i32>} : memref<2x3x32x256xf32, #tpu.memory_space<vmem>>, vector<1x1x1x16xf32>,
        %get3A_775 = vector.shape_cast %get3A_774 : vector<1x1x1x16xf32> to vector<16xf32>
        %mul3A_776 = arith.mulf %gather3A_317, %get3A_775 : vector<16xf32>
        %add3A_777 = arith.addf %add3A_767, %mul3A_776 : vector<16xf32>
        %swap3A_778 = arith.constant 0 : i32
        %swap3A_779 = arith.index_cast %swap3A_778 : i32 to index
        %swap3A_780 = arith.index_cast %scan3A_261 : i32 to index
        %swap3A_781 = arith.constant 192 : index
        %swap3A_782 = tpu.vector_load %arg9[%swap3A_779, %swap3A_780, %swap3A_781] {strides = array<i32>} : memref<2x32x256xf32, #tpu.memory_space<vmem>>, vector<1x1x16xf32>,
        %swap3A_783 = vector.shape_cast %swap3A_782 : vector<1x1x16xf32> to vector<16xf32>
        %swap3A_784 = vector.shape_cast %add3A_777 : vector<16xf32> to vector<1x1x16xf32>
        tpu.vector_store %arg9[%swap3A_779, %swap3A_780, %swap3A_781], %swap3A_784 {strides = array<i32>} : memref<2x32x256xf32, #tpu.memory_space<vmem>>, vector<1x1x16xf32>,
        %get3A_785 = arith.constant 0 : i32
        %get3A_786 = arith.constant 0 : i32
        %get3A_787 = arith.index_cast %get3A_785 : i32 to index
        %get3A_788 = arith.index_cast %get3A_786 : i32 to index
        %get3A_789 = arith.index_cast %scan3A_261 : i32 to index
        %get3A_790 = arith.constant 208 : index
        %get3A_791 = tpu.vector_load %arg8[%get3A_787, %get3A_788, %get3A_789, %get3A_790] {strides = array<i32>} : memref<2x3x32x256xf32, #tpu.memory_space<vmem>>, vector<1x1x1x16xf32>,
        %get3A_792 = vector.shape_cast %get3A_791 : vector<1x1x1x16xf32> to vector<16xf32>
        %mul3A_793 = arith.mulf %gather3A_301, %get3A_792 : vector<16xf32>
        %get3A_794 = arith.constant 0 : i32
        %get3A_795 = arith.constant 1 : i32
        %get3A_796 = arith.index_cast %get3A_794 : i32 to index
        %get3A_797 = arith.index_cast %get3A_795 : i32 to index
        %get3A_798 = arith.index_cast %scan3A_261 : i32 to index
        %get3A_799 = arith.constant 208 : index
        %get3A_800 = tpu.vector_load %arg8[%get3A_796, %get3A_797, %get3A_798, %get3A_799] {strides = array<i32>} : memref<2x3x32x256xf32, #tpu.memory_space<vmem>>, vector<1x1x1x16xf32>,
        %get3A_801 = vector.shape_cast %get3A_800 : vector<1x1x1x16xf32> to vector<16xf32>
        %mul3A_802 = arith.mulf %gather3A_309, %get3A_801 : vector<16xf32>
        %add3A_803 = arith.addf %mul3A_793, %mul3A_802 : vector<16xf32>
        %get3A_804 = arith.constant 0 : i32
        %get3A_805 = arith.constant 2 : i32
        %get3A_806 = arith.index_cast %get3A_804 : i32 to index
        %get3A_807 = arith.index_cast %get3A_805 : i32 to index
        %get3A_808 = arith.index_cast %scan3A_261 : i32 to index
        %get3A_809 = arith.constant 208 : index
        %get3A_810 = tpu.vector_load %arg8[%get3A_806, %get3A_807, %get3A_808, %get3A_809] {strides = array<i32>} : memref<2x3x32x256xf32, #tpu.memory_space<vmem>>, vector<1x1x1x16xf32>,
        %get3A_811 = vector.shape_cast %get3A_810 : vector<1x1x1x16xf32> to vector<16xf32>
        %mul3A_812 = arith.mulf %gather3A_317, %get3A_811 : vector<16xf32>
        %add3A_813 = arith.addf %add3A_803, %mul3A_812 : vector<16xf32>
        %swap3A_814 = arith.constant 0 : i32
        %swap3A_815 = arith.index_cast %swap3A_814 : i32 to index
        %swap3A_816 = arith.index_cast %scan3A_261 : i32 to index
        %swap3A_817 = arith.constant 208 : index
        %swap3A_818 = tpu.vector_load %arg9[%swap3A_815, %swap3A_816, %swap3A_817] {strides = array<i32>} : memref<2x32x256xf32, #tpu.memory_space<vmem>>, vector<1x1x16xf32>,
        %swap3A_819 = vector.shape_cast %swap3A_818 : vector<1x1x16xf32> to vector<16xf32>
        %swap3A_820 = vector.shape_cast %add3A_813 : vector<16xf32> to vector<1x1x16xf32>
        tpu.vector_store %arg9[%swap3A_815, %swap3A_816, %swap3A_817], %swap3A_820 {strides = array<i32>} : memref<2x32x256xf32, #tpu.memory_space<vmem>>, vector<1x1x16xf32>,
        %get3A_821 = arith.constant 0 : i32
        %get3A_822 = arith.constant 0 : i32
        %get3A_823 = arith.index_cast %get3A_821 : i32 to index
        %get3A_824 = arith.index_cast %get3A_822 : i32 to index
        %get3A_825 = arith.index_cast %scan3A_261 : i32 to index
        %get3A_826 = arith.constant 224 : index
        %get3A_827 = tpu.vector_load %arg8[%get3A_823, %get3A_824, %get3A_825, %get3A_826] {strides = array<i32>} : memref<2x3x32x256xf32, #tpu.memory_space<vmem>>, vector<1x1x1x16xf32>,
        %get3A_828 = vector.shape_cast %get3A_827 : vector<1x1x1x16xf32> to vector<16xf32>
        %mul3A_829 = arith.mulf %gather3A_301, %get3A_828 : vector<16xf32>
        %get3A_830 = arith.constant 0 : i32
        %get3A_831 = arith.constant 1 : i32
        %get3A_832 = arith.index_cast %get3A_830 : i32 to index
        %get3A_833 = arith.index_cast %get3A_831 : i32 to index
        %get3A_834 = arith.index_cast %scan3A_261 : i32 to index
        %get3A_835 = arith.constant 224 : index
        %get3A_836 = tpu.vector_load %arg8[%get3A_832, %get3A_833, %get3A_834, %get3A_835] {strides = array<i32>} : memref<2x3x32x256xf32, #tpu.memory_space<vmem>>, vector<1x1x1x16xf32>,
        %get3A_837 = vector.shape_cast %get3A_836 : vector<1x1x1x16xf32> to vector<16xf32>
        %mul3A_838 = arith.mulf %gather3A_309, %get3A_837 : vector<16xf32>
        %add3A_839 = arith.addf %mul3A_829, %mul3A_838 : vector<16xf32>
        %get3A_840 = arith.constant 0 : i32
        %get3A_841 = arith.constant 2 : i32
        %get3A_842 = arith.index_cast %get3A_840 : i32 to index
        %get3A_843 = arith.index_cast %get3A_841 : i32 to index
        %get3A_844 = arith.index_cast %scan3A_261 : i32 to index
        %get3A_845 = arith.constant 224 : index
        %get3A_846 = tpu.vector_load %arg8[%get3A_842, %get3A_843, %get3A_844, %get3A_845] {strides = array<i32>} : memref<2x3x32x256xf32, #tpu.memory_space<vmem>>, vector<1x1x1x16xf32>,
        %get3A_847 = vector.shape_cast %get3A_846 : vector<1x1x1x16xf32> to vector<16xf32>
        %mul3A_848 = arith.mulf %gather3A_317, %get3A_847 : vector<16xf32>
        %add3A_849 = arith.addf %add3A_839, %mul3A_848 : vector<16xf32>
        %swap3A_850 = arith.constant 0 : i32
        %swap3A_851 = arith.index_cast %swap3A_850 : i32 to index
        %swap3A_852 = arith.index_cast %scan3A_261 : i32 to index
        %swap3A_853 = arith.constant 224 : index
        %swap3A_854 = tpu.vector_load %arg9[%swap3A_851, %swap3A_852, %swap3A_853] {strides = array<i32>} : memref<2x32x256xf32, #tpu.memory_space<vmem>>, vector<1x1x16xf32>,
        %swap3A_855 = vector.shape_cast %swap3A_854 : vector<1x1x16xf32> to vector<16xf32>
        %swap3A_856 = vector.shape_cast %add3A_849 : vector<16xf32> to vector<1x1x16xf32>
        tpu.vector_store %arg9[%swap3A_851, %swap3A_852, %swap3A_853], %swap3A_856 {strides = array<i32>} : memref<2x32x256xf32, #tpu.memory_space<vmem>>, vector<1x1x16xf32>,
        %get3A_857 = arith.constant 0 : i32
        %get3A_858 = arith.constant 0 : i32
        %get3A_859 = arith.index_cast %get3A_857 : i32 to index
        %get3A_860 = arith.index_cast %get3A_858 : i32 to index
        %get3A_861 = arith.index_cast %scan3A_261 : i32 to index
        %get3A_862 = arith.constant 240 : index
        %get3A_863 = tpu.vector_load %arg8[%get3A_859, %get3A_860, %get3A_861, %get3A_862] {strides = array<i32>} : memref<2x3x32x256xf32, #tpu.memory_space<vmem>>, vector<1x1x1x16xf32>,
        %get3A_864 = vector.shape_cast %get3A_863 : vector<1x1x1x16xf32> to vector<16xf32>
        %mul3A_865 = arith.mulf %gather3A_301, %get3A_864 : vector<16xf32>
        %get3A_866 = arith.constant 0 : i32
        %get3A_867 = arith.constant 1 : i32
        %get3A_868 = arith.index_cast %get3A_866 : i32 to index
        %get3A_869 = arith.index_cast %get3A_867 : i32 to index
        %get3A_870 = arith.index_cast %scan3A_261 : i32 to index
        %get3A_871 = arith.constant 240 : index
        %get3A_872 = tpu.vector_load %arg8[%get3A_868, %get3A_869, %get3A_870, %get3A_871] {strides = array<i32>} : memref<2x3x32x256xf32, #tpu.memory_space<vmem>>, vector<1x1x1x16xf32>,
        %get3A_873 = vector.shape_cast %get3A_872 : vector<1x1x1x16xf32> to vector<16xf32>
        %mul3A_874 = arith.mulf %gather3A_309, %get3A_873 : vector<16xf32>
        %add3A_875 = arith.addf %mul3A_865, %mul3A_874 : vector<16xf32>
        %get3A_876 = arith.constant 0 : i32
        %get3A_877 = arith.constant 2 : i32
        %get3A_878 = arith.index_cast %get3A_876 : i32 to index
        %get3A_879 = arith.index_cast %get3A_877 : i32 to index
        %get3A_880 = arith.index_cast %scan3A_261 : i32 to index
        %get3A_881 = arith.constant 240 : index
        %get3A_882 = tpu.vector_load %arg8[%get3A_878, %get3A_879, %get3A_880, %get3A_881] {strides = array<i32>} : memref<2x3x32x256xf32, #tpu.memory_space<vmem>>, vector<1x1x1x16xf32>,
        %get3A_883 = vector.shape_cast %get3A_882 : vector<1x1x1x16xf32> to vector<16xf32>
        %mul3A_884 = arith.mulf %gather3A_317, %get3A_883 : vector<16xf32>
        %add3A_885 = arith.addf %add3A_875, %mul3A_884 : vector<16xf32>
        %swap3A_886 = arith.constant 0 : i32
        %swap3A_887 = arith.index_cast %swap3A_886 : i32 to index
        %swap3A_888 = arith.index_cast %scan3A_261 : i32 to index
        %swap3A_889 = arith.constant 240 : index
        %swap3A_890 = tpu.vector_load %arg9[%swap3A_887, %swap3A_888, %swap3A_889] {strides = array<i32>} : memref<2x32x256xf32, #tpu.memory_space<vmem>>, vector<1x1x16xf32>,
        %swap3A_891 = vector.shape_cast %swap3A_890 : vector<1x1x16xf32> to vector<16xf32>
        %swap3A_892 = vector.shape_cast %add3A_885 : vector<16xf32> to vector<1x1x16xf32>
        tpu.vector_store %arg9[%swap3A_887, %swap3A_888, %swap3A_889], %swap3A_892 {strides = array<i32>} : memref<2x32x256xf32, #tpu.memory_space<vmem>>, vector<1x1x16xf32>,
      }
      %scan3A_166 = arith.constant 32 : i32
      %mul3A_167 = arith.constant 32 : i32
      %mul3A_168 = arith.muli %mul3A_76, %mul3A_167 : i32
      %add3A_169 = arith.addi %mul3A_2, %mul3A_168 : i32
      %dma_start3A_170 = arith.constant 0 : i32
      %dma_start3A_171 = arith.constant 0 : i32
      %dma_start3A_172 = arith.constant 0 : i32
      %dma_start3A_173 = tpu.memref_slice %arg9[%dma_start3A_170, %dma_start3A_171, %dma_start3A_172] : memref<2x32x256xf32, #tpu.memory_space<vmem>> -> memref<1x32x256xf32, #tpu.memory_space<vmem>>
      %dma_start3A_174 = tpu.memref_squeeze %dma_start3A_173 : memref<1x32x256xf32, #tpu.memory_space<vmem>> -> memref<32x256xf32, #tpu.memory_space<vmem>>
      %dma_start3A_175 = arith.constant 0 : i32
      %dma_start3A_176 = tpu.memref_slice %arg5[%add3A_169, %dma_start3A_175] : memref<16384x256xf32, #tpu.memory_space<hbm>> -> memref<32x256xf32, #tpu.memory_space<hbm>>
      %dma_start3A_177 = arith.constant 0 : i32
      %dma_start3A_178 = tpu.memref_slice %arg5[%add3A_169, %dma_start3A_177] : memref<16384x256xf32, #tpu.memory_space<hbm>> -> memref<32x256xf32, #tpu.memory_space<hbm>>
      %dma_start3A_179 = arith.constant 0 : i32
      %dma_start3A_180 = arith.constant 0 : i32
      %dma_start3A_181 = tpu.memref_slice %arg9[%dma_start3A_170, %dma_start3A_179, %dma_start3A_180] : memref<2x32x256xf32, #tpu.memory_space<vmem>> -> memref<1x32x256xf32, #tpu.memory_space<vmem>>
      %dma_start3A_182 = tpu.memref_squeeze %dma_start3A_181 : memref<1x32x256xf32, #tpu.memory_space<vmem>> -> memref<32x256xf32, #tpu.memory_space<vmem>>
      tpu.enqueue_dma source(%dma_start3A_182 : memref<32x256xf32, #tpu.memory_space<vmem>>) target(%dma_start3A_178 : memref<32x256xf32, #tpu.memory_space<hbm>>) target_semaphore(%arg12 : memref<!tpu.dma_semaphore, #tpu.memory_space<semaphore_mem>>)
      %add3A_183 = arith.constant 1 : i32
      %add3A_184 = arith.addi %mul3A_76, %add3A_183 : i32
      %dma_wait3A_185 = arith.constant 0 : i32
      %dma_wait3A_186 = arith.constant 1 : i32
      %dma_wait3A_187 = arith.constant 0 : i32
      %dma_wait3A_188 = arith.constant 0 : i32
      %dma_wait3A_189 = arith.constant 0 : i32
      %dma_wait3A_190 = tpu.memref_slice %arg8[%dma_wait3A_186, %dma_wait3A_187, %dma_wait3A_188, %dma_wait3A_189] : memref<2x3x32x256xf32, #tpu.memory_space<vmem>> -> memref<1x1x32x256xf32, #tpu.memory_space<vmem>>
      %dma_wait3A_191 = tpu.memref_squeeze %dma_wait3A_190 : memref<1x1x32x256xf32, #tpu.memory_space<vmem>> -> memref<32x256xf32, #tpu.memory_space<vmem>>
      %dma_wait3A_192 = arith.constant 0 : i32
      %dma_wait3A_193 = tpu.memref_slice %arg6[%dma_wait3A_185, %add3A_184, %dma_wait3A_192] : memref<8x16x32xi32, #tpu.memory_space<vmem>> -> memref<1x1x32xi32, #tpu.memory_space<vmem>>
      %dma_wait3A_194 = tpu.memref_squeeze %dma_wait3A_193 : memref<1x1x32xi32, #tpu.memory_space<vmem>> -> memref<32xi32, #tpu.memory_space<vmem>>
      %dma_wait3A_195 = arith.constant 0 : i32
      %dma_wait3A_196 = arith.constant 0 : i32
      %dma_wait3A_197 = tpu.memref_slice %arg4[%dma_wait3A_195, %dma_wait3A_196] : memref<8192x256xf32, #tpu.memory_space<hbm>> -> memref<8192x256xf32, #tpu.memory_space<hbm>>
      tpu.wait_indirect_dma semaphore(%arg11 : memref<!tpu.dma_semaphore, #tpu.memory_space<semaphore_mem>>) src(%dma_wait3A_197 : memref<8192x256xf32, #tpu.memory_space<hbm>>) dst(%dma_wait3A_191 : memref<32x256xf32, #tpu.memory_space<vmem>>)
      %dma_wait3A_198 = arith.constant 1 : i32
      %dma_wait3A_199 = arith.constant 1 : i32
      %dma_wait3A_200 = arith.constant 1 : i32
      %dma_wait3A_201 = arith.constant 0 : i32
      %dma_wait3A_202 = arith.constant 0 : i32
      %dma_wait3A_203 = tpu.memref_slice %arg8[%dma_wait3A_199, %dma_wait3A_200, %dma_wait3A_201, %dma_wait3A_202] : memref<2x3x32x256xf32, #tpu.memory_space<vmem>> -> memref<1x1x32x256xf32, #tpu.memory_space<vmem>>
      %dma_wait3A_204 = tpu.memref_squeeze %dma_wait3A_203 : memref<1x1x32x256xf32, #tpu.memory_space<vmem>> -> memref<32x256xf32, #tpu.memory_space<vmem>>
      %dma_wait3A_205 = arith.constant 0 : i32
      %dma_wait3A_206 = tpu.memref_slice %arg6[%dma_wait3A_198, %add3A_184, %dma_wait3A_205] : memref<8x16x32xi32, #tpu.memory_space<vmem>> -> memref<1x1x32xi32, #tpu.memory_space<vmem>>
      %dma_wait3A_207 = tpu.memref_squeeze %dma_wait3A_206 : memref<1x1x32xi32, #tpu.memory_space<vmem>> -> memref<32xi32, #tpu.memory_space<vmem>>
      %dma_wait3A_208 = arith.constant 0 : i32
      %dma_wait3A_209 = arith.constant 0 : i32
      %dma_wait3A_210 = tpu.memref_slice %arg4[%dma_wait3A_208, %dma_wait3A_209] : memref<8192x256xf32, #tpu.memory_space<hbm>> -> memref<8192x256xf32, #tpu.memory_space<hbm>>
      tpu.wait_indirect_dma semaphore(%arg11 : memref<!tpu.dma_semaphore, #tpu.memory_space<semaphore_mem>>) src(%dma_wait3A_210 : memref<8192x256xf32, #tpu.memory_space<hbm>>) dst(%dma_wait3A_204 : memref<32x256xf32, #tpu.memory_space<vmem>>)
      %dma_wait3A_211 = arith.constant 2 : i32
      %dma_wait3A_212 = arith.constant 1 : i32
      %dma_wait3A_213 = arith.constant 2 : i32
      %dma_wait3A_214 = arith.constant 0 : i32
      %dma_wait3A_215 = arith.constant 0 : i32
      %dma_wait3A_216 = tpu.memref_slice %arg8[%dma_wait3A_212, %dma_wait3A_213, %dma_wait3A_214, %dma_wait3A_215] : memref<2x3x32x256xf32, #tpu.memory_space<vmem>> -> memref<1x1x32x256xf32, #tpu.memory_space<vmem>>
      %dma_wait3A_217 = tpu.memref_squeeze %dma_wait3A_216 : memref<1x1x32x256xf32, #tpu.memory_space<vmem>> -> memref<32x256xf32, #tpu.memory_space<vmem>>
      %dma_wait3A_218 = arith.constant 0 : i32
      %dma_wait3A_219 = tpu.memref_slice %arg6[%dma_wait3A_211, %add3A_184, %dma_wait3A_218] : memref<8x16x32xi32, #tpu.memory_space<vmem>> -> memref<1x1x32xi32, #tpu.memory_space<vmem>>
      %dma_wait3A_220 = tpu.memref_squeeze %dma_wait3A_219 : memref<1x1x32xi32, #tpu.memory_space<vmem>> -> memref<32xi32, #tpu.memory_space<vmem>>
      %dma_wait3A_221 = arith.constant 0 : i32
      %dma_wait3A_222 = arith.constant 0 : i32
      %dma_wait3A_223 = tpu.memref_slice %arg4[%dma_wait3A_221, %dma_wait3A_222] : memref<8192x256xf32, #tpu.memory_space<hbm>> -> memref<8192x256xf32, #tpu.memory_space<hbm>>
      tpu.wait_indirect_dma semaphore(%arg11 : memref<!tpu.dma_semaphore, #tpu.memory_space<semaphore_mem>>) src(%dma_wait3A_223 : memref<8192x256xf32, #tpu.memory_space<hbm>>) dst(%dma_wait3A_217 : memref<32x256xf32, #tpu.memory_space<vmem>>)
      %lt3A = arith.constant 7 : i32
      %lt3A_224 = arith.cmpi slt, %scan3A_74, %lt3A : i32
      %convert_element_type3A_225 = arith.extui %lt3A_224 : i1 to i32
      %cond3A_226 = arith.constant 0 : i32
      %cond3A_227 = arith.cmpi ne, %convert_element_type3A_225, %cond3A_226 : i32
      scf.if %cond3A_227 {
        %add3A_261 = arith.constant 2 : i32
        %add3A_262 = arith.addi %mul3A_76, %add3A_261 : i32
        %dma_start3A_263 = arith.constant 0 : i32
        %dma_start3A_264 = arith.constant 0 : i32
        %dma_start3A_265 = arith.constant 0 : i32
        %dma_start3A_266 = arith.constant 0 : i32
        %dma_start3A_267 = arith.constant 0 : i32
        %dma_start3A_268 = tpu.memref_slice %arg8[%dma_start3A_264, %dma_start3A_265, %dma_start3A_266, %dma_start3A_267] : memref<2x3x32x256xf32, #tpu.memory_space<vmem>> -> memref<1x1x32x256xf32, #tpu.memory_space<vmem>>
        %dma_start3A_269 = tpu.memref_squeeze %dma_start3A_268 : memref<1x1x32x256xf32, #tpu.memory_space<vmem>> -> memref<32x256xf32, #tpu.memory_space<vmem>>
        %dma_start3A_270 = arith.constant 0 : i32
        %dma_start3A_271 = tpu.memref_slice %arg6[%dma_start3A_263, %add3A_262, %dma_start3A_270] : memref<8x16x32xi32, #tpu.memory_space<vmem>> -> memref<1x1x32xi32, #tpu.memory_space<vmem>>
        %dma_start3A_272 = tpu.memref_squeeze %dma_start3A_271 : memref<1x1x32xi32, #tpu.memory_space<vmem>> -> memref<32xi32, #tpu.memory_space<vmem>>
        %dma_start3A_273 = arith.constant 0 : i32
        %dma_start3A_274 = arith.constant 0 : i32
        %dma_start3A_275 = tpu.memref_slice %arg4[%dma_start3A_273, %dma_start3A_274] : memref<8192x256xf32, #tpu.memory_space<hbm>> -> memref<8192x256xf32, #tpu.memory_space<hbm>>
        tpu.enqueue_indirect_dma source(%dma_start3A_275 : memref<8192x256xf32, #tpu.memory_space<hbm>>) target(%dma_start3A_269 : memref<32x256xf32, #tpu.memory_space<vmem>>) offsets(%dma_start3A_272 : memref<32xi32, #tpu.memory_space<vmem>>) semaphore(%arg10 : memref<!tpu.dma_semaphore, #tpu.memory_space<semaphore_mem>>)
        %dma_start3A_276 = arith.constant 1 : i32
        %dma_start3A_277 = arith.constant 0 : i32
        %dma_start3A_278 = arith.constant 1 : i32
        %dma_start3A_279 = arith.constant 0 : i32
        %dma_start3A_280 = arith.constant 0 : i32
        %dma_start3A_281 = tpu.memref_slice %arg8[%dma_start3A_277, %dma_start3A_278, %dma_start3A_279, %dma_start3A_280] : memref<2x3x32x256xf32, #tpu.memory_space<vmem>> -> memref<1x1x32x256xf32, #tpu.memory_space<vmem>>
        %dma_start3A_282 = tpu.memref_squeeze %dma_start3A_281 : memref<1x1x32x256xf32, #tpu.memory_space<vmem>> -> memref<32x256xf32, #tpu.memory_space<vmem>>
        %dma_start3A_283 = arith.constant 0 : i32
        %dma_start3A_284 = tpu.memref_slice %arg6[%dma_start3A_276, %add3A_262, %dma_start3A_283] : memref<8x16x32xi32, #tpu.memory_space<vmem>> -> memref<1x1x32xi32, #tpu.memory_space<vmem>>
        %dma_start3A_285 = tpu.memref_squeeze %dma_start3A_284 : memref<1x1x32xi32, #tpu.memory_space<vmem>> -> memref<32xi32, #tpu.memory_space<vmem>>
        %dma_start3A_286 = arith.constant 0 : i32
        %dma_start3A_287 = arith.constant 0 : i32
        %dma_start3A_288 = tpu.memref_slice %arg4[%dma_start3A_286, %dma_start3A_287] : memref<8192x256xf32, #tpu.memory_space<hbm>> -> memref<8192x256xf32, #tpu.memory_space<hbm>>
        tpu.enqueue_indirect_dma source(%dma_start3A_288 : memref<8192x256xf32, #tpu.memory_space<hbm>>) target(%dma_start3A_282 : memref<32x256xf32, #tpu.memory_space<vmem>>) offsets(%dma_start3A_285 : memref<32xi32, #tpu.memory_space<vmem>>) semaphore(%arg10 : memref<!tpu.dma_semaphore, #tpu.memory_space<semaphore_mem>>)
        %dma_start3A_289 = arith.constant 2 : i32
        %dma_start3A_290 = arith.constant 0 : i32
        %dma_start3A_291 = arith.constant 2 : i32
        %dma_start3A_292 = arith.constant 0 : i32
        %dma_start3A_293 = arith.constant 0 : i32
        %dma_start3A_294 = tpu.memref_slice %arg8[%dma_start3A_290, %dma_start3A_291, %dma_start3A_292, %dma_start3A_293] : memref<2x3x32x256xf32, #tpu.memory_space<vmem>> -> memref<1x1x32x256xf32, #tpu.memory_space<vmem>>
        %dma_start3A_295 = tpu.memref_squeeze %dma_start3A_294 : memref<1x1x32x256xf32, #tpu.memory_space<vmem>> -> memref<32x256xf32, #tpu.memory_space<vmem>>
        %dma_start3A_296 = arith.constant 0 : i32
        %dma_start3A_297 = tpu.memref_slice %arg6[%dma_start3A_289, %add3A_262, %dma_start3A_296] : memref<8x16x32xi32, #tpu.memory_space<vmem>> -> memref<1x1x32xi32, #tpu.memory_space<vmem>>
        %dma_start3A_298 = tpu.memref_squeeze %dma_start3A_297 : memref<1x1x32xi32, #tpu.memory_space<vmem>> -> memref<32xi32, #tpu.memory_space<vmem>>
        %dma_start3A_299 = arith.constant 0 : i32
        %dma_start3A_300 = arith.constant 0 : i32
        %dma_start3A_301 = tpu.memref_slice %arg4[%dma_start3A_299, %dma_start3A_300] : memref<8192x256xf32, #tpu.memory_space<hbm>> -> memref<8192x256xf32, #tpu.memory_space<hbm>>
        tpu.enqueue_indirect_dma source(%dma_start3A_301 : memref<8192x256xf32, #tpu.memory_space<hbm>>) target(%dma_start3A_295 : memref<32x256xf32, #tpu.memory_space<vmem>>) offsets(%dma_start3A_298 : memref<32xi32, #tpu.memory_space<vmem>>) semaphore(%arg10 : memref<!tpu.dma_semaphore, #tpu.memory_space<semaphore_mem>>)
      } else {
      }
      %gt3A_228 = arith.constant 0 : i32
      %gt3A_229 = arith.cmpi sgt, %scan3A_74, %gt3A_228 : i32
      %convert_element_type3A_230 = arith.extui %gt3A_229 : i1 to i32
      %cond3A_231 = arith.constant 0 : i32
      %cond3A_232 = arith.cmpi ne, %convert_element_type3A_230, %cond3A_231 : i32
      scf.if %cond3A_232 {
        %dma_wait3A_261 = arith.constant 1 : i32
        %dma_wait3A_262 = arith.constant 0 : i32
        %dma_wait3A_263 = arith.constant 0 : i32
        %dma_wait3A_264 = tpu.memref_slice %arg9[%dma_wait3A_261, %dma_wait3A_262, %dma_wait3A_263] : memref<2x32x256xf32, #tpu.memory_space<vmem>> -> memref<1x32x256xf32, #tpu.memory_space<vmem>>
        %dma_wait3A_265 = tpu.memref_squeeze %dma_wait3A_264 : memref<1x32x256xf32, #tpu.memory_space<vmem>> -> memref<32x256xf32, #tpu.memory_space<vmem>>
        %dma_wait3A_266 = arith.constant 0 : i32
        %dma_wait3A_267 = tpu.memref_slice %arg5[%mul3A_2, %dma_wait3A_266] : memref<16384x256xf32, #tpu.memory_space<hbm>> -> memref<32x256xf32, #tpu.memory_space<hbm>>
        %dma_wait3A_268 = arith.constant 0 : i32
        %dma_wait3A_269 = tpu.memref_slice %arg5[%mul3A_2, %dma_wait3A_268] : memref<16384x256xf32, #tpu.memory_space<hbm>> -> memref<32x256xf32, #tpu.memory_space<hbm>>
        %dma_wait3A_270 = arith.constant 0 : i32
        %dma_wait3A_271 = arith.constant 0 : i32
        %dma_wait3A_272 = tpu.memref_slice %arg9[%dma_wait3A_261, %dma_wait3A_270, %dma_wait3A_271] : memref<2x32x256xf32, #tpu.memory_space<vmem>> -> memref<1x32x256xf32, #tpu.memory_space<vmem>>
        %dma_wait3A_273 = tpu.memref_squeeze %dma_wait3A_272 : memref<1x32x256xf32, #tpu.memory_space<vmem>> -> memref<32x256xf32, #tpu.memory_space<vmem>>
        tpu.wait_dma2 semaphore(%arg13 : memref<!tpu.dma_semaphore, #tpu.memory_space<semaphore_mem>>) src(%dma_wait3A_273 : memref<32x256xf32, #tpu.memory_space<vmem>>) dst(%dma_wait3A_269 : memref<32x256xf32, #tpu.memory_space<hbm>>)
      } else {
      }
      %add3A_233 = arith.constant 1 : i32
      %add3A_234 = arith.addi %mul3A_76, %add3A_233 : i32
      %mul3A_235 = arith.constant 32 : i32
      %mul3A_236 = arith.muli %add3A_234, %mul3A_235 : i32
      %scan3A_237 = arith.constant 0 : i32
      %scan3A_238 = arith.constant 0 : i32
      %scan3A_239 = arith.constant 32 : i32
      %scan3A_240 = arith.addi %scan3A_238, %scan3A_239 : i32
      %scan3A_241 = arith.constant 1 : i32
      scf.for %scan3A_261 = %scan3A_238 to %scan3A_240 step %scan3A_241  : i32 {
        %jit3A = arith.constant 16 : i32
        %div3A = arith.divsi %scan3A_261, %jit3A : i32
        %sign3A = arith.constant 0 : i32
        %sign3A_262 = arith.cmpi sgt, %scan3A_261, %sign3A : i32
        %sign3A_263 = arith.extui %sign3A_262 : i1 to i32
        %sign3A_264 = arith.constant 0 : i32
        %sign3A_265 = arith.cmpi slt, %scan3A_261, %sign3A_264 : i32
        %sign3A_266 = arith.extui %sign3A_265 : i1 to i32
        %sign3A_267 = arith.subi %sign3A_263, %sign3A_266 : i32
        %sign3A_268 = arith.constant 0 : i32
        %sign3A_269 = arith.cmpi sgt, %jit3A, %sign3A_268 : i32
        %sign3A_270 = arith.extui %sign3A_269 : i1 to i32
        %sign3A_271 = arith.constant 0 : i32
        %sign3A_272 = arith.cmpi slt, %jit3A, %sign3A_271 : i32
        %sign3A_273 = arith.extui %sign3A_272 : i1 to i32
        %sign3A_274 = arith.subi %sign3A_270, %sign3A_273 : i32
        %ne3A = arith.cmpi ne, %sign3A_267, %sign3A_274 : i32
        %rem3A = arith.remsi %scan3A_261, %jit3A : i32
        %ne3A_275 = arith.constant 0 : i32
        %ne3A_276 = arith.cmpi ne, %rem3A, %ne3A_275 : i32
        %and3A = arith.andi %ne3A, %ne3A_276 : i1
        %sub3A = arith.constant 1 : i32
        %sub3A_277 = arith.subi %div3A, %sub3A : i32
        %select_n3A = arith.select %and3A, %sub3A_277, %div3A : i32
        %mul3A_278 = arith.constant 16 : i32
        %mul3A_279 = arith.muli %select_n3A, %mul3A_278 : i32
        %multiple_of3A = tpu.assume_multiple %mul3A_279, 16 : i32
        %add3A_280 = arith.addi %mul3A_236, %multiple_of3A : i32
        %jit3A_281 = arith.constant 16 : i32
        %eq3A = arith.constant 0 : i32
        %eq3A_282 = arith.cmpi eq, %jit3A_281, %eq3A : i32
        %jit3A_283 = arith.constant 1 : i32
        %select_n3A_284 = arith.select %eq3A_282, %jit3A_283, %jit3A_281 : i32
        %rem3A_285 = arith.remsi %scan3A_261, %select_n3A_284 : i32
        %ne3A_286 = arith.constant 0 : i32
        %ne3A_287 = arith.cmpi ne, %rem3A_285, %ne3A_286 : i32
        %lt3A_288 = arith.constant 0 : i32
        %lt3A_289 = arith.cmpi slt, %rem3A_285, %lt3A_288 : i32
        %lt3A_290 = arith.constant 0 : i32
        %lt3A_291 = arith.cmpi slt, %select_n3A_284, %lt3A_290 : i32
        %ne3A_292 = arith.xori %lt3A_289, %lt3A_291 : i1
        %and3A_293 = arith.andi %ne3A_292, %ne3A_287 : i1
        %add3A_294 = arith.addi %rem3A_285, %select_n3A_284 : i32
        %select_n3A_295 = arith.select %and3A_293, %add3A_294, %rem3A_285 : i32
        %broadcast_in_dim3A = vector.broadcast %select_n3A_295 : i32 to vector<16xi32>
        %get3A = arith.constant 0 : i32
        %get3A_296 = arith.index_cast %get3A : i32 to index
        %get3A_297 = arith.index_cast %add3A_280 : i32 to index
        %get3A_298 = tpu.vector_load %arg7[%get3A_296, %get3A_297] {strides = array<i32>} : memref<3x512xf32, #tpu.memory_space<vmem>>, vector<1x16xf32>,
        %get3A_299 = vector.shape_cast %get3A_298 : vector<1x16xf32> to vector<16xf32>
        %broadcast_in_dim3A_300 = vector.shape_cast %broadcast_in_dim3A : vector<16xi32> to vector<16x1xi32>
        %gather3A = vector.shape_cast %broadcast_in_dim3A_300 : vector<16x1xi32> to vector<16xi32>
        %gather3A_301 = tpu.dynamic_gather %get3A_299[%gather3A] in [0] : vector<16xf32>, vector<16xi32> -> vector<16xf32>
        %get3A_302 = arith.constant 1 : i32
        %get3A_303 = arith.index_cast %get3A_302 : i32 to index
        %get3A_304 = arith.index_cast %add3A_280 : i32 to index
        %get3A_305 = tpu.vector_load %arg7[%get3A_303, %get3A_304] {strides = array<i32>} : memref<3x512xf32, #tpu.memory_space<vmem>>, vector<1x16xf32>,
        %get3A_306 = vector.shape_cast %get3A_305 : vector<1x16xf32> to vector<16xf32>
        %broadcast_in_dim3A_307 = vector.shape_cast %broadcast_in_dim3A : vector<16xi32> to vector<16x1xi32>
        %gather3A_308 = vector.shape_cast %broadcast_in_dim3A_307 : vector<16x1xi32> to vector<16xi32>
        %gather3A_309 = tpu.dynamic_gather %get3A_306[%gather3A_308] in [0] : vector<16xf32>, vector<16xi32> -> vector<16xf32>
        %get3A_310 = arith.constant 2 : i32
        %get3A_311 = arith.index_cast %get3A_310 : i32 to index
        %get3A_312 = arith.index_cast %add3A_280 : i32 to index
        %get3A_313 = tpu.vector_load %arg7[%get3A_311, %get3A_312] {strides = array<i32>} : memref<3x512xf32, #tpu.memory_space<vmem>>, vector<1x16xf32>,
        %get3A_314 = vector.shape_cast %get3A_313 : vector<1x16xf32> to vector<16xf32>
        %broadcast_in_dim3A_315 = vector.shape_cast %broadcast_in_dim3A : vector<16xi32> to vector<16x1xi32>
        %gather3A_316 = vector.shape_cast %broadcast_in_dim3A_315 : vector<16x1xi32> to vector<16xi32>
        %gather3A_317 = tpu.dynamic_gather %get3A_314[%gather3A_316] in [0] : vector<16xf32>, vector<16xi32> -> vector<16xf32>
        %get3A_318 = arith.constant 1 : i32
        %get3A_319 = arith.constant 0 : i32
        %get3A_320 = arith.index_cast %get3A_318 : i32 to index
        %get3A_321 = arith.index_cast %get3A_319 : i32 to index
        %get3A_322 = arith.index_cast %scan3A_261 : i32 to index
        %get3A_323 = arith.constant 0 : index
        %get3A_324 = tpu.vector_load %arg8[%get3A_320, %get3A_321, %get3A_322, %get3A_323] {strides = array<i32>} : memref<2x3x32x256xf32, #tpu.memory_space<vmem>>, vector<1x1x1x16xf32>,
        %get3A_325 = vector.shape_cast %get3A_324 : vector<1x1x1x16xf32> to vector<16xf32>
        %mul3A_326 = arith.mulf %gather3A_301, %get3A_325 : vector<16xf32>
        %get3A_327 = arith.constant 1 : i32
        %get3A_328 = arith.constant 1 : i32
        %get3A_329 = arith.index_cast %get3A_327 : i32 to index
        %get3A_330 = arith.index_cast %get3A_328 : i32 to index
        %get3A_331 = arith.index_cast %scan3A_261 : i32 to index
        %get3A_332 = arith.constant 0 : index
        %get3A_333 = tpu.vector_load %arg8[%get3A_329, %get3A_330, %get3A_331, %get3A_332] {strides = array<i32>} : memref<2x3x32x256xf32, #tpu.memory_space<vmem>>, vector<1x1x1x16xf32>,
        %get3A_334 = vector.shape_cast %get3A_333 : vector<1x1x1x16xf32> to vector<16xf32>
        %mul3A_335 = arith.mulf %gather3A_309, %get3A_334 : vector<16xf32>
        %add3A_336 = arith.addf %mul3A_326, %mul3A_335 : vector<16xf32>
        %get3A_337 = arith.constant 1 : i32
        %get3A_338 = arith.constant 2 : i32
        %get3A_339 = arith.index_cast %get3A_337 : i32 to index
        %get3A_340 = arith.index_cast %get3A_338 : i32 to index
        %get3A_341 = arith.index_cast %scan3A_261 : i32 to index
        %get3A_342 = arith.constant 0 : index
        %get3A_343 = tpu.vector_load %arg8[%get3A_339, %get3A_340, %get3A_341, %get3A_342] {strides = array<i32>} : memref<2x3x32x256xf32, #tpu.memory_space<vmem>>, vector<1x1x1x16xf32>,
        %get3A_344 = vector.shape_cast %get3A_343 : vector<1x1x1x16xf32> to vector<16xf32>
        %mul3A_345 = arith.mulf %gather3A_317, %get3A_344 : vector<16xf32>
        %add3A_346 = arith.addf %add3A_336, %mul3A_345 : vector<16xf32>
        %swap3A = arith.constant 1 : i32
        %swap3A_347 = arith.index_cast %swap3A : i32 to index
        %swap3A_348 = arith.index_cast %scan3A_261 : i32 to index
        %swap3A_349 = arith.constant 0 : index
        %swap3A_350 = tpu.vector_load %arg9[%swap3A_347, %swap3A_348, %swap3A_349] {strides = array<i32>} : memref<2x32x256xf32, #tpu.memory_space<vmem>>, vector<1x1x16xf32>,
        %swap3A_351 = vector.shape_cast %swap3A_350 : vector<1x1x16xf32> to vector<16xf32>
        %swap3A_352 = vector.shape_cast %add3A_346 : vector<16xf32> to vector<1x1x16xf32>
        tpu.vector_store %arg9[%swap3A_347, %swap3A_348, %swap3A_349], %swap3A_352 {strides = array<i32>} : memref<2x32x256xf32, #tpu.memory_space<vmem>>, vector<1x1x16xf32>,
        %get3A_353 = arith.constant 1 : i32
        %get3A_354 = arith.constant 0 : i32
        %get3A_355 = arith.index_cast %get3A_353 : i32 to index
        %get3A_356 = arith.index_cast %get3A_354 : i32 to index
        %get3A_357 = arith.index_cast %scan3A_261 : i32 to index
        %get3A_358 = arith.constant 16 : index
        %get3A_359 = tpu.vector_load %arg8[%get3A_355, %get3A_356, %get3A_357, %get3A_358] {strides = array<i32>} : memref<2x3x32x256xf32, #tpu.memory_space<vmem>>, vector<1x1x1x16xf32>,
        %get3A_360 = vector.shape_cast %get3A_359 : vector<1x1x1x16xf32> to vector<16xf32>
        %mul3A_361 = arith.mulf %gather3A_301, %get3A_360 : vector<16xf32>
        %get3A_362 = arith.constant 1 : i32
        %get3A_363 = arith.constant 1 : i32
        %get3A_364 = arith.index_cast %get3A_362 : i32 to index
        %get3A_365 = arith.index_cast %get3A_363 : i32 to index
        %get3A_366 = arith.index_cast %scan3A_261 : i32 to index
        %get3A_367 = arith.constant 16 : index
        %get3A_368 = tpu.vector_load %arg8[%get3A_364, %get3A_365, %get3A_366, %get3A_367] {strides = array<i32>} : memref<2x3x32x256xf32, #tpu.memory_space<vmem>>, vector<1x1x1x16xf32>,
        %get3A_369 = vector.shape_cast %get3A_368 : vector<1x1x1x16xf32> to vector<16xf32>
        %mul3A_370 = arith.mulf %gather3A_309, %get3A_369 : vector<16xf32>
        %add3A_371 = arith.addf %mul3A_361, %mul3A_370 : vector<16xf32>
        %get3A_372 = arith.constant 1 : i32
        %get3A_373 = arith.constant 2 : i32
        %get3A_374 = arith.index_cast %get3A_372 : i32 to index
        %get3A_375 = arith.index_cast %get3A_373 : i32 to index
        %get3A_376 = arith.index_cast %scan3A_261 : i32 to index
        %get3A_377 = arith.constant 16 : index
        %get3A_378 = tpu.vector_load %arg8[%get3A_374, %get3A_375, %get3A_376, %get3A_377] {strides = array<i32>} : memref<2x3x32x256xf32, #tpu.memory_space<vmem>>, vector<1x1x1x16xf32>,
        %get3A_379 = vector.shape_cast %get3A_378 : vector<1x1x1x16xf32> to vector<16xf32>
        %mul3A_380 = arith.mulf %gather3A_317, %get3A_379 : vector<16xf32>
        %add3A_381 = arith.addf %add3A_371, %mul3A_380 : vector<16xf32>
        %swap3A_382 = arith.constant 1 : i32
        %swap3A_383 = arith.index_cast %swap3A_382 : i32 to index
        %swap3A_384 = arith.index_cast %scan3A_261 : i32 to index
        %swap3A_385 = arith.constant 16 : index
        %swap3A_386 = tpu.vector_load %arg9[%swap3A_383, %swap3A_384, %swap3A_385] {strides = array<i32>} : memref<2x32x256xf32, #tpu.memory_space<vmem>>, vector<1x1x16xf32>,
        %swap3A_387 = vector.shape_cast %swap3A_386 : vector<1x1x16xf32> to vector<16xf32>
        %swap3A_388 = vector.shape_cast %add3A_381 : vector<16xf32> to vector<1x1x16xf32>
        tpu.vector_store %arg9[%swap3A_383, %swap3A_384, %swap3A_385], %swap3A_388 {strides = array<i32>} : memref<2x32x256xf32, #tpu.memory_space<vmem>>, vector<1x1x16xf32>,
        %get3A_389 = arith.constant 1 : i32
        %get3A_390 = arith.constant 0 : i32
        %get3A_391 = arith.index_cast %get3A_389 : i32 to index
        %get3A_392 = arith.index_cast %get3A_390 : i32 to index
        %get3A_393 = arith.index_cast %scan3A_261 : i32 to index
        %get3A_394 = arith.constant 32 : index
        %get3A_395 = tpu.vector_load %arg8[%get3A_391, %get3A_392, %get3A_393, %get3A_394] {strides = array<i32>} : memref<2x3x32x256xf32, #tpu.memory_space<vmem>>, vector<1x1x1x16xf32>,
        %get3A_396 = vector.shape_cast %get3A_395 : vector<1x1x1x16xf32> to vector<16xf32>
        %mul3A_397 = arith.mulf %gather3A_301, %get3A_396 : vector<16xf32>
        %get3A_398 = arith.constant 1 : i32
        %get3A_399 = arith.constant 1 : i32
        %get3A_400 = arith.index_cast %get3A_398 : i32 to index
        %get3A_401 = arith.index_cast %get3A_399 : i32 to index
        %get3A_402 = arith.index_cast %scan3A_261 : i32 to index
        %get3A_403 = arith.constant 32 : index
        %get3A_404 = tpu.vector_load %arg8[%get3A_400, %get3A_401, %get3A_402, %get3A_403] {strides = array<i32>} : memref<2x3x32x256xf32, #tpu.memory_space<vmem>>, vector<1x1x1x16xf32>,
        %get3A_405 = vector.shape_cast %get3A_404 : vector<1x1x1x16xf32> to vector<16xf32>
        %mul3A_406 = arith.mulf %gather3A_309, %get3A_405 : vector<16xf32>
        %add3A_407 = arith.addf %mul3A_397, %mul3A_406 : vector<16xf32>
        %get3A_408 = arith.constant 1 : i32
        %get3A_409 = arith.constant 2 : i32
        %get3A_410 = arith.index_cast %get3A_408 : i32 to index
        %get3A_411 = arith.index_cast %get3A_409 : i32 to index
        %get3A_412 = arith.index_cast %scan3A_261 : i32 to index
        %get3A_413 = arith.constant 32 : index
        %get3A_414 = tpu.vector_load %arg8[%get3A_410, %get3A_411, %get3A_412, %get3A_413] {strides = array<i32>} : memref<2x3x32x256xf32, #tpu.memory_space<vmem>>, vector<1x1x1x16xf32>,
        %get3A_415 = vector.shape_cast %get3A_414 : vector<1x1x1x16xf32> to vector<16xf32>
        %mul3A_416 = arith.mulf %gather3A_317, %get3A_415 : vector<16xf32>
        %add3A_417 = arith.addf %add3A_407, %mul3A_416 : vector<16xf32>
        %swap3A_418 = arith.constant 1 : i32
        %swap3A_419 = arith.index_cast %swap3A_418 : i32 to index
        %swap3A_420 = arith.index_cast %scan3A_261 : i32 to index
        %swap3A_421 = arith.constant 32 : index
        %swap3A_422 = tpu.vector_load %arg9[%swap3A_419, %swap3A_420, %swap3A_421] {strides = array<i32>} : memref<2x32x256xf32, #tpu.memory_space<vmem>>, vector<1x1x16xf32>,
        %swap3A_423 = vector.shape_cast %swap3A_422 : vector<1x1x16xf32> to vector<16xf32>
        %swap3A_424 = vector.shape_cast %add3A_417 : vector<16xf32> to vector<1x1x16xf32>
        tpu.vector_store %arg9[%swap3A_419, %swap3A_420, %swap3A_421], %swap3A_424 {strides = array<i32>} : memref<2x32x256xf32, #tpu.memory_space<vmem>>, vector<1x1x16xf32>,
        %get3A_425 = arith.constant 1 : i32
        %get3A_426 = arith.constant 0 : i32
        %get3A_427 = arith.index_cast %get3A_425 : i32 to index
        %get3A_428 = arith.index_cast %get3A_426 : i32 to index
        %get3A_429 = arith.index_cast %scan3A_261 : i32 to index
        %get3A_430 = arith.constant 48 : index
        %get3A_431 = tpu.vector_load %arg8[%get3A_427, %get3A_428, %get3A_429, %get3A_430] {strides = array<i32>} : memref<2x3x32x256xf32, #tpu.memory_space<vmem>>, vector<1x1x1x16xf32>,
        %get3A_432 = vector.shape_cast %get3A_431 : vector<1x1x1x16xf32> to vector<16xf32>
        %mul3A_433 = arith.mulf %gather3A_301, %get3A_432 : vector<16xf32>
        %get3A_434 = arith.constant 1 : i32
        %get3A_435 = arith.constant 1 : i32
        %get3A_436 = arith.index_cast %get3A_434 : i32 to index
        %get3A_437 = arith.index_cast %get3A_435 : i32 to index
        %get3A_438 = arith.index_cast %scan3A_261 : i32 to index
        %get3A_439 = arith.constant 48 : index
        %get3A_440 = tpu.vector_load %arg8[%get3A_436, %get3A_437, %get3A_438, %get3A_439] {strides = array<i32>} : memref<2x3x32x256xf32, #tpu.memory_space<vmem>>, vector<1x1x1x16xf32>,
        %get3A_441 = vector.shape_cast %get3A_440 : vector<1x1x1x16xf32> to vector<16xf32>
        %mul3A_442 = arith.mulf %gather3A_309, %get3A_441 : vector<16xf32>
        %add3A_443 = arith.addf %mul3A_433, %mul3A_442 : vector<16xf32>
        %get3A_444 = arith.constant 1 : i32
        %get3A_445 = arith.constant 2 : i32
        %get3A_446 = arith.index_cast %get3A_444 : i32 to index
        %get3A_447 = arith.index_cast %get3A_445 : i32 to index
        %get3A_448 = arith.index_cast %scan3A_261 : i32 to index
        %get3A_449 = arith.constant 48 : index
        %get3A_450 = tpu.vector_load %arg8[%get3A_446, %get3A_447, %get3A_448, %get3A_449] {strides = array<i32>} : memref<2x3x32x256xf32, #tpu.memory_space<vmem>>, vector<1x1x1x16xf32>,
        %get3A_451 = vector.shape_cast %get3A_450 : vector<1x1x1x16xf32> to vector<16xf32>
        %mul3A_452 = arith.mulf %gather3A_317, %get3A_451 : vector<16xf32>
        %add3A_453 = arith.addf %add3A_443, %mul3A_452 : vector<16xf32>
        %swap3A_454 = arith.constant 1 : i32
        %swap3A_455 = arith.index_cast %swap3A_454 : i32 to index
        %swap3A_456 = arith.index_cast %scan3A_261 : i32 to index
        %swap3A_457 = arith.constant 48 : index
        %swap3A_458 = tpu.vector_load %arg9[%swap3A_455, %swap3A_456, %swap3A_457] {strides = array<i32>} : memref<2x32x256xf32, #tpu.memory_space<vmem>>, vector<1x1x16xf32>,
        %swap3A_459 = vector.shape_cast %swap3A_458 : vector<1x1x16xf32> to vector<16xf32>
        %swap3A_460 = vector.shape_cast %add3A_453 : vector<16xf32> to vector<1x1x16xf32>
        tpu.vector_store %arg9[%swap3A_455, %swap3A_456, %swap3A_457], %swap3A_460 {strides = array<i32>} : memref<2x32x256xf32, #tpu.memory_space<vmem>>, vector<1x1x16xf32>,
        %get3A_461 = arith.constant 1 : i32
        %get3A_462 = arith.constant 0 : i32
        %get3A_463 = arith.index_cast %get3A_461 : i32 to index
        %get3A_464 = arith.index_cast %get3A_462 : i32 to index
        %get3A_465 = arith.index_cast %scan3A_261 : i32 to index
        %get3A_466 = arith.constant 64 : index
        %get3A_467 = tpu.vector_load %arg8[%get3A_463, %get3A_464, %get3A_465, %get3A_466] {strides = array<i32>} : memref<2x3x32x256xf32, #tpu.memory_space<vmem>>, vector<1x1x1x16xf32>,
        %get3A_468 = vector.shape_cast %get3A_467 : vector<1x1x1x16xf32> to vector<16xf32>
        %mul3A_469 = arith.mulf %gather3A_301, %get3A_468 : vector<16xf32>
        %get3A_470 = arith.constant 1 : i32
        %get3A_471 = arith.constant 1 : i32
        %get3A_472 = arith.index_cast %get3A_470 : i32 to index
        %get3A_473 = arith.index_cast %get3A_471 : i32 to index
        %get3A_474 = arith.index_cast %scan3A_261 : i32 to index
        %get3A_475 = arith.constant 64 : index
        %get3A_476 = tpu.vector_load %arg8[%get3A_472, %get3A_473, %get3A_474, %get3A_475] {strides = array<i32>} : memref<2x3x32x256xf32, #tpu.memory_space<vmem>>, vector<1x1x1x16xf32>,
        %get3A_477 = vector.shape_cast %get3A_476 : vector<1x1x1x16xf32> to vector<16xf32>
        %mul3A_478 = arith.mulf %gather3A_309, %get3A_477 : vector<16xf32>
        %add3A_479 = arith.addf %mul3A_469, %mul3A_478 : vector<16xf32>
        %get3A_480 = arith.constant 1 : i32
        %get3A_481 = arith.constant 2 : i32
        %get3A_482 = arith.index_cast %get3A_480 : i32 to index
        %get3A_483 = arith.index_cast %get3A_481 : i32 to index
        %get3A_484 = arith.index_cast %scan3A_261 : i32 to index
        %get3A_485 = arith.constant 64 : index
        %get3A_486 = tpu.vector_load %arg8[%get3A_482, %get3A_483, %get3A_484, %get3A_485] {strides = array<i32>} : memref<2x3x32x256xf32, #tpu.memory_space<vmem>>, vector<1x1x1x16xf32>,
        %get3A_487 = vector.shape_cast %get3A_486 : vector<1x1x1x16xf32> to vector<16xf32>
        %mul3A_488 = arith.mulf %gather3A_317, %get3A_487 : vector<16xf32>
        %add3A_489 = arith.addf %add3A_479, %mul3A_488 : vector<16xf32>
        %swap3A_490 = arith.constant 1 : i32
        %swap3A_491 = arith.index_cast %swap3A_490 : i32 to index
        %swap3A_492 = arith.index_cast %scan3A_261 : i32 to index
        %swap3A_493 = arith.constant 64 : index
        %swap3A_494 = tpu.vector_load %arg9[%swap3A_491, %swap3A_492, %swap3A_493] {strides = array<i32>} : memref<2x32x256xf32, #tpu.memory_space<vmem>>, vector<1x1x16xf32>,
        %swap3A_495 = vector.shape_cast %swap3A_494 : vector<1x1x16xf32> to vector<16xf32>
        %swap3A_496 = vector.shape_cast %add3A_489 : vector<16xf32> to vector<1x1x16xf32>
        tpu.vector_store %arg9[%swap3A_491, %swap3A_492, %swap3A_493], %swap3A_496 {strides = array<i32>} : memref<2x32x256xf32, #tpu.memory_space<vmem>>, vector<1x1x16xf32>,
        %get3A_497 = arith.constant 1 : i32
        %get3A_498 = arith.constant 0 : i32
        %get3A_499 = arith.index_cast %get3A_497 : i32 to index
        %get3A_500 = arith.index_cast %get3A_498 : i32 to index
        %get3A_501 = arith.index_cast %scan3A_261 : i32 to index
        %get3A_502 = arith.constant 80 : index
        %get3A_503 = tpu.vector_load %arg8[%get3A_499, %get3A_500, %get3A_501, %get3A_502] {strides = array<i32>} : memref<2x3x32x256xf32, #tpu.memory_space<vmem>>, vector<1x1x1x16xf32>,
        %get3A_504 = vector.shape_cast %get3A_503 : vector<1x1x1x16xf32> to vector<16xf32>
        %mul3A_505 = arith.mulf %gather3A_301, %get3A_504 : vector<16xf32>
        %get3A_506 = arith.constant 1 : i32
        %get3A_507 = arith.constant 1 : i32
        %get3A_508 = arith.index_cast %get3A_506 : i32 to index
        %get3A_509 = arith.index_cast %get3A_507 : i32 to index
        %get3A_510 = arith.index_cast %scan3A_261 : i32 to index
        %get3A_511 = arith.constant 80 : index
        %get3A_512 = tpu.vector_load %arg8[%get3A_508, %get3A_509, %get3A_510, %get3A_511] {strides = array<i32>} : memref<2x3x32x256xf32, #tpu.memory_space<vmem>>, vector<1x1x1x16xf32>,
        %get3A_513 = vector.shape_cast %get3A_512 : vector<1x1x1x16xf32> to vector<16xf32>
        %mul3A_514 = arith.mulf %gather3A_309, %get3A_513 : vector<16xf32>
        %add3A_515 = arith.addf %mul3A_505, %mul3A_514 : vector<16xf32>
        %get3A_516 = arith.constant 1 : i32
        %get3A_517 = arith.constant 2 : i32
        %get3A_518 = arith.index_cast %get3A_516 : i32 to index
        %get3A_519 = arith.index_cast %get3A_517 : i32 to index
        %get3A_520 = arith.index_cast %scan3A_261 : i32 to index
        %get3A_521 = arith.constant 80 : index
        %get3A_522 = tpu.vector_load %arg8[%get3A_518, %get3A_519, %get3A_520, %get3A_521] {strides = array<i32>} : memref<2x3x32x256xf32, #tpu.memory_space<vmem>>, vector<1x1x1x16xf32>,
        %get3A_523 = vector.shape_cast %get3A_522 : vector<1x1x1x16xf32> to vector<16xf32>
        %mul3A_524 = arith.mulf %gather3A_317, %get3A_523 : vector<16xf32>
        %add3A_525 = arith.addf %add3A_515, %mul3A_524 : vector<16xf32>
        %swap3A_526 = arith.constant 1 : i32
        %swap3A_527 = arith.index_cast %swap3A_526 : i32 to index
        %swap3A_528 = arith.index_cast %scan3A_261 : i32 to index
        %swap3A_529 = arith.constant 80 : index
        %swap3A_530 = tpu.vector_load %arg9[%swap3A_527, %swap3A_528, %swap3A_529] {strides = array<i32>} : memref<2x32x256xf32, #tpu.memory_space<vmem>>, vector<1x1x16xf32>,
        %swap3A_531 = vector.shape_cast %swap3A_530 : vector<1x1x16xf32> to vector<16xf32>
        %swap3A_532 = vector.shape_cast %add3A_525 : vector<16xf32> to vector<1x1x16xf32>
        tpu.vector_store %arg9[%swap3A_527, %swap3A_528, %swap3A_529], %swap3A_532 {strides = array<i32>} : memref<2x32x256xf32, #tpu.memory_space<vmem>>, vector<1x1x16xf32>,
        %get3A_533 = arith.constant 1 : i32
        %get3A_534 = arith.constant 0 : i32
        %get3A_535 = arith.index_cast %get3A_533 : i32 to index
        %get3A_536 = arith.index_cast %get3A_534 : i32 to index
        %get3A_537 = arith.index_cast %scan3A_261 : i32 to index
        %get3A_538 = arith.constant 96 : index
        %get3A_539 = tpu.vector_load %arg8[%get3A_535, %get3A_536, %get3A_537, %get3A_538] {strides = array<i32>} : memref<2x3x32x256xf32, #tpu.memory_space<vmem>>, vector<1x1x1x16xf32>,
        %get3A_540 = vector.shape_cast %get3A_539 : vector<1x1x1x16xf32> to vector<16xf32>
        %mul3A_541 = arith.mulf %gather3A_301, %get3A_540 : vector<16xf32>
        %get3A_542 = arith.constant 1 : i32
        %get3A_543 = arith.constant 1 : i32
        %get3A_544 = arith.index_cast %get3A_542 : i32 to index
        %get3A_545 = arith.index_cast %get3A_543 : i32 to index
        %get3A_546 = arith.index_cast %scan3A_261 : i32 to index
        %get3A_547 = arith.constant 96 : index
        %get3A_548 = tpu.vector_load %arg8[%get3A_544, %get3A_545, %get3A_546, %get3A_547] {strides = array<i32>} : memref<2x3x32x256xf32, #tpu.memory_space<vmem>>, vector<1x1x1x16xf32>,
        %get3A_549 = vector.shape_cast %get3A_548 : vector<1x1x1x16xf32> to vector<16xf32>
        %mul3A_550 = arith.mulf %gather3A_309, %get3A_549 : vector<16xf32>
        %add3A_551 = arith.addf %mul3A_541, %mul3A_550 : vector<16xf32>
        %get3A_552 = arith.constant 1 : i32
        %get3A_553 = arith.constant 2 : i32
        %get3A_554 = arith.index_cast %get3A_552 : i32 to index
        %get3A_555 = arith.index_cast %get3A_553 : i32 to index
        %get3A_556 = arith.index_cast %scan3A_261 : i32 to index
        %get3A_557 = arith.constant 96 : index
        %get3A_558 = tpu.vector_load %arg8[%get3A_554, %get3A_555, %get3A_556, %get3A_557] {strides = array<i32>} : memref<2x3x32x256xf32, #tpu.memory_space<vmem>>, vector<1x1x1x16xf32>,
        %get3A_559 = vector.shape_cast %get3A_558 : vector<1x1x1x16xf32> to vector<16xf32>
        %mul3A_560 = arith.mulf %gather3A_317, %get3A_559 : vector<16xf32>
        %add3A_561 = arith.addf %add3A_551, %mul3A_560 : vector<16xf32>
        %swap3A_562 = arith.constant 1 : i32
        %swap3A_563 = arith.index_cast %swap3A_562 : i32 to index
        %swap3A_564 = arith.index_cast %scan3A_261 : i32 to index
        %swap3A_565 = arith.constant 96 : index
        %swap3A_566 = tpu.vector_load %arg9[%swap3A_563, %swap3A_564, %swap3A_565] {strides = array<i32>} : memref<2x32x256xf32, #tpu.memory_space<vmem>>, vector<1x1x16xf32>,
        %swap3A_567 = vector.shape_cast %swap3A_566 : vector<1x1x16xf32> to vector<16xf32>
        %swap3A_568 = vector.shape_cast %add3A_561 : vector<16xf32> to vector<1x1x16xf32>
        tpu.vector_store %arg9[%swap3A_563, %swap3A_564, %swap3A_565], %swap3A_568 {strides = array<i32>} : memref<2x32x256xf32, #tpu.memory_space<vmem>>, vector<1x1x16xf32>,
        %get3A_569 = arith.constant 1 : i32
        %get3A_570 = arith.constant 0 : i32
        %get3A_571 = arith.index_cast %get3A_569 : i32 to index
        %get3A_572 = arith.index_cast %get3A_570 : i32 to index
        %get3A_573 = arith.index_cast %scan3A_261 : i32 to index
        %get3A_574 = arith.constant 112 : index
        %get3A_575 = tpu.vector_load %arg8[%get3A_571, %get3A_572, %get3A_573, %get3A_574] {strides = array<i32>} : memref<2x3x32x256xf32, #tpu.memory_space<vmem>>, vector<1x1x1x16xf32>,
        %get3A_576 = vector.shape_cast %get3A_575 : vector<1x1x1x16xf32> to vector<16xf32>
        %mul3A_577 = arith.mulf %gather3A_301, %get3A_576 : vector<16xf32>
        %get3A_578 = arith.constant 1 : i32
        %get3A_579 = arith.constant 1 : i32
        %get3A_580 = arith.index_cast %get3A_578 : i32 to index
        %get3A_581 = arith.index_cast %get3A_579 : i32 to index
        %get3A_582 = arith.index_cast %scan3A_261 : i32 to index
        %get3A_583 = arith.constant 112 : index
        %get3A_584 = tpu.vector_load %arg8[%get3A_580, %get3A_581, %get3A_582, %get3A_583] {strides = array<i32>} : memref<2x3x32x256xf32, #tpu.memory_space<vmem>>, vector<1x1x1x16xf32>,
        %get3A_585 = vector.shape_cast %get3A_584 : vector<1x1x1x16xf32> to vector<16xf32>
        %mul3A_586 = arith.mulf %gather3A_309, %get3A_585 : vector<16xf32>
        %add3A_587 = arith.addf %mul3A_577, %mul3A_586 : vector<16xf32>
        %get3A_588 = arith.constant 1 : i32
        %get3A_589 = arith.constant 2 : i32
        %get3A_590 = arith.index_cast %get3A_588 : i32 to index
        %get3A_591 = arith.index_cast %get3A_589 : i32 to index
        %get3A_592 = arith.index_cast %scan3A_261 : i32 to index
        %get3A_593 = arith.constant 112 : index
        %get3A_594 = tpu.vector_load %arg8[%get3A_590, %get3A_591, %get3A_592, %get3A_593] {strides = array<i32>} : memref<2x3x32x256xf32, #tpu.memory_space<vmem>>, vector<1x1x1x16xf32>,
        %get3A_595 = vector.shape_cast %get3A_594 : vector<1x1x1x16xf32> to vector<16xf32>
        %mul3A_596 = arith.mulf %gather3A_317, %get3A_595 : vector<16xf32>
        %add3A_597 = arith.addf %add3A_587, %mul3A_596 : vector<16xf32>
        %swap3A_598 = arith.constant 1 : i32
        %swap3A_599 = arith.index_cast %swap3A_598 : i32 to index
        %swap3A_600 = arith.index_cast %scan3A_261 : i32 to index
        %swap3A_601 = arith.constant 112 : index
        %swap3A_602 = tpu.vector_load %arg9[%swap3A_599, %swap3A_600, %swap3A_601] {strides = array<i32>} : memref<2x32x256xf32, #tpu.memory_space<vmem>>, vector<1x1x16xf32>,
        %swap3A_603 = vector.shape_cast %swap3A_602 : vector<1x1x16xf32> to vector<16xf32>
        %swap3A_604 = vector.shape_cast %add3A_597 : vector<16xf32> to vector<1x1x16xf32>
        tpu.vector_store %arg9[%swap3A_599, %swap3A_600, %swap3A_601], %swap3A_604 {strides = array<i32>} : memref<2x32x256xf32, #tpu.memory_space<vmem>>, vector<1x1x16xf32>,
        %get3A_605 = arith.constant 1 : i32
        %get3A_606 = arith.constant 0 : i32
        %get3A_607 = arith.index_cast %get3A_605 : i32 to index
        %get3A_608 = arith.index_cast %get3A_606 : i32 to index
        %get3A_609 = arith.index_cast %scan3A_261 : i32 to index
        %get3A_610 = arith.constant 128 : index
        %get3A_611 = tpu.vector_load %arg8[%get3A_607, %get3A_608, %get3A_609, %get3A_610] {strides = array<i32>} : memref<2x3x32x256xf32, #tpu.memory_space<vmem>>, vector<1x1x1x16xf32>,
        %get3A_612 = vector.shape_cast %get3A_611 : vector<1x1x1x16xf32> to vector<16xf32>
        %mul3A_613 = arith.mulf %gather3A_301, %get3A_612 : vector<16xf32>
        %get3A_614 = arith.constant 1 : i32
        %get3A_615 = arith.constant 1 : i32
        %get3A_616 = arith.index_cast %get3A_614 : i32 to index
        %get3A_617 = arith.index_cast %get3A_615 : i32 to index
        %get3A_618 = arith.index_cast %scan3A_261 : i32 to index
        %get3A_619 = arith.constant 128 : index
        %get3A_620 = tpu.vector_load %arg8[%get3A_616, %get3A_617, %get3A_618, %get3A_619] {strides = array<i32>} : memref<2x3x32x256xf32, #tpu.memory_space<vmem>>, vector<1x1x1x16xf32>,
        %get3A_621 = vector.shape_cast %get3A_620 : vector<1x1x1x16xf32> to vector<16xf32>
        %mul3A_622 = arith.mulf %gather3A_309, %get3A_621 : vector<16xf32>
        %add3A_623 = arith.addf %mul3A_613, %mul3A_622 : vector<16xf32>
        %get3A_624 = arith.constant 1 : i32
        %get3A_625 = arith.constant 2 : i32
        %get3A_626 = arith.index_cast %get3A_624 : i32 to index
        %get3A_627 = arith.index_cast %get3A_625 : i32 to index
        %get3A_628 = arith.index_cast %scan3A_261 : i32 to index
        %get3A_629 = arith.constant 128 : index
        %get3A_630 = tpu.vector_load %arg8[%get3A_626, %get3A_627, %get3A_628, %get3A_629] {strides = array<i32>} : memref<2x3x32x256xf32, #tpu.memory_space<vmem>>, vector<1x1x1x16xf32>,
        %get3A_631 = vector.shape_cast %get3A_630 : vector<1x1x1x16xf32> to vector<16xf32>
        %mul3A_632 = arith.mulf %gather3A_317, %get3A_631 : vector<16xf32>
        %add3A_633 = arith.addf %add3A_623, %mul3A_632 : vector<16xf32>
        %swap3A_634 = arith.constant 1 : i32
        %swap3A_635 = arith.index_cast %swap3A_634 : i32 to index
        %swap3A_636 = arith.index_cast %scan3A_261 : i32 to index
        %swap3A_637 = arith.constant 128 : index
        %swap3A_638 = tpu.vector_load %arg9[%swap3A_635, %swap3A_636, %swap3A_637] {strides = array<i32>} : memref<2x32x256xf32, #tpu.memory_space<vmem>>, vector<1x1x16xf32>,
        %swap3A_639 = vector.shape_cast %swap3A_638 : vector<1x1x16xf32> to vector<16xf32>
        %swap3A_640 = vector.shape_cast %add3A_633 : vector<16xf32> to vector<1x1x16xf32>
        tpu.vector_store %arg9[%swap3A_635, %swap3A_636, %swap3A_637], %swap3A_640 {strides = array<i32>} : memref<2x32x256xf32, #tpu.memory_space<vmem>>, vector<1x1x16xf32>,
        %get3A_641 = arith.constant 1 : i32
        %get3A_642 = arith.constant 0 : i32
        %get3A_643 = arith.index_cast %get3A_641 : i32 to index
        %get3A_644 = arith.index_cast %get3A_642 : i32 to index
        %get3A_645 = arith.index_cast %scan3A_261 : i32 to index
        %get3A_646 = arith.constant 144 : index
        %get3A_647 = tpu.vector_load %arg8[%get3A_643, %get3A_644, %get3A_645, %get3A_646] {strides = array<i32>} : memref<2x3x32x256xf32, #tpu.memory_space<vmem>>, vector<1x1x1x16xf32>,
        %get3A_648 = vector.shape_cast %get3A_647 : vector<1x1x1x16xf32> to vector<16xf32>
        %mul3A_649 = arith.mulf %gather3A_301, %get3A_648 : vector<16xf32>
        %get3A_650 = arith.constant 1 : i32
        %get3A_651 = arith.constant 1 : i32
        %get3A_652 = arith.index_cast %get3A_650 : i32 to index
        %get3A_653 = arith.index_cast %get3A_651 : i32 to index
        %get3A_654 = arith.index_cast %scan3A_261 : i32 to index
        %get3A_655 = arith.constant 144 : index
        %get3A_656 = tpu.vector_load %arg8[%get3A_652, %get3A_653, %get3A_654, %get3A_655] {strides = array<i32>} : memref<2x3x32x256xf32, #tpu.memory_space<vmem>>, vector<1x1x1x16xf32>,
        %get3A_657 = vector.shape_cast %get3A_656 : vector<1x1x1x16xf32> to vector<16xf32>
        %mul3A_658 = arith.mulf %gather3A_309, %get3A_657 : vector<16xf32>
        %add3A_659 = arith.addf %mul3A_649, %mul3A_658 : vector<16xf32>
        %get3A_660 = arith.constant 1 : i32
        %get3A_661 = arith.constant 2 : i32
        %get3A_662 = arith.index_cast %get3A_660 : i32 to index
        %get3A_663 = arith.index_cast %get3A_661 : i32 to index
        %get3A_664 = arith.index_cast %scan3A_261 : i32 to index
        %get3A_665 = arith.constant 144 : index
        %get3A_666 = tpu.vector_load %arg8[%get3A_662, %get3A_663, %get3A_664, %get3A_665] {strides = array<i32>} : memref<2x3x32x256xf32, #tpu.memory_space<vmem>>, vector<1x1x1x16xf32>,
        %get3A_667 = vector.shape_cast %get3A_666 : vector<1x1x1x16xf32> to vector<16xf32>
        %mul3A_668 = arith.mulf %gather3A_317, %get3A_667 : vector<16xf32>
        %add3A_669 = arith.addf %add3A_659, %mul3A_668 : vector<16xf32>
        %swap3A_670 = arith.constant 1 : i32
        %swap3A_671 = arith.index_cast %swap3A_670 : i32 to index
        %swap3A_672 = arith.index_cast %scan3A_261 : i32 to index
        %swap3A_673 = arith.constant 144 : index
        %swap3A_674 = tpu.vector_load %arg9[%swap3A_671, %swap3A_672, %swap3A_673] {strides = array<i32>} : memref<2x32x256xf32, #tpu.memory_space<vmem>>, vector<1x1x16xf32>,
        %swap3A_675 = vector.shape_cast %swap3A_674 : vector<1x1x16xf32> to vector<16xf32>
        %swap3A_676 = vector.shape_cast %add3A_669 : vector<16xf32> to vector<1x1x16xf32>
        tpu.vector_store %arg9[%swap3A_671, %swap3A_672, %swap3A_673], %swap3A_676 {strides = array<i32>} : memref<2x32x256xf32, #tpu.memory_space<vmem>>, vector<1x1x16xf32>,
        %get3A_677 = arith.constant 1 : i32
        %get3A_678 = arith.constant 0 : i32
        %get3A_679 = arith.index_cast %get3A_677 : i32 to index
        %get3A_680 = arith.index_cast %get3A_678 : i32 to index
        %get3A_681 = arith.index_cast %scan3A_261 : i32 to index
        %get3A_682 = arith.constant 160 : index
        %get3A_683 = tpu.vector_load %arg8[%get3A_679, %get3A_680, %get3A_681, %get3A_682] {strides = array<i32>} : memref<2x3x32x256xf32, #tpu.memory_space<vmem>>, vector<1x1x1x16xf32>,
        %get3A_684 = vector.shape_cast %get3A_683 : vector<1x1x1x16xf32> to vector<16xf32>
        %mul3A_685 = arith.mulf %gather3A_301, %get3A_684 : vector<16xf32>
        %get3A_686 = arith.constant 1 : i32
        %get3A_687 = arith.constant 1 : i32
        %get3A_688 = arith.index_cast %get3A_686 : i32 to index
        %get3A_689 = arith.index_cast %get3A_687 : i32 to index
        %get3A_690 = arith.index_cast %scan3A_261 : i32 to index
        %get3A_691 = arith.constant 160 : index
        %get3A_692 = tpu.vector_load %arg8[%get3A_688, %get3A_689, %get3A_690, %get3A_691] {strides = array<i32>} : memref<2x3x32x256xf32, #tpu.memory_space<vmem>>, vector<1x1x1x16xf32>,
        %get3A_693 = vector.shape_cast %get3A_692 : vector<1x1x1x16xf32> to vector<16xf32>
        %mul3A_694 = arith.mulf %gather3A_309, %get3A_693 : vector<16xf32>
        %add3A_695 = arith.addf %mul3A_685, %mul3A_694 : vector<16xf32>
        %get3A_696 = arith.constant 1 : i32
        %get3A_697 = arith.constant 2 : i32
        %get3A_698 = arith.index_cast %get3A_696 : i32 to index
        %get3A_699 = arith.index_cast %get3A_697 : i32 to index
        %get3A_700 = arith.index_cast %scan3A_261 : i32 to index
        %get3A_701 = arith.constant 160 : index
        %get3A_702 = tpu.vector_load %arg8[%get3A_698, %get3A_699, %get3A_700, %get3A_701] {strides = array<i32>} : memref<2x3x32x256xf32, #tpu.memory_space<vmem>>, vector<1x1x1x16xf32>,
        %get3A_703 = vector.shape_cast %get3A_702 : vector<1x1x1x16xf32> to vector<16xf32>
        %mul3A_704 = arith.mulf %gather3A_317, %get3A_703 : vector<16xf32>
        %add3A_705 = arith.addf %add3A_695, %mul3A_704 : vector<16xf32>
        %swap3A_706 = arith.constant 1 : i32
        %swap3A_707 = arith.index_cast %swap3A_706 : i32 to index
        %swap3A_708 = arith.index_cast %scan3A_261 : i32 to index
        %swap3A_709 = arith.constant 160 : index
        %swap3A_710 = tpu.vector_load %arg9[%swap3A_707, %swap3A_708, %swap3A_709] {strides = array<i32>} : memref<2x32x256xf32, #tpu.memory_space<vmem>>, vector<1x1x16xf32>,
        %swap3A_711 = vector.shape_cast %swap3A_710 : vector<1x1x16xf32> to vector<16xf32>
        %swap3A_712 = vector.shape_cast %add3A_705 : vector<16xf32> to vector<1x1x16xf32>
        tpu.vector_store %arg9[%swap3A_707, %swap3A_708, %swap3A_709], %swap3A_712 {strides = array<i32>} : memref<2x32x256xf32, #tpu.memory_space<vmem>>, vector<1x1x16xf32>,
        %get3A_713 = arith.constant 1 : i32
        %get3A_714 = arith.constant 0 : i32
        %get3A_715 = arith.index_cast %get3A_713 : i32 to index
        %get3A_716 = arith.index_cast %get3A_714 : i32 to index
        %get3A_717 = arith.index_cast %scan3A_261 : i32 to index
        %get3A_718 = arith.constant 176 : index
        %get3A_719 = tpu.vector_load %arg8[%get3A_715, %get3A_716, %get3A_717, %get3A_718] {strides = array<i32>} : memref<2x3x32x256xf32, #tpu.memory_space<vmem>>, vector<1x1x1x16xf32>,
        %get3A_720 = vector.shape_cast %get3A_719 : vector<1x1x1x16xf32> to vector<16xf32>
        %mul3A_721 = arith.mulf %gather3A_301, %get3A_720 : vector<16xf32>
        %get3A_722 = arith.constant 1 : i32
        %get3A_723 = arith.constant 1 : i32
        %get3A_724 = arith.index_cast %get3A_722 : i32 to index
        %get3A_725 = arith.index_cast %get3A_723 : i32 to index
        %get3A_726 = arith.index_cast %scan3A_261 : i32 to index
        %get3A_727 = arith.constant 176 : index
        %get3A_728 = tpu.vector_load %arg8[%get3A_724, %get3A_725, %get3A_726, %get3A_727] {strides = array<i32>} : memref<2x3x32x256xf32, #tpu.memory_space<vmem>>, vector<1x1x1x16xf32>,
        %get3A_729 = vector.shape_cast %get3A_728 : vector<1x1x1x16xf32> to vector<16xf32>
        %mul3A_730 = arith.mulf %gather3A_309, %get3A_729 : vector<16xf32>
        %add3A_731 = arith.addf %mul3A_721, %mul3A_730 : vector<16xf32>
        %get3A_732 = arith.constant 1 : i32
        %get3A_733 = arith.constant 2 : i32
        %get3A_734 = arith.index_cast %get3A_732 : i32 to index
        %get3A_735 = arith.index_cast %get3A_733 : i32 to index
        %get3A_736 = arith.index_cast %scan3A_261 : i32 to index
        %get3A_737 = arith.constant 176 : index
        %get3A_738 = tpu.vector_load %arg8[%get3A_734, %get3A_735, %get3A_736, %get3A_737] {strides = array<i32>} : memref<2x3x32x256xf32, #tpu.memory_space<vmem>>, vector<1x1x1x16xf32>,
        %get3A_739 = vector.shape_cast %get3A_738 : vector<1x1x1x16xf32> to vector<16xf32>
        %mul3A_740 = arith.mulf %gather3A_317, %get3A_739 : vector<16xf32>
        %add3A_741 = arith.addf %add3A_731, %mul3A_740 : vector<16xf32>
        %swap3A_742 = arith.constant 1 : i32
        %swap3A_743 = arith.index_cast %swap3A_742 : i32 to index
        %swap3A_744 = arith.index_cast %scan3A_261 : i32 to index
        %swap3A_745 = arith.constant 176 : index
        %swap3A_746 = tpu.vector_load %arg9[%swap3A_743, %swap3A_744, %swap3A_745] {strides = array<i32>} : memref<2x32x256xf32, #tpu.memory_space<vmem>>, vector<1x1x16xf32>,
        %swap3A_747 = vector.shape_cast %swap3A_746 : vector<1x1x16xf32> to vector<16xf32>
        %swap3A_748 = vector.shape_cast %add3A_741 : vector<16xf32> to vector<1x1x16xf32>
        tpu.vector_store %arg9[%swap3A_743, %swap3A_744, %swap3A_745], %swap3A_748 {strides = array<i32>} : memref<2x32x256xf32, #tpu.memory_space<vmem>>, vector<1x1x16xf32>,
        %get3A_749 = arith.constant 1 : i32
        %get3A_750 = arith.constant 0 : i32
        %get3A_751 = arith.index_cast %get3A_749 : i32 to index
        %get3A_752 = arith.index_cast %get3A_750 : i32 to index
        %get3A_753 = arith.index_cast %scan3A_261 : i32 to index
        %get3A_754 = arith.constant 192 : index
        %get3A_755 = tpu.vector_load %arg8[%get3A_751, %get3A_752, %get3A_753, %get3A_754] {strides = array<i32>} : memref<2x3x32x256xf32, #tpu.memory_space<vmem>>, vector<1x1x1x16xf32>,
        %get3A_756 = vector.shape_cast %get3A_755 : vector<1x1x1x16xf32> to vector<16xf32>
        %mul3A_757 = arith.mulf %gather3A_301, %get3A_756 : vector<16xf32>
        %get3A_758 = arith.constant 1 : i32
        %get3A_759 = arith.constant 1 : i32
        %get3A_760 = arith.index_cast %get3A_758 : i32 to index
        %get3A_761 = arith.index_cast %get3A_759 : i32 to index
        %get3A_762 = arith.index_cast %scan3A_261 : i32 to index
        %get3A_763 = arith.constant 192 : index
        %get3A_764 = tpu.vector_load %arg8[%get3A_760, %get3A_761, %get3A_762, %get3A_763] {strides = array<i32>} : memref<2x3x32x256xf32, #tpu.memory_space<vmem>>, vector<1x1x1x16xf32>,
        %get3A_765 = vector.shape_cast %get3A_764 : vector<1x1x1x16xf32> to vector<16xf32>
        %mul3A_766 = arith.mulf %gather3A_309, %get3A_765 : vector<16xf32>
        %add3A_767 = arith.addf %mul3A_757, %mul3A_766 : vector<16xf32>
        %get3A_768 = arith.constant 1 : i32
        %get3A_769 = arith.constant 2 : i32
        %get3A_770 = arith.index_cast %get3A_768 : i32 to index
        %get3A_771 = arith.index_cast %get3A_769 : i32 to index
        %get3A_772 = arith.index_cast %scan3A_261 : i32 to index
        %get3A_773 = arith.constant 192 : index
        %get3A_774 = tpu.vector_load %arg8[%get3A_770, %get3A_771, %get3A_772, %get3A_773] {strides = array<i32>} : memref<2x3x32x256xf32, #tpu.memory_space<vmem>>, vector<1x1x1x16xf32>,
        %get3A_775 = vector.shape_cast %get3A_774 : vector<1x1x1x16xf32> to vector<16xf32>
        %mul3A_776 = arith.mulf %gather3A_317, %get3A_775 : vector<16xf32>
        %add3A_777 = arith.addf %add3A_767, %mul3A_776 : vector<16xf32>
        %swap3A_778 = arith.constant 1 : i32
        %swap3A_779 = arith.index_cast %swap3A_778 : i32 to index
        %swap3A_780 = arith.index_cast %scan3A_261 : i32 to index
        %swap3A_781 = arith.constant 192 : index
        %swap3A_782 = tpu.vector_load %arg9[%swap3A_779, %swap3A_780, %swap3A_781] {strides = array<i32>} : memref<2x32x256xf32, #tpu.memory_space<vmem>>, vector<1x1x16xf32>,
        %swap3A_783 = vector.shape_cast %swap3A_782 : vector<1x1x16xf32> to vector<16xf32>
        %swap3A_784 = vector.shape_cast %add3A_777 : vector<16xf32> to vector<1x1x16xf32>
        tpu.vector_store %arg9[%swap3A_779, %swap3A_780, %swap3A_781], %swap3A_784 {strides = array<i32>} : memref<2x32x256xf32, #tpu.memory_space<vmem>>, vector<1x1x16xf32>,
        %get3A_785 = arith.constant 1 : i32
        %get3A_786 = arith.constant 0 : i32
        %get3A_787 = arith.index_cast %get3A_785 : i32 to index
        %get3A_788 = arith.index_cast %get3A_786 : i32 to index
        %get3A_789 = arith.index_cast %scan3A_261 : i32 to index
        %get3A_790 = arith.constant 208 : index
        %get3A_791 = tpu.vector_load %arg8[%get3A_787, %get3A_788, %get3A_789, %get3A_790] {strides = array<i32>} : memref<2x3x32x256xf32, #tpu.memory_space<vmem>>, vector<1x1x1x16xf32>,
        %get3A_792 = vector.shape_cast %get3A_791 : vector<1x1x1x16xf32> to vector<16xf32>
        %mul3A_793 = arith.mulf %gather3A_301, %get3A_792 : vector<16xf32>
        %get3A_794 = arith.constant 1 : i32
        %get3A_795 = arith.constant 1 : i32
        %get3A_796 = arith.index_cast %get3A_794 : i32 to index
        %get3A_797 = arith.index_cast %get3A_795 : i32 to index
        %get3A_798 = arith.index_cast %scan3A_261 : i32 to index
        %get3A_799 = arith.constant 208 : index
        %get3A_800 = tpu.vector_load %arg8[%get3A_796, %get3A_797, %get3A_798, %get3A_799] {strides = array<i32>} : memref<2x3x32x256xf32, #tpu.memory_space<vmem>>, vector<1x1x1x16xf32>,
        %get3A_801 = vector.shape_cast %get3A_800 : vector<1x1x1x16xf32> to vector<16xf32>
        %mul3A_802 = arith.mulf %gather3A_309, %get3A_801 : vector<16xf32>
        %add3A_803 = arith.addf %mul3A_793, %mul3A_802 : vector<16xf32>
        %get3A_804 = arith.constant 1 : i32
        %get3A_805 = arith.constant 2 : i32
        %get3A_806 = arith.index_cast %get3A_804 : i32 to index
        %get3A_807 = arith.index_cast %get3A_805 : i32 to index
        %get3A_808 = arith.index_cast %scan3A_261 : i32 to index
        %get3A_809 = arith.constant 208 : index
        %get3A_810 = tpu.vector_load %arg8[%get3A_806, %get3A_807, %get3A_808, %get3A_809] {strides = array<i32>} : memref<2x3x32x256xf32, #tpu.memory_space<vmem>>, vector<1x1x1x16xf32>,
        %get3A_811 = vector.shape_cast %get3A_810 : vector<1x1x1x16xf32> to vector<16xf32>
        %mul3A_812 = arith.mulf %gather3A_317, %get3A_811 : vector<16xf32>
        %add3A_813 = arith.addf %add3A_803, %mul3A_812 : vector<16xf32>
        %swap3A_814 = arith.constant 1 : i32
        %swap3A_815 = arith.index_cast %swap3A_814 : i32 to index
        %swap3A_816 = arith.index_cast %scan3A_261 : i32 to index
        %swap3A_817 = arith.constant 208 : index
        %swap3A_818 = tpu.vector_load %arg9[%swap3A_815, %swap3A_816, %swap3A_817] {strides = array<i32>} : memref<2x32x256xf32, #tpu.memory_space<vmem>>, vector<1x1x16xf32>,
        %swap3A_819 = vector.shape_cast %swap3A_818 : vector<1x1x16xf32> to vector<16xf32>
        %swap3A_820 = vector.shape_cast %add3A_813 : vector<16xf32> to vector<1x1x16xf32>
        tpu.vector_store %arg9[%swap3A_815, %swap3A_816, %swap3A_817], %swap3A_820 {strides = array<i32>} : memref<2x32x256xf32, #tpu.memory_space<vmem>>, vector<1x1x16xf32>,
        %get3A_821 = arith.constant 1 : i32
        %get3A_822 = arith.constant 0 : i32
        %get3A_823 = arith.index_cast %get3A_821 : i32 to index
        %get3A_824 = arith.index_cast %get3A_822 : i32 to index
        %get3A_825 = arith.index_cast %scan3A_261 : i32 to index
        %get3A_826 = arith.constant 224 : index
        %get3A_827 = tpu.vector_load %arg8[%get3A_823, %get3A_824, %get3A_825, %get3A_826] {strides = array<i32>} : memref<2x3x32x256xf32, #tpu.memory_space<vmem>>, vector<1x1x1x16xf32>,
        %get3A_828 = vector.shape_cast %get3A_827 : vector<1x1x1x16xf32> to vector<16xf32>
        %mul3A_829 = arith.mulf %gather3A_301, %get3A_828 : vector<16xf32>
        %get3A_830 = arith.constant 1 : i32
        %get3A_831 = arith.constant 1 : i32
        %get3A_832 = arith.index_cast %get3A_830 : i32 to index
        %get3A_833 = arith.index_cast %get3A_831 : i32 to index
        %get3A_834 = arith.index_cast %scan3A_261 : i32 to index
        %get3A_835 = arith.constant 224 : index
        %get3A_836 = tpu.vector_load %arg8[%get3A_832, %get3A_833, %get3A_834, %get3A_835] {strides = array<i32>} : memref<2x3x32x256xf32, #tpu.memory_space<vmem>>, vector<1x1x1x16xf32>,
        %get3A_837 = vector.shape_cast %get3A_836 : vector<1x1x1x16xf32> to vector<16xf32>
        %mul3A_838 = arith.mulf %gather3A_309, %get3A_837 : vector<16xf32>
        %add3A_839 = arith.addf %mul3A_829, %mul3A_838 : vector<16xf32>
        %get3A_840 = arith.constant 1 : i32
        %get3A_841 = arith.constant 2 : i32
        %get3A_842 = arith.index_cast %get3A_840 : i32 to index
        %get3A_843 = arith.index_cast %get3A_841 : i32 to index
        %get3A_844 = arith.index_cast %scan3A_261 : i32 to index
        %get3A_845 = arith.constant 224 : index
        %get3A_846 = tpu.vector_load %arg8[%get3A_842, %get3A_843, %get3A_844, %get3A_845] {strides = array<i32>} : memref<2x3x32x256xf32, #tpu.memory_space<vmem>>, vector<1x1x1x16xf32>,
        %get3A_847 = vector.shape_cast %get3A_846 : vector<1x1x1x16xf32> to vector<16xf32>
        %mul3A_848 = arith.mulf %gather3A_317, %get3A_847 : vector<16xf32>
        %add3A_849 = arith.addf %add3A_839, %mul3A_848 : vector<16xf32>
        %swap3A_850 = arith.constant 1 : i32
        %swap3A_851 = arith.index_cast %swap3A_850 : i32 to index
        %swap3A_852 = arith.index_cast %scan3A_261 : i32 to index
        %swap3A_853 = arith.constant 224 : index
        %swap3A_854 = tpu.vector_load %arg9[%swap3A_851, %swap3A_852, %swap3A_853] {strides = array<i32>} : memref<2x32x256xf32, #tpu.memory_space<vmem>>, vector<1x1x16xf32>,
        %swap3A_855 = vector.shape_cast %swap3A_854 : vector<1x1x16xf32> to vector<16xf32>
        %swap3A_856 = vector.shape_cast %add3A_849 : vector<16xf32> to vector<1x1x16xf32>
        tpu.vector_store %arg9[%swap3A_851, %swap3A_852, %swap3A_853], %swap3A_856 {strides = array<i32>} : memref<2x32x256xf32, #tpu.memory_space<vmem>>, vector<1x1x16xf32>,
        %get3A_857 = arith.constant 1 : i32
        %get3A_858 = arith.constant 0 : i32
        %get3A_859 = arith.index_cast %get3A_857 : i32 to index
        %get3A_860 = arith.index_cast %get3A_858 : i32 to index
        %get3A_861 = arith.index_cast %scan3A_261 : i32 to index
        %get3A_862 = arith.constant 240 : index
        %get3A_863 = tpu.vector_load %arg8[%get3A_859, %get3A_860, %get3A_861, %get3A_862] {strides = array<i32>} : memref<2x3x32x256xf32, #tpu.memory_space<vmem>>, vector<1x1x1x16xf32>,
        %get3A_864 = vector.shape_cast %get3A_863 : vector<1x1x1x16xf32> to vector<16xf32>
        %mul3A_865 = arith.mulf %gather3A_301, %get3A_864 : vector<16xf32>
        %get3A_866 = arith.constant 1 : i32
        %get3A_867 = arith.constant 1 : i32
        %get3A_868 = arith.index_cast %get3A_866 : i32 to index
        %get3A_869 = arith.index_cast %get3A_867 : i32 to index
        %get3A_870 = arith.index_cast %scan3A_261 : i32 to index
        %get3A_871 = arith.constant 240 : index
        %get3A_872 = tpu.vector_load %arg8[%get3A_868, %get3A_869, %get3A_870, %get3A_871] {strides = array<i32>} : memref<2x3x32x256xf32, #tpu.memory_space<vmem>>, vector<1x1x1x16xf32>,
        %get3A_873 = vector.shape_cast %get3A_872 : vector<1x1x1x16xf32> to vector<16xf32>
        %mul3A_874 = arith.mulf %gather3A_309, %get3A_873 : vector<16xf32>
        %add3A_875 = arith.addf %mul3A_865, %mul3A_874 : vector<16xf32>
        %get3A_876 = arith.constant 1 : i32
        %get3A_877 = arith.constant 2 : i32
        %get3A_878 = arith.index_cast %get3A_876 : i32 to index
        %get3A_879 = arith.index_cast %get3A_877 : i32 to index
        %get3A_880 = arith.index_cast %scan3A_261 : i32 to index
        %get3A_881 = arith.constant 240 : index
        %get3A_882 = tpu.vector_load %arg8[%get3A_878, %get3A_879, %get3A_880, %get3A_881] {strides = array<i32>} : memref<2x3x32x256xf32, #tpu.memory_space<vmem>>, vector<1x1x1x16xf32>,
        %get3A_883 = vector.shape_cast %get3A_882 : vector<1x1x1x16xf32> to vector<16xf32>
        %mul3A_884 = arith.mulf %gather3A_317, %get3A_883 : vector<16xf32>
        %add3A_885 = arith.addf %add3A_875, %mul3A_884 : vector<16xf32>
        %swap3A_886 = arith.constant 1 : i32
        %swap3A_887 = arith.index_cast %swap3A_886 : i32 to index
        %swap3A_888 = arith.index_cast %scan3A_261 : i32 to index
        %swap3A_889 = arith.constant 240 : index
        %swap3A_890 = tpu.vector_load %arg9[%swap3A_887, %swap3A_888, %swap3A_889] {strides = array<i32>} : memref<2x32x256xf32, #tpu.memory_space<vmem>>, vector<1x1x16xf32>,
        %swap3A_891 = vector.shape_cast %swap3A_890 : vector<1x1x16xf32> to vector<16xf32>
        %swap3A_892 = vector.shape_cast %add3A_885 : vector<16xf32> to vector<1x1x16xf32>
        tpu.vector_store %arg9[%swap3A_887, %swap3A_888, %swap3A_889], %swap3A_892 {strides = array<i32>} : memref<2x32x256xf32, #tpu.memory_space<vmem>>, vector<1x1x16xf32>,
      }
      %scan3A_242 = arith.constant 32 : i32
      %add3A_243 = arith.constant 1 : i32
      %add3A_244 = arith.addi %mul3A_76, %add3A_243 : i32
      %mul3A_245 = arith.constant 32 : i32
      %mul3A_246 = arith.muli %add3A_244, %mul3A_245 : i32
      %add3A_247 = arith.addi %mul3A_2, %mul3A_246 : i32
      %dma_start3A_248 = arith.constant 1 : i32
      %dma_start3A_249 = arith.constant 0 : i32
      %dma_start3A_250 = arith.constant 0 : i32
      %dma_start3A_251 = tpu.memref_slice %arg9[%dma_start3A_248, %dma_start3A_249, %dma_start3A_250] : memref<2x32x256xf32, #tpu.memory_space<vmem>> -> memref<1x32x256xf32, #tpu.memory_space<vmem>>
      %dma_start3A_252 = tpu.memref_squeeze %dma_start3A_251 : memref<1x32x256xf32, #tpu.memory_space<vmem>> -> memref<32x256xf32, #tpu.memory_space<vmem>>
      %dma_start3A_253 = arith.constant 0 : i32
      %dma_start3A_254 = tpu.memref_slice %arg5[%add3A_247, %dma_start3A_253] : memref<16384x256xf32, #tpu.memory_space<hbm>> -> memref<32x256xf32, #tpu.memory_space<hbm>>
      %dma_start3A_255 = arith.constant 0 : i32
      %dma_start3A_256 = tpu.memref_slice %arg5[%add3A_247, %dma_start3A_255] : memref<16384x256xf32, #tpu.memory_space<hbm>> -> memref<32x256xf32, #tpu.memory_space<hbm>>
      %dma_start3A_257 = arith.constant 0 : i32
      %dma_start3A_258 = arith.constant 0 : i32
      %dma_start3A_259 = tpu.memref_slice %arg9[%dma_start3A_248, %dma_start3A_257, %dma_start3A_258] : memref<2x32x256xf32, #tpu.memory_space<vmem>> -> memref<1x32x256xf32, #tpu.memory_space<vmem>>
      %dma_start3A_260 = tpu.memref_squeeze %dma_start3A_259 : memref<1x32x256xf32, #tpu.memory_space<vmem>> -> memref<32x256xf32, #tpu.memory_space<vmem>>
      tpu.enqueue_dma source(%dma_start3A_260 : memref<32x256xf32, #tpu.memory_space<vmem>>) target(%dma_start3A_256 : memref<32x256xf32, #tpu.memory_space<hbm>>) target_semaphore(%arg13 : memref<!tpu.dma_semaphore, #tpu.memory_space<semaphore_mem>>)
    }
    %scan3A_48 = arith.constant 8 : i32
    %dma_wait3A = arith.constant 0 : i32
    %dma_wait3A_49 = arith.constant 0 : i32
    %dma_wait3A_50 = arith.constant 0 : i32
    %dma_wait3A_51 = tpu.memref_slice %arg9[%dma_wait3A, %dma_wait3A_49, %dma_wait3A_50] : memref<2x32x256xf32, #tpu.memory_space<vmem>> -> memref<1x32x256xf32, #tpu.memory_space<vmem>>
    %dma_wait3A_52 = tpu.memref_squeeze %dma_wait3A_51 : memref<1x32x256xf32, #tpu.memory_space<vmem>> -> memref<32x256xf32, #tpu.memory_space<vmem>>
    %dma_wait3A_53 = arith.constant 0 : i32
    %dma_wait3A_54 = tpu.memref_slice %arg5[%mul3A_2, %dma_wait3A_53] : memref<16384x256xf32, #tpu.memory_space<hbm>> -> memref<32x256xf32, #tpu.memory_space<hbm>>
    %dma_wait3A_55 = arith.constant 0 : i32
    %dma_wait3A_56 = tpu.memref_slice %arg5[%mul3A_2, %dma_wait3A_55] : memref<16384x256xf32, #tpu.memory_space<hbm>> -> memref<32x256xf32, #tpu.memory_space<hbm>>
    %dma_wait3A_57 = arith.constant 0 : i32
    %dma_wait3A_58 = arith.constant 0 : i32
    %dma_wait3A_59 = tpu.memref_slice %arg9[%dma_wait3A, %dma_wait3A_57, %dma_wait3A_58] : memref<2x32x256xf32, #tpu.memory_space<vmem>> -> memref<1x32x256xf32, #tpu.memory_space<vmem>>
    %dma_wait3A_60 = tpu.memref_squeeze %dma_wait3A_59 : memref<1x32x256xf32, #tpu.memory_space<vmem>> -> memref<32x256xf32, #tpu.memory_space<vmem>>
    tpu.wait_dma2 semaphore(%arg12 : memref<!tpu.dma_semaphore, #tpu.memory_space<semaphore_mem>>) src(%dma_wait3A_60 : memref<32x256xf32, #tpu.memory_space<vmem>>) dst(%dma_wait3A_56 : memref<32x256xf32, #tpu.memory_space<hbm>>)
    %dma_wait3A_61 = arith.constant 1 : i32
    %dma_wait3A_62 = arith.constant 0 : i32
    %dma_wait3A_63 = arith.constant 0 : i32
    %dma_wait3A_64 = tpu.memref_slice %arg9[%dma_wait3A_61, %dma_wait3A_62, %dma_wait3A_63] : memref<2x32x256xf32, #tpu.memory_space<vmem>> -> memref<1x32x256xf32, #tpu.memory_space<vmem>>
    %dma_wait3A_65 = tpu.memref_squeeze %dma_wait3A_64 : memref<1x32x256xf32, #tpu.memory_space<vmem>> -> memref<32x256xf32, #tpu.memory_space<vmem>>
    %dma_wait3A_66 = arith.constant 0 : i32
    %dma_wait3A_67 = tpu.memref_slice %arg5[%mul3A_2, %dma_wait3A_66] : memref<16384x256xf32, #tpu.memory_space<hbm>> -> memref<32x256xf32, #tpu.memory_space<hbm>>
    %dma_wait3A_68 = arith.constant 0 : i32
    %dma_wait3A_69 = tpu.memref_slice %arg5[%mul3A_2, %dma_wait3A_68] : memref<16384x256xf32, #tpu.memory_space<hbm>> -> memref<32x256xf32, #tpu.memory_space<hbm>>
    %dma_wait3A_70 = arith.constant 0 : i32
    %dma_wait3A_71 = arith.constant 0 : i32
    %dma_wait3A_72 = tpu.memref_slice %arg9[%dma_wait3A_61, %dma_wait3A_70, %dma_wait3A_71] : memref<2x32x256xf32, #tpu.memory_space<vmem>> -> memref<1x32x256xf32, #tpu.memory_space<vmem>>
    %dma_wait3A_73 = tpu.memref_squeeze %dma_wait3A_72 : memref<1x32x256xf32, #tpu.memory_space<vmem>> -> memref<32x256xf32, #tpu.memory_space<vmem>>
    tpu.wait_dma2 semaphore(%arg13 : memref<!tpu.dma_semaphore, #tpu.memory_space<semaphore_mem>>) src(%dma_wait3A_73 : memref<32x256xf32, #tpu.memory_space<vmem>>) dst(%dma_wait3A_69 : memref<32x256xf32, #tpu.memory_space<hbm>>)
    return
  }
}

module attributes {stable_mosaic.version = 14 : i64} {
  func.func @_top3_body(%arg0: i32, %arg1: i32, %arg2: memref<1x8x512xf32, #tpu.memory_space<vmem>>, %arg3: memref<1x1024x8xf32, #tpu.memory_space<vmem>>, %arg4: memref<1x1x8x512xi32, #tpu.memory_space<vmem>>, %arg5: memref<1x1x8x512xf32, #tpu.memory_space<vmem>>) attributes {dimension_semantics = [#tpu.dimension_semantics<arbitrary>, #tpu.dimension_semantics<arbitrary>], iteration_bounds = array<i64: 4, 8>, scalar_prefetch = 0 : i64, scratch_operands = 0 : i64, tpu.core_type = #tpu.core_type<tc>, window_params = [{transform_indices = @transform_0, window_bounds = array<i64: 1, 8, 512>}, {transform_indices = @transform_1, window_bounds = array<i64: 1, 1024, 8>}, {transform_indices = @transform_2, window_bounds = array<i64: 1, 1, 8, 512>}, {transform_indices = @transform_3, window_bounds = array<i64: 1, 1, 8, 512>}]} {
    %get3A = arith.constant 0 : index
    %get3A_0 = arith.constant 0 : index
    %get3A_1 = arith.constant 0 : index
    %get3A_2 = vector.load %arg2[%get3A, %get3A_0, %get3A_1] : memref<1x8x512xf32, #tpu.memory_space<vmem>>, vector<1x8x512xf32>
    %get3A_3 = vector.shape_cast %get3A_2 : vector<1x8x512xf32> to vector<8x512xf32>
    %get3A_4 = arith.constant 0 : index
    %get3A_5 = arith.constant 0 : index
    %get3A_6 = arith.constant 0 : index
    %get3A_7 = vector.load %arg3[%get3A_4, %get3A_5, %get3A_6] : memref<1x1024x8xf32, #tpu.memory_space<vmem>>, vector<1x1024x8xf32>
    %get3A_8 = vector.shape_cast %get3A_7 : vector<1x1024x8xf32> to vector<1024x8xf32>
    %dot_general3A = arith.constant dense<0.000000e+00> : vector<1024x512xf32>
    %dot_general3A_9 = tpu.matmul %get3A_8, %get3A_3, %dot_general3A {dimension_numbers = #tpu.dot_dimension_numbers<[1], [0], [0], [1], [0, 0, 1, 1], [], []>, transpose_lhs_hint = false} : vector<1024x8xf32>, vector<8x512xf32>, vector<1024x512xf32> -> vector<1024x512xf32>
    %mul3A = arith.mulf %get3A_3, %get3A_3 : vector<8x512xf32>
    %reduce_sum3A = arith.constant dense<0.000000e+00> : vector<512xf32>
    %reduce_sum3A_10 = vector.multi_reduction <add>, %mul3A, %reduce_sum3A [0] : vector<8x512xf32> to vector<512xf32>
    %broadcast_in_dim3A = vector.shape_cast %reduce_sum3A_10 : vector<512xf32> to vector<1x512xf32>
    %mul3A_11 = arith.mulf %get3A_8, %get3A_8 : vector<1024x8xf32>
    %reduce_sum3A_12 = arith.constant dense<0.000000e+00> : vector<1024xf32>
    %reduce_sum3A_13 = vector.multi_reduction <add>, %mul3A_11, %reduce_sum3A_12 [1] : vector<1024x8xf32> to vector<1024xf32>
    %broadcast_in_dim3A_14 = vector.shape_cast %reduce_sum3A_13 : vector<1024xf32> to vector<1024x1xf32>
    %add3A = vector.broadcast %broadcast_in_dim3A_14 : vector<1024x1xf32> to vector<1024x512xf32>
    %add3A_15 = vector.broadcast %broadcast_in_dim3A : vector<1x512xf32> to vector<1024x512xf32>
    %add3A_16 = arith.addf %add3A, %add3A_15 : vector<1024x512xf32>
    %mul3A_17 = arith.constant 2.000000e+00 : f32
    %mul3A_18 = vector.broadcast %mul3A_17 : f32 to vector<1024x512xf32>
    %mul3A_19 = arith.mulf %mul3A_18, %dot_general3A_9 : vector<1024x512xf32>
    %sub3A = arith.subf %add3A_16, %mul3A_19 : vector<1024x512xf32>
    %max3A = arith.constant 0.000000e+00 : f32
    %max3A_20 = vector.broadcast %max3A : f32 to vector<1024x512xf32>
    %max3A_21 = arith.maximumf %sub3A, %max3A_20 : vector<1024x512xf32>
    %iota3A = tpu.iota {dimensions = array<i32: 0>} : vector<1024x512xi32>
    %bitcast_convert_type3A = tpu.bitcast %max3A_21 : vector<1024x512xf32> -> vector<1024x512xi32>
    %and3A = arith.constant -1024 : i32
    %and3A_22 = vector.broadcast %and3A : i32 to vector<1024x512xi32>
    %and3A_23 = arith.andi %bitcast_convert_type3A, %and3A_22 : vector<1024x512xi32>
    %or3A = arith.ori %and3A_23, %iota3A : vector<1024x512xi32>
    %reduce_min3A = arith.constant dense<2147483647> : vector<512xi32>
    %reduce_min3A_24 = vector.multi_reduction <minsi>, %or3A, %reduce_min3A [0] : vector<1024x512xi32> to vector<512xi32>
    %broadcast_in_dim3A_25 = vector.shape_cast %reduce_min3A_24 : vector<512xi32> to vector<1x512xi32>
    %eq3A = vector.broadcast %broadcast_in_dim3A_25 : vector<1x512xi32> to vector<1024x512xi32>
    %eq3A_26 = arith.cmpi eq, %or3A, %eq3A : vector<1024x512xi32>
    %jit3A = arith.constant 2147483647 : i32
    %broadcast_in_dim3A_27 = vector.broadcast %jit3A : i32 to vector<1024x512xi32>
    %select_n3A = arith.select %eq3A_26, %broadcast_in_dim3A_27, %or3A : vector<1024x512xi1>, vector<1024x512xi32>
    %reduce_min3A_28 = arith.constant dense<2147483647> : vector<512xi32>
    %reduce_min3A_29 = vector.multi_reduction <minsi>, %select_n3A, %reduce_min3A_28 [0] : vector<1024x512xi32> to vector<512xi32>
    %broadcast_in_dim3A_30 = vector.shape_cast %reduce_min3A_29 : vector<512xi32> to vector<1x512xi32>
    %eq3A_31 = vector.broadcast %broadcast_in_dim3A_30 : vector<1x512xi32> to vector<1024x512xi32>
    %eq3A_32 = arith.cmpi eq, %select_n3A, %eq3A_31 : vector<1024x512xi32>
    %jit3A_33 = arith.constant 2147483647 : i32
    %broadcast_in_dim3A_34 = vector.broadcast %jit3A_33 : i32 to vector<1024x512xi32>
    %select_n3A_35 = arith.select %eq3A_32, %broadcast_in_dim3A_34, %select_n3A : vector<1024x512xi1>, vector<1024x512xi32>
    %reduce_min3A_36 = arith.constant dense<2147483647> : vector<512xi32>
    %reduce_min3A_37 = vector.multi_reduction <minsi>, %select_n3A_35, %reduce_min3A_36 [0] : vector<1024x512xi32> to vector<512xi32>
    %broadcast_in_dim3A_38 = vector.shape_cast %reduce_min3A_37 : vector<512xi32> to vector<1x512xi32>
    %and3A_39 = arith.constant 1023 : i32
    %and3A_40 = vector.broadcast %and3A_39 : i32 to vector<1x512xi32>
    %and3A_41 = arith.andi %broadcast_in_dim3A_25, %and3A_40 : vector<1x512xi32>
    %and3A_42 = arith.constant 1023 : i32
    %and3A_43 = vector.broadcast %and3A_42 : i32 to vector<1x512xi32>
    %and3A_44 = arith.andi %broadcast_in_dim3A_30, %and3A_43 : vector<1x512xi32>
    %and3A_45 = arith.constant 1023 : i32
    %and3A_46 = vector.broadcast %and3A_45 : i32 to vector<1x512xi32>
    %and3A_47 = arith.andi %broadcast_in_dim3A_38, %and3A_46 : vector<1x512xi32>
    %and3A_48 = arith.constant -1024 : i32
    %and3A_49 = vector.broadcast %and3A_48 : i32 to vector<1x512xi32>
    %and3A_50 = arith.andi %broadcast_in_dim3A_25, %and3A_49 : vector<1x512xi32>
    %bitcast_convert_type3A_51 = tpu.bitcast %and3A_50 : vector<1x512xi32> -> vector<1x512xf32>
    %and3A_52 = arith.constant -1024 : i32
    %and3A_53 = vector.broadcast %and3A_52 : i32 to vector<1x512xi32>
    %and3A_54 = arith.andi %broadcast_in_dim3A_30, %and3A_53 : vector<1x512xi32>
    %bitcast_convert_type3A_55 = tpu.bitcast %and3A_54 : vector<1x512xi32> -> vector<1x512xf32>
    %and3A_56 = arith.constant -1024 : i32
    %and3A_57 = vector.broadcast %and3A_56 : i32 to vector<1x512xi32>
    %and3A_58 = arith.andi %broadcast_in_dim3A_38, %and3A_57 : vector<1x512xi32>
    %bitcast_convert_type3A_59 = tpu.bitcast %and3A_58 : vector<1x512xi32> -> vector<1x512xf32>
    %add3A_60 = arith.constant 9.99999993E-9 : f32
    %add3A_61 = vector.broadcast %add3A_60 : f32 to vector<1x512xf32>
    %add3A_62 = arith.addf %bitcast_convert_type3A_51, %add3A_61 : vector<1x512xf32>
    %div3A = arith.constant 1.000000e+00 : f32
    %div3A_63 = vector.broadcast %div3A : f32 to vector<1x512xf32>
    %div3A_64 = arith.divf %div3A_63, %add3A_62 : vector<1x512xf32>
    %add3A_65 = arith.constant 9.99999993E-9 : f32
    %add3A_66 = vector.broadcast %add3A_65 : f32 to vector<1x512xf32>
    %add3A_67 = arith.addf %bitcast_convert_type3A_55, %add3A_66 : vector<1x512xf32>
    %div3A_68 = arith.constant 1.000000e+00 : f32
    %div3A_69 = vector.broadcast %div3A_68 : f32 to vector<1x512xf32>
    %div3A_70 = arith.divf %div3A_69, %add3A_67 : vector<1x512xf32>
    %add3A_71 = arith.constant 9.99999993E-9 : f32
    %add3A_72 = vector.broadcast %add3A_71 : f32 to vector<1x512xf32>
    %add3A_73 = arith.addf %bitcast_convert_type3A_59, %add3A_72 : vector<1x512xf32>
    %div3A_74 = arith.constant 1.000000e+00 : f32
    %div3A_75 = vector.broadcast %div3A_74 : f32 to vector<1x512xf32>
    %div3A_76 = arith.divf %div3A_75, %add3A_73 : vector<1x512xf32>
    %add3A_77 = arith.addf %div3A_64, %div3A_70 : vector<1x512xf32>
    %add3A_78 = arith.addf %add3A_77, %div3A_76 : vector<1x512xf32>
    %div3A_79 = arith.divf %div3A_64, %add3A_78 : vector<1x512xf32>
    %div3A_80 = arith.divf %div3A_70, %add3A_78 : vector<1x512xf32>
    %div3A_81 = arith.divf %div3A_76, %add3A_78 : vector<1x512xf32>
    %broadcast_in_dim3A_82 = arith.constant 0 : i32
    %broadcast_in_dim3A_83 = vector.broadcast %broadcast_in_dim3A_82 : i32 to vector<1x512xi32>
    %broadcast_in_dim3A_84 = arith.constant 0.000000e+00 : f32
    %broadcast_in_dim3A_85 = vector.broadcast %broadcast_in_dim3A_84 : f32 to vector<1x512xf32>
    %add3A_86 = arith.constant 0 : i32
    %add3A_87 = arith.addi %arg0, %add3A_86 : i32
    %mul3A_88 = arith.constant 1024 : i32
    %mul3A_89 = arith.muli %add3A_87, %mul3A_88 : i32
    %add3A_90 = vector.broadcast %mul3A_89 : i32 to vector<1x512xi32>
    %add3A_91 = arith.addi %and3A_41, %add3A_90 : vector<1x512xi32>
    %add3A_92 = vector.broadcast %mul3A_89 : i32 to vector<1x512xi32>
    %add3A_93 = arith.addi %and3A_44, %add3A_92 : vector<1x512xi32>
    %add3A_94 = vector.broadcast %mul3A_89 : i32 to vector<1x512xi32>
    %add3A_95 = arith.addi %and3A_47, %add3A_94 : vector<1x512xi32>
    %concatenate3A = tpu.concatenate %add3A_91, %add3A_93, %add3A_95, %broadcast_in_dim3A_83, %broadcast_in_dim3A_83, %broadcast_in_dim3A_83, %broadcast_in_dim3A_83, %broadcast_in_dim3A_83 in 0 : vector<1x512xi32>, vector<1x512xi32>, vector<1x512xi32>, vector<1x512xi32>, vector<1x512xi32>, vector<1x512xi32>, vector<1x512xi32>, vector<1x512xi32> -> vector<8x512xi32>
    %swap3A = arith.constant 0 : index
    %swap3A_96 = arith.constant 0 : index
    %swap3A_97 = arith.constant 0 : index
    %swap3A_98 = arith.constant 0 : index
    %swap3A_99 = vector.load %arg4[%swap3A, %swap3A_96, %swap3A_97, %swap3A_98] : memref<1x1x8x512xi32, #tpu.memory_space<vmem>>, vector<1x1x8x512xi32>
    %swap3A_100 = vector.shape_cast %swap3A_99 : vector<1x1x8x512xi32> to vector<8x512xi32>
    %swap3A_101 = vector.shape_cast %concatenate3A : vector<8x512xi32> to vector<1x1x8x512xi32>
    tpu.vector_store %arg4[%swap3A, %swap3A_96, %swap3A_97, %swap3A_98], %swap3A_101 {strides = array<i32>} : memref<1x1x8x512xi32, #tpu.memory_space<vmem>>, vector<1x1x8x512xi32>,
    %concatenate3A_102 = tpu.concatenate %div3A_79, %div3A_80, %div3A_81, %broadcast_in_dim3A_85, %broadcast_in_dim3A_85, %broadcast_in_dim3A_85, %broadcast_in_dim3A_85, %broadcast_in_dim3A_85 in 0 : vector<1x512xf32>, vector<1x512xf32>, vector<1x512xf32>, vector<1x512xf32>, vector<1x512xf32>, vector<1x512xf32>, vector<1x512xf32>, vector<1x512xf32> -> vector<8x512xf32>
    %swap3A_103 = arith.constant 0 : index
    %swap3A_104 = arith.constant 0 : index
    %swap3A_105 = arith.constant 0 : index
    %swap3A_106 = arith.constant 0 : index
    %swap3A_107 = vector.load %arg5[%swap3A_103, %swap3A_104, %swap3A_105, %swap3A_106] : memref<1x1x8x512xf32, #tpu.memory_space<vmem>>, vector<1x1x8x512xf32>
    %swap3A_108 = vector.shape_cast %swap3A_107 : vector<1x1x8x512xf32> to vector<8x512xf32>
    %swap3A_109 = vector.shape_cast %concatenate3A_102 : vector<8x512xf32> to vector<1x1x8x512xf32>
    tpu.vector_store %arg5[%swap3A_103, %swap3A_104, %swap3A_105, %swap3A_106], %swap3A_109 {strides = array<i32>} : memref<1x1x8x512xf32, #tpu.memory_space<vmem>>, vector<1x1x8x512xf32>,
    return
  }
  func.func @transform_0(%arg0: i32, %arg1: i32) -> (i32, i32, i32) {
    %add3A = arith.constant 0 : i32
    %add3A_0 = arith.addi %arg0, %add3A : i32
    %c0_i32 = arith.constant 0 : i32
    %c0_i32_1 = arith.constant 0 : i32
    return %add3A_0, %c0_i32, %arg1 : i32, i32, i32
  }
  func.func @transform_1(%arg0: i32, %arg1: i32) -> (i32, i32, i32) {
    %add3A = arith.constant 0 : i32
    %add3A_0 = arith.addi %arg0, %add3A : i32
    %c0_i32 = arith.constant 0 : i32
    %c0_i32_1 = arith.constant 0 : i32
    %c0_i32_2 = arith.constant 0 : i32
    return %add3A_0, %c0_i32, %c0_i32_1 : i32, i32, i32
  }
  func.func @transform_2(%arg0: i32, %arg1: i32) -> (i32, i32, i32, i32) {
    %c0_i32 = arith.constant 0 : i32
    %c0_i32_0 = arith.constant 0 : i32
    %c0_i32_1 = arith.constant 0 : i32
    return %arg0, %arg1, %c0_i32, %c0_i32_0 : i32, i32, i32, i32
  }
  func.func @transform_3(%arg0: i32, %arg1: i32) -> (i32, i32, i32, i32) {
    %c0_i32 = arith.constant 0 : i32
    %c0_i32_0 = arith.constant 0 : i32
    %c0_i32_1 = arith.constant 0 : i32
    return %arg0, %arg1, %c0_i32, %c0_i32_0 : i32, i32, i32, i32
  }
}

module attributes {stable_mosaic.version = 14 : i64} {
  func.func @_top3_body(%arg0: i32, %arg1: i32, %arg2: memref<1x8x512xf32, #tpu.memory_space<vmem>>, %arg3: memref<1x1024x8xf32, #tpu.memory_space<vmem>>, %arg4: memref<1x1x8x512xi32, #tpu.memory_space<vmem>>, %arg5: memref<1x1x8x512xf32, #tpu.memory_space<vmem>>) attributes {dimension_semantics = [#tpu.dimension_semantics<arbitrary>, #tpu.dimension_semantics<arbitrary>], iteration_bounds = array<i64: 4, 8>, scalar_prefetch = 0 : i64, scratch_operands = 0 : i64, tpu.core_type = #tpu.core_type<tc>, window_params = [{transform_indices = @transform_0, window_bounds = array<i64: 1, 8, 512>}, {transform_indices = @transform_1, window_bounds = array<i64: 1, 1024, 8>}, {transform_indices = @transform_2, window_bounds = array<i64: 1, 1, 8, 512>}, {transform_indices = @transform_3, window_bounds = array<i64: 1, 1, 8, 512>}]} {
    %get3A = arith.constant 0 : index
    %get3A_0 = arith.constant 0 : index
    %get3A_1 = arith.constant 0 : index
    %get3A_2 = vector.load %arg2[%get3A, %get3A_0, %get3A_1] : memref<1x8x512xf32, #tpu.memory_space<vmem>>, vector<1x8x512xf32>
    %get3A_3 = vector.shape_cast %get3A_2 : vector<1x8x512xf32> to vector<8x512xf32>
    %get3A_4 = arith.constant 0 : index
    %get3A_5 = arith.constant 0 : index
    %get3A_6 = arith.constant 0 : index
    %get3A_7 = vector.load %arg3[%get3A_4, %get3A_5, %get3A_6] : memref<1x1024x8xf32, #tpu.memory_space<vmem>>, vector<1x1024x8xf32>
    %get3A_8 = vector.shape_cast %get3A_7 : vector<1x1024x8xf32> to vector<1024x8xf32>
    %dot_general3A = arith.constant dense<0.000000e+00> : vector<1024x512xf32>
    %dot_general3A_9 = tpu.matmul %get3A_8, %get3A_3, %dot_general3A {dimension_numbers = #tpu.dot_dimension_numbers<[1], [0], [0], [1], [0, 0, 1, 1], [], []>, transpose_lhs_hint = false} : vector<1024x8xf32>, vector<8x512xf32>, vector<1024x512xf32> -> vector<1024x512xf32>
    %mul3A = arith.mulf %get3A_3, %get3A_3 : vector<8x512xf32>
    %reduce_sum3A = arith.constant dense<0.000000e+00> : vector<512xf32>
    %reduce_sum3A_10 = vector.multi_reduction <add>, %mul3A, %reduce_sum3A [0] : vector<8x512xf32> to vector<512xf32>
    %broadcast_in_dim3A = vector.shape_cast %reduce_sum3A_10 : vector<512xf32> to vector<1x512xf32>
    %mul3A_11 = arith.mulf %get3A_8, %get3A_8 : vector<1024x8xf32>
    %reduce_sum3A_12 = arith.constant dense<0.000000e+00> : vector<1024xf32>
    %reduce_sum3A_13 = vector.multi_reduction <add>, %mul3A_11, %reduce_sum3A_12 [1] : vector<1024x8xf32> to vector<1024xf32>
    %broadcast_in_dim3A_14 = vector.shape_cast %reduce_sum3A_13 : vector<1024xf32> to vector<1024x1xf32>
    %add3A = vector.broadcast %broadcast_in_dim3A_14 : vector<1024x1xf32> to vector<1024x512xf32>
    %add3A_15 = vector.broadcast %broadcast_in_dim3A : vector<1x512xf32> to vector<1024x512xf32>
    %add3A_16 = arith.addf %add3A, %add3A_15 : vector<1024x512xf32>
    %mul3A_17 = arith.constant 2.000000e+00 : f32
    %mul3A_18 = vector.broadcast %mul3A_17 : f32 to vector<1024x512xf32>
    %mul3A_19 = arith.mulf %mul3A_18, %dot_general3A_9 : vector<1024x512xf32>
    %sub3A = arith.subf %add3A_16, %mul3A_19 : vector<1024x512xf32>
    %max3A = arith.constant 0.000000e+00 : f32
    %max3A_20 = vector.broadcast %max3A : f32 to vector<1024x512xf32>
    %max3A_21 = arith.maximumf %sub3A, %max3A_20 : vector<1024x512xf32>
    %iota3A = tpu.iota {dimensions = array<i32: 0>} : vector<1024x512xi32>
    %bitcast_convert_type3A = tpu.bitcast %max3A_21 : vector<1024x512xf32> -> vector<1024x512xi32>
    %and3A = arith.constant -1024 : i32
    %and3A_22 = vector.broadcast %and3A : i32 to vector<1024x512xi32>
    %and3A_23 = arith.andi %bitcast_convert_type3A, %and3A_22 : vector<1024x512xi32>
    %or3A = arith.ori %and3A_23, %iota3A : vector<1024x512xi32>
    %reduce_min3A = arith.constant dense<2147483647> : vector<512xi32>
    %reduce_min3A_24 = vector.multi_reduction <minsi>, %or3A, %reduce_min3A [0] : vector<1024x512xi32> to vector<512xi32>
    %broadcast_in_dim3A_25 = vector.shape_cast %reduce_min3A_24 : vector<512xi32> to vector<1x512xi32>
    %eq3A = vector.broadcast %broadcast_in_dim3A_25 : vector<1x512xi32> to vector<1024x512xi32>
    %eq3A_26 = arith.cmpi eq, %or3A, %eq3A : vector<1024x512xi32>
    %jit3A = arith.constant 2147483647 : i32
    %broadcast_in_dim3A_27 = vector.broadcast %jit3A : i32 to vector<1024x512xi32>
    %select_n3A = arith.select %eq3A_26, %broadcast_in_dim3A_27, %or3A : vector<1024x512xi1>, vector<1024x512xi32>
    %reduce_min3A_28 = arith.constant dense<2147483647> : vector<512xi32>
    %reduce_min3A_29 = vector.multi_reduction <minsi>, %select_n3A, %reduce_min3A_28 [0] : vector<1024x512xi32> to vector<512xi32>
    %broadcast_in_dim3A_30 = vector.shape_cast %reduce_min3A_29 : vector<512xi32> to vector<1x512xi32>
    %eq3A_31 = vector.broadcast %broadcast_in_dim3A_30 : vector<1x512xi32> to vector<1024x512xi32>
    %eq3A_32 = arith.cmpi eq, %select_n3A, %eq3A_31 : vector<1024x512xi32>
    %jit3A_33 = arith.constant 2147483647 : i32
    %broadcast_in_dim3A_34 = vector.broadcast %jit3A_33 : i32 to vector<1024x512xi32>
    %select_n3A_35 = arith.select %eq3A_32, %broadcast_in_dim3A_34, %select_n3A : vector<1024x512xi1>, vector<1024x512xi32>
    %reduce_min3A_36 = arith.constant dense<2147483647> : vector<512xi32>
    %reduce_min3A_37 = vector.multi_reduction <minsi>, %select_n3A_35, %reduce_min3A_36 [0] : vector<1024x512xi32> to vector<512xi32>
    %broadcast_in_dim3A_38 = vector.shape_cast %reduce_min3A_37 : vector<512xi32> to vector<1x512xi32>
    %and3A_39 = arith.constant 1023 : i32
    %and3A_40 = vector.broadcast %and3A_39 : i32 to vector<1x512xi32>
    %and3A_41 = arith.andi %broadcast_in_dim3A_25, %and3A_40 : vector<1x512xi32>
    %and3A_42 = arith.constant 1023 : i32
    %and3A_43 = vector.broadcast %and3A_42 : i32 to vector<1x512xi32>
    %and3A_44 = arith.andi %broadcast_in_dim3A_30, %and3A_43 : vector<1x512xi32>
    %and3A_45 = arith.constant 1023 : i32
    %and3A_46 = vector.broadcast %and3A_45 : i32 to vector<1x512xi32>
    %and3A_47 = arith.andi %broadcast_in_dim3A_38, %and3A_46 : vector<1x512xi32>
    %and3A_48 = arith.constant -1024 : i32
    %and3A_49 = vector.broadcast %and3A_48 : i32 to vector<1x512xi32>
    %and3A_50 = arith.andi %broadcast_in_dim3A_25, %and3A_49 : vector<1x512xi32>
    %bitcast_convert_type3A_51 = tpu.bitcast %and3A_50 : vector<1x512xi32> -> vector<1x512xf32>
    %and3A_52 = arith.constant -1024 : i32
    %and3A_53 = vector.broadcast %and3A_52 : i32 to vector<1x512xi32>
    %and3A_54 = arith.andi %broadcast_in_dim3A_30, %and3A_53 : vector<1x512xi32>
    %bitcast_convert_type3A_55 = tpu.bitcast %and3A_54 : vector<1x512xi32> -> vector<1x512xf32>
    %and3A_56 = arith.constant -1024 : i32
    %and3A_57 = vector.broadcast %and3A_56 : i32 to vector<1x512xi32>
    %and3A_58 = arith.andi %broadcast_in_dim3A_38, %and3A_57 : vector<1x512xi32>
    %bitcast_convert_type3A_59 = tpu.bitcast %and3A_58 : vector<1x512xi32> -> vector<1x512xf32>
    %add3A_60 = arith.constant 9.99999993E-9 : f32
    %add3A_61 = vector.broadcast %add3A_60 : f32 to vector<1x512xf32>
    %add3A_62 = arith.addf %bitcast_convert_type3A_51, %add3A_61 : vector<1x512xf32>
    %div3A = arith.constant 1.000000e+00 : f32
    %div3A_63 = vector.broadcast %div3A : f32 to vector<1x512xf32>
    %div3A_64 = arith.divf %div3A_63, %add3A_62 : vector<1x512xf32>
    %add3A_65 = arith.constant 9.99999993E-9 : f32
    %add3A_66 = vector.broadcast %add3A_65 : f32 to vector<1x512xf32>
    %add3A_67 = arith.addf %bitcast_convert_type3A_55, %add3A_66 : vector<1x512xf32>
    %div3A_68 = arith.constant 1.000000e+00 : f32
    %div3A_69 = vector.broadcast %div3A_68 : f32 to vector<1x512xf32>
    %div3A_70 = arith.divf %div3A_69, %add3A_67 : vector<1x512xf32>
    %add3A_71 = arith.constant 9.99999993E-9 : f32
    %add3A_72 = vector.broadcast %add3A_71 : f32 to vector<1x512xf32>
    %add3A_73 = arith.addf %bitcast_convert_type3A_59, %add3A_72 : vector<1x512xf32>
    %div3A_74 = arith.constant 1.000000e+00 : f32
    %div3A_75 = vector.broadcast %div3A_74 : f32 to vector<1x512xf32>
    %div3A_76 = arith.divf %div3A_75, %add3A_73 : vector<1x512xf32>
    %add3A_77 = arith.addf %div3A_64, %div3A_70 : vector<1x512xf32>
    %add3A_78 = arith.addf %add3A_77, %div3A_76 : vector<1x512xf32>
    %div3A_79 = arith.divf %div3A_64, %add3A_78 : vector<1x512xf32>
    %div3A_80 = arith.divf %div3A_70, %add3A_78 : vector<1x512xf32>
    %div3A_81 = arith.divf %div3A_76, %add3A_78 : vector<1x512xf32>
    %broadcast_in_dim3A_82 = arith.constant 0 : i32
    %broadcast_in_dim3A_83 = vector.broadcast %broadcast_in_dim3A_82 : i32 to vector<1x512xi32>
    %broadcast_in_dim3A_84 = arith.constant 0.000000e+00 : f32
    %broadcast_in_dim3A_85 = vector.broadcast %broadcast_in_dim3A_84 : f32 to vector<1x512xf32>
    %add3A_86 = arith.constant 4 : i32
    %add3A_87 = arith.addi %arg0, %add3A_86 : i32
    %mul3A_88 = arith.constant 1024 : i32
    %mul3A_89 = arith.muli %add3A_87, %mul3A_88 : i32
    %add3A_90 = vector.broadcast %mul3A_89 : i32 to vector<1x512xi32>
    %add3A_91 = arith.addi %and3A_41, %add3A_90 : vector<1x512xi32>
    %add3A_92 = vector.broadcast %mul3A_89 : i32 to vector<1x512xi32>
    %add3A_93 = arith.addi %and3A_44, %add3A_92 : vector<1x512xi32>
    %add3A_94 = vector.broadcast %mul3A_89 : i32 to vector<1x512xi32>
    %add3A_95 = arith.addi %and3A_47, %add3A_94 : vector<1x512xi32>
    %concatenate3A = tpu.concatenate %add3A_91, %add3A_93, %add3A_95, %broadcast_in_dim3A_83, %broadcast_in_dim3A_83, %broadcast_in_dim3A_83, %broadcast_in_dim3A_83, %broadcast_in_dim3A_83 in 0 : vector<1x512xi32>, vector<1x512xi32>, vector<1x512xi32>, vector<1x512xi32>, vector<1x512xi32>, vector<1x512xi32>, vector<1x512xi32>, vector<1x512xi32> -> vector<8x512xi32>
    %swap3A = arith.constant 0 : index
    %swap3A_96 = arith.constant 0 : index
    %swap3A_97 = arith.constant 0 : index
    %swap3A_98 = arith.constant 0 : index
    %swap3A_99 = vector.load %arg4[%swap3A, %swap3A_96, %swap3A_97, %swap3A_98] : memref<1x1x8x512xi32, #tpu.memory_space<vmem>>, vector<1x1x8x512xi32>
    %swap3A_100 = vector.shape_cast %swap3A_99 : vector<1x1x8x512xi32> to vector<8x512xi32>
    %swap3A_101 = vector.shape_cast %concatenate3A : vector<8x512xi32> to vector<1x1x8x512xi32>
    tpu.vector_store %arg4[%swap3A, %swap3A_96, %swap3A_97, %swap3A_98], %swap3A_101 {strides = array<i32>} : memref<1x1x8x512xi32, #tpu.memory_space<vmem>>, vector<1x1x8x512xi32>,
    %concatenate3A_102 = tpu.concatenate %div3A_79, %div3A_80, %div3A_81, %broadcast_in_dim3A_85, %broadcast_in_dim3A_85, %broadcast_in_dim3A_85, %broadcast_in_dim3A_85, %broadcast_in_dim3A_85 in 0 : vector<1x512xf32>, vector<1x512xf32>, vector<1x512xf32>, vector<1x512xf32>, vector<1x512xf32>, vector<1x512xf32>, vector<1x512xf32>, vector<1x512xf32> -> vector<8x512xf32>
    %swap3A_103 = arith.constant 0 : index
    %swap3A_104 = arith.constant 0 : index
    %swap3A_105 = arith.constant 0 : index
    %swap3A_106 = arith.constant 0 : index
    %swap3A_107 = vector.load %arg5[%swap3A_103, %swap3A_104, %swap3A_105, %swap3A_106] : memref<1x1x8x512xf32, #tpu.memory_space<vmem>>, vector<1x1x8x512xf32>
    %swap3A_108 = vector.shape_cast %swap3A_107 : vector<1x1x8x512xf32> to vector<8x512xf32>
    %swap3A_109 = vector.shape_cast %concatenate3A_102 : vector<8x512xf32> to vector<1x1x8x512xf32>
    tpu.vector_store %arg5[%swap3A_103, %swap3A_104, %swap3A_105, %swap3A_106], %swap3A_109 {strides = array<i32>} : memref<1x1x8x512xf32, #tpu.memory_space<vmem>>, vector<1x1x8x512xf32>,
    return
  }
  func.func @transform_0(%arg0: i32, %arg1: i32) -> (i32, i32, i32) {
    %add3A = arith.constant 4 : i32
    %add3A_0 = arith.addi %arg0, %add3A : i32
    %c0_i32 = arith.constant 0 : i32
    %c0_i32_1 = arith.constant 0 : i32
    return %add3A_0, %c0_i32, %arg1 : i32, i32, i32
  }
  func.func @transform_1(%arg0: i32, %arg1: i32) -> (i32, i32, i32) {
    %add3A = arith.constant 4 : i32
    %add3A_0 = arith.addi %arg0, %add3A : i32
    %c0_i32 = arith.constant 0 : i32
    %c0_i32_1 = arith.constant 0 : i32
    %c0_i32_2 = arith.constant 0 : i32
    return %add3A_0, %c0_i32, %c0_i32_1 : i32, i32, i32
  }
  func.func @transform_2(%arg0: i32, %arg1: i32) -> (i32, i32, i32, i32) {
    %c0_i32 = arith.constant 0 : i32
    %c0_i32_0 = arith.constant 0 : i32
    %c0_i32_1 = arith.constant 0 : i32
    return %arg0, %arg1, %c0_i32, %c0_i32_0 : i32, i32, i32, i32
  }
  func.func @transform_3(%arg0: i32, %arg1: i32) -> (i32, i32, i32, i32) {
    %c0_i32 = arith.constant 0 : i32
    %c0_i32_0 = arith.constant 0 : i32
    %c0_i32_1 = arith.constant 0 : i32
    return %arg0, %arg1, %c0_i32, %c0_i32_0 : i32, i32, i32, i32
  }
}

module attributes {stable_mosaic.version = 14 : i64} {
  func.func @_mlp_half_body(%arg0: i32, %arg1: memref<4096x256xf32, #tpu.memory_space<vmem>>, %arg2: memref<4096x128xf32, #tpu.memory_space<vmem>>, %arg3: memref<256x256xf32, #tpu.memory_space<vmem>>, %arg4: memref<128x256xf32, #tpu.memory_space<vmem>>, %arg5: memref<1x256xf32, #tpu.memory_space<vmem>>, %arg6: memref<256x256xf32, #tpu.memory_space<vmem>>, %arg7: memref<1x256xf32, #tpu.memory_space<vmem>>, %arg8: memref<4096x256xf32, #tpu.memory_space<vmem>>) attributes {dimension_semantics = [#tpu.dimension_semantics<arbitrary>], iteration_bounds = array<i64: 4>, scalar_prefetch = 0 : i64, scratch_operands = 0 : i64, tpu.core_type = #tpu.core_type<tc>, window_params = [{transform_indices = @transform_0, window_bounds = array<i64: 4096, 256>}, {transform_indices = @transform_1, window_bounds = array<i64: 4096, 128>}, {pipeline_mode = #tpu.pipeline_mode<synchronous>, transform_indices = @transform_2, window_bounds = array<i64: 256, 256>}, {pipeline_mode = #tpu.pipeline_mode<synchronous>, transform_indices = @transform_3, window_bounds = array<i64: 128, 256>}, {pipeline_mode = #tpu.pipeline_mode<synchronous>, transform_indices = @transform_4, window_bounds = array<i64: 1, 256>}, {pipeline_mode = #tpu.pipeline_mode<synchronous>, transform_indices = @transform_5, window_bounds = array<i64: 256, 256>}, {pipeline_mode = #tpu.pipeline_mode<synchronous>, transform_indices = @transform_6, window_bounds = array<i64: 1, 256>}, {transform_indices = @transform_7, window_bounds = array<i64: 4096, 256>}]} {
    %get3A = arith.constant 0 : index
    %get3A_0 = arith.constant 0 : index
    %get3A_1 = vector.load %arg1[%get3A, %get3A_0] : memref<4096x256xf32, #tpu.memory_space<vmem>>, vector<4096x256xf32>
    %get3A_2 = arith.constant 0 : index
    %get3A_3 = arith.constant 0 : index
    %get3A_4 = vector.load %arg3[%get3A_2, %get3A_3] : memref<256x256xf32, #tpu.memory_space<vmem>>, vector<256x256xf32>
    %dot_general3A = arith.constant dense<0.000000e+00> : vector<4096x256xf32>
    %dot_general3A_5 = tpu.matmul %get3A_1, %get3A_4, %dot_general3A {dimension_numbers = #tpu.dot_dimension_numbers<[1], [0], [0], [1], [0, 0, 1, 1], [], []>, transpose_lhs_hint = false} : vector<4096x256xf32>, vector<256x256xf32>, vector<4096x256xf32> -> vector<4096x256xf32>
    %get3A_6 = arith.constant 0 : index
    %get3A_7 = arith.constant 0 : index
    %get3A_8 = vector.load %arg2[%get3A_6, %get3A_7] : memref<4096x128xf32, #tpu.memory_space<vmem>>, vector<4096x128xf32>
    %get3A_9 = arith.constant 0 : index
    %get3A_10 = arith.constant 0 : index
    %get3A_11 = vector.load %arg4[%get3A_9, %get3A_10] : memref<128x256xf32, #tpu.memory_space<vmem>>, vector<128x256xf32>
    %dot_general3A_12 = arith.constant dense<0.000000e+00> : vector<4096x256xf32>
    %dot_general3A_13 = tpu.matmul %get3A_8, %get3A_11, %dot_general3A_12 {dimension_numbers = #tpu.dot_dimension_numbers<[1], [0], [0], [1], [0, 0, 1, 1], [], []>, transpose_lhs_hint = false} : vector<4096x128xf32>, vector<128x256xf32>, vector<4096x256xf32> -> vector<4096x256xf32>
    %add3A = arith.addf %dot_general3A_5, %dot_general3A_13 : vector<4096x256xf32>
    %get3A_14 = arith.constant 0 : index
    %get3A_15 = arith.constant 0 : index
    %get3A_16 = vector.load %arg5[%get3A_14, %get3A_15] : memref<1x256xf32, #tpu.memory_space<vmem>>, vector<1x256xf32>
    %add3A_17 = vector.broadcast %get3A_16 : vector<1x256xf32> to vector<4096x256xf32>
    %add3A_18 = arith.addf %add3A, %add3A_17 : vector<4096x256xf32>
    %max3A = arith.constant 0.000000e+00 : f32
    %max3A_19 = vector.broadcast %max3A : f32 to vector<4096x256xf32>
    %max3A_20 = arith.maximumf %add3A_18, %max3A_19 : vector<4096x256xf32>
    %get3A_21 = arith.constant 0 : index
    %get3A_22 = arith.constant 0 : index
    %get3A_23 = vector.load %arg6[%get3A_21, %get3A_22] : memref<256x256xf32, #tpu.memory_space<vmem>>, vector<256x256xf32>
    %dot_general3A_24 = arith.constant dense<0.000000e+00> : vector<4096x256xf32>
    %dot_general3A_25 = tpu.matmul %max3A_20, %get3A_23, %dot_general3A_24 {dimension_numbers = #tpu.dot_dimension_numbers<[1], [0], [0], [1], [0, 0, 1, 1], [], []>, transpose_lhs_hint = false} : vector<4096x256xf32>, vector<256x256xf32>, vector<4096x256xf32> -> vector<4096x256xf32>
    %get3A_26 = arith.constant 0 : index
    %get3A_27 = arith.constant 0 : index
    %get3A_28 = vector.load %arg7[%get3A_26, %get3A_27] : memref<1x256xf32, #tpu.memory_space<vmem>>, vector<1x256xf32>
    %add3A_29 = vector.broadcast %get3A_28 : vector<1x256xf32> to vector<4096x256xf32>
    %add3A_30 = arith.addf %dot_general3A_25, %add3A_29 : vector<4096x256xf32>
    %max3A_31 = arith.constant 0.000000e+00 : f32
    %max3A_32 = vector.broadcast %max3A_31 : f32 to vector<4096x256xf32>
    %max3A_33 = arith.maximumf %add3A_30, %max3A_32 : vector<4096x256xf32>
    %swap3A = arith.constant 0 : index
    %swap3A_34 = arith.constant 0 : index
    %swap3A_35 = vector.load %arg8[%swap3A, %swap3A_34] : memref<4096x256xf32, #tpu.memory_space<vmem>>, vector<4096x256xf32>
    tpu.vector_store %arg8[%swap3A, %swap3A_34], %max3A_33 {strides = array<i32>} : memref<4096x256xf32, #tpu.memory_space<vmem>>, vector<4096x256xf32>,
    return
  }
  func.func @transform_0(%arg0: i32) -> (i32, i32) {
    %c0_i32 = arith.constant 0 : i32
    %c0_i32_0 = arith.constant 0 : i32
    return %arg0, %c0_i32 : i32, i32
  }
  func.func @transform_1(%arg0: i32) -> (i32, i32) {
    %add3A = arith.constant 0 : i32
    %add3A_0 = arith.addi %arg0, %add3A : i32
    %c0_i32 = arith.constant 0 : i32
    %c0_i32_1 = arith.constant 0 : i32
    return %add3A_0, %c0_i32 : i32, i32
  }
  func.func @transform_2(%arg0: i32) -> (i32, i32) {
    %c0_i32 = arith.constant 0 : i32
    %c0_i32_0 = arith.constant 0 : i32
    %c0_i32_1 = arith.constant 0 : i32
    return %c0_i32, %c0_i32_0 : i32, i32
  }
  func.func @transform_3(%arg0: i32) -> (i32, i32) {
    %c0_i32 = arith.constant 0 : i32
    %c0_i32_0 = arith.constant 0 : i32
    %c0_i32_1 = arith.constant 0 : i32
    return %c0_i32, %c0_i32_0 : i32, i32
  }
  func.func @transform_4(%arg0: i32) -> (i32, i32) {
    %c0_i32 = arith.constant 0 : i32
    %c0_i32_0 = arith.constant 0 : i32
    %c0_i32_1 = arith.constant 0 : i32
    return %c0_i32, %c0_i32_0 : i32, i32
  }
  func.func @transform_5(%arg0: i32) -> (i32, i32) {
    %c0_i32 = arith.constant 0 : i32
    %c0_i32_0 = arith.constant 0 : i32
    %c0_i32_1 = arith.constant 0 : i32
    return %c0_i32, %c0_i32_0 : i32, i32
  }
  func.func @transform_6(%arg0: i32) -> (i32, i32) {
    %c0_i32 = arith.constant 0 : i32
    %c0_i32_0 = arith.constant 0 : i32
    %c0_i32_1 = arith.constant 0 : i32
    return %c0_i32, %c0_i32_0 : i32, i32
  }
  func.func @transform_7(%arg0: i32) -> (i32, i32) {
    %add3A = arith.constant 0 : i32
    %add3A_0 = arith.addi %arg0, %add3A : i32
    %c0_i32 = arith.constant 0 : i32
    %c0_i32_1 = arith.constant 0 : i32
    return %add3A_0, %c0_i32 : i32, i32
  }
}

module attributes {stable_mosaic.version = 14 : i64} {
  func.func @_pb(%arg0: i32, %arg1: memref<32768x256xf32, #tpu.memory_space<any>>, %arg2: memref<4096x256xf32, #tpu.memory_space<vmem>>, %arg3: memref<4096x128xf32, #tpu.memory_space<vmem>>, %arg4: memref<256x256xf32, #tpu.memory_space<vmem>>, %arg5: memref<128x256xf32, #tpu.memory_space<vmem>>, %arg6: memref<1x256xf32, #tpu.memory_space<vmem>>, %arg7: memref<256x256xf32, #tpu.memory_space<vmem>>, %arg8: memref<1x256xf32, #tpu.memory_space<vmem>>, %arg9: memref<4096x256xf32, #tpu.memory_space<vmem>>) attributes {dimension_semantics = [#tpu.dimension_semantics<arbitrary>], iteration_bounds = array<i64: 4>, scalar_prefetch = 0 : i64, scratch_operands = 0 : i64, tpu.core_type = #tpu.core_type<tc>, window_params = [{}, {transform_indices = @transform_1, window_bounds = array<i64: 4096, 256>}, {transform_indices = @transform_2, window_bounds = array<i64: 4096, 128>}, {pipeline_mode = #tpu.pipeline_mode<synchronous>, transform_indices = @transform_3, window_bounds = array<i64: 256, 256>}, {pipeline_mode = #tpu.pipeline_mode<synchronous>, transform_indices = @transform_4, window_bounds = array<i64: 128, 256>}, {pipeline_mode = #tpu.pipeline_mode<synchronous>, transform_indices = @transform_5, window_bounds = array<i64: 1, 256>}, {pipeline_mode = #tpu.pipeline_mode<synchronous>, transform_indices = @transform_6, window_bounds = array<i64: 256, 256>}, {pipeline_mode = #tpu.pipeline_mode<synchronous>, transform_indices = @transform_7, window_bounds = array<i64: 1, 256>}, {transform_indices = @transform_8, window_bounds = array<i64: 4096, 256>}]} {
    %get3A = arith.constant 0 : index
    %get3A_0 = arith.constant 0 : index
    %get3A_1 = vector.load %arg2[%get3A, %get3A_0] : memref<4096x256xf32, #tpu.memory_space<vmem>>, vector<4096x256xf32>
    %get3A_2 = arith.constant 0 : index
    %get3A_3 = arith.constant 0 : index
    %get3A_4 = vector.load %arg4[%get3A_2, %get3A_3] : memref<256x256xf32, #tpu.memory_space<vmem>>, vector<256x256xf32>
    %dot_general3A = arith.constant dense<0.000000e+00> : vector<4096x256xf32>
    %dot_general3A_5 = tpu.matmul %get3A_1, %get3A_4, %dot_general3A {dimension_numbers = #tpu.dot_dimension_numbers<[1], [0], [0], [1], [0, 0, 1, 1], [], []>, transpose_lhs_hint = false} : vector<4096x256xf32>, vector<256x256xf32>, vector<4096x256xf32> -> vector<4096x256xf32>
    %get3A_6 = arith.constant 0 : index
    %get3A_7 = arith.constant 0 : index
    %get3A_8 = vector.load %arg3[%get3A_6, %get3A_7] : memref<4096x128xf32, #tpu.memory_space<vmem>>, vector<4096x128xf32>
    %get3A_9 = arith.constant 0 : index
    %get3A_10 = arith.constant 0 : index
    %get3A_11 = vector.load %arg5[%get3A_9, %get3A_10] : memref<128x256xf32, #tpu.memory_space<vmem>>, vector<128x256xf32>
    %dot_general3A_12 = arith.constant dense<0.000000e+00> : vector<4096x256xf32>
    %dot_general3A_13 = tpu.matmul %get3A_8, %get3A_11, %dot_general3A_12 {dimension_numbers = #tpu.dot_dimension_numbers<[1], [0], [0], [1], [0, 0, 1, 1], [], []>, transpose_lhs_hint = false} : vector<4096x128xf32>, vector<128x256xf32>, vector<4096x256xf32> -> vector<4096x256xf32>
    %add3A = arith.addf %dot_general3A_5, %dot_general3A_13 : vector<4096x256xf32>
    %get3A_14 = arith.constant 0 : index
    %get3A_15 = arith.constant 0 : index
    %get3A_16 = vector.load %arg6[%get3A_14, %get3A_15] : memref<1x256xf32, #tpu.memory_space<vmem>>, vector<1x256xf32>
    %add3A_17 = vector.broadcast %get3A_16 : vector<1x256xf32> to vector<4096x256xf32>
    %add3A_18 = arith.addf %add3A, %add3A_17 : vector<4096x256xf32>
    %max3A = arith.constant 0.000000e+00 : f32
    %max3A_19 = vector.broadcast %max3A : f32 to vector<4096x256xf32>
    %max3A_20 = arith.maximumf %add3A_18, %max3A_19 : vector<4096x256xf32>
    %get3A_21 = arith.constant 0 : index
    %get3A_22 = arith.constant 0 : index
    %get3A_23 = vector.load %arg7[%get3A_21, %get3A_22] : memref<256x256xf32, #tpu.memory_space<vmem>>, vector<256x256xf32>
    %dot_general3A_24 = arith.constant dense<0.000000e+00> : vector<4096x256xf32>
    %dot_general3A_25 = tpu.matmul %max3A_20, %get3A_23, %dot_general3A_24 {dimension_numbers = #tpu.dot_dimension_numbers<[1], [0], [0], [1], [0, 0, 1, 1], [], []>, transpose_lhs_hint = false} : vector<4096x256xf32>, vector<256x256xf32>, vector<4096x256xf32> -> vector<4096x256xf32>
    %get3A_26 = arith.constant 0 : index
    %get3A_27 = arith.constant 0 : index
    %get3A_28 = vector.load %arg8[%get3A_26, %get3A_27] : memref<1x256xf32, #tpu.memory_space<vmem>>, vector<1x256xf32>
    %add3A_29 = vector.broadcast %get3A_28 : vector<1x256xf32> to vector<4096x256xf32>
    %add3A_30 = arith.addf %dot_general3A_25, %add3A_29 : vector<4096x256xf32>
    %max3A_31 = arith.constant 0.000000e+00 : f32
    %max3A_32 = vector.broadcast %max3A_31 : f32 to vector<4096x256xf32>
    %max3A_33 = arith.maximumf %add3A_30, %max3A_32 : vector<4096x256xf32>
    %swap3A = arith.constant 0 : index
    %swap3A_34 = arith.constant 0 : index
    %swap3A_35 = vector.load %arg9[%swap3A, %swap3A_34] : memref<4096x256xf32, #tpu.memory_space<vmem>>, vector<4096x256xf32>
    tpu.vector_store %arg9[%swap3A, %swap3A_34], %max3A_33 {strides = array<i32>} : memref<4096x256xf32, #tpu.memory_space<vmem>>, vector<4096x256xf32>,
    return
  }
  func.func @transform_1(%arg0: i32) -> (i32, i32) {
    %c0_i32 = arith.constant 0 : i32
    %c0_i32_0 = arith.constant 0 : i32
    return %arg0, %c0_i32 : i32, i32
  }
  func.func @transform_2(%arg0: i32) -> (i32, i32) {
    %add3A = arith.constant 4 : i32
    %add3A_0 = arith.addi %arg0, %add3A : i32
    %c0_i32 = arith.constant 0 : i32
    %c0_i32_1 = arith.constant 0 : i32
    return %add3A_0, %c0_i32 : i32, i32
  }
  func.func @transform_3(%arg0: i32) -> (i32, i32) {
    %c0_i32 = arith.constant 0 : i32
    %c0_i32_0 = arith.constant 0 : i32
    %c0_i32_1 = arith.constant 0 : i32
    return %c0_i32, %c0_i32_0 : i32, i32
  }
  func.func @transform_4(%arg0: i32) -> (i32, i32) {
    %c0_i32 = arith.constant 0 : i32
    %c0_i32_0 = arith.constant 0 : i32
    %c0_i32_1 = arith.constant 0 : i32
    return %c0_i32, %c0_i32_0 : i32, i32
  }
  func.func @transform_5(%arg0: i32) -> (i32, i32) {
    %c0_i32 = arith.constant 0 : i32
    %c0_i32_0 = arith.constant 0 : i32
    %c0_i32_1 = arith.constant 0 : i32
    return %c0_i32, %c0_i32_0 : i32, i32
  }
  func.func @transform_6(%arg0: i32) -> (i32, i32) {
    %c0_i32 = arith.constant 0 : i32
    %c0_i32_0 = arith.constant 0 : i32
    %c0_i32_1 = arith.constant 0 : i32
    return %c0_i32, %c0_i32_0 : i32, i32
  }
  func.func @transform_7(%arg0: i32) -> (i32, i32) {
    %c0_i32 = arith.constant 0 : i32
    %c0_i32_0 = arith.constant 0 : i32
    %c0_i32_1 = arith.constant 0 : i32
    return %c0_i32, %c0_i32_0 : i32, i32
  }
  func.func @transform_8(%arg0: i32) -> (i32, i32) {
    %add3A = arith.constant 4 : i32
    %add3A_0 = arith.addi %arg0, %add3A : i32
    %c0_i32 = arith.constant 0 : i32
    %c0_i32_1 = arith.constant 0 : i32
    return %add3A_0, %c0_i32 : i32, i32
  }
}

</mosaic_0001>

<sc_bundles>
// kernel: kernel.11.cloned.1.call-start
scs
__scs_entry_jumppad:
0x0: {  	(pc) =	sbr.rel $0x88, $3  }
0x1: {  	(tag) =	ssettag $0x0;
	lr =	simm.s32 $0x1  }
0x2: {  	[smem:$0x3F95] =	sst lr;
	_ =	strace $0xD0000000  }
0x3: {  	_ = 	snop  }
0x4: {  	_ = 	snop  }
0x5: {  	_ = 	snop  }
0x6: {  	_ = 	snop  }
0x7: {  	_ = 	snop  }
__scs_overlays_trampoline_lowered:
0x8: {  	[smem:$0x3FA4] =	sst s0  }
0x9: {  	[smem:$0x3FA5] =	sst s1  }
0xa: {  	[smem:$0x3FA6] =	sst s2  }
0xb: {  	[smem:$0x3FA7] =	sst s3  }
0xc: {  	[smem:$0x3FA8] =	sst s4  }
0xd: {  	[smem:$0x3FA9] =	sst s5  }
0xe: {  	[smem:$0x3FAA] =	sst s6  }
0xf: {  	[smem:$0x3FAB] =	sst s7  }
0x10: {  	[smem:$0x3FAC] =	sst s8  }
0x11: {  	[smem:$0x3FAD] =	sst s9;
	s0 =	simm.s32 @!p0 $0x0  }
0x12: {  	s1 =	sld [smem:$0x3F93];
	s0 =	simm.s32 @p0 $0x1  }
0x13: {  	[smem:$0x3FAE] =	sst s0;
	s0 =	simm.s32 @!p1 $0x0  }
0x14: {  	s2 =	sld [smem:$0x3F92];
	s0 =	simm.s32 @p1 $0x1  }
0x15: {  	[smem:$0x3FAF] =	sst s0;
	s0 =	simm.s32 @!p2 $0x0  }
0x16: {  	s3 =	sld [smem:$0x3FDB];
	s0 =	simm.s32 @p2 $0x1  }
0x17: {  	s4 =	simm.s32 $0x1BF5;
	[smem:$0x3FB1] =	sst s0  }
0x18: {  	s0 =	sld [smem:$0x3F94];
	_ =	swait.ge [sflag:s4], $0x0  }
0x19: {  	s7 =	sld [smem:$0x3F95]  }
0x1a: {  	s8 =	sadd.s32 $0xFFFFE003, lr  }
0x1b: {  	s9 =	sadd.s32 $0xFFFFFEF7, lr;
	s5 =	simm.s32 $0xFFFFFFFF;
	p2 =	slt.u32 s8, $0xFFFFF086  }
0x1c: {  	p1 =	slt.u32 s9, $0xF7A;
	s5 =	simm.s32 @!p2 $0x0  }
0x1d: {  	s5 =	simm.s32 @p1 $0x1;
	p0 =	seq.s32 s7, s2  }
0x1e: {  	s7 =	smul.u32 @!p0 $0xF7A, s2;
	p2 =	seq.s32 @!p0 s5, $0x0  }
0x1f: {  	s9 =	smul.u32 $0xF7A, s1;
	s8 =	simm.s32 @!p0 $0x1BF5;
	p2 =	por !p2, p0  }
0x20: {  	[sflag:s8] =	ssyncset.s32 @!p0 $0xFFFFF086;
	s6 =	sadd.s32 @!p0 s3, s7;
	s7 =	simm.s32 @!p0 $0x108  }
0x21: {  	s3 =	sadd.s32 s3, s9;
	s6 =	sadd.s32 @!p0 $0x88, s6;
	s7 =	simm.s32 @p2 $0x1082  }
0x22: {  	[simem:s7], [sflag:s8] =	dma.local @!p0 [hbm:s6], $0xF7A  }
0x23: {  	s9 =	sor.u32 $0xD0000000, s2;
	s6 =	simm.s32 $0x108;
	_ =	swait.ge @!p0 [sflag:s8], $0x0  }
0x24: {  	s3 =	sadd.s32 $0x88, s3;
	s6 =	simm.s32 @!p1 $0x1082;
	[sflag:s4] =	ssyncset.s32 $0xFFFFF086  }
0x25: {  	[simem:s6], [sflag:s4] =	dma.local [hbm:s3], $0xF7A  }
0x26: {  	[smem:$0x3F95] =	sst s1;
	(tag) =	ssettag s2;
	_ =	strace s9  }
0x27: {  	s1 =	sld [smem:$0x3FA5]  }
0x28: {  	s2 =	sld [smem:$0x3FA6]  }
0x29: {  	s4 =	sld [smem:$0x3FA8]  }
0x2a: {  	p0 =	seq.s32 s5, $0x0;
	s5 =	sld [smem:$0x3FA9]  }
0x2b: {  	s6 =	sld [smem:$0x3FAA]  }
0x2c: {  	s7 =	sld [smem:$0x3FAB]  }
0x2d: {  	s3 =	simm.s32 $0x108;
	s8 =	sld [smem:$0x3FAC]  }
0x2e: {  	s3 =	simm.s32 @!p0 $0x1082;
	s9 =	sld [smem:$0x3FAD]  }
0x2f: {  	lr =	sadd.s32 s0, s3;
	s0 =	sld [smem:$0x3FA4]  }
0x30: {  	s3 =	sld [smem:$0x3FA7]  }
0x31: {  	[smem:$0x3FB0] =	sst s10  }
0x32: {  	s10 =	sld [smem:$0x3FAE];
	_ =	sdelay $0x3  }
0x33: {  	p0 =	seq.s32 s10, $0x1;
	s10 =	sld [smem:$0x3FB0];
	_ =	sdelay $0x3  }
0x34: {  	[smem:$0x3FB0] =	sst s10  }
0x35: {  	s10 =	sld [smem:$0x3FAF];
	_ =	sdelay $0x3  }
0x36: {  	p1 =	seq.s32 s10, $0x1;
	s10 =	sld [smem:$0x3FB0];
	_ =	sdelay $0x3  }
0x37: {  	[smem:$0x3FB0] =	sst s10  }
0x38: {  	s10 =	sld [smem:$0x3FB1]  }
0x39: {  	_ = 	snop;
	(pc) =	sbr.ind lr, $3  }
0x3a: {  	_ = 	snop  }
0x3b: {  	_ = 	snop  }
0x3c: {  	p2 =	seq.s32 s10, $0x1;
	s10 =	sld [smem:$0x3FB0]  }
0x3d: {  	_ =	shalt  }
0x3e: {  	_ =	shalt  }
0x3f: {  	_ =	shalt  }
0x40: {  	_ =	shalt  }
0x41: {  	_ =	shalt  }
0x42: {  	_ =	shalt  }
0x43: {  	_ =	shalt  }
0x44: {  	_ =	shalt  }
0x45: {  	_ =	shalt  }
0x46: {  	_ =	shalt  }
0x47: {  	_ =	shalt  }
0x48: {  	_ =	shalt  }
0x49: {  	_ =	shalt  }
0x4a: {  	_ =	shalt  }
0x4b: {  	_ =	shalt  }
0x4c: {  	_ =	shalt  }
0x4d: {  	_ =	shalt  }
0x4e: {  	_ =	shalt  }
0x4f: {  	_ =	shalt  }
0x50: {  	_ =	shalt  }
0x51: {  	_ =	shalt  }
0x52: {  	_ =	shalt  }
0x53: {  	_ =	shalt  }
0x54: {  	_ =	shalt  }
0x55: {  	_ =	shalt  }
0x56: {  	_ =	shalt  }
0x57: {  	_ =	shalt  }
0x58: {  	_ =	shalt  }
0x59: {  	_ =	shalt  }
0x5a: {  	_ =	shalt  }
0x5b: {  	_ =	shalt  }
0x5c: {  	_ =	shalt  }
0x5d: {  	_ =	shalt  }
0x5e: {  	_ =	shalt  }
0x5f: {  	_ =	shalt  }
0x60: {  	_ =	shalt  }
0x61: {  	_ =	shalt  }
0x62: {  	_ =	shalt  }
0x63: {  	_ =	shalt  }
0x64: {  	_ =	shalt  }
0x65: {  	_ =	shalt  }
0x66: {  	_ =	shalt  }
0x67: {  	_ =	shalt  }
0x68: {  	_ =	shalt  }
0x69: {  	_ =	shalt  }
0x6a: {  	_ =	shalt  }
0x6b: {  	_ =	shalt  }
0x6c: {  	_ =	shalt  }
0x6d: {  	_ =	shalt  }
0x6e: {  	_ =	shalt  }
0x6f: {  	_ =	shalt  }
0x70: {  	_ =	shalt  }
0x71: {  	_ =	shalt  }
0x72: {  	_ =	shalt  }
0x73: {  	_ =	shalt  }
0x74: {  	_ =	shalt  }
0x75: {  	_ =	shalt  }
0x76: {  	_ =	shalt  }
0x77: {  	_ =	shalt  }
0x78: {  	_ =	shalt  }
0x79: {  	_ =	shalt  }
0x7a: {  	_ =	shalt  }
0x7b: {  	_ =	shalt  }
0x7c: {  	_ =	shalt  }
0x7d: {  	_ =	shalt  }
0x7e: {  	_ =	shalt  }
0x7f: {  	_ =	shalt  }
0x80: {  	_ =	shalt  }
0x81: {  	_ =	shalt  }
0x82: {  	_ =	shalt  }
0x83: {  	_ =	shalt  }
0x84: {  	_ =	shalt  }
0x85: {  	_ =	shalt  }
0x86: {  	_ =	shalt  }
0x87: {  	_ =	shalt  }
.Lfunc_end0:
.L_simem_size_0:
called_computation.1_lowered:
.L_overlay_start_0:
0x88: {  	s2 =	sld [smem:$0x3FD9]  }
0x89: {  	s3 =	sld [smem:$0x3FFE];
	_ =	sdelay $0x1  }
0x8a: {  	s1 =	srdreg.scid  }
0x8b: {  	s0 =	sand.u32 $0x1, s1  }
0x8c: {  	s17 =	sshll.u32 s0, $0xA;
	s2 =	sadd.s32 s3, s2  }
0x8d: {  	s2 =	sadd.s32 s2, s17  }
0x8e: {  	[smem:$0x3FBC] =	sst s2  }
0x8f: {  	_ = 	snop  }
0x90: {  	s18 =	sld [smem:$0x3FC6];
	(tm) =	ssettm $0x1  }
0x91: {  	s19 =	sld [smem:$0x3FFB];
	_ =	sdelay $0x3  }
0x92: {  	_ =	strace s19  }
0x93: {  	s2 =	sld [smem:$0x3FFC];
	_ =	sdelay $0x3  }
0x94: {  	_ =	strace s2  }
0x95: {  	s2 =	sld [smem:$0x3FFD];
	_ =	sdelay $0x3  }
0x96: {  	_ =	strace s2  }
0x97: {  	_ =	strace $0x8FFFFFFF  }
0x98: {  	s20 =	sld [smem:$0x3FDB];
	_ =	sdelay $0x1  }
0x99: {  	s4 =	simm.s32 $_scs_section_size  }
0x9a: {  	s5 =	simm.s32 $_size__tile_overlayer_lowered;
	s6 =	simm.s32 $_tile_overlayer_lowered  }
0x9b: {  	s7 =	simm.s32 $0x1BFF;
	s21 =	sshll.u32 s6, $0x1;
	s4 =	sadd.s32 s4, s20  }
0x9c: {  	s22 =	simm.s32 $0x0;
	s5 =	sshll.u32 s5, $0x1;
	s6 =	sadd.s32 s21, s4  }
0x9d: {  	[timem:s22], [sflag:s7] =	dma.local [hbm:s6], s5  }
0x9e: {  	_ =	swait.ge [sflag:s7], s5  }
0x9f: {  	s5 =	ssub.s32 $0x0, s5;
	[sflag:s7] =	ssyncset.done $0x0  }
0xa0: {  	[sflag:s7] =	ssyncadd.s32 s5;
	_ =	sdelay $0x1  }
0xa1: {  	s23 =	simm.s32 $0x1B8B  }
0xa2: {  	_ =	swait.ge [sflag:s23], $0x1  }
0xa3: {  	[sflag:s23] =	ssyncset.done $0x0  }
0xa4: {  	[sflag:s23] =	ssyncadd.s32 $0xFFFFFFFF  }
0xa5: {  	s5 =	sld [smem:$0x0]  }
0xa6: {  	s6 =	sand.u32 $0xFFFFFFFE, s1  }
0xa7: {  	p0 =	sne.s32 s1, s6  }
0xa8: {  	s6 =	sshll.u32 @p0 s6, $0xE  }
0xa9: {  	s6 =	sadd.s32 @p0 $0x11B8D, s6;
	s7 =	sshll.u32 @p0 s5, $0x11  }
0xaa: {  	s6 =	sor.u32 @p0 s7, s6  }
0xab: {  	[sflag:s6] =	ssyncadd.remote.s32 @p0 $0x1;
	_ =	sdelay $0x1  }
0xac: {  	s6 =	simm.s32 @p0 $0x1B8D  }
0xad: {  	_ =	swait.eq @p0 [sflag:s6], $0x1  }
0xae: {  	[sflag:s6] =	ssyncadd.s32 @p0 $0xFFFFFFFF  }
0xaf: {  	s7 =	sshll.u32 @!p0 s1, $0xE  }
0xb0: {  	s7 =	sor.u32 @!p0 $0x4000, s7;
	s6 =	simm.s32 @!p0 $0x1B8D  }
0xb1: {  	s5 =	sshll.u32 @!p0 s5, $0x11;
	s7 =	sadd.s32 @!p0 $0x11B8D, s7;
	_ =	swait.eq @!p0 [sflag:s6], $0x1  }
0xb2: {  	s5 =	sor.u32 @!p0 s5, s7;
	[sflag:s6] =	ssyncadd.s32 @!p0 $0xFFFFFFFF  }
0xb3: {  	s25 =	simm.s32 $0x1B8E;
	s24 =	sld [smem:$0x3FFE];
	[sflag:s5] =	ssyncadd.remote.s32 @!p0 $0x1  }
0xb4: {  	s26 =	simm.s32 $execute0_lowered;
	[smem:$0x3FD2] =	sst s25  }
0xb5: {  	s6 =	sshll.u32 s26, $0x1;
	_ =	strace $0x80000049;
	[dreg:$0x1] =	wrdreg $0xFFFFFFFF  }
0xb6: {  	s28 =	simm.s32 $_size_execute0_lowered;
	s4 =	sadd.s32 s4, s6;
	[dreg:$0x0] =	wrdreg $0x0  }
0xb7: {  	s6 =	sshll.u32 s28, $0x1;
	[dreg:$0x2] =	wrdreg s4  }
0xb8: {  	[dreg:$0x3] =	wrdreg s6  }
0xb9: {  	[dreg:$0x4] =	wrdreg $0xC0  }
0xba: {  	_ =	task [dreg:s22], $0x5FFFF  }
0xbb: {  	[dreg:$0x1] =	wrdreg $0xFFFFFFFF  }
0xbc: {  	[dreg:$0x0] =	wrdreg $0x60  }
0xbd: {  	[dreg:$0x2] =	wrdreg s24  }
0xbe: {  	[dreg:$0x3] =	wrdreg s18  }
0xbf: {  	[dreg:$0x4] =	wrdreg $0xA  }
0xc0: {  	_ =	task.clear_ibuf [dreg:s22], $0x5FFFF;
	_ =	strace $0x90000049  }
0xc1: {  	s29 =	simm.s32 $0xA;
	_ =	strace $0x8000004B  }
0xc2: {  	_ =	swait.ge [sflag:s29], $0x1  }
0xc3: {  	[sflag:s29] =	ssyncadd.s32 $0xFFFFFFFF  }
0xc4: {  	_ =	strace $0x9000004B  }
0xc5: {  	_ =	sfence  }
0xc6: {  	s30 =	sld [smem:$0x0];
	_ =	sdelay $0x2  }
0xc7: {  	s31 =	sshll.u32 s1, $0xD;
	s1 =	sshrl.u32 s1, $0x2  }
0xc8: {  	s4 =	sand.u32 $0x4000, s31;
	s1 =	sadd.s32 s1, s30  }
0xc9: {  	s0 =	sor.u32 s4, s0;
	s1 =	sshll.u32 s1, $0x11  }
0xca: {  	s0 =	sor.u32 s1, s0  }
0xcb: {  	s0 =	sadd.s32 $0x8F2B, s0  }
0xcc: {  	[sflag:s0] =	ssyncadd.remote.s32 $0x1  }
0xcd: {  	_ =	sfence.sel $0xFFFF  }
0xce: {  	[dreg:$0x0] =	wrdreg $0xFFFFFFFF;
	(pc) =	sbr.abs _section_cstart, $3  }
0xcf: {  	[dreg:$0x1] =	wrdreg $0xFFFFFFFF  }
0xd0: {  	_ =	task.clear_ibuf [dreg:s22], $0x2FFFF;
	_ =	strace $0x9FFFFFFF  }
0xd1: {  	(tm) =	ssettm $0x7FFFFFFF  }
tec
execute0_lowered:
.L_overlay_start_1:
0x0: {  	(tag) =	ssettag $0x1  }
0x1: {  	s0 =	rddreg [dreg:$0x0]  }
0x2: {  	s2 =	rddreg [dreg:$0x1]  }
0x3: {  	s1 =	srdreg.scid;
	s4 =	stileid.u32;
	s3 =	simm.s32 $0x0  }
0x4: {  	s30 =	simm.s32 $0x1;
	s12 =	simm.s32 $0xC800;
	s14 =	simm.s32 $0xD000  }
0x5: {  	s16 =	simm.s32 $0xD800;
	s17 =	simm.s32 $0xE000;
	s18 =	simm.s32 $0xE800  }
0x6: {  	s19 =	simm.s32 $0xF000;
	s1 =	sand.u32 $0x1, s1;
	s4 =	sshll.u32 s4, $0x1  }
0x7: {  	s20 =	simm.s32 $0xF800;
	[smem:$0x7FF] =	sst s3;
	s4 =	sor.u32 s1, s4  }
0x8: {  	_ =	strace $0x8000004A;
	s1 =	ssub.s32 $0x2, s1;
	s5 =	sshll.u32 s4, $0xB  }
0x9: {  	s4 =	sshll.u32 s4, $0x9;
	s7 =	sshrl.u32 s1, $0x1;
	s6 =	sadd.s32 s5, s0  }
0xa: {  	s8 =	sadd.s32 s4, s0;
	s24 =	ssub.s32 s1, s7;
	s25 =	sadd.s32 $0x1A800, s6  }
0xb: {  	s5 =	sadd.s32 $0x2A800, s0;
	s0 =	smax.u32 s24, $0x1;
	[dreg:$0x3] =	wrdreg s25  }
0xc: {  	s21 =	simm.s32 $0x10000;
	s26 =	sadd.s32 $0x16800, s8;
	[dreg:$0x5] =	wrdreg s0  }
0xd: {  	s22 =	simm.s32 $0x10800;
	s28 =	sadd.s32 $0x80, s26;
	[dreg:$0x4] =	wrdreg s26  }
0xe: {  	v2 =	vlaneseq.u32;
	s23 =	simm.s32 $0x2;
	s29 =	sadd.s32 $0x100, s26;
	[dreg:$0x6] =	wrdreg s28  }
0xf: {  	vm0 =	vmmov $0xffff;
	v1 =	vshrl.u32 v2, $0x3;
	s1 =	simm.s32 $0x0;
	s31 =	sadd.s32 $0x180, s26;
	[dreg:$0x7] =	wrdreg s29  }
0x10: {  	v0 =	vand.u32 $0x7, v2;
	v2 =	vor.u32 $0x8, v2;
	v1 =	vmul.u32 $0x8, v1;
	s24 =	simm.s32 $0x12800;
	s26 =	simm.s32 $0x4;
	[dreg:$0x8] =	wrdreg s31  }
.LBB2_1:
0x11: {  	[dreg:$0x9] =	wrdreg s1  }
0x12: {  	s0 =	rddreg [dreg:$0x3];
	s9 =	simm.s32 $0x5  }
0x13: {  	[tilespmem:s3], [sflag:$0x5] =	stream.linear.gather [hbm4b:s0+s3], $0x4000, $0x38;
	[tilespmem:$0x14800] =	vst v63  }
0x14: {  	_ =	swait.ge [sflag:s9], $0x4000  }
0x15: {  	[sflag:s9] =	ssyncset.done $0x0  }
0x16: {  	s6 =	simm.s32 $0x4000;
	s10 =	rddreg [dreg:$0x4];
	[sflag:s9] =	ssyncadd.s32 $0xFFFFC000  }
0x17: {  	[tilespmem:s6], [sflag:$0x5] =	stream.linear.gather [hbm4b:s10+s3], $0x180, $0x38;
	[tilespmem:$0x14800] =	vst v63  }
0x18: {  	s13 =	simm.s32 $0x4200;
	s11 =	rddreg [dreg:$0x6]  }
0x19: {  	[tilespmem:s13], [sflag:$0x5] =	stream.linear.gather [hbm4b:s11+s3], $0x180, $0x38;
	[tilespmem:$0x14800] =	vst v63  }
0x1a: {  	s25 =	simm.s32 $0x4400;
	s15 =	rddreg [dreg:$0x7]  }
0x1b: {  	[tilespmem:s25], [sflag:$0x5] =	stream.linear.gather [hbm4b:s15+s3], $0x180, $0x38;
	[tilespmem:$0x14800] =	vst v63  }
0x1c: {  	s31 =	simm.s32 $0x4600;
	s28 =	rddreg [dreg:$0x8]  }
0x1d: {  	[tilespmem:s31], [sflag:$0x5] =	stream.linear.gather [hbm4b:s28+s3], $0x180, $0x38;
	[tilespmem:$0x14800] =	vst v63  }
0x1e: {  	_ =	swait.ge [sflag:s9], $0x600  }
0x1f: {  	[sflag:s9] =	ssyncset.done $0x0  }
0x20: {  	[sflag:s9] =	ssyncadd.s32 $0xFFFFFA00  }
0x21: {  	v3 =	vld [tilespmem:$0x0];
	_ =	sdelay $0x4  }
0x22: {  	v4 =	vshll.u32 v3, $0x1  }
0x23: {  	v3 =	vand.u32 $0x7, v3;
	v4 =	vand.u32 $0xFFFFFFF0, v4  }
0x24: {  	v3 =	vor.u32 v3, v4  }
0x25: {  	v4 =	vperm.xlane v3, v0;
	_ =	sdelay $0x1  }
0x26: {  	v3 =	vperm.xlane v3, v2;
	v4 =	vadd.s32 v1, v4;
	_ =	sdelay $0x1  }
0x27: {  	v3 =	vadd.s32 v1, v3;
	_ =	sdelay $0x1  }
0x28: {  	s1 =	simm.s32 $0x4800  }
0x29: {  	[tilespmem:s1], [sflag:$0x1] =	stream.indirect_vreg.gather [hbm4b:s2+s3], $0x80, v4, vm0, $0xb8;
	[tilespmem:$0x14800] =	vst v63  }
0x2a: {  	s6 =	simm.s32 $0x5000  }
0x2b: {  	[tilespmem:s6], [sflag:$0x1] =	stream.indirect_vreg.gather [hbm4b:s2+s3], $0x80, v3, vm0, $0xb8;
	[tilespmem:$0x14800] =	vst v63  }
0x2c: {  	v3 =	vld [tilespmem:$0x10];
	_ =	sdelay $0x4  }
0x2d: {  	v59 =	vshll.u32 v3, $0x1  }
0x2e: {  	v3 =	vand.u32 $0x7, v3;
	v4 =	vand.u32 $0xFFFFFFF0, v59  }
0x2f: {  	v3 =	vor.u32 v3, v4  }
0x30: {  	v4 =	vperm.xlane v3, v0;
	_ =	sdelay $0x1  }
0x31: {  	v3 =	vperm.xlane v3, v2;
	v4 =	vadd.s32 v1, v4;
	_ =	sdelay $0x1  }
0x32: {  	v3 =	vadd.s32 v1, v3;
	_ =	sdelay $0x1  }
0x33: {  	s7 =	simm.s32 $0x5800  }
0x34: {  	[tilespmem:s7], [sflag:$0x1] =	stream.indirect_vreg.gather [hbm4b:s2+s3], $0x80, v4, vm0, $0xb8;
	[tilespmem:$0x14800] =	vst v63  }
0x35: {  	s8 =	simm.s32 $0x6000  }
0x36: {  	[tilespmem:s8], [sflag:$0x1] =	stream.indirect_vreg.gather [hbm4b:s2+s3], $0x80, v3, vm0, $0xb8;
	[tilespmem:$0x14800] =	vst v63  }
0x37: {  	v3 =	vld [tilespmem:$0x800];
	_ =	sdelay $0x4  }
0x38: {  	v60 =	vshll.u32 v3, $0x1  }
0x39: {  	v3 =	vand.u32 $0x7, v3;
	v4 =	vand.u32 $0xFFFFFFF0, v60  }
0x3a: {  	v3 =	vor.u32 v3, v4  }
0x3b: {  	v4 =	vperm.xlane v3, v0;
	_ =	sdelay $0x1  }
0x3c: {  	v3 =	vperm.xlane v3, v2;
	v4 =	vadd.s32 v1, v4;
	_ =	sdelay $0x1  }
0x3d: {  	v3 =	vadd.s32 v1, v3;
	_ =	sdelay $0x1  }
0x3e: {  	s9 =	simm.s32 $0x6800  }
0x3f: {  	[tilespmem:s9], [sflag:$0x1] =	stream.indirect_vreg.gather [hbm4b:s2+s3], $0x80, v4, vm0, $0xb8;
	[tilespmem:$0x14800] =	vst v63  }
0x40: {  	s10 =	simm.s32 $0x7000  }
0x41: {  	[tilespmem:s10], [sflag:$0x1] =	stream.indirect_vreg.gather [hbm4b:s2+s3], $0x80, v3, vm0, $0xb8;
	[tilespmem:$0x14800] =	vst v63  }
0x42: {  	v3 =	vld [tilespmem:$0x810];
	_ =	sdelay $0x4  }
0x43: {  	v61 =	vshll.u32 v3, $0x1  }
0x44: {  	v3 =	vand.u32 $0x7, v3;
	v4 =	vand.u32 $0xFFFFFFF0, v61  }
0x45: {  	v3 =	vor.u32 v3, v4  }
0x46: {  	v4 =	vperm.xlane v3, v0;
	_ =	sdelay $0x1  }
0x47: {  	v3 =	vperm.xlane v3, v2;
	v4 =	vadd.s32 v1, v4;
	_ =	sdelay $0x1  }
0x48: {  	v3 =	vadd.s32 v1, v3;
	_ =	sdelay $0x1  }
0x49: {  	s11 =	simm.s32 $0x7800  }
0x4a: {  	[tilespmem:s11], [sflag:$0x1] =	stream.indirect_vreg.gather [hbm4b:s2+s3], $0x80, v4, vm0, $0xb8;
	[tilespmem:$0x14800] =	vst v63  }
0x4b: {  	s13 =	simm.s32 $0x8000  }
0x4c: {  	[tilespmem:s13], [sflag:$0x1] =	stream.indirect_vreg.gather [hbm4b:s2+s3], $0x80, v3, vm0, $0xb8;
	[tilespmem:$0x14800] =	vst v63  }
0x4d: {  	v3 =	vld [tilespmem:$0x1000];
	_ =	sdelay $0x4  }
0x4e: {  	v62 =	vshll.u32 v3, $0x1  }
0x4f: {  	v3 =	vand.u32 $0x7, v3;
	v4 =	vand.u32 $0xFFFFFFF0, v62  }
0x50: {  	v3 =	vor.u32 v3, v4  }
0x51: {  	v4 =	vperm.xlane v3, v0;
	_ =	sdelay $0x1  }
0x52: {  	v3 =	vperm.xlane v3, v2;
	v4 =	vadd.s32 v1, v4;
	_ =	sdelay $0x1  }
0x53: {  	v3 =	vadd.s32 v1, v3;
	_ =	sdelay $0x1  }
0x54: {  	s15 =	simm.s32 $0x8800  }
0x55: {  	[tilespmem:s15], [sflag:$0x1] =	stream.indirect_vreg.gather [hbm4b:s2+s3], $0x80, v4, vm0, $0xb8;
	[tilespmem:$0x14800] =	vst v63  }
0x56: {  	s25 =	simm.s32 $0x9000  }
0x57: {  	[tilespmem:s25], [sflag:$0x1] =	stream.indirect_vreg.gather [hbm4b:s2+s3], $0x80, v3, vm0, $0xb8;
	[tilespmem:$0x14800] =	vst v63  }
0x58: {  	v3 =	vld [tilespmem:$0x1010];
	_ =	sdelay $0x4  }
0x59: {  	v63 =	vshll.u32 v3, $0x1  }
0x5a: {  	v3 =	vand.u32 $0x7, v3;
	v4 =	vand.u32 $0xFFFFFFF0, v63  }
0x5b: {  	v3 =	vor.u32 v3, v4  }
0x5c: {  	v4 =	vperm.xlane v3, v0;
	_ =	sdelay $0x1  }
0x5d: {  	v3 =	vperm.xlane v3, v2;
	v4 =	vadd.s32 v1, v4;
	_ =	sdelay $0x1  }
0x5e: {  	v3 =	vadd.s32 v1, v3;
	_ =	sdelay $0x1  }
0x5f: {  	s29 =	simm.s32 $0x20;
	s28 =	simm.s32 $0x9800  }
0x60: {  	[tilespmem:s28], [sflag:$0x1] =	stream.indirect_vreg.gather [hbm4b:s2+s3], $0x80, v4, vm0, $0xb8;
	[tilespmem:$0x14800] =	vst v63  }
0x61: {  	s31 =	simm.s32 $0xA000;
	s6 =	simm.s32 $0x0;
	s8 =	simm.s32 $0x0  }
0x62: {  	[tilespmem:s31], [sflag:$0x1] =	stream.indirect_vreg.gather [hbm4b:s2+s3], $0x80, v3, vm0, $0xb8;
	[tilespmem:$0x14800] =	vst v63  }
.LBB2_2:
0x63: {  	_ =	swait.ge [sflag:s30], $0x2000  }
0x64: {  	[sflag:s30] =	ssyncset.done $0x0  }
0x65: {  	[sflag:s30] =	ssyncadd.s32 $0xFFFFE000  }
0x66: {  	_ =	swait.ge [sflag:s30], $0x2000  }
0x67: {  	[sflag:s30] =	ssyncset.done $0x0  }
0x68: {  	[sflag:s30] =	ssyncadd.s32 $0xFFFFE000  }
0x69: {  	s11 =	sshllo.u32 s8, $0x1;
	_ =	swait.ge [sflag:s30], $0x2000  }
0x6a: {  	s0 =	sshll.u32 s11, $0x7;
	[sflag:s30] =	ssyncset.done $0x0  }
0x6b: {  	s0 =	sand.u32 $0x3FFFFF80, s0;
	[sflag:s30] =	ssyncadd.s32 $0xFFFFE000  }
0x6c: {  	v3 =	vld [tilespmem:s0+$0x0];
	_ =	sdelay $0x4  }
0x6d: {  	v4 =	vshll.u32 v3, $0x1  }
0x6e: {  	v3 =	vand.u32 $0x7, v3;
	v4 =	vand.u32 $0xFFFFFFF0, v4  }
0x6f: {  	v3 =	vor.u32 v3, v4  }
0x70: {  	v4 =	vperm.xlane v3, v0;
	_ =	sdelay $0x1  }
0x71: {  	v3 =	vperm.xlane v3, v2;
	v4 =	vadd.s32 v1, v4;
	_ =	sdelay $0x1  }
0x72: {  	v3 =	vadd.s32 v1, v3;
	_ =	sdelay $0x1  }
0x73: {  	s1 =	simm.s32 $0xA800  }
0x74: {  	[tilespmem:s1], [sflag:$0x2] =	stream.indirect_vreg.gather [hbm4b:s2+s3], $0x80, v4, vm0, $0xb8;
	[tilespmem:$0x14800] =	vst v63  }
0x75: {  	s9 =	simm.s32 $0xB000  }
0x76: {  	[tilespmem:s9], [sflag:$0x2] =	stream.indirect_vreg.gather [hbm4b:s2+s3], $0x80, v3, vm0, $0xb8;
	[tilespmem:$0x14800] =	vst v63  }
0x77: {  	v3 =	vld [tilespmem:s0+$0x10];
	_ =	sdelay $0x4  }
0x78: {  	v4 =	vshll.u32 v3, $0x1  }
0x79: {  	v3 =	vand.u32 $0x7, v3;
	v4 =	vand.u32 $0xFFFFFFF0, v4  }
0x7a: {  	v3 =	vor.u32 v3, v4  }
0x7b: {  	v4 =	vperm.xlane v3, v0;
	_ =	sdelay $0x1  }
0x7c: {  	v3 =	vperm.xlane v3, v2;
	v4 =	vadd.s32 v1, v4;
	_ =	sdelay $0x1  }
0x7d: {  	v3 =	vadd.s32 v1, v3;
	_ =	sdelay $0x1  }
0x7e: {  	s10 =	simm.s32 $0xB800  }
0x7f: {  	[tilespmem:s10], [sflag:$0x2] =	stream.indirect_vreg.gather [hbm4b:s2+s3], $0x80, v4, vm0, $0xb8;
	[tilespmem:$0x14800] =	vst v63  }
0x80: {  	s13 =	simm.s32 $0xC000  }
0x81: {  	[tilespmem:s13], [sflag:$0x2] =	stream.indirect_vreg.gather [hbm4b:s2+s3], $0x80, v3, vm0, $0xb8;
	[tilespmem:$0x14800] =	vst v63  }
0x82: {  	v3 =	vld [tilespmem:s0+$0x800];
	_ =	sdelay $0x4  }
0x83: {  	v4 =	vshll.u32 v3, $0x1  }
0x84: {  	v3 =	vand.u32 $0x7, v3;
	v4 =	vand.u32 $0xFFFFFFF0, v4  }
0x85: {  	v3 =	vor.u32 v3, v4  }
0x86: {  	v4 =	vperm.xlane v3, v0;
	_ =	sdelay $0x1  }
0x87: {  	v3 =	vperm.xlane v3, v2;
	v4 =	vadd.s32 v1, v4;
	_ =	sdelay $0x1  }
0x88: {  	v3 =	vadd.s32 v1, v3;
	_ =	sdelay $0x2  }
0x89: {  	[tilespmem:s12], [sflag:$0x2] =	stream.indirect_vreg.gather [hbm4b:s2+s3], $0x80, v4, vm0, $0xb8;
	[tilespmem:$0x14800] =	vst v63  }
0x8a: {  	_ = 	snop  }
0x8b: {  	[tilespmem:s14], [sflag:$0x2] =	stream.indirect_vreg.gather [hbm4b:s2+s3], $0x80, v3, vm0, $0xb8;
	[tilespmem:$0x14800] =	vst v63  }
0x8c: {  	v3 =	vld [tilespmem:s0+$0x810];
	_ =	sdelay $0x4  }
0x8d: {  	v4 =	vshll.u32 v3, $0x1  }
0x8e: {  	v3 =	vand.u32 $0x7, v3;
	v4 =	vand.u32 $0xFFFFFFF0, v4  }
0x8f: {  	v3 =	vor.u32 v3, v4  }
0x90: {  	v4 =	vperm.xlane v3, v0;
	_ =	sdelay $0x1  }
0x91: {  	v3 =	vperm.xlane v3, v2;
	v4 =	vadd.s32 v1, v4;
	_ =	sdelay $0x1  }
0x92: {  	v3 =	vadd.s32 v1, v3;
	_ =	sdelay $0x2  }
0x93: {  	[tilespmem:s16], [sflag:$0x2] =	stream.indirect_vreg.gather [hbm4b:s2+s3], $0x80, v4, vm0, $0xb8;
	[tilespmem:$0x14800] =	vst v63  }
0x94: {  	_ = 	snop  }
0x95: {  	[tilespmem:s17], [sflag:$0x2] =	stream.indirect_vreg.gather [hbm4b:s2+s3], $0x80, v3, vm0, $0xb8;
	[tilespmem:$0x14800] =	vst v63  }
0x96: {  	v3 =	vld [tilespmem:s0+$0x1000];
	_ =	sdelay $0x4  }
0x97: {  	v4 =	vshll.u32 v3, $0x1  }
0x98: {  	v3 =	vand.u32 $0x7, v3;
	v4 =	vand.u32 $0xFFFFFFF0, v4  }
0x99: {  	v3 =	vor.u32 v3, v4  }
0x9a: {  	v4 =	vperm.xlane v3, v0;
	_ =	sdelay $0x1  }
0x9b: {  	v3 =	vperm.xlane v3, v2;
	v4 =	vadd.s32 v1, v4;
	_ =	sdelay $0x1  }
0x9c: {  	v3 =	vadd.s32 v1, v3;
	_ =	sdelay $0x2  }
0x9d: {  	[tilespmem:s18], [sflag:$0x2] =	stream.indirect_vreg.gather [hbm4b:s2+s3], $0x80, v4, vm0, $0xb8;
	[tilespmem:$0x14800] =	vst v63  }
0x9e: {  	_ = 	snop  }
0x9f: {  	[tilespmem:s19], [sflag:$0x2] =	stream.indirect_vreg.gather [hbm4b:s2+s3], $0x80, v3, vm0, $0xb8;
	[tilespmem:$0x14800] =	vst v63  }
0xa0: {  	v3 =	vld [tilespmem:s0+$0x1010];
	_ =	sdelay $0x4  }
0xa1: {  	v4 =	vshll.u32 v3, $0x1  }
0xa2: {  	v3 =	vand.u32 $0x7, v3;
	v4 =	vand.u32 $0xFFFFFFF0, v4  }
0xa3: {  	v3 =	vor.u32 v3, v4  }
0xa4: {  	v4 =	vperm.xlane v3, v0;
	_ =	sdelay $0x1  }
0xa5: {  	v3 =	vperm.xlane v3, v2;
	v4 =	vadd.s32 v1, v4;
	_ =	sdelay $0x1  }
0xa6: {  	v3 =	vadd.s32 v1, v3;
	_ =	sdelay $0x1  }
0xa7: {  	p0 =	seq.s32 s8, $0x0  }
0xa8: {  	[tilespmem:s20], [sflag:$0x2] =	stream.indirect_vreg.gather [hbm4b:s2+s3], $0x80, v4, vm0, $0xb8;
	[tilespmem:$0x14800] =	vst v63  }
0xa9: {  	s0 =	simm.s32 @!p0 $0x3  }
0xaa: {  	[tilespmem:s21], [sflag:$0x2] =	stream.indirect_vreg.gather [hbm4b:s2+s3], $0x80, v3, vm0, $0xb8;
	[tilespmem:$0x14800] =	vst v63  }
0xab: {  	s15 =	simm.s32 $0x0;
	_ =	swait.ge @!p0 [sflag:s0], $0x2000  }
0xac: {  	s7 =	sand.u32 $0x1800, s15;
	s9 =	sand.u32 $0x380, s15;
	[sflag:s0] =	ssyncset.done @!p0 $0x0  }
0xad: {  	s13 =	sor.u32 s9, s7;
	[sflag:s0] =	ssyncadd.s32 @!p0 $0xFFFFE000  }
0xae: {  	v7 =	vld [tilespmem:s13+$0x6C00]  }
0xaf: {  	v10 =	vld [tilespmem:s13+$0x8C10]  }
0xb0: {  	v8 =	vld [tilespmem:s13+$0x6870]  }
0xb1: {  	v12 =	vld [tilespmem:s13+$0x8860]  }
0xb2: {  	v14 =	vld [tilespmem:s13+$0x6860]  }
0xb3: {  	v16 =	vld [tilespmem:s13+$0x4860]  }
0xb4: {  	v15 =	vld [tilespmem:s13+$0x8C30]  }
0xb5: {  	v18 =	vld [tilespmem:s13+$0x6850]  }
0xb6: {  	v24 =	vld [tilespmem:s13+$0x4810]  }
0xb7: {  	v9 =	vld [tilespmem:s13+$0x8C20]  }
0xb8: {  	v22 =	vld [tilespmem:s13+$0x4850]  }
0xb9: {  	v20 =	vld [tilespmem:s13+$0x6840]  }
0xba: {  	s25 =	sshll.u32 s8, $0x8;
	v26 =	vld [tilespmem:s13+$0x4840]  }
0xbb: {  	s0 =	sand.u32 $0x600, s25;
	v17 =	vld [tilespmem:s13+$0x8C70]  }
0xbc: {  	s0 =	sor.u32 $0x4000, s0;
	v19 =	vld [tilespmem:s13+$0x8C60]  }
0xbd: {  	v13 =	vld [tilespmem:s13+$0x4830];
	v3 =	vmov s0  }
0xbe: {  	v21 =	vld [tilespmem:s13+$0x8C40]  }
0xbf: {  	v11 =	vld [tilespmem:s13+$0x4800]  }
0xc0: {  	s28 =	sadd.s32 $0x0, s6;
	v25 =	vld [tilespmem:s13+$0x4C10]  }
0xc1: {  	v27 =	vld [tilespmem:s13+$0x6C10];
	s0 =	sand.u32 $0x50, s28  }
0xc2: {  	v4 =	vld.idx.msk [tilespmem:v3+s0+$0x100 ss:$0x1], $0xffff  }
0xc3: {  	v5 =	vld.idx.msk [tilespmem:v3+s0+$0x80 ss:$0x1], $0xffff  }
0xc4: {  	v23 =	vld.idx.msk [tilespmem:v3+s0+$0x0 ss:$0x1], $0xffff  }
0xc5: {  	v29 =	vld [tilespmem:s13+$0x6C20]  }
0xc6: {  	s31 =	sand.u32 $0xF, s15;
	v28 =	vld [tilespmem:s13+$0x4C20]  }
0xc7: {  	v34 =	vmov s31;
	v31 =	vld [tilespmem:s13+$0x6C30]  }
0xc8: {  	v30 =	vld [tilespmem:s13+$0x4C30];
	v6 =	vperm.xlane v5, v34  }
0xc9: {  	v32 =	vld [tilespmem:s13+$0x4C40];
	v5 =	vperm.xlane v23, v34;
	v4 =	vperm.xlane v4, v34  }
0xca: {  	v33 =	vld [tilespmem:s13+$0x6C40];
	v27 =	vmul.f32 v27, v6;
	v29 =	vmul.f32 v29, v6  }
0xcb: {  	v35 =	vld [tilespmem:s13+$0x4C50];
	v11 =	vmul.f32 v11, v5;
	v38 =	vmul.f32 v9, v4  }
0xcc: {  	v54 =	vld [tilespmem:s13+$0x6C60];
	v8 =	vmul.f32 v8, v6;
	v9 =	vmul.f32 v31, v6  }
0xcd: {  	v39 =	vld [tilespmem:s13+$0x6C70];
	v28 =	vmul.f32 v28, v5;
	v7 =	vmul.f32 v7, v6  }
0xce: {  	v36 =	vld [tilespmem:s13+$0x6C50];
	v32 =	vmul.f32 v32, v5;
	v10 =	vmul.f32 v10, v4  }
0xcf: {  	v57 =	vld [tilespmem:s13+$0x6830];
	v25 =	vmul.f32 v25, v5;
	v33 =	vmul.f32 v33, v6  }
0xd0: {  	v61 =	vld [tilespmem:s13+$0x6800];
	v13 =	vmul.f32 v13, v5;
	v42 =	vmul.f32 v35, v5  }
0xd1: {  	v23 =	vld [tilespmem:s13+$0x4C60];
	v34 =	vmul.f32 v54, v6;
	v56 =	vmul.f32 v12, v4  }
0xd2: {  	v31 =	vld [tilespmem:s13+$0x8800];
	v58 =	vmul.f32 v17, v4;
	v59 =	vmul.f32 v39, v6  }
0xd3: {  	v60 =	vld [tilespmem:s13+$0x8C50];
	v17 =	vmul.f32 v21, v4;
	v14 =	vmul.f32 v14, v6  }
0xd4: {  	v62 =	vld [tilespmem:s13+$0x6820];
	v20 =	vmul.f32 v20, v6;
	v63 =	vmul.f32 v36, v6;
	v25 =	vadd.f32 v27, v25  }
0xd5: {  	v37 =	vld [tilespmem:s13+$0x4C70];
	v35 =	vmul.f32 v61, v6;
	v36 =	vmul.f32 v57, v6;
	v28 =	vadd.f32 v29, v28  }
0xd6: {  	v29 =	vld [tilespmem:s13+$0x8820];
	v23 =	vmul.f32 v23, v5;
	v25 =	vadd.f32 v10, v25;
	v10 =	vmul.f32 v15, v4  }
0xd7: {  	v27 =	vadd.f32 v38, v28;
	v28 =	vld [tilespmem:s13+$0x8840];
	v15 =	vmul.f32 v19, v4;
	v19 =	vmul.f32 v31, v4  }
0xd8: {  	v40 =	vld [tilespmem:s13+$0x8810];
	v12 =	vadd.f32 v34, v23;
	v31 =	vmul.f32 v22, v5;
	v22 =	vmul.f32 v26, v5  }
0xd9: {  	v41 =	vld [tilespmem:s13+$0x8830];
	v23 =	vadd.f32 v33, v32;
	v26 =	vmul.f32 v60, v4;
	v33 =	vmul.f32 v62, v6;
	[tilespmem:s13+$0x10C20] =	vst v27  }
0xda: {  	v55 =	vld [tilespmem:s13+$0x8850];
	v27 =	vmul.f32 v37, v5;
	[tilespmem:s13+$0x10C10] =	vst v25;
	v25 =	vmul.f32 v16, v5  }
0xdb: {  	v21 =	vadd.f32 v15, v12;
	v15 =	vmul.f32 v29, v4;
	v16 =	vadd.f32 v17, v23;
	v29 =	vld [tilespmem:s13+$0x4820]  }
0xdc: {  	v23 =	vmul.f32 v18, v6;
	v18 =	vmul.f32 v28, v4;
	v28 =	vadd.f32 v59, v27;
	v27 =	vld [tilespmem:s13+$0x4870]  }
0xdd: {  	v12 =	vmul.f32 v40, v4;
	[tilespmem:s13+$0x10C60] =	vst v21;
	v21 =	vmul.f32 v30, v5;
	v30 =	vadd.f32 v14, v25;
	v25 =	vld [tilespmem:s13+$0x6810]  }
0xde: {  	s15 =	sshll.u32 s8, $0x6;
	v32 =	vadd.f32 v63, v42;
	v17 =	vmul.f32 v41, v4;
	v14 =	vmul.f32 v24, v5;
	v24 =	vld [tilespmem:s13+$0x8870]  }
0xdf: {  	s9 =	simm.s32 $0x1;
	s7 =	simm.s32 $0x80;
	s25 =	simm.s32 $0x100;
	[tilespmem:s13+$0x10C40] =	vst v16;
	v16 =	vmul.f32 v55, v4;
	v28 =	vadd.f32 v58, v28;
	v34 =	vadd.f32 v56, v30;
	v30 =	vld [tilespmem:s13+$0x4C00]  }
.LBB2_3:
0xe0: {  	s0 =	sadd.s32 s9, s6  }
0xe1: {  	s1 =	sand.u32 $0x1800, s25;
	s10 =	sand.u32 $0x380, s7;
	v11 =	vadd.f32 v35, v11;
	v29 =	vmul.f32 v29, v5;
	v23 =	vadd.f32 v23, v31;
	v31 =	vld [tilespmem:s13+$0x8C00];
	s28 =	smov.u32 s9  }
0xe2: {  	v9 =	vadd.f32 v9, v21;
	s31 =	sand.u32 $0x50, s0;
	s0 =	sor.u32 s10, s1;
	s1 =	sadd.s32 $0x1, s9;
	v13 =	vadd.f32 v36, v13;
	[tilespmem:s13+$0x10860] =	vst v34;
	v27 =	vmul.f32 v27, v5  }
0xe3: {  	p0 =	sne.s32 s9, $0x1F;
	v21 =	vld [tilespmem:s0+$0x6C00];
	v11 =	vadd.f32 v19, v11;
	v6 =	vmul.f32 v25, v6;
	v19 =	vadd.f32 v33, v29;
	[tilespmem:s13+$0x10C70] =	vst v28  }
0xe4: {  	v25 =	vld [tilespmem:s0+$0x8C10];
	v13 =	vadd.f32 v17, v13;
	v8 =	vadd.f32 v8, v27;
	v17 =	vmul.f32 v24, v4  }
0xe5: {  	v24 =	vld [tilespmem:s0+$0x6870];
	v6 =	vadd.f32 v6, v14;
	v5 =	vmul.f32 v30, v5;
	v14 =	vadd.f32 v26, v32  }
0xe6: {  	v26 =	vld [tilespmem:s0+$0x8860];
	[tilespmem:s13+$0x10800] =	vst v11;
	v11 =	vadd.f32 v20, v22;
	v8 =	vadd.f32 v17, v8;
	v4 =	vmul.f32 v31, v4  }
0xe7: {  	v15 =	vadd.f32 v15, v19;
	v17 =	vld [tilespmem:s0+$0x6860];
	[tilespmem:s13+$0x10830] =	vst v13;
	v5 =	vadd.f32 v7, v5  }
0xe8: {  	v9 =	vadd.f32 v10, v9;
	v20 =	vld [tilespmem:s0+$0x4860];
	v7 =	vadd.f32 v18, v11;
	[tilespmem:s13+$0x10C50] =	vst v14  }
0xe9: {  	v6 =	vadd.f32 v12, v6;
	v10 =	vld [tilespmem:s0+$0x8C30];
	[tilespmem:s13+$0x10820] =	vst v15;
	v4 =	vadd.f32 v4, v5  }
0xea: {  	v5 =	vadd.f32 v16, v23;
	v18 =	vld [tilespmem:s0+$0x6850];
	[tilespmem:s13+$0x10840] =	vst v7  }
0xeb: {  	v14 =	vld [tilespmem:s0+$0x4810];
	[tilespmem:s13+$0x10C30] =	vst v9  }
0xec: {  	v7 =	vld [tilespmem:s0+$0x8C20];
	[tilespmem:s13+$0x10850] =	vst v5  }
0xed: {  	v22 =	vld [tilespmem:s0+$0x4850];
	[tilespmem:s13+$0x10C00] =	vst v4  }
0xee: {  	v16 =	vld [tilespmem:s0+$0x6840];
	[tilespmem:s13+$0x10810] =	vst v6  }
0xef: {  	v28 =	vld [tilespmem:s0+$0x4840];
	[tilespmem:s13+$0x10870] =	vst v8;
	s13 =	smov.u32 s0  }
0xf0: {  	v12 =	vld [tilespmem:s13+$0x8C70]  }
0xf1: {  	v15 =	vld [tilespmem:s13+$0x8C60]  }
0xf2: {  	v13 =	vld [tilespmem:s13+$0x4830]  }
0xf3: {  	v23 =	vld [tilespmem:s13+$0x8C40]  }
0xf4: {  	v8 =	vld [tilespmem:s13+$0x4800]  }
0xf5: {  	v4 =	vld.idx.msk [tilespmem:v3+s31+$0x100 ss:$0x1], $0xffff  }
0xf6: {  	v6 =	vld.idx.msk [tilespmem:v3+s31+$0x80 ss:$0x1], $0xffff  }
0xf7: {  	v5 =	vld.idx.msk [tilespmem:v3+s31+$0x0 ss:$0x1], $0xffff  }
0xf8: {  	v19 =	vld [tilespmem:s13+$0x4C10]  }
0xf9: {  	v9 =	vld [tilespmem:s13+$0x6C10]  }
0xfa: {  	v27 =	vld [tilespmem:s13+$0x4C20]  }
0xfb: {  	v11 =	vld [tilespmem:s13+$0x6C20]  }
0xfc: {  	s0 =	sand.u32 $0xF, s28;
	v29 =	vld [tilespmem:s13+$0x4C30]  }
0xfd: {  	v30 =	vmov s0;
	v31 =	vld [tilespmem:s13+$0x6C30]  }
0xfe: {  	v6 =	vperm.xlane v6, v30;
	v5 =	vperm.xlane v5, v30;
	v32 =	vld [tilespmem:s13+$0x4C40]  }
0xff: {  	v4 =	vperm.xlane v4, v30;
	v30 =	vld [tilespmem:s13+$0x6C40]  }
0x100: {  	v33 =	vmul.f32 v9, v6;
	v34 =	vmul.f32 v11, v6;
	v35 =	vld [tilespmem:s13+$0x4C50]  }
0x101: {  	v36 =	vmul.f32 v7, v4;
	v11 =	vmul.f32 v8, v5;
	v37 =	vld [tilespmem:s13+$0x6C50]  }
0x102: {  	v8 =	vmul.f32 v24, v6;
	v9 =	vmul.f32 v31, v6;
	v24 =	vld [tilespmem:s13+$0x4C60]  }
0x103: {  	v7 =	vmul.f32 v21, v6;
	v21 =	vmul.f32 v32, v5;
	v31 =	vld [tilespmem:s13+$0x6C60]  }
0x104: {  	v25 =	vmul.f32 v25, v4;
	v30 =	vmul.f32 v30, v6;
	v32 =	vld [tilespmem:s13+$0x4C70]  }
0x105: {  	v13 =	vmul.f32 v13, v5;
	v27 =	vmul.f32 v27, v5;
	v38 =	vld [tilespmem:s13+$0x6C70]  }
0x106: {  	v19 =	vmul.f32 v19, v5;
	v40 =	vmul.f32 v35, v5;
	v39 =	vld [tilespmem:s13+$0x8800];
	v21 =	vadd.f32 v30, v21  }
0x107: {  	v10 =	vmul.f32 v10, v4;
	v27 =	vadd.f32 v34, v27;
	v30 =	vld [tilespmem:s13+$0x8810];
	v24 =	vmul.f32 v24, v5  }
0x108: {  	v41 =	vmul.f32 v26, v4;
	v26 =	vadd.f32 v33, v19;
	v34 =	vld [tilespmem:s13+$0x8820];
	v19 =	vmul.f32 v31, v6  }
0x109: {  	v33 =	vmul.f32 v12, v4;
	v27 =	vadd.f32 v36, v27;
	v31 =	vld [tilespmem:s13+$0x8830];
	v32 =	vmul.f32 v32, v5  }
0x10a: {  	v15 =	vmul.f32 v15, v4;
	v35 =	vld [tilespmem:s13+$0x8840];
	v24 =	vadd.f32 v19, v24;
	v36 =	vmul.f32 v38, v6  }
0x10b: {  	v23 =	vmul.f32 v23, v4;
	v25 =	vadd.f32 v25, v26;
	v19 =	vmul.f32 v39, v4;
	v38 =	vld [tilespmem:s13+$0x8850];
	[tilespmem:s13+$0x10C20] =	vst v27  }
0x10c: {  	v26 =	vmul.f32 v17, v6;
	v12 =	vmul.f32 v30, v4;
	v30 =	vld [tilespmem:s13+$0x6830];
	v24 =	vadd.f32 v15, v24  }
0x10d: {  	v27 =	vmul.f32 v20, v5;
	v20 =	vadd.f32 v23, v21;
	v15 =	vmul.f32 v34, v4;
	[tilespmem:s13+$0x10C10] =	vst v25;
	v34 =	vld [tilespmem:s13+$0x8C50]  }
0x10e: {  	v23 =	vmul.f32 v18, v6;
	v39 =	vld [tilespmem:s13+$0x6800];
	v17 =	vmul.f32 v31, v4;
	[tilespmem:s13+$0x10C60] =	vst v24;
	v24 =	vadd.f32 v36, v32  }
0x10f: {  	v21 =	vmul.f32 v29, v5;
	v32 =	vld [tilespmem:s13+$0x6820];
	v18 =	vmul.f32 v35, v4;
	[tilespmem:s13+$0x10C40] =	vst v20  }
.Ltmp0:
0x110: {  	v20 =	vmul.f32 v16, v6;
	v29 =	vld [tilespmem:s13+$0x4820];
	v16 =	vmul.f32 v38, v4;
	(pc) =	sbr.rel @p0 .LBB2_3-.Ltmp0, $4  }
0x111: {  	v37 =	vmul.f32 v37, v6;
	v31 =	vmul.f32 v22, v5;
	v36 =	vadd.f32 v26, v27;
	v27 =	vld [tilespmem:s13+$0x4870]  }
0x112: {  	v22 =	vmul.f32 v28, v5;
	v28 =	vadd.f32 v33, v24;
	v25 =	vld [tilespmem:s13+$0x6810];
	v26 =	vmul.f32 v34, v4  }
0x113: {  	v14 =	vmul.f32 v14, v5;
	v34 =	vadd.f32 v41, v36;
	v35 =	vmul.f32 v39, v6;
	v24 =	vld [tilespmem:s13+$0x8870]  }
0x114: {  	s7 =	sadd.s32 $0x80, s7;
	s25 =	sadd.s32 $0x100, s25;
	s9 =	smov.u32 s1;
	v36 =	vmul.f32 v30, v6;
	v33 =	vmul.f32 v32, v6;
	v30 =	vld [tilespmem:s13+$0x4C00];
	v32 =	vadd.f32 v37, v40  }
0x115: {  	v11 =	vadd.f32 v35, v11  }
0x116: {  	v9 =	vadd.f32 v9, v21  }
0x117: {  	v23 =	vadd.f32 v23, v31;
	[tilespmem:s13+$0x10860] =	vst v34;
	v11 =	vadd.f32 v19, v11  }
0x118: {  	v29 =	vmul.f32 v29, v5;
	v48 =	vld [tilespmem:s13+$0x8C00];
	[tilespmem:s13+$0x10C70] =	vst v28;
	v13 =	vadd.f32 v36, v13;
	v9 =	vadd.f32 v10, v9  }
0x119: {  	v10 =	vadd.f32 v16, v23;
	[tilespmem:s13+$0x10800] =	vst v11  }
0x11a: {  	v19 =	vadd.f32 v33, v29;
	v6 =	vmul.f32 v25, v6;
	v13 =	vadd.f32 v17, v13;
	[tilespmem:s13+$0x10C30] =	vst v9  }
0x11b: {  	v17 =	vadd.f32 v26, v32;
	v11 =	vadd.f32 v20, v22;
	v20 =	vmul.f32 v30, v5;
	[tilespmem:s13+$0x10850] =	vst v10  }
0x11c: {  	v15 =	vadd.f32 v15, v19;
	v5 =	vmul.f32 v27, v5;
	v6 =	vadd.f32 v6, v14;
	[tilespmem:s13+$0x10830] =	vst v13  }
0x11d: {  	[tilespmem:s13+$0x10C50] =	vst v17;
	v13 =	vmul.f32 v48, v4;
	v11 =	vadd.f32 v18, v11;
	v7 =	vadd.f32 v7, v20  }
0x11e: {  	v4 =	vmul.f32 v24, v4;
	[tilespmem:s13+$0x10820] =	vst v15;
	v5 =	vadd.f32 v8, v5;
	v6 =	vadd.f32 v12, v6  }
0x11f: {  	[tilespmem:s13+$0x10840] =	vst v11;
	v7 =	vadd.f32 v13, v7  }
0x120: {  	s0 =	sadd.s32 s4, s15;
	v4 =	vadd.f32 v4, v5;
	[tilespmem:s13+$0x10810] =	vst v6  }
0x121: {  	s0 =	sshll.u32 s0, $0x5;
	[tilespmem:s13+$0x10C00] =	vst v7  }
0x122: {  	s0 =	sadd.s32 s5, s0;
	[tilespmem:s13+$0x10870] =	vst v4  }
0x123: {  	[hbm4b:s0+s3] =	stream.linear.scatter [tilespmem:s22], [sflag:$0x3], $0x2000, $0x38;
	[tilespmem:$0x14800] =	vst v63  }
0x124: {  	_ =	swait.ge [sflag:s23], $0x2000  }
0x125: {  	[sflag:s23] =	ssyncset.done $0x0  }
0x126: {  	[sflag:s23] =	ssyncadd.s32 $0xFFFFE000  }
0x127: {  	_ =	swait.ge [sflag:s23], $0x2000  }
0x128: {  	[sflag:s23] =	ssyncset.done $0x0  }
0x129: {  	[sflag:s23] =	ssyncadd.s32 $0xFFFFE000  }
0x12a: {  	p0 =	seq.s32 s8, $0x7;
	_ =	swait.ge [sflag:s23], $0x2000  }
0x12b: {  	s0 =	sshll.u32 @!p0 s8, $0x8;
	[sflag:s23] =	ssyncset.done $0x0  }
0x12c: {  	s7 =	sand.u32 @!p0 $0x3FFFFF00, s0;
	[sflag:s23] =	ssyncadd.s32 $0xFFFFE000  }
0x12d: {  	v4 =	vld @!p0 [tilespmem:s7+$0x100];
	_ =	sdelay $0x4  }
0x12e: {  	v5 =	vshll.u32 @!p0 v4, $0x1  }
0x12f: {  	v6 =	vlaneseq.u32 @!p0;
	v4 =	vand.u32 @!p0 $0x7, v4;
	v5 =	vand.u32 @!p0 $0xFFFFFFF0, v5  }
0x130: {  	v7 =	vshrl.u32 @!p0 v6, $0x3;
	v4 =	vor.u32 @!p0 v4, v5;
	v5 =	vand.u32 @!p0 $0x7, v6  }
0x131: {  	v7 =	vmul.u32 @!p0 $0x8, v7;
	v8 =	vperm.xlane @!p0 v4, v5  }
0x132: {  	v6 =	vor.u32 @!p0 $0x8, v6  }
0x133: {  	v4 =	vperm.xlane @!p0 v4, v6;
	v8 =	vadd.s32 @!p0 v7, v8;
	_ =	sdelay $0x1  }
0x134: {  	v4 =	vadd.s32 @!p0 v7, v4;
	_ =	sdelay $0x1  }
0x135: {  	vm1 =	vmmov @!p0 $0xffff;
	s9 =	simm.s32 @!p0 $0x0;
	s0 =	simm.s32 @!p0 $0x4800  }
0x136: {  	[tilespmem:s0], [sflag:$0x1] =	stream.indirect_vreg.gather @!p0 [hbm4b:s2+s9], $0x80, v8, vm1, $0xb8;
	[tilespmem:$0x14800] =	vst v63  }
0x137: {  	s0 =	simm.s32 @!p0 $0x5000  }
0x138: {  	[tilespmem:s0], [sflag:$0x1] =	stream.indirect_vreg.gather @!p0 [hbm4b:s2+s9], $0x80, v4, vm1, $0xb8;
	[tilespmem:$0x14800] =	vst v63  }
0x139: {  	v4 =	vld @!p0 [tilespmem:s7+$0x110];
	_ =	sdelay $0x4  }
0x13a: {  	v8 =	vshll.u32 @!p0 v4, $0x1  }
0x13b: {  	v4 =	vand.u32 @!p0 $0x7, v4;
	v8 =	vand.u32 @!p0 $0xFFFFFFF0, v8  }
0x13c: {  	v4 =	vor.u32 @!p0 v4, v8  }
0x13d: {  	v8 =	vperm.xlane @!p0 v4, v5;
	_ =	sdelay $0x1  }
0x13e: {  	v4 =	vperm.xlane @!p0 v4, v6;
	v8 =	vadd.s32 @!p0 v7, v8;
	_ =	sdelay $0x1  }
0x13f: {  	v4 =	vadd.s32 @!p0 v7, v4;
	_ =	sdelay $0x1  }
0x140: {  	s0 =	simm.s32 @!p0 $0x5800  }
0x141: {  	[tilespmem:s0], [sflag:$0x1] =	stream.indirect_vreg.gather @!p0 [hbm4b:s2+s9], $0x80, v8, vm1, $0xb8;
	[tilespmem:$0x14800] =	vst v63  }
0x142: {  	s0 =	simm.s32 @!p0 $0x6000  }
0x143: {  	[tilespmem:s0], [sflag:$0x1] =	stream.indirect_vreg.gather @!p0 [hbm4b:s2+s9], $0x80, v4, vm1, $0xb8;
	[tilespmem:$0x14800] =	vst v63  }
0x144: {  	v4 =	vld @!p0 [tilespmem:s7+$0x900];
	_ =	sdelay $0x4  }
0x145: {  	v8 =	vshll.u32 @!p0 v4, $0x1  }
0x146: {  	v4 =	vand.u32 @!p0 $0x7, v4;
	v8 =	vand.u32 @!p0 $0xFFFFFFF0, v8  }
0x147: {  	v4 =	vor.u32 @!p0 v4, v8  }
0x148: {  	v8 =	vperm.xlane @!p0 v4, v5;
	_ =	sdelay $0x1  }
0x149: {  	v4 =	vperm.xlane @!p0 v4, v6;
	v8 =	vadd.s32 @!p0 v7, v8;
	_ =	sdelay $0x1  }
0x14a: {  	v4 =	vadd.s32 @!p0 v7, v4;
	_ =	sdelay $0x1  }
0x14b: {  	s0 =	simm.s32 @!p0 $0x6800  }
0x14c: {  	[tilespmem:s0], [sflag:$0x1] =	stream.indirect_vreg.gather @!p0 [hbm4b:s2+s9], $0x80, v8, vm1, $0xb8;
	[tilespmem:$0x14800] =	vst v63  }
0x14d: {  	s0 =	simm.s32 @!p0 $0x7000  }
0x14e: {  	[tilespmem:s0], [sflag:$0x1] =	stream.indirect_vreg.gather @!p0 [hbm4b:s2+s9], $0x80, v4, vm1, $0xb8;
	[tilespmem:$0x14800] =	vst v63  }
0x14f: {  	v4 =	vld @!p0 [tilespmem:s7+$0x910];
	_ =	sdelay $0x4  }
0x150: {  	v8 =	vshll.u32 @!p0 v4, $0x1  }
0x151: {  	v4 =	vand.u32 @!p0 $0x7, v4;
	v8 =	vand.u32 @!p0 $0xFFFFFFF0, v8  }
0x152: {  	v4 =	vor.u32 @!p0 v4, v8  }
0x153: {  	v8 =	vperm.xlane @!p0 v4, v5;
	_ =	sdelay $0x1  }
0x154: {  	v4 =	vperm.xlane @!p0 v4, v6;
	v8 =	vadd.s32 @!p0 v7, v8;
	_ =	sdelay $0x1  }
0x155: {  	v4 =	vadd.s32 @!p0 v7, v4;
	_ =	sdelay $0x1  }
0x156: {  	s0 =	simm.s32 @!p0 $0x7800  }
0x157: {  	[tilespmem:s0], [sflag:$0x1] =	stream.indirect_vreg.gather @!p0 [hbm4b:s2+s9], $0x80, v8, vm1, $0xb8;
	[tilespmem:$0x14800] =	vst v63  }
0x158: {  	s0 =	simm.s32 @!p0 $0x8000  }
0x159: {  	[tilespmem:s0], [sflag:$0x1] =	stream.indirect_vreg.gather @!p0 [hbm4b:s2+s9], $0x80, v4, vm1, $0xb8;
	[tilespmem:$0x14800] =	vst v63  }
0x15a: {  	v4 =	vld @!p0 [tilespmem:s7+$0x1100];
	_ =	sdelay $0x4  }
0x15b: {  	v8 =	vshll.u32 @!p0 v4, $0x1  }
0x15c: {  	v4 =	vand.u32 @!p0 $0x7, v4;
	v8 =	vand.u32 @!p0 $0xFFFFFFF0, v8  }
0x15d: {  	v4 =	vor.u32 @!p0 v4, v8  }
0x15e: {  	v8 =	vperm.xlane @!p0 v4, v5;
	_ =	sdelay $0x1  }
0x15f: {  	v4 =	vperm.xlane @!p0 v4, v6;
	v8 =	vadd.s32 @!p0 v7, v8;
	_ =	sdelay $0x1  }
0x160: {  	v4 =	vadd.s32 @!p0 v7, v4;
	_ =	sdelay $0x1  }
0x161: {  	s0 =	simm.s32 @!p0 $0x8800  }
0x162: {  	[tilespmem:s0], [sflag:$0x1] =	stream.indirect_vreg.gather @!p0 [hbm4b:s2+s9], $0x80, v8, vm1, $0xb8;
	[tilespmem:$0x14800] =	vst v63  }
0x163: {  	s0 =	simm.s32 @!p0 $0x9000  }
0x164: {  	[tilespmem:s0], [sflag:$0x1] =	stream.indirect_vreg.gather @!p0 [hbm4b:s2+s9], $0x80, v4, vm1, $0xb8;
	[tilespmem:$0x14800] =	vst v63  }
0x165: {  	v4 =	vld @!p0 [tilespmem:s7+$0x1110];
	_ =	sdelay $0x4  }
0x166: {  	v8 =	vshll.u32 @!p0 v4, $0x1  }
0x167: {  	v4 =	vand.u32 @!p0 $0x7, v4;
	v8 =	vand.u32 @!p0 $0xFFFFFFF0, v8  }
0x168: {  	v4 =	vor.u32 @!p0 v4, v8  }
0x169: {  	v5 =	vperm.xlane @!p0 v4, v5;
	_ =	sdelay $0x1  }
0x16a: {  	v4 =	vperm.xlane @!p0 v4, v6;
	v5 =	vadd.s32 @!p0 v7, v5;
	_ =	sdelay $0x1  }
0x16b: {  	v4 =	vadd.s32 @!p0 v7, v4;
	_ =	sdelay $0x1  }
0x16c: {  	s0 =	simm.s32 @!p0 $0x9800  }
0x16d: {  	[tilespmem:s0], [sflag:$0x1] =	stream.indirect_vreg.gather @!p0 [hbm4b:s2+s9], $0x80, v5, vm1, $0xb8;
	[tilespmem:$0x14800] =	vst v63  }
0x16e: {  	p1 =	seq.s32 @!p0 s8, $0x0;
	s0 =	simm.s32 @!p0 $0xA000  }
0x16f: {  	[tilespmem:s0], [sflag:$0x1] =	stream.indirect_vreg.gather @!p0 [hbm4b:s2+s9], $0x80, v4, vm1, $0xb8;
	[tilespmem:$0x14800] =	vst v63  }
0x170: {  	p0 =	por p0, !p1  }
0x171: {  	s25 =	simm.s32 $0x0;
	_ =	swait.ge @p0 [sflag:s26], $0x2000  }
0x172: {  	s1 =	sand.u32 $0x1800, s25;
	s28 =	sand.u32 $0x380, s25;
	[sflag:s26] =	ssyncset.done @p0 $0x0  }
0x173: {  	s13 =	sor.u32 s28, s1;
	[sflag:s26] =	ssyncadd.s32 @p0 $0xFFFFE000  }
0x174: {  	v7 =	vld [tilespmem:s13+$0xCC00]  }
0x175: {  	v10 =	vld [tilespmem:s13+$0xEC10]  }
0x176: {  	v8 =	vld [tilespmem:s13+$0xC870]  }
0x177: {  	v12 =	vld [tilespmem:s13+$0xE860]  }
0x178: {  	v14 =	vld [tilespmem:s13+$0xC860]  }
0x179: {  	v16 =	vld [tilespmem:s13+$0xA860]  }
0x17a: {  	v15 =	vld [tilespmem:s13+$0xEC30]  }
0x17b: {  	v18 =	vld [tilespmem:s13+$0xC850]  }
0x17c: {  	v24 =	vld [tilespmem:s13+$0xA810]  }
0x17d: {  	v9 =	vld [tilespmem:s13+$0xEC20]  }
0x17e: {  	v22 =	vld [tilespmem:s13+$0xA850]  }
0x17f: {  	v20 =	vld [tilespmem:s13+$0xC840]  }
0x180: {  	v26 =	vld [tilespmem:s13+$0xA840]  }
0x181: {  	v17 =	vld [tilespmem:s13+$0xEC70]  }
0x182: {  	v19 =	vld [tilespmem:s13+$0xEC60]  }
0x183: {  	v13 =	vld [tilespmem:s13+$0xA830]  }
0x184: {  	s31 =	sadd.s32 $0x0, s29;
	v21 =	vld [tilespmem:s13+$0xEC40]  }
0x185: {  	s1 =	sand.u32 $0x70, s31;
	v11 =	vld [tilespmem:s13+$0xA800]  }
0x186: {  	v4 =	vld.idx.msk [tilespmem:v3+s1+$0x100 ss:$0x1], $0xffff  }
0x187: {  	v5 =	vld.idx.msk [tilespmem:v3+s1+$0x80 ss:$0x1], $0xffff  }
0x188: {  	v23 =	vld.idx.msk [tilespmem:v3+s1+$0x0 ss:$0x1], $0xffff  }
0x189: {  	v25 =	vld [tilespmem:s13+$0xAC10]  }
0x18a: {  	v27 =	vld [tilespmem:s13+$0xCC10]  }
0x18b: {  	v29 =	vld [tilespmem:s13+$0xCC20]  }
0x18c: {  	s0 =	sand.u32 $0xF, s25;
	v28 =	vld [tilespmem:s13+$0xAC20]  }
0x18d: {  	v51 =	vmov s0;
	v31 =	vld [tilespmem:s13+$0xCC30]  }
0x18e: {  	v30 =	vld [tilespmem:s13+$0xAC30];
	v6 =	vperm.xlane v5, v51  }
0x18f: {  	v49 =	vld [tilespmem:s13+$0xAC40];
	v5 =	vperm.xlane v23, v51;
	v4 =	vperm.xlane v4, v51  }
0x190: {  	v50 =	vld [tilespmem:s13+$0xCC40];
	v27 =	vmul.f32 v27, v6;
	v29 =	vmul.f32 v29, v6  }
0x191: {  	v52 =	vld [tilespmem:s13+$0xAC50];
	v11 =	vmul.f32 v11, v5;
	v38 =	vmul.f32 v9, v4  }
0x192: {  	v54 =	vld [tilespmem:s13+$0xCC60];
	v8 =	vmul.f32 v8, v6;
	v9 =	vmul.f32 v31, v6  }
0x193: {  	v39 =	vld [tilespmem:s13+$0xCC70];
	v28 =	vmul.f32 v28, v5;
	v7 =	vmul.f32 v7, v6  }
0x194: {  	v53 =	vld [tilespmem:s13+$0xCC50];
	v32 =	vmul.f32 v49, v5;
	v10 =	vmul.f32 v10, v4  }
0x195: {  	v57 =	vld [tilespmem:s13+$0xC830];
	v25 =	vmul.f32 v25, v5;
	v33 =	vmul.f32 v50, v6  }
0x196: {  	v61 =	vld [tilespmem:s13+$0xC800];
	v13 =	vmul.f32 v13, v5;
	v42 =	vmul.f32 v52, v5  }
0x197: {  	v23 =	vld [tilespmem:s13+$0xAC60];
	v34 =	vmul.f32 v54, v6;
	v56 =	vmul.f32 v12, v4  }
0x198: {  	v31 =	vld [tilespmem:s13+$0xE800];
	v58 =	vmul.f32 v17, v4;
	v59 =	vmul.f32 v39, v6  }
0x199: {  	v60 =	vld [tilespmem:s13+$0xEC50];
	v17 =	vmul.f32 v21, v4;
	v14 =	vmul.f32 v14, v6  }
0x19a: {  	v62 =	vld [tilespmem:s13+$0xC820];
	v20 =	vmul.f32 v20, v6;
	v63 =	vmul.f32 v53, v6;
	v25 =	vadd.f32 v27, v25  }
0x19b: {  	v37 =	vld [tilespmem:s13+$0xAC70];
	v35 =	vmul.f32 v61, v6;
	v36 =	vmul.f32 v57, v6;
	v28 =	vadd.f32 v29, v28  }
0x19c: {  	v29 =	vld [tilespmem:s13+$0xE820];
	v23 =	vmul.f32 v23, v5;
	v25 =	vadd.f32 v10, v25;
	v10 =	vmul.f32 v15, v4  }
0x19d: {  	v27 =	vadd.f32 v38, v28;
	v28 =	vld [tilespmem:s13+$0xE840];
	v15 =	vmul.f32 v19, v4;
	v19 =	vmul.f32 v31, v4  }
0x19e: {  	v40 =	vld [tilespmem:s13+$0xE810];
	v12 =	vadd.f32 v34, v23;
	v31 =	vmul.f32 v22, v5;
	v22 =	vmul.f32 v26, v5  }
0x19f: {  	v41 =	vld [tilespmem:s13+$0xE830];
	v23 =	vadd.f32 v33, v32;
	v26 =	vmul.f32 v60, v4;
	v33 =	vmul.f32 v62, v6;
	[tilespmem:s13+$0x12C20] =	vst v27  }
0x1a0: {  	v55 =	vld [tilespmem:s13+$0xE850];
	v27 =	vmul.f32 v37, v5;
	[tilespmem:s13+$0x12C10] =	vst v25;
	v25 =	vmul.f32 v16, v5  }
0x1a1: {  	v21 =	vadd.f32 v15, v12;
	v15 =	vmul.f32 v29, v4;
	v16 =	vadd.f32 v17, v23;
	v29 =	vld [tilespmem:s13+$0xA820]  }
0x1a2: {  	v23 =	vmul.f32 v18, v6;
	v18 =	vmul.f32 v28, v4;
	v28 =	vadd.f32 v59, v27;
	v27 =	vld [tilespmem:s13+$0xA870]  }
0x1a3: {  	v12 =	vmul.f32 v40, v4;
	[tilespmem:s13+$0x12C60] =	vst v21;
	v21 =	vmul.f32 v30, v5;
	v30 =	vadd.f32 v14, v25;
	v25 =	vld [tilespmem:s13+$0xC810]  }
0x1a4: {  	s11 =	sshll.u32 s11, $0x5;
	v32 =	vadd.f32 v63, v42;
	v17 =	vmul.f32 v41, v4;
	v14 =	vmul.f32 v24, v5;
	v24 =	vld [tilespmem:s13+$0xE870]  }
0x1a5: {  	s15 =	simm.s32 $0x100;
	s7 =	simm.s32 $0x80;
	s1 =	simm.s32 $0x1;
	[tilespmem:s13+$0x12C40] =	vst v16;
	v16 =	vmul.f32 v55, v4;
	v28 =	vadd.f32 v58, v28;
	v34 =	vadd.f32 v56, v30;
	v30 =	vld [tilespmem:s13+$0xAC00]  }
.LBB2_5:
0x1a6: {  	s0 =	sadd.s32 s1, s29  }
0x1a7: {  	s9 =	sand.u32 $0x1800, s15;
	s10 =	sand.u32 $0x380, s7;
	v11 =	vadd.f32 v35, v11;
	v29 =	vmul.f32 v29, v5;
	v23 =	vadd.f32 v23, v31;
	v31 =	vld [tilespmem:s13+$0xEC00];
	s25 =	smov.u32 s1  }
0x1a8: {  	v9 =	vadd.f32 v9, v21;
	s28 =	sand.u32 $0x70, s0;
	s0 =	sor.u32 s10, s9;
	s9 =	sadd.s32 $0x1, s1;
	v13 =	vadd.f32 v36, v13;
	[tilespmem:s13+$0x12860] =	vst v34;
	v27 =	vmul.f32 v27, v5  }
0x1a9: {  	p0 =	sne.s32 s1, $0x1F;
	v21 =	vld [tilespmem:s0+$0xCC00];
	v11 =	vadd.f32 v19, v11;
	v6 =	vmul.f32 v25, v6;
	v19 =	vadd.f32 v33, v29;
	[tilespmem:s13+$0x12C70] =	vst v28  }
0x1aa: {  	v25 =	vld [tilespmem:s0+$0xEC10];
	v13 =	vadd.f32 v17, v13;
	v8 =	vadd.f32 v8, v27;
	v17 =	vmul.f32 v24, v4  }
0x1ab: {  	v24 =	vld [tilespmem:s0+$0xC870];
	v6 =	vadd.f32 v6, v14;
	v5 =	vmul.f32 v30, v5;
	v14 =	vadd.f32 v26, v32  }
0x1ac: {  	v26 =	vld [tilespmem:s0+$0xE860];
	[tilespmem:s13+$0x12800] =	vst v11;
	v11 =	vadd.f32 v20, v22;
	v8 =	vadd.f32 v17, v8;
	v4 =	vmul.f32 v31, v4  }
0x1ad: {  	v15 =	vadd.f32 v15, v19;
	v17 =	vld [tilespmem:s0+$0xC860];
	[tilespmem:s13+$0x12830] =	vst v13;
	v5 =	vadd.f32 v7, v5  }
0x1ae: {  	v9 =	vadd.f32 v10, v9;
	v20 =	vld [tilespmem:s0+$0xA860];
	v7 =	vadd.f32 v18, v11;
	[tilespmem:s13+$0x12C50] =	vst v14  }
0x1af: {  	v6 =	vadd.f32 v12, v6;
	v10 =	vld [tilespmem:s0+$0xEC30];
	[tilespmem:s13+$0x12820] =	vst v15;
	v4 =	vadd.f32 v4, v5  }
0x1b0: {  	v5 =	vadd.f32 v16, v23;
	v18 =	vld [tilespmem:s0+$0xC850];
	[tilespmem:s13+$0x12840] =	vst v7  }
0x1b1: {  	v14 =	vld [tilespmem:s0+$0xA810];
	[tilespmem:s13+$0x12C30] =	vst v9  }
0x1b2: {  	v7 =	vld [tilespmem:s0+$0xEC20];
	[tilespmem:s13+$0x12850] =	vst v5  }
0x1b3: {  	v22 =	vld [tilespmem:s0+$0xA850];
	[tilespmem:s13+$0x12C00] =	vst v4  }
0x1b4: {  	v16 =	vld [tilespmem:s0+$0xC840];
	[tilespmem:s13+$0x12810] =	vst v6  }
0x1b5: {  	v28 =	vld [tilespmem:s0+$0xA840];
	[tilespmem:s13+$0x12870] =	vst v8;
	s13 =	smov.u32 s0  }
0x1b6: {  	v12 =	vld [tilespmem:s13+$0xEC70]  }
0x1b7: {  	v15 =	vld [tilespmem:s13+$0xEC60]  }
0x1b8: {  	v13 =	vld [tilespmem:s13+$0xA830]  }
0x1b9: {  	v23 =	vld [tilespmem:s13+$0xEC40]  }
0x1ba: {  	v8 =	vld [tilespmem:s13+$0xA800]  }
0x1bb: {  	v4 =	vld.idx.msk [tilespmem:v3+s28+$0x100 ss:$0x1], $0xffff  }
0x1bc: {  	v6 =	vld.idx.msk [tilespmem:v3+s28+$0x80 ss:$0x1], $0xffff  }
0x1bd: {  	v5 =	vld.idx.msk [tilespmem:v3+s28+$0x0 ss:$0x1], $0xffff  }
0x1be: {  	v19 =	vld [tilespmem:s13+$0xAC10]  }
0x1bf: {  	v9 =	vld [tilespmem:s13+$0xCC10]  }
0x1c0: {  	v27 =	vld [tilespmem:s13+$0xAC20]  }
0x1c1: {  	v11 =	vld [tilespmem:s13+$0xCC20]  }
0x1c2: {  	s0 =	sand.u32 $0xF, s25;
	v29 =	vld [tilespmem:s13+$0xAC30]  }
0x1c3: {  	v30 =	vmov s0;
	v31 =	vld [tilespmem:s13+$0xCC30]  }
0x1c4: {  	v6 =	vperm.xlane v6, v30;
	v5 =	vperm.xlane v5, v30;
	v32 =	vld [tilespmem:s13+$0xAC40]  }
0x1c5: {  	v4 =	vperm.xlane v4, v30;
	v30 =	vld [tilespmem:s13+$0xCC40]  }
0x1c6: {  	v33 =	vmul.f32 v9, v6;
	v34 =	vmul.f32 v11, v6;
	v35 =	vld [tilespmem:s13+$0xAC50]  }
0x1c7: {  	v36 =	vmul.f32 v7, v4;
	v11 =	vmul.f32 v8, v5;
	v37 =	vld [tilespmem:s13+$0xCC50]  }
0x1c8: {  	v8 =	vmul.f32 v24, v6;
	v9 =	vmul.f32 v31, v6;
	v24 =	vld [tilespmem:s13+$0xAC60]  }
0x1c9: {  	v7 =	vmul.f32 v21, v6;
	v21 =	vmul.f32 v32, v5;
	v31 =	vld [tilespmem:s13+$0xCC60]  }
0x1ca: {  	v25 =	vmul.f32 v25, v4;
	v30 =	vmul.f32 v30, v6;
	v32 =	vld [tilespmem:s13+$0xAC70]  }
0x1cb: {  	v13 =	vmul.f32 v13, v5;
	v27 =	vmul.f32 v27, v5;
	v38 =	vld [tilespmem:s13+$0xCC70]  }
0x1cc: {  	v19 =	vmul.f32 v19, v5;
	v40 =	vmul.f32 v35, v5;
	v39 =	vld [tilespmem:s13+$0xE800];
	v21 =	vadd.f32 v30, v21  }
0x1cd: {  	v10 =	vmul.f32 v10, v4;
	v27 =	vadd.f32 v34, v27;
	v30 =	vld [tilespmem:s13+$0xE810];
	v24 =	vmul.f32 v24, v5  }
0x1ce: {  	v41 =	vmul.f32 v26, v4;
	v26 =	vadd.f32 v33, v19;
	v34 =	vld [tilespmem:s13+$0xE820];
	v19 =	vmul.f32 v31, v6  }
0x1cf: {  	v33 =	vmul.f32 v12, v4;
	v27 =	vadd.f32 v36, v27;
	v31 =	vld [tilespmem:s13+$0xE830];
	v32 =	vmul.f32 v32, v5  }
0x1d0: {  	v15 =	vmul.f32 v15, v4;
	v35 =	vld [tilespmem:s13+$0xE840];
	v24 =	vadd.f32 v19, v24;
	v36 =	vmul.f32 v38, v6  }
0x1d1: {  	v23 =	vmul.f32 v23, v4;
	v25 =	vadd.f32 v25, v26;
	v19 =	vmul.f32 v39, v4;
	v38 =	vld [tilespmem:s13+$0xE850];
	[tilespmem:s13+$0x12C20] =	vst v27  }
0x1d2: {  	v26 =	vmul.f32 v17, v6;
	v12 =	vmul.f32 v30, v4;
	v30 =	vld [tilespmem:s13+$0xC830];
	v24 =	vadd.f32 v15, v24  }
0x1d3: {  	v27 =	vmul.f32 v20, v5;
	v20 =	vadd.f32 v23, v21;
	v15 =	vmul.f32 v34, v4;
	[tilespmem:s13+$0x12C10] =	vst v25;
	v34 =	vld [tilespmem:s13+$0xEC50]  }
0x1d4: {  	v23 =	vmul.f32 v18, v6;
	v39 =	vld [tilespmem:s13+$0xC800];
	v17 =	vmul.f32 v31, v4;
	[tilespmem:s13+$0x12C60] =	vst v24;
	v24 =	vadd.f32 v36, v32  }
0x1d5: {  	v21 =	vmul.f32 v29, v5;
	v32 =	vld [tilespmem:s13+$0xC820];
	v18 =	vmul.f32 v35, v4;
	[tilespmem:s13+$0x12C40] =	vst v20  }
.Ltmp1:
0x1d6: {  	v20 =	vmul.f32 v16, v6;
	v29 =	vld [tilespmem:s13+$0xA820];
	v16 =	vmul.f32 v38, v4;
	(pc) =	sbr.rel @p0 .LBB2_5-.Ltmp1, $4  }
0x1d7: {  	v37 =	vmul.f32 v37, v6;
	v31 =	vmul.f32 v22, v5;
	v36 =	vadd.f32 v26, v27;
	v27 =	vld [tilespmem:s13+$0xA870]  }
0x1d8: {  	v22 =	vmul.f32 v28, v5;
	v28 =	vadd.f32 v33, v24;
	v25 =	vld [tilespmem:s13+$0xC810];
	v26 =	vmul.f32 v34, v4  }
0x1d9: {  	v14 =	vmul.f32 v14, v5;
	v34 =	vadd.f32 v41, v36;
	v35 =	vmul.f32 v39, v6;
	v24 =	vld [tilespmem:s13+$0xE870]  }
0x1da: {  	s7 =	sadd.s32 $0x80, s7;
	s15 =	sadd.s32 $0x100, s15;
	s1 =	smov.u32 s9;
	v36 =	vmul.f32 v30, v6;
	v33 =	vmul.f32 v32, v6;
	v30 =	vld [tilespmem:s13+$0xAC00];
	v32 =	vadd.f32 v37, v40  }
0x1db: {  	v3 =	vadd.f32 v35, v11  }
0x1dc: {  	v57 =	vmul.f32 v29, v5;
	[tilespmem:s13+$0x12860] =	vst v34;
	v9 =	vadd.f32 v9, v21;
	v59 =	vadd.f32 v26, v32  }
0x1dd: {  	v58 =	vld [tilespmem:s13+$0xEC00];
	[tilespmem:s13+$0x12C70] =	vst v28;
	v13 =	vadd.f32 v36, v13;
	v3 =	vadd.f32 v19, v3  }
0x1de: {  	v11 =	vadd.f32 v33, v57;
	v6 =	vmul.f32 v25, v6;
	v9 =	vadd.f32 v10, v9;
	[tilespmem:s13+$0x12C50] =	vst v59  }
0x1df: {  	v13 =	vadd.f32 v17, v13;
	[tilespmem:s13+$0x12800] =	vst v3;
	v3 =	vadd.f32 v20, v22  }
0x1e0: {  	v60 =	vmul.f32 v30, v5;
	v11 =	vadd.f32 v15, v11;
	v6 =	vadd.f32 v6, v14;
	[tilespmem:s13+$0x12C30] =	vst v9  }
0x1e1: {  	v23 =	vadd.f32 v23, v31;
	v61 =	vmul.f32 v27, v5;
	[tilespmem:s13+$0x12830] =	vst v13;
	v3 =	vadd.f32 v18, v3  }
0x1e2: {  	s8 =	sadd.s32 $0x1, s8;
	v62 =	vmul.f32 v58, v4;
	v7 =	vadd.f32 v7, v60;
	[tilespmem:s13+$0x12820] =	vst v11;
	v6 =	vadd.f32 v12, v6  }
0x1e3: {  	p0 =	sne.s32 s8, $0x8;
	v63 =	vmul.f32 v24, v4;
	v5 =	vadd.f32 v8, v61;
	[tilespmem:s13+$0x12840] =	vst v3;
	v3 =	vadd.f32 v16, v23  }
.Ltmp2:
0x1e4: {  	v7 =	vadd.f32 v62, v7;
	[tilespmem:s13+$0x12810] =	vst v6;
	(pc) =	sbr.rel @p0 .LBB2_2-.Ltmp2, $4  }
0x1e5: {  	s0 =	sadd.s32 s4, s11;
	[tilespmem:s13+$0x12850] =	vst v3;
	v3 =	vadd.f32 v63, v5  }
0x1e6: {  	s0 =	sshll.u32 s0, $0x5;
	[tilespmem:s13+$0x12C00] =	vst v7  }
0x1e7: {  	s6 =	sadd.s32 $0x40, s6;
	s29 =	sadd.s32 $0x40, s29;
	s0 =	sadd.s32 s5, s0;
	[tilespmem:s13+$0x12870] =	vst v3  }
0x1e8: {  	[hbm4b:s0+s3] =	stream.linear.scatter [tilespmem:s24], [sflag:$0x4], $0x2000, $0x38;
	[tilespmem:$0x14800] =	vst v63  }
0x1e9: {  	s0 =	simm.s32 $0x3  }
0x1ea: {  	_ =	swait.ge [sflag:s0], $0x2000  }
0x1eb: {  	[sflag:s0] =	ssyncset.done $0x0  }
0x1ec: {  	[sflag:s0] =	ssyncadd.s32 $0xFFFFE000  }
0x1ed: {  	_ =	swait.ge [sflag:s26], $0x2000  }
0x1ee: {  	s1 =	rddreg [dreg:$0x9]  }
0x1ef: {  	s31 =	rddreg [dreg:$0x5];
	s1 =	sadd.s32 $0x1, s1  }
0x1f0: {  	p0 =	sne.s32 s1, s31  }
.Ltmp3:
0x1f1: {  	_ = 	snop;
	(pc) =	sbr.rel @p0 .LBB2_1-.Ltmp3, $3  }
0x1f2: {  	_ =	sdelay $0x1  }
0x1f3: {  	[sflag:s26] =	ssyncset.done $0x0  }
0x1f4: {  	[sflag:s26] =	ssyncadd.s32 $0xFFFFE000  }
0x1f5: {  	_ =	sfence.sel $0x180000  }
0x1f6: {  	[bflag:$0x0] =	sbarrier.arrive $0xFFFF  }
0x1f7: {  	_ =	strace $0x9000004A  }
0x1f8: {  	s0 =	stileid.u32;
	[bflag:$0x2] =	sbarrier.arrive $0xFFFF  }
0x1f9: {  	p0 =	sne.s32 s0, $0x0;
	s0 =	rddreg [dreg:$0x2]  }
0x1fa: {  	s0 =	sadd.s32 @!p0 $0x100000, s0  }
0x1fb: {  	[sflag:s0] =	ssyncadd.tile.s32 @!p0 $0x1;
	_ =	shalt  }
.Lfunc_end2:
_tile_overlayer_lowered:
.L_overlay_start_2:
0x1fc: {  	(tag) =	ssettag $0x2  }
0x1fd: {  	s0 =	rddreg [dreg:$0x0];
	s2 =	stileid.u32  }
0x1fe: {  	s1 =	rddreg [dreg:$0x1];
	p0 =	sne.s32 s2, $0x0  }
0x1ff: {  	s3 =	rddreg [dreg:$0x2];
	[bflag:$0x3] =	sbarrier.arrive $0xFFFF;
	s2 =	simm.s32 @!p0 $0x1C05  }
0x200: {  	[timem:s3], [sflag:s2] =	dma.local @!p0 [hbm:s0], s1  }
0x201: {  	s0 =	simm.s32 @!p0 $0x5  }
0x202: {  	_ =	swait.ge @!p0 [sflag:s0], s1  }
0x203: {  	s1 =	ssub.s32 @!p0 $0x0, s1;
	[sflag:s0] =	ssyncset.done @!p0 $0x0  }
0x204: {  	[sflag:s0] =	ssyncadd.s32 @!p0 s1  }
0x205: {  	[bflag:$0x3] =	sbarrier.arrive $0xFFFF  }
0x206: {  	_ =	shalt  }

// kernel: kernel.8.cloned.1.call-start
scs
__scs_entry_jumppad:
0x0: {  	(pc) =	sbr.rel $0x88, $3  }
0x1: {  	(tag) =	ssettag $0x0;
	lr =	simm.s32 $0x1  }
0x2: {  	[smem:$0x3F95] =	sst lr;
	_ =	strace $0xD0000000  }
0x3: {  	_ = 	snop  }
0x4: {  	_ = 	snop  }
0x5: {  	_ = 	snop  }
0x6: {  	_ = 	snop  }
0x7: {  	_ = 	snop  }
__scs_overlays_trampoline_lowered:
0x8: {  	[smem:$0x3FA4] =	sst s0  }
0x9: {  	[smem:$0x3FA5] =	sst s1  }
0xa: {  	[smem:$0x3FA6] =	sst s2  }
0xb: {  	[smem:$0x3FA7] =	sst s3  }
0xc: {  	[smem:$0x3FA8] =	sst s4  }
0xd: {  	[smem:$0x3FA9] =	sst s5  }
0xe: {  	[smem:$0x3FAA] =	sst s6  }
0xf: {  	[smem:$0x3FAB] =	sst s7  }
0x10: {  	[smem:$0x3FAC] =	sst s8  }
0x11: {  	[smem:$0x3FAD] =	sst s9;
	s0 =	simm.s32 @!p0 $0x0  }
0x12: {  	s1 =	sld [smem:$0x3F93];
	s0 =	simm.s32 @p0 $0x1  }
0x13: {  	[smem:$0x3FAE] =	sst s0;
	s0 =	simm.s32 @!p1 $0x0  }
0x14: {  	s2 =	sld [smem:$0x3F92];
	s0 =	simm.s32 @p1 $0x1  }
0x15: {  	[smem:$0x3FAF] =	sst s0;
	s0 =	simm.s32 @!p2 $0x0  }
0x16: {  	s3 =	sld [smem:$0x3FDB];
	s0 =	simm.s32 @p2 $0x1  }
0x17: {  	s4 =	simm.s32 $0x1BF5;
	[smem:$0x3FB1] =	sst s0  }
0x18: {  	s0 =	sld [smem:$0x3F94];
	_ =	swait.ge [sflag:s4], $0x0  }
0x19: {  	s7 =	sld [smem:$0x3F95]  }
0x1a: {  	s8 =	sadd.s32 $0xFFFFE003, lr  }
0x1b: {  	s9 =	sadd.s32 $0xFFFFFEF7, lr;
	s5 =	simm.s32 $0xFFFFFFFF;
	p2 =	slt.u32 s8, $0xFFFFF086  }
0x1c: {  	p1 =	slt.u32 s9, $0xF7A;
	s5 =	simm.s32 @!p2 $0x0  }
0x1d: {  	s5 =	simm.s32 @p1 $0x1;
	p0 =	seq.s32 s7, s2  }
0x1e: {  	s7 =	smul.u32 @!p0 $0xF7A, s2;
	p2 =	seq.s32 @!p0 s5, $0x0  }
0x1f: {  	s9 =	smul.u32 $0xF7A, s1;
	s8 =	simm.s32 @!p0 $0x1BF5;
	p2 =	por !p2, p0  }
0x20: {  	[sflag:s8] =	ssyncset.s32 @!p0 $0xFFFFF086;
	s6 =	sadd.s32 @!p0 s3, s7;
	s7 =	simm.s32 @!p0 $0x108  }
0x21: {  	s3 =	sadd.s32 s3, s9;
	s6 =	sadd.s32 @!p0 $0x88, s6;
	s7 =	simm.s32 @p2 $0x1082  }
0x22: {  	[simem:s7], [sflag:s8] =	dma.local @!p0 [hbm:s6], $0xF7A  }
0x23: {  	s9 =	sor.u32 $0xD0000000, s2;
	s6 =	simm.s32 $0x108;
	_ =	swait.ge @!p0 [sflag:s8], $0x0  }
0x24: {  	s3 =	sadd.s32 $0x88, s3;
	s6 =	simm.s32 @!p1 $0x1082;
	[sflag:s4] =	ssyncset.s32 $0xFFFFF086  }
0x25: {  	[simem:s6], [sflag:s4] =	dma.local [hbm:s3], $0xF7A  }
0x26: {  	[smem:$0x3F95] =	sst s1;
	(tag) =	ssettag s2;
	_ =	strace s9  }
0x27: {  	s1 =	sld [smem:$0x3FA5]  }
0x28: {  	s2 =	sld [smem:$0x3FA6]  }
0x29: {  	s4 =	sld [smem:$0x3FA8]  }
0x2a: {  	p0 =	seq.s32 s5, $0x0;
	s5 =	sld [smem:$0x3FA9]  }
0x2b: {  	s6 =	sld [smem:$0x3FAA]  }
0x2c: {  	s7 =	sld [smem:$0x3FAB]  }
0x2d: {  	s3 =	simm.s32 $0x108;
	s8 =	sld [smem:$0x3FAC]  }
0x2e: {  	s3 =	simm.s32 @!p0 $0x1082;
	s9 =	sld [smem:$0x3FAD]  }
0x2f: {  	lr =	sadd.s32 s0, s3;
	s0 =	sld [smem:$0x3FA4]  }
0x30: {  	s3 =	sld [smem:$0x3FA7]  }
0x31: {  	[smem:$0x3FB0] =	sst s10  }
0x32: {  	s10 =	sld [smem:$0x3FAE];
	_ =	sdelay $0x3  }
0x33: {  	p0 =	seq.s32 s10, $0x1;
	s10 =	sld [smem:$0x3FB0];
	_ =	sdelay $0x3  }
0x34: {  	[smem:$0x3FB0] =	sst s10  }
0x35: {  	s10 =	sld [smem:$0x3FAF];
	_ =	sdelay $0x3  }
0x36: {  	p1 =	seq.s32 s10, $0x1;
	s10 =	sld [smem:$0x3FB0];
	_ =	sdelay $0x3  }
0x37: {  	[smem:$0x3FB0] =	sst s10  }
0x38: {  	s10 =	sld [smem:$0x3FB1]  }
0x39: {  	_ = 	snop;
	(pc) =	sbr.ind lr, $3  }
0x3a: {  	_ = 	snop  }
0x3b: {  	_ = 	snop  }
0x3c: {  	p2 =	seq.s32 s10, $0x1;
	s10 =	sld [smem:$0x3FB0]  }
0x3d: {  	_ =	shalt  }
0x3e: {  	_ =	shalt  }
0x3f: {  	_ =	shalt  }
0x40: {  	_ =	shalt  }
0x41: {  	_ =	shalt  }
0x42: {  	_ =	shalt  }
0x43: {  	_ =	shalt  }
0x44: {  	_ =	shalt  }
0x45: {  	_ =	shalt  }
0x46: {  	_ =	shalt  }
0x47: {  	_ =	shalt  }
0x48: {  	_ =	shalt  }
0x49: {  	_ =	shalt  }
0x4a: {  	_ =	shalt  }
0x4b: {  	_ =	shalt  }
0x4c: {  	_ =	shalt  }
0x4d: {  	_ =	shalt  }
0x4e: {  	_ =	shalt  }
0x4f: {  	_ =	shalt  }
0x50: {  	_ =	shalt  }
0x51: {  	_ =	shalt  }
0x52: {  	_ =	shalt  }
0x53: {  	_ =	shalt  }
0x54: {  	_ =	shalt  }
0x55: {  	_ =	shalt  }
0x56: {  	_ =	shalt  }
0x57: {  	_ =	shalt  }
0x58: {  	_ =	shalt  }
0x59: {  	_ =	shalt  }
0x5a: {  	_ =	shalt  }
0x5b: {  	_ =	shalt  }
0x5c: {  	_ =	shalt  }
0x5d: {  	_ =	shalt  }
0x5e: {  	_ =	shalt  }
0x5f: {  	_ =	shalt  }
0x60: {  	_ =	shalt  }
0x61: {  	_ =	shalt  }
0x62: {  	_ =	shalt  }
0x63: {  	_ =	shalt  }
0x64: {  	_ =	shalt  }
0x65: {  	_ =	shalt  }
0x66: {  	_ =	shalt  }
0x67: {  	_ =	shalt  }
0x68: {  	_ =	shalt  }
0x69: {  	_ =	shalt  }
0x6a: {  	_ =	shalt  }
0x6b: {  	_ =	shalt  }
0x6c: {  	_ =	shalt  }
0x6d: {  	_ =	shalt  }
0x6e: {  	_ =	shalt  }
0x6f: {  	_ =	shalt  }
0x70: {  	_ =	shalt  }
0x71: {  	_ =	shalt  }
0x72: {  	_ =	shalt  }
0x73: {  	_ =	shalt  }
0x74: {  	_ =	shalt  }
0x75: {  	_ =	shalt  }
0x76: {  	_ =	shalt  }
0x77: {  	_ =	shalt  }
0x78: {  	_ =	shalt  }
0x79: {  	_ =	shalt  }
0x7a: {  	_ =	shalt  }
0x7b: {  	_ =	shalt  }
0x7c: {  	_ =	shalt  }
0x7d: {  	_ =	shalt  }
0x7e: {  	_ =	shalt  }
0x7f: {  	_ =	shalt  }
0x80: {  	_ =	shalt  }
0x81: {  	_ =	shalt  }
0x82: {  	_ =	shalt  }
0x83: {  	_ =	shalt  }
0x84: {  	_ =	shalt  }
0x85: {  	_ =	shalt  }
0x86: {  	_ =	shalt  }
0x87: {  	_ =	shalt  }
.Lfunc_end0:
.L_simem_size_0:
called_computation_lowered:
.L_overlay_start_0:
0x88: {  	s2 =	sld [smem:$0x3FD9]  }
0x89: {  	s3 =	sld [smem:$0x3FFE];
	_ =	sdelay $0x1  }
0x8a: {  	s1 =	srdreg.scid  }
0x8b: {  	s0 =	sand.u32 $0x1, s1  }
0x8c: {  	s17 =	sshll.u32 s0, $0xA;
	s2 =	sadd.s32 s3, s2  }
0x8d: {  	s2 =	sadd.s32 s2, s17  }
0x8e: {  	[smem:$0x3FBC] =	sst s2  }
0x8f: {  	_ = 	snop  }
0x90: {  	s2 =	sld [smem:$0x3FC6]  }
0x91: {  	s18 =	sld [smem:$0x3FD0];
	(tm) =	ssettm $0x1  }
0x92: {  	s4 =	sld [smem:$0x3FFB];
	_ =	sdelay $0x3  }
0x93: {  	_ =	strace s4  }
0x94: {  	s4 =	sld [smem:$0x3FFC];
	_ =	sdelay $0x3  }
0x95: {  	_ =	strace s4  }
0x96: {  	s4 =	sld [smem:$0x3FFD];
	_ =	sdelay $0x3  }
0x97: {  	_ =	strace s4  }
0x98: {  	_ =	strace $0x8FFFFFFF  }
0x99: {  	s19 =	sld [smem:$0x3FDB];
	_ =	sdelay $0x1  }
0x9a: {  	s5 =	simm.s32 $_scs_section_size  }
0x9b: {  	s6 =	simm.s32 $_size__tile_overlayer_lowered;
	s7 =	simm.s32 $_tile_overlayer_lowered  }
0x9c: {  	s22 =	simm.s32 $0x1BFF;
	s21 =	sshll.u32 s7, $0x1;
	s4 =	sadd.s32 s5, s19  }
0x9d: {  	s8 =	simm.s32 $0x0;
	s20 =	sshll.u32 s6, $0x1;
	s6 =	sadd.s32 s21, s4  }
0x9e: {  	[timem:s8], [sflag:s22] =	dma.local [hbm:s6], s20  }
0x9f: {  	_ =	swait.ge [sflag:s22], s20  }
0xa0: {  	s5 =	ssub.s32 $0x0, s20;
	[sflag:s22] =	ssyncset.done $0x0  }
0xa1: {  	[sflag:s22] =	ssyncadd.s32 s5;
	_ =	sdelay $0x1  }
0xa2: {  	s23 =	simm.s32 $0x1B8B  }
0xa3: {  	_ =	swait.ge [sflag:s23], $0x1  }
0xa4: {  	[sflag:s23] =	ssyncset.done $0x0  }
0xa5: {  	s25 =	simm.s32 $0x1B8E;
	s24 =	sld [smem:$0x3FFE];
	[sflag:s23] =	ssyncadd.s32 $0xFFFFFFFF  }
0xa6: {  	s26 =	simm.s32 $execute0_lowered;
	[smem:$0x3FD2] =	sst s25  }
0xa7: {  	s6 =	sshll.u32 s26, $0x1;
	_ =	strace $0x80000046;
	[dreg:$0x1] =	wrdreg $0xFFFFFFFF  }
0xa8: {  	s28 =	simm.s32 $_size_execute0_lowered;
	s4 =	sadd.s32 s4, s6;
	[dreg:$0x0] =	wrdreg $0x0  }
0xa9: {  	s6 =	sshll.u32 s28, $0x1;
	[dreg:$0x2] =	wrdreg s4  }
0xaa: {  	[dreg:$0x3] =	wrdreg s6  }
0xab: {  	[dreg:$0x4] =	wrdreg $0xC0  }
0xac: {  	_ =	task [dreg:s8], $0x5FFFF  }
0xad: {  	[dreg:$0x1] =	wrdreg $0xFFFFFFFF  }
0xae: {  	[dreg:$0x0] =	wrdreg $0x60  }
0xaf: {  	[dreg:$0x2] =	wrdreg s24  }
0xb0: {  	[dreg:$0x3] =	wrdreg s2  }
0xb1: {  	[dreg:$0x4] =	wrdreg s18  }
0xb2: {  	[dreg:$0x5] =	wrdreg $0x9  }
0xb3: {  	_ =	task.clear_ibuf [dreg:s8], $0x6FFFF;
	_ =	strace $0x90000046  }
0xb4: {  	s29 =	simm.s32 $0x9;
	_ =	strace $0x80000048  }
0xb5: {  	_ =	swait.ge [sflag:s29], $0x1  }
0xb6: {  	[sflag:s29] =	ssyncadd.s32 $0xFFFFFFFF  }
0xb7: {  	_ =	strace $0x90000048  }
0xb8: {  	_ =	sfence  }
0xb9: {  	s30 =	sld [smem:$0x0];
	_ =	sdelay $0x2  }
0xba: {  	s31 =	sshll.u32 s1, $0xD;
	s1 =	sshrl.u32 s1, $0x2  }
0xbb: {  	s3 =	sand.u32 $0x4000, s31;
	s1 =	sadd.s32 s1, s30  }
0xbc: {  	s0 =	sor.u32 s3, s0;
	s1 =	sshll.u32 s1, $0x11  }
0xbd: {  	s0 =	sor.u32 s1, s0  }
0xbe: {  	s0 =	sadd.s32 $0x8F2B, s0  }
0xbf: {  	[sflag:s0] =	ssyncadd.remote.s32 $0x1  }
0xc0: {  	_ =	sfence.sel $0xFFFF  }
0xc1: {  	[dreg:$0x0] =	wrdreg $0xFFFFFFFF;
	(pc) =	sbr.abs _section_cstart, $3  }
0xc2: {  	[dreg:$0x1] =	wrdreg $0xFFFFFFFF  }
0xc3: {  	_ =	task.clear_ibuf [dreg:s8], $0x2FFFF;
	_ =	strace $0x9FFFFFFF  }
0xc4: {  	(tm) =	ssettm $0x7FFFFFFF  }
0xc5: {  	_ =	shalt  }
tec
execute0_lowered:
.L_overlay_start_1:
0x0: {  	(tag) =	ssettag $0x1  }
0x1: {  	s0 =	rddreg [dreg:$0x0]  }
0x2: {  	s1 =	rddreg [dreg:$0x1]  }
0x3: {  	s3 =	rddreg [dreg:$0x2];
	s4 =	simm.s32 $0x0;
	s2 =	srdreg.scid  }
0x4: {  	s5 =	stileid.u32;
	s30 =	simm.s32 $0x1;
	s12 =	simm.s32 $0xC800  }
0x5: {  	s14 =	simm.s32 $0xD000;
	s16 =	simm.s32 $0xD800;
	s17 =	simm.s32 $0xE000  }
0x6: {  	s18 =	simm.s32 $0xE800;
	s2 =	sand.u32 $0x1, s2;
	s5 =	sshll.u32 s5, $0x1  }
0x7: {  	s19 =	simm.s32 $0xF000;
	s20 =	simm.s32 $0xF800;
	s5 =	sor.u32 s2, s5  }
0x8: {  	[smem:$0x7FF] =	sst s4;
	s2 =	ssub.s32 $0x2, s2;
	s6 =	sshll.u32 s5, $0xB  }
0x9: {  	_ =	strace $0x80000047;
	s7 =	sshrl.u32 s2, $0x1;
	s6 =	sadd.s32 s6, s0  }
0xa: {  	s5 =	sshll.u32 s5, $0x9;
	s2 =	ssub.s32 s2, s7;
	s6 =	sadd.s32 $0x6800, s6  }
0xb: {  	s0 =	sadd.s32 s5, s0;
	s2 =	smax.u32 s2, $0x1;
	[dreg:$0x4] =	wrdreg s6  }
0xc: {  	s21 =	simm.s32 $0x10000;
	s0 =	sadd.s32 $0x2800, s0;
	[dreg:$0x6] =	wrdreg s2  }
0xd: {  	s22 =	simm.s32 $0x10800;
	s29 =	sadd.s32 $0x80, s0;
	[dreg:$0x5] =	wrdreg s0  }
0xe: {  	v2 =	vlaneseq.u32;
	s23 =	simm.s32 $0x2;
	s31 =	sadd.s32 $0x100, s0;
	[dreg:$0x7] =	wrdreg s29  }
0xf: {  	s24 =	simm.s32 $0x12800;
	vm0 =	vmmov $0xffff;
	v1 =	vshrl.u32 v2, $0x3;
	s0 =	sadd.s32 $0x180, s0;
	[dreg:$0x8] =	wrdreg s31  }
0x10: {  	s26 =	simm.s32 $0x4;
	v0 =	vand.u32 $0x7, v2;
	v2 =	vor.u32 $0x8, v2;
	v1 =	vmul.u32 $0x8, v1;
	s2 =	simm.s32 $0x0;
	[dreg:$0x9] =	wrdreg s0  }
.LBB2_1:
0x11: {  	[dreg:$0xa] =	wrdreg s2  }
0x12: {  	s0 =	rddreg [dreg:$0x4];
	s9 =	simm.s32 $0x5  }
0x13: {  	[tilespmem:s4], [sflag:$0x5] =	stream.linear.gather [hbm4b:s0+s4], $0x4000, $0x38;
	[tilespmem:$0x14800] =	vst v63  }
0x14: {  	_ =	swait.ge [sflag:s9], $0x4000  }
0x15: {  	[sflag:s9] =	ssyncset.done $0x0  }
0x16: {  	s6 =	simm.s32 $0x4000;
	s10 =	rddreg [dreg:$0x5];
	[sflag:s9] =	ssyncadd.s32 $0xFFFFC000  }
0x17: {  	[tilespmem:s6], [sflag:$0x5] =	stream.linear.gather [hbm4b:s10+s4], $0x180, $0x38;
	[tilespmem:$0x14800] =	vst v63  }
0x18: {  	s13 =	simm.s32 $0x4200;
	s11 =	rddreg [dreg:$0x7]  }
0x19: {  	[tilespmem:s13], [sflag:$0x5] =	stream.linear.gather [hbm4b:s11+s4], $0x180, $0x38;
	[tilespmem:$0x14800] =	vst v63  }
0x1a: {  	s25 =	simm.s32 $0x4400;
	s15 =	rddreg [dreg:$0x8]  }
0x1b: {  	[tilespmem:s25], [sflag:$0x5] =	stream.linear.gather [hbm4b:s15+s4], $0x180, $0x38;
	[tilespmem:$0x14800] =	vst v63  }
0x1c: {  	s31 =	simm.s32 $0x4600;
	s28 =	rddreg [dreg:$0x9]  }
0x1d: {  	[tilespmem:s31], [sflag:$0x5] =	stream.linear.gather [hbm4b:s28+s4], $0x180, $0x38;
	[tilespmem:$0x14800] =	vst v63  }
0x1e: {  	_ =	swait.ge [sflag:s9], $0x600  }
0x1f: {  	[sflag:s9] =	ssyncset.done $0x0  }
0x20: {  	[sflag:s9] =	ssyncadd.s32 $0xFFFFFA00  }
0x21: {  	v3 =	vld [tilespmem:$0x0];
	_ =	sdelay $0x4  }
0x22: {  	v4 =	vshll.u32 v3, $0x1  }
0x23: {  	v3 =	vand.u32 $0x7, v3;
	v4 =	vand.u32 $0xFFFFFFF0, v4  }
0x24: {  	v3 =	vor.u32 v3, v4  }
0x25: {  	v4 =	vperm.xlane v3, v0;
	_ =	sdelay $0x1  }
0x26: {  	v3 =	vperm.xlane v3, v2;
	v4 =	vadd.s32 v1, v4;
	_ =	sdelay $0x1  }
0x27: {  	v3 =	vadd.s32 v1, v3;
	_ =	sdelay $0x1  }
0x28: {  	s2 =	simm.s32 $0x4800  }
0x29: {  	[tilespmem:s2], [sflag:$0x1] =	stream.indirect_vreg.gather [hbm4b:s1+s4], $0x80, v4, vm0, $0xb8;
	[tilespmem:$0x14800] =	vst v63  }
0x2a: {  	s6 =	simm.s32 $0x5000  }
0x2b: {  	[tilespmem:s6], [sflag:$0x1] =	stream.indirect_vreg.gather [hbm4b:s1+s4], $0x80, v3, vm0, $0xb8;
	[tilespmem:$0x14800] =	vst v63  }
0x2c: {  	v3 =	vld [tilespmem:$0x10];
	_ =	sdelay $0x4  }
0x2d: {  	v59 =	vshll.u32 v3, $0x1  }
0x2e: {  	v3 =	vand.u32 $0x7, v3;
	v4 =	vand.u32 $0xFFFFFFF0, v59  }
0x2f: {  	v3 =	vor.u32 v3, v4  }
0x30: {  	v4 =	vperm.xlane v3, v0;
	_ =	sdelay $0x1  }
0x31: {  	v3 =	vperm.xlane v3, v2;
	v4 =	vadd.s32 v1, v4;
	_ =	sdelay $0x1  }
0x32: {  	v3 =	vadd.s32 v1, v3;
	_ =	sdelay $0x1  }
0x33: {  	s7 =	simm.s32 $0x5800  }
0x34: {  	[tilespmem:s7], [sflag:$0x1] =	stream.indirect_vreg.gather [hbm4b:s1+s4], $0x80, v4, vm0, $0xb8;
	[tilespmem:$0x14800] =	vst v63  }
0x35: {  	s8 =	simm.s32 $0x6000  }
0x36: {  	[tilespmem:s8], [sflag:$0x1] =	stream.indirect_vreg.gather [hbm4b:s1+s4], $0x80, v3, vm0, $0xb8;
	[tilespmem:$0x14800] =	vst v63  }
0x37: {  	v3 =	vld [tilespmem:$0x800];
	_ =	sdelay $0x4  }
0x38: {  	v60 =	vshll.u32 v3, $0x1  }
0x39: {  	v3 =	vand.u32 $0x7, v3;
	v4 =	vand.u32 $0xFFFFFFF0, v60  }
0x3a: {  	v3 =	vor.u32 v3, v4  }
0x3b: {  	v4 =	vperm.xlane v3, v0;
	_ =	sdelay $0x1  }
0x3c: {  	v3 =	vperm.xlane v3, v2;
	v4 =	vadd.s32 v1, v4;
	_ =	sdelay $0x1  }
0x3d: {  	v3 =	vadd.s32 v1, v3;
	_ =	sdelay $0x1  }
0x3e: {  	s9 =	simm.s32 $0x6800  }
0x3f: {  	[tilespmem:s9], [sflag:$0x1] =	stream.indirect_vreg.gather [hbm4b:s1+s4], $0x80, v4, vm0, $0xb8;
	[tilespmem:$0x14800] =	vst v63  }
0x40: {  	s10 =	simm.s32 $0x7000  }
0x41: {  	[tilespmem:s10], [sflag:$0x1] =	stream.indirect_vreg.gather [hbm4b:s1+s4], $0x80, v3, vm0, $0xb8;
	[tilespmem:$0x14800] =	vst v63  }
0x42: {  	v3 =	vld [tilespmem:$0x810];
	_ =	sdelay $0x4  }
0x43: {  	v61 =	vshll.u32 v3, $0x1  }
0x44: {  	v3 =	vand.u32 $0x7, v3;
	v4 =	vand.u32 $0xFFFFFFF0, v61  }
0x45: {  	v3 =	vor.u32 v3, v4  }
0x46: {  	v4 =	vperm.xlane v3, v0;
	_ =	sdelay $0x1  }
0x47: {  	v3 =	vperm.xlane v3, v2;
	v4 =	vadd.s32 v1, v4;
	_ =	sdelay $0x1  }
0x48: {  	v3 =	vadd.s32 v1, v3;
	_ =	sdelay $0x1  }
0x49: {  	s11 =	simm.s32 $0x7800  }
0x4a: {  	[tilespmem:s11], [sflag:$0x1] =	stream.indirect_vreg.gather [hbm4b:s1+s4], $0x80, v4, vm0, $0xb8;
	[tilespmem:$0x14800] =	vst v63  }
0x4b: {  	s13 =	simm.s32 $0x8000  }
0x4c: {  	[tilespmem:s13], [sflag:$0x1] =	stream.indirect_vreg.gather [hbm4b:s1+s4], $0x80, v3, vm0, $0xb8;
	[tilespmem:$0x14800] =	vst v63  }
0x4d: {  	v3 =	vld [tilespmem:$0x1000];
	_ =	sdelay $0x4  }
0x4e: {  	v62 =	vshll.u32 v3, $0x1  }
0x4f: {  	v3 =	vand.u32 $0x7, v3;
	v4 =	vand.u32 $0xFFFFFFF0, v62  }
0x50: {  	v3 =	vor.u32 v3, v4  }
0x51: {  	v4 =	vperm.xlane v3, v0;
	_ =	sdelay $0x1  }
0x52: {  	v3 =	vperm.xlane v3, v2;
	v4 =	vadd.s32 v1, v4;
	_ =	sdelay $0x1  }
0x53: {  	v3 =	vadd.s32 v1, v3;
	_ =	sdelay $0x1  }
0x54: {  	s15 =	simm.s32 $0x8800  }
0x55: {  	[tilespmem:s15], [sflag:$0x1] =	stream.indirect_vreg.gather [hbm4b:s1+s4], $0x80, v4, vm0, $0xb8;
	[tilespmem:$0x14800] =	vst v63  }
0x56: {  	s25 =	simm.s32 $0x9000  }
0x57: {  	[tilespmem:s25], [sflag:$0x1] =	stream.indirect_vreg.gather [hbm4b:s1+s4], $0x80, v3, vm0, $0xb8;
	[tilespmem:$0x14800] =	vst v63  }
0x58: {  	v3 =	vld [tilespmem:$0x1010];
	_ =	sdelay $0x4  }
0x59: {  	v63 =	vshll.u32 v3, $0x1  }
0x5a: {  	v3 =	vand.u32 $0x7, v3;
	v4 =	vand.u32 $0xFFFFFFF0, v63  }
0x5b: {  	v3 =	vor.u32 v3, v4  }
0x5c: {  	v4 =	vperm.xlane v3, v0;
	_ =	sdelay $0x1  }
0x5d: {  	v3 =	vperm.xlane v3, v2;
	v4 =	vadd.s32 v1, v4;
	_ =	sdelay $0x1  }
0x5e: {  	v3 =	vadd.s32 v1, v3;
	_ =	sdelay $0x1  }
0x5f: {  	s29 =	simm.s32 $0x20;
	s28 =	simm.s32 $0x9800  }
0x60: {  	[tilespmem:s28], [sflag:$0x1] =	stream.indirect_vreg.gather [hbm4b:s1+s4], $0x80, v4, vm0, $0xb8;
	[tilespmem:$0x14800] =	vst v63  }
0x61: {  	s31 =	simm.s32 $0xA000;
	s6 =	simm.s32 $0x0;
	s8 =	simm.s32 $0x0  }
0x62: {  	[tilespmem:s31], [sflag:$0x1] =	stream.indirect_vreg.gather [hbm4b:s1+s4], $0x80, v3, vm0, $0xb8;
	[tilespmem:$0x14800] =	vst v63  }
.LBB2_2:
0x63: {  	_ =	swait.ge [sflag:s30], $0x2000  }
0x64: {  	[sflag:s30] =	ssyncset.done $0x0  }
0x65: {  	[sflag:s30] =	ssyncadd.s32 $0xFFFFE000  }
0x66: {  	_ =	swait.ge [sflag:s30], $0x2000  }
0x67: {  	[sflag:s30] =	ssyncset.done $0x0  }
0x68: {  	[sflag:s30] =	ssyncadd.s32 $0xFFFFE000  }
0x69: {  	s11 =	sshllo.u32 s8, $0x1;
	_ =	swait.ge [sflag:s30], $0x2000  }
0x6a: {  	s0 =	sshll.u32 s11, $0x7;
	[sflag:s30] =	ssyncset.done $0x0  }
0x6b: {  	s0 =	sand.u32 $0x3FFFFF80, s0;
	[sflag:s30] =	ssyncadd.s32 $0xFFFFE000  }
0x6c: {  	v3 =	vld [tilespmem:s0+$0x0];
	_ =	sdelay $0x4  }
0x6d: {  	v4 =	vshll.u32 v3, $0x1  }
0x6e: {  	v3 =	vand.u32 $0x7, v3;
	v4 =	vand.u32 $0xFFFFFFF0, v4  }
0x6f: {  	v3 =	vor.u32 v3, v4  }
0x70: {  	v4 =	vperm.xlane v3, v0;
	_ =	sdelay $0x1  }
0x71: {  	v3 =	vperm.xlane v3, v2;
	v4 =	vadd.s32 v1, v4;
	_ =	sdelay $0x1  }
0x72: {  	v3 =	vadd.s32 v1, v3;
	_ =	sdelay $0x1  }
0x73: {  	s2 =	simm.s32 $0xA800  }
0x74: {  	[tilespmem:s2], [sflag:$0x2] =	stream.indirect_vreg.gather [hbm4b:s1+s4], $0x80, v4, vm0, $0xb8;
	[tilespmem:$0x14800] =	vst v63  }
0x75: {  	s9 =	simm.s32 $0xB000  }
0x76: {  	[tilespmem:s9], [sflag:$0x2] =	stream.indirect_vreg.gather [hbm4b:s1+s4], $0x80, v3, vm0, $0xb8;
	[tilespmem:$0x14800] =	vst v63  }
0x77: {  	v3 =	vld [tilespmem:s0+$0x10];
	_ =	sdelay $0x4  }
0x78: {  	v4 =	vshll.u32 v3, $0x1  }
0x79: {  	v3 =	vand.u32 $0x7, v3;
	v4 =	vand.u32 $0xFFFFFFF0, v4  }
0x7a: {  	v3 =	vor.u32 v3, v4  }
0x7b: {  	v4 =	vperm.xlane v3, v0;
	_ =	sdelay $0x1  }
0x7c: {  	v3 =	vperm.xlane v3, v2;
	v4 =	vadd.s32 v1, v4;
	_ =	sdelay $0x1  }
0x7d: {  	v3 =	vadd.s32 v1, v3;
	_ =	sdelay $0x1  }
0x7e: {  	s10 =	simm.s32 $0xB800  }
0x7f: {  	[tilespmem:s10], [sflag:$0x2] =	stream.indirect_vreg.gather [hbm4b:s1+s4], $0x80, v4, vm0, $0xb8;
	[tilespmem:$0x14800] =	vst v63  }
0x80: {  	s13 =	simm.s32 $0xC000  }
0x81: {  	[tilespmem:s13], [sflag:$0x2] =	stream.indirect_vreg.gather [hbm4b:s1+s4], $0x80, v3, vm0, $0xb8;
	[tilespmem:$0x14800] =	vst v63  }
0x82: {  	v3 =	vld [tilespmem:s0+$0x800];
	_ =	sdelay $0x4  }
0x83: {  	v4 =	vshll.u32 v3, $0x1  }
0x84: {  	v3 =	vand.u32 $0x7, v3;
	v4 =	vand.u32 $0xFFFFFFF0, v4  }
0x85: {  	v3 =	vor.u32 v3, v4  }
0x86: {  	v4 =	vperm.xlane v3, v0;
	_ =	sdelay $0x1  }
0x87: {  	v3 =	vperm.xlane v3, v2;
	v4 =	vadd.s32 v1, v4;
	_ =	sdelay $0x1  }
0x88: {  	v3 =	vadd.s32 v1, v3;
	_ =	sdelay $0x2  }
0x89: {  	[tilespmem:s12], [sflag:$0x2] =	stream.indirect_vreg.gather [hbm4b:s1+s4], $0x80, v4, vm0, $0xb8;
	[tilespmem:$0x14800] =	vst v63  }
0x8a: {  	_ = 	snop  }
0x8b: {  	[tilespmem:s14], [sflag:$0x2] =	stream.indirect_vreg.gather [hbm4b:s1+s4], $0x80, v3, vm0, $0xb8;
	[tilespmem:$0x14800] =	vst v63  }
0x8c: {  	v3 =	vld [tilespmem:s0+$0x810];
	_ =	sdelay $0x4  }
0x8d: {  	v4 =	vshll.u32 v3, $0x1  }
0x8e: {  	v3 =	vand.u32 $0x7, v3;
	v4 =	vand.u32 $0xFFFFFFF0, v4  }
0x8f: {  	v3 =	vor.u32 v3, v4  }
0x90: {  	v4 =	vperm.xlane v3, v0;
	_ =	sdelay $0x1  }
0x91: {  	v3 =	vperm.xlane v3, v2;
	v4 =	vadd.s32 v1, v4;
	_ =	sdelay $0x1  }
0x92: {  	v3 =	vadd.s32 v1, v3;
	_ =	sdelay $0x2  }
0x93: {  	[tilespmem:s16], [sflag:$0x2] =	stream.indirect_vreg.gather [hbm4b:s1+s4], $0x80, v4, vm0, $0xb8;
	[tilespmem:$0x14800] =	vst v63  }
0x94: {  	_ = 	snop  }
0x95: {  	[tilespmem:s17], [sflag:$0x2] =	stream.indirect_vreg.gather [hbm4b:s1+s4], $0x80, v3, vm0, $0xb8;
	[tilespmem:$0x14800] =	vst v63  }
0x96: {  	v3 =	vld [tilespmem:s0+$0x1000];
	_ =	sdelay $0x4  }
0x97: {  	v4 =	vshll.u32 v3, $0x1  }
0x98: {  	v3 =	vand.u32 $0x7, v3;
	v4 =	vand.u32 $0xFFFFFFF0, v4  }
0x99: {  	v3 =	vor.u32 v3, v4  }
0x9a: {  	v4 =	vperm.xlane v3, v0;
	_ =	sdelay $0x1  }
0x9b: {  	v3 =	vperm.xlane v3, v2;
	v4 =	vadd.s32 v1, v4;
	_ =	sdelay $0x1  }
0x9c: {  	v3 =	vadd.s32 v1, v3;
	_ =	sdelay $0x2  }
0x9d: {  	[tilespmem:s18], [sflag:$0x2] =	stream.indirect_vreg.gather [hbm4b:s1+s4], $0x80, v4, vm0, $0xb8;
	[tilespmem:$0x14800] =	vst v63  }
0x9e: {  	_ = 	snop  }
0x9f: {  	[tilespmem:s19], [sflag:$0x2] =	stream.indirect_vreg.gather [hbm4b:s1+s4], $0x80, v3, vm0, $0xb8;
	[tilespmem:$0x14800] =	vst v63  }
0xa0: {  	v3 =	vld [tilespmem:s0+$0x1010];
	_ =	sdelay $0x4  }
0xa1: {  	v4 =	vshll.u32 v3, $0x1  }
0xa2: {  	v3 =	vand.u32 $0x7, v3;
	v4 =	vand.u32 $0xFFFFFFF0, v4  }
0xa3: {  	v3 =	vor.u32 v3, v4  }
0xa4: {  	v4 =	vperm.xlane v3, v0;
	_ =	sdelay $0x1  }
0xa5: {  	v3 =	vperm.xlane v3, v2;
	v4 =	vadd.s32 v1, v4;
	_ =	sdelay $0x1  }
0xa6: {  	v3 =	vadd.s32 v1, v3;
	_ =	sdelay $0x1  }
0xa7: {  	p0 =	seq.s32 s8, $0x0  }
0xa8: {  	[tilespmem:s20], [sflag:$0x2] =	stream.indirect_vreg.gather [hbm4b:s1+s4], $0x80, v4, vm0, $0xb8;
	[tilespmem:$0x14800] =	vst v63  }
0xa9: {  	s0 =	simm.s32 @!p0 $0x3  }
0xaa: {  	[tilespmem:s21], [sflag:$0x2] =	stream.indirect_vreg.gather [hbm4b:s1+s4], $0x80, v3, vm0, $0xb8;
	[tilespmem:$0x14800] =	vst v63  }
0xab: {  	s15 =	simm.s32 $0x0;
	_ =	swait.ge @!p0 [sflag:s0], $0x2000  }
0xac: {  	s7 =	sand.u32 $0x1800, s15;
	s9 =	sand.u32 $0x380, s15;
	[sflag:s0] =	ssyncset.done @!p0 $0x0  }
0xad: {  	s13 =	sor.u32 s9, s7;
	[sflag:s0] =	ssyncadd.s32 @!p0 $0xFFFFE000  }
0xae: {  	v7 =	vld [tilespmem:s13+$0x6C00]  }
0xaf: {  	v10 =	vld [tilespmem:s13+$0x8C10]  }
0xb0: {  	v8 =	vld [tilespmem:s13+$0x6870]  }
0xb1: {  	v12 =	vld [tilespmem:s13+$0x8860]  }
0xb2: {  	v14 =	vld [tilespmem:s13+$0x6860]  }
0xb3: {  	v16 =	vld [tilespmem:s13+$0x4860]  }
0xb4: {  	v15 =	vld [tilespmem:s13+$0x8C30]  }
0xb5: {  	v18 =	vld [tilespmem:s13+$0x6850]  }
0xb6: {  	v24 =	vld [tilespmem:s13+$0x4810]  }
0xb7: {  	v9 =	vld [tilespmem:s13+$0x8C20]  }
0xb8: {  	v22 =	vld [tilespmem:s13+$0x4850]  }
0xb9: {  	v20 =	vld [tilespmem:s13+$0x6840]  }
0xba: {  	s25 =	sshll.u32 s8, $0x8;
	v26 =	vld [tilespmem:s13+$0x4840]  }
0xbb: {  	s0 =	sand.u32 $0x600, s25;
	v17 =	vld [tilespmem:s13+$0x8C70]  }
0xbc: {  	s0 =	sor.u32 $0x4000, s0;
	v19 =	vld [tilespmem:s13+$0x8C60]  }
0xbd: {  	v13 =	vld [tilespmem:s13+$0x4830];
	v3 =	vmov s0  }
0xbe: {  	v21 =	vld [tilespmem:s13+$0x8C40]  }
0xbf: {  	v11 =	vld [tilespmem:s13+$0x4800]  }
0xc0: {  	s28 =	sadd.s32 $0x0, s6;
	v25 =	vld [tilespmem:s13+$0x4C10]  }
0xc1: {  	v27 =	vld [tilespmem:s13+$0x6C10];
	s0 =	sand.u32 $0x50, s28  }
0xc2: {  	v4 =	vld.idx.msk [tilespmem:v3+s0+$0x100 ss:$0x1], $0xffff  }
0xc3: {  	v5 =	vld.idx.msk [tilespmem:v3+s0+$0x80 ss:$0x1], $0xffff  }
0xc4: {  	v23 =	vld.idx.msk [tilespmem:v3+s0+$0x0 ss:$0x1], $0xffff  }
0xc5: {  	v29 =	vld [tilespmem:s13+$0x6C20]  }
0xc6: {  	s31 =	sand.u32 $0xF, s15;
	v28 =	vld [tilespmem:s13+$0x4C20]  }
0xc7: {  	v34 =	vmov s31;
	v31 =	vld [tilespmem:s13+$0x6C30]  }
0xc8: {  	v30 =	vld [tilespmem:s13+$0x4C30];
	v6 =	vperm.xlane v5, v34  }
0xc9: {  	v32 =	vld [tilespmem:s13+$0x4C40];
	v5 =	vperm.xlane v23, v34;
	v4 =	vperm.xlane v4, v34  }
0xca: {  	v33 =	vld [tilespmem:s13+$0x6C40];
	v27 =	vmul.f32 v27, v6;
	v29 =	vmul.f32 v29, v6  }
0xcb: {  	v35 =	vld [tilespmem:s13+$0x4C50];
	v11 =	vmul.f32 v11, v5;
	v38 =	vmul.f32 v9, v4  }
0xcc: {  	v54 =	vld [tilespmem:s13+$0x6C60];
	v8 =	vmul.f32 v8, v6;
	v9 =	vmul.f32 v31, v6  }
0xcd: {  	v39 =	vld [tilespmem:s13+$0x6C70];
	v28 =	vmul.f32 v28, v5;
	v7 =	vmul.f32 v7, v6  }
0xce: {  	v36 =	vld [tilespmem:s13+$0x6C50];
	v32 =	vmul.f32 v32, v5;
	v10 =	vmul.f32 v10, v4  }
0xcf: {  	v57 =	vld [tilespmem:s13+$0x6830];
	v25 =	vmul.f32 v25, v5;
	v33 =	vmul.f32 v33, v6  }
0xd0: {  	v61 =	vld [tilespmem:s13+$0x6800];
	v13 =	vmul.f32 v13, v5;
	v42 =	vmul.f32 v35, v5  }
0xd1: {  	v23 =	vld [tilespmem:s13+$0x4C60];
	v34 =	vmul.f32 v54, v6;
	v56 =	vmul.f32 v12, v4  }
0xd2: {  	v31 =	vld [tilespmem:s13+$0x8800];
	v58 =	vmul.f32 v17, v4;
	v59 =	vmul.f32 v39, v6  }
0xd3: {  	v60 =	vld [tilespmem:s13+$0x8C50];
	v17 =	vmul.f32 v21, v4;
	v14 =	vmul.f32 v14, v6  }
0xd4: {  	v62 =	vld [tilespmem:s13+$0x6820];
	v20 =	vmul.f32 v20, v6;
	v63 =	vmul.f32 v36, v6;
	v25 =	vadd.f32 v27, v25  }
0xd5: {  	v37 =	vld [tilespmem:s13+$0x4C70];
	v35 =	vmul.f32 v61, v6;
	v36 =	vmul.f32 v57, v6;
	v28 =	vadd.f32 v29, v28  }
0xd6: {  	v29 =	vld [tilespmem:s13+$0x8820];
	v23 =	vmul.f32 v23, v5;
	v25 =	vadd.f32 v10, v25;
	v10 =	vmul.f32 v15, v4  }
0xd7: {  	v27 =	vadd.f32 v38, v28;
	v28 =	vld [tilespmem:s13+$0x8840];
	v15 =	vmul.f32 v19, v4;
	v19 =	vmul.f32 v31, v4  }
0xd8: {  	v40 =	vld [tilespmem:s13+$0x8810];
	v12 =	vadd.f32 v34, v23;
	v31 =	vmul.f32 v22, v5;
	v22 =	vmul.f32 v26, v5  }
0xd9: {  	v41 =	vld [tilespmem:s13+$0x8830];
	v23 =	vadd.f32 v33, v32;
	v26 =	vmul.f32 v60, v4;
	v33 =	vmul.f32 v62, v6;
	[tilespmem:s13+$0x10C20] =	vst v27  }
0xda: {  	v55 =	vld [tilespmem:s13+$0x8850];
	v27 =	vmul.f32 v37, v5;
	[tilespmem:s13+$0x10C10] =	vst v25;
	v25 =	vmul.f32 v16, v5  }
0xdb: {  	v21 =	vadd.f32 v15, v12;
	v15 =	vmul.f32 v29, v4;
	v16 =	vadd.f32 v17, v23;
	v29 =	vld [tilespmem:s13+$0x4820]  }
0xdc: {  	v23 =	vmul.f32 v18, v6;
	v18 =	vmul.f32 v28, v4;
	v28 =	vadd.f32 v59, v27;
	v27 =	vld [tilespmem:s13+$0x4870]  }
0xdd: {  	v12 =	vmul.f32 v40, v4;
	[tilespmem:s13+$0x10C60] =	vst v21;
	v21 =	vmul.f32 v30, v5;
	v30 =	vadd.f32 v14, v25;
	v25 =	vld [tilespmem:s13+$0x6810]  }
0xde: {  	s15 =	sshll.u32 s8, $0x6;
	v32 =	vadd.f32 v63, v42;
	v17 =	vmul.f32 v41, v4;
	v14 =	vmul.f32 v24, v5;
	v24 =	vld [tilespmem:s13+$0x8870]  }
0xdf: {  	s9 =	simm.s32 $0x1;
	s7 =	simm.s32 $0x80;
	s25 =	simm.s32 $0x100;
	[tilespmem:s13+$0x10C40] =	vst v16;
	v16 =	vmul.f32 v55, v4;
	v28 =	vadd.f32 v58, v28;
	v34 =	vadd.f32 v56, v30;
	v30 =	vld [tilespmem:s13+$0x4C00]  }
.LBB2_3:
0xe0: {  	s0 =	sadd.s32 s9, s6  }
0xe1: {  	s2 =	sand.u32 $0x1800, s25;
	s10 =	sand.u32 $0x380, s7;
	v11 =	vadd.f32 v35, v11;
	v29 =	vmul.f32 v29, v5;
	v23 =	vadd.f32 v23, v31;
	v31 =	vld [tilespmem:s13+$0x8C00];
	s28 =	smov.u32 s9  }
0xe2: {  	v9 =	vadd.f32 v9, v21;
	s31 =	sand.u32 $0x50, s0;
	s0 =	sor.u32 s10, s2;
	s2 =	sadd.s32 $0x1, s9;
	v13 =	vadd.f32 v36, v13;
	[tilespmem:s13+$0x10860] =	vst v34;
	v27 =	vmul.f32 v27, v5  }
0xe3: {  	p0 =	sne.s32 s9, $0x1F;
	v21 =	vld [tilespmem:s0+$0x6C00];
	v11 =	vadd.f32 v19, v11;
	v6 =	vmul.f32 v25, v6;
	v19 =	vadd.f32 v33, v29;
	[tilespmem:s13+$0x10C70] =	vst v28  }
0xe4: {  	v25 =	vld [tilespmem:s0+$0x8C10];
	v13 =	vadd.f32 v17, v13;
	v8 =	vadd.f32 v8, v27;
	v17 =	vmul.f32 v24, v4  }
0xe5: {  	v24 =	vld [tilespmem:s0+$0x6870];
	v6 =	vadd.f32 v6, v14;
	v5 =	vmul.f32 v30, v5;
	v14 =	vadd.f32 v26, v32  }
0xe6: {  	v26 =	vld [tilespmem:s0+$0x8860];
	[tilespmem:s13+$0x10800] =	vst v11;
	v11 =	vadd.f32 v20, v22;
	v8 =	vadd.f32 v17, v8;
	v4 =	vmul.f32 v31, v4  }
0xe7: {  	v15 =	vadd.f32 v15, v19;
	v17 =	vld [tilespmem:s0+$0x6860];
	[tilespmem:s13+$0x10830] =	vst v13;
	v5 =	vadd.f32 v7, v5  }
0xe8: {  	v9 =	vadd.f32 v10, v9;
	v20 =	vld [tilespmem:s0+$0x4860];
	v7 =	vadd.f32 v18, v11;
	[tilespmem:s13+$0x10C50] =	vst v14  }
0xe9: {  	v6 =	vadd.f32 v12, v6;
	v10 =	vld [tilespmem:s0+$0x8C30];
	[tilespmem:s13+$0x10820] =	vst v15;
	v4 =	vadd.f32 v4, v5  }
0xea: {  	v5 =	vadd.f32 v16, v23;
	v18 =	vld [tilespmem:s0+$0x6850];
	[tilespmem:s13+$0x10840] =	vst v7  }
0xeb: {  	v14 =	vld [tilespmem:s0+$0x4810];
	[tilespmem:s13+$0x10C30] =	vst v9  }
0xec: {  	v7 =	vld [tilespmem:s0+$0x8C20];
	[tilespmem:s13+$0x10850] =	vst v5  }
0xed: {  	v22 =	vld [tilespmem:s0+$0x4850];
	[tilespmem:s13+$0x10C00] =	vst v4  }
0xee: {  	v16 =	vld [tilespmem:s0+$0x6840];
	[tilespmem:s13+$0x10810] =	vst v6  }
0xef: {  	v28 =	vld [tilespmem:s0+$0x4840];
	[tilespmem:s13+$0x10870] =	vst v8;
	s13 =	smov.u32 s0  }
0xf0: {  	v12 =	vld [tilespmem:s13+$0x8C70]  }
0xf1: {  	v15 =	vld [tilespmem:s13+$0x8C60]  }
0xf2: {  	v13 =	vld [tilespmem:s13+$0x4830]  }
0xf3: {  	v23 =	vld [tilespmem:s13+$0x8C40]  }
0xf4: {  	v8 =	vld [tilespmem:s13+$0x4800]  }
0xf5: {  	v4 =	vld.idx.msk [tilespmem:v3+s31+$0x100 ss:$0x1], $0xffff  }
0xf6: {  	v6 =	vld.idx.msk [tilespmem:v3+s31+$0x80 ss:$0x1], $0xffff  }
0xf7: {  	v5 =	vld.idx.msk [tilespmem:v3+s31+$0x0 ss:$0x1], $0xffff  }
0xf8: {  	v19 =	vld [tilespmem:s13+$0x4C10]  }
0xf9: {  	v9 =	vld [tilespmem:s13+$0x6C10]  }
0xfa: {  	v27 =	vld [tilespmem:s13+$0x4C20]  }
0xfb: {  	v11 =	vld [tilespmem:s13+$0x6C20]  }
0xfc: {  	s0 =	sand.u32 $0xF, s28;
	v29 =	vld [tilespmem:s13+$0x4C30]  }
0xfd: {  	v30 =	vmov s0;
	v31 =	vld [tilespmem:s13+$0x6C30]  }
0xfe: {  	v6 =	vperm.xlane v6, v30;
	v5 =	vperm.xlane v5, v30;
	v32 =	vld [tilespmem:s13+$0x4C40]  }
0xff: {  	v4 =	vperm.xlane v4, v30;
	v30 =	vld [tilespmem:s13+$0x6C40]  }
0x100: {  	v33 =	vmul.f32 v9, v6;
	v34 =	vmul.f32 v11, v6;
	v35 =	vld [tilespmem:s13+$0x4C50]  }
0x101: {  	v36 =	vmul.f32 v7, v4;
	v11 =	vmul.f32 v8, v5;
	v37 =	vld [tilespmem:s13+$0x6C50]  }
0x102: {  	v8 =	vmul.f32 v24, v6;
	v9 =	vmul.f32 v31, v6;
	v24 =	vld [tilespmem:s13+$0x4C60]  }
0x103: {  	v7 =	vmul.f32 v21, v6;
	v21 =	vmul.f32 v32, v5;
	v31 =	vld [tilespmem:s13+$0x6C60]  }
0x104: {  	v25 =	vmul.f32 v25, v4;
	v30 =	vmul.f32 v30, v6;
	v32 =	vld [tilespmem:s13+$0x4C70]  }
0x105: {  	v13 =	vmul.f32 v13, v5;
	v27 =	vmul.f32 v27, v5;
	v38 =	vld [tilespmem:s13+$0x6C70]  }
0x106: {  	v19 =	vmul.f32 v19, v5;
	v40 =	vmul.f32 v35, v5;
	v39 =	vld [tilespmem:s13+$0x8800];
	v21 =	vadd.f32 v30, v21  }
0x107: {  	v10 =	vmul.f32 v10, v4;
	v27 =	vadd.f32 v34, v27;
	v30 =	vld [tilespmem:s13+$0x8810];
	v24 =	vmul.f32 v24, v5  }
0x108: {  	v41 =	vmul.f32 v26, v4;
	v26 =	vadd.f32 v33, v19;
	v34 =	vld [tilespmem:s13+$0x8820];
	v19 =	vmul.f32 v31, v6  }
0x109: {  	v33 =	vmul.f32 v12, v4;
	v27 =	vadd.f32 v36, v27;
	v31 =	vld [tilespmem:s13+$0x8830];
	v32 =	vmul.f32 v32, v5  }
0x10a: {  	v15 =	vmul.f32 v15, v4;
	v35 =	vld [tilespmem:s13+$0x8840];
	v24 =	vadd.f32 v19, v24;
	v36 =	vmul.f32 v38, v6  }
0x10b: {  	v23 =	vmul.f32 v23, v4;
	v25 =	vadd.f32 v25, v26;
	v19 =	vmul.f32 v39, v4;
	v38 =	vld [tilespmem:s13+$0x8850];
	[tilespmem:s13+$0x10C20] =	vst v27  }
0x10c: {  	v26 =	vmul.f32 v17, v6;
	v12 =	vmul.f32 v30, v4;
	v30 =	vld [tilespmem:s13+$0x6830];
	v24 =	vadd.f32 v15, v24  }
0x10d: {  	v27 =	vmul.f32 v20, v5;
	v20 =	vadd.f32 v23, v21;
	v15 =	vmul.f32 v34, v4;
	[tilespmem:s13+$0x10C10] =	vst v25;
	v34 =	vld [tilespmem:s13+$0x8C50]  }
0x10e: {  	v23 =	vmul.f32 v18, v6;
	v39 =	vld [tilespmem:s13+$0x6800];
	v17 =	vmul.f32 v31, v4;
	[tilespmem:s13+$0x10C60] =	vst v24;
	v24 =	vadd.f32 v36, v32  }
0x10f: {  	v21 =	vmul.f32 v29, v5;
	v32 =	vld [tilespmem:s13+$0x6820];
	v18 =	vmul.f32 v35, v4;
	[tilespmem:s13+$0x10C40] =	vst v20  }
.Ltmp0:
0x110: {  	v20 =	vmul.f32 v16, v6;
	v29 =	vld [tilespmem:s13+$0x4820];
	v16 =	vmul.f32 v38, v4;
	(pc) =	sbr.rel @p0 .LBB2_3-.Ltmp0, $4  }
0x111: {  	v37 =	vmul.f32 v37, v6;
	v31 =	vmul.f32 v22, v5;
	v36 =	vadd.f32 v26, v27;
	v27 =	vld [tilespmem:s13+$0x4870]  }
0x112: {  	v22 =	vmul.f32 v28, v5;
	v28 =	vadd.f32 v33, v24;
	v25 =	vld [tilespmem:s13+$0x6810];
	v26 =	vmul.f32 v34, v4  }
0x113: {  	v14 =	vmul.f32 v14, v5;
	v34 =	vadd.f32 v41, v36;
	v35 =	vmul.f32 v39, v6;
	v24 =	vld [tilespmem:s13+$0x8870]  }
0x114: {  	s7 =	sadd.s32 $0x80, s7;
	s25 =	sadd.s32 $0x100, s25;
	s9 =	smov.u32 s2;
	v36 =	vmul.f32 v30, v6;
	v33 =	vmul.f32 v32, v6;
	v30 =	vld [tilespmem:s13+$0x4C00];
	v32 =	vadd.f32 v37, v40  }
0x115: {  	v11 =	vadd.f32 v35, v11  }
0x116: {  	v9 =	vadd.f32 v9, v21  }
0x117: {  	v23 =	vadd.f32 v23, v31;
	[tilespmem:s13+$0x10860] =	vst v34;
	v11 =	vadd.f32 v19, v11  }
0x118: {  	v29 =	vmul.f32 v29, v5;
	v48 =	vld [tilespmem:s13+$0x8C00];
	[tilespmem:s13+$0x10C70] =	vst v28;
	v13 =	vadd.f32 v36, v13;
	v9 =	vadd.f32 v10, v9  }
0x119: {  	v10 =	vadd.f32 v16, v23;
	[tilespmem:s13+$0x10800] =	vst v11  }
0x11a: {  	v19 =	vadd.f32 v33, v29;
	v6 =	vmul.f32 v25, v6;
	v13 =	vadd.f32 v17, v13;
	[tilespmem:s13+$0x10C30] =	vst v9  }
0x11b: {  	v17 =	vadd.f32 v26, v32;
	v11 =	vadd.f32 v20, v22;
	v20 =	vmul.f32 v30, v5;
	[tilespmem:s13+$0x10850] =	vst v10  }
0x11c: {  	v15 =	vadd.f32 v15, v19;
	v5 =	vmul.f32 v27, v5;
	v6 =	vadd.f32 v6, v14;
	[tilespmem:s13+$0x10830] =	vst v13  }
0x11d: {  	[tilespmem:s13+$0x10C50] =	vst v17;
	v13 =	vmul.f32 v48, v4;
	v11 =	vadd.f32 v18, v11;
	v7 =	vadd.f32 v7, v20  }
0x11e: {  	v4 =	vmul.f32 v24, v4;
	[tilespmem:s13+$0x10820] =	vst v15;
	v5 =	vadd.f32 v8, v5;
	v6 =	vadd.f32 v12, v6  }
0x11f: {  	[tilespmem:s13+$0x10840] =	vst v11;
	v7 =	vadd.f32 v13, v7  }
0x120: {  	s0 =	sadd.s32 s5, s15;
	v4 =	vadd.f32 v4, v5;
	[tilespmem:s13+$0x10810] =	vst v6  }
0x121: {  	s0 =	sshll.u32 s0, $0x5;
	[tilespmem:s13+$0x10C00] =	vst v7  }
0x122: {  	s0 =	sadd.s32 s3, s0;
	[tilespmem:s13+$0x10870] =	vst v4  }
0x123: {  	[hbm4b:s0+s4] =	stream.linear.scatter [tilespmem:s22], [sflag:$0x3], $0x2000, $0x38;
	[tilespmem:$0x14800] =	vst v63  }
0x124: {  	_ =	swait.ge [sflag:s23], $0x2000  }
0x125: {  	[sflag:s23] =	ssyncset.done $0x0  }
0x126: {  	[sflag:s23] =	ssyncadd.s32 $0xFFFFE000  }
0x127: {  	_ =	swait.ge [sflag:s23], $0x2000  }
0x128: {  	[sflag:s23] =	ssyncset.done $0x0  }
0x129: {  	[sflag:s23] =	ssyncadd.s32 $0xFFFFE000  }
0x12a: {  	p0 =	seq.s32 s8, $0x7;
	_ =	swait.ge [sflag:s23], $0x2000  }
0x12b: {  	s0 =	sshll.u32 @!p0 s8, $0x8;
	[sflag:s23] =	ssyncset.done $0x0  }
0x12c: {  	s7 =	sand.u32 @!p0 $0x3FFFFF00, s0;
	[sflag:s23] =	ssyncadd.s32 $0xFFFFE000  }
0x12d: {  	v4 =	vld @!p0 [tilespmem:s7+$0x100];
	_ =	sdelay $0x4  }
0x12e: {  	v5 =	vshll.u32 @!p0 v4, $0x1  }
0x12f: {  	v6 =	vlaneseq.u32 @!p0;
	v4 =	vand.u32 @!p0 $0x7, v4;
	v5 =	vand.u32 @!p0 $0xFFFFFFF0, v5  }
0x130: {  	v7 =	vshrl.u32 @!p0 v6, $0x3;
	v4 =	vor.u32 @!p0 v4, v5;
	v5 =	vand.u32 @!p0 $0x7, v6  }
0x131: {  	v7 =	vmul.u32 @!p0 $0x8, v7;
	v8 =	vperm.xlane @!p0 v4, v5  }
0x132: {  	v6 =	vor.u32 @!p0 $0x8, v6  }
0x133: {  	v4 =	vperm.xlane @!p0 v4, v6;
	v8 =	vadd.s32 @!p0 v7, v8;
	_ =	sdelay $0x1  }
0x134: {  	v4 =	vadd.s32 @!p0 v7, v4;
	_ =	sdelay $0x1  }
0x135: {  	vm1 =	vmmov @!p0 $0xffff;
	s9 =	simm.s32 @!p0 $0x0;
	s0 =	simm.s32 @!p0 $0x4800  }
0x136: {  	[tilespmem:s0], [sflag:$0x1] =	stream.indirect_vreg.gather @!p0 [hbm4b:s1+s9], $0x80, v8, vm1, $0xb8;
	[tilespmem:$0x14800] =	vst v63  }
0x137: {  	s0 =	simm.s32 @!p0 $0x5000  }
0x138: {  	[tilespmem:s0], [sflag:$0x1] =	stream.indirect_vreg.gather @!p0 [hbm4b:s1+s9], $0x80, v4, vm1, $0xb8;
	[tilespmem:$0x14800] =	vst v63  }
0x139: {  	v4 =	vld @!p0 [tilespmem:s7+$0x110];
	_ =	sdelay $0x4  }
0x13a: {  	v8 =	vshll.u32 @!p0 v4, $0x1  }
0x13b: {  	v4 =	vand.u32 @!p0 $0x7, v4;
	v8 =	vand.u32 @!p0 $0xFFFFFFF0, v8  }
0x13c: {  	v4 =	vor.u32 @!p0 v4, v8  }
0x13d: {  	v8 =	vperm.xlane @!p0 v4, v5;
	_ =	sdelay $0x1  }
0x13e: {  	v4 =	vperm.xlane @!p0 v4, v6;
	v8 =	vadd.s32 @!p0 v7, v8;
	_ =	sdelay $0x1  }
0x13f: {  	v4 =	vadd.s32 @!p0 v7, v4;
	_ =	sdelay $0x1  }
0x140: {  	s0 =	simm.s32 @!p0 $0x5800  }
0x141: {  	[tilespmem:s0], [sflag:$0x1] =	stream.indirect_vreg.gather @!p0 [hbm4b:s1+s9], $0x80, v8, vm1, $0xb8;
	[tilespmem:$0x14800] =	vst v63  }
0x142: {  	s0 =	simm.s32 @!p0 $0x6000  }
0x143: {  	[tilespmem:s0], [sflag:$0x1] =	stream.indirect_vreg.gather @!p0 [hbm4b:s1+s9], $0x80, v4, vm1, $0xb8;
	[tilespmem:$0x14800] =	vst v63  }
0x144: {  	v4 =	vld @!p0 [tilespmem:s7+$0x900];
	_ =	sdelay $0x4  }
0x145: {  	v8 =	vshll.u32 @!p0 v4, $0x1  }
0x146: {  	v4 =	vand.u32 @!p0 $0x7, v4;
	v8 =	vand.u32 @!p0 $0xFFFFFFF0, v8  }
0x147: {  	v4 =	vor.u32 @!p0 v4, v8  }
0x148: {  	v8 =	vperm.xlane @!p0 v4, v5;
	_ =	sdelay $0x1  }
0x149: {  	v4 =	vperm.xlane @!p0 v4, v6;
	v8 =	vadd.s32 @!p0 v7, v8;
	_ =	sdelay $0x1  }
0x14a: {  	v4 =	vadd.s32 @!p0 v7, v4;
	_ =	sdelay $0x1  }
0x14b: {  	s0 =	simm.s32 @!p0 $0x6800  }
0x14c: {  	[tilespmem:s0], [sflag:$0x1] =	stream.indirect_vreg.gather @!p0 [hbm4b:s1+s9], $0x80, v8, vm1, $0xb8;
	[tilespmem:$0x14800] =	vst v63  }
0x14d: {  	s0 =	simm.s32 @!p0 $0x7000  }
0x14e: {  	[tilespmem:s0], [sflag:$0x1] =	stream.indirect_vreg.gather @!p0 [hbm4b:s1+s9], $0x80, v4, vm1, $0xb8;
	[tilespmem:$0x14800] =	vst v63  }
0x14f: {  	v4 =	vld @!p0 [tilespmem:s7+$0x910];
	_ =	sdelay $0x4  }
0x150: {  	v8 =	vshll.u32 @!p0 v4, $0x1  }
0x151: {  	v4 =	vand.u32 @!p0 $0x7, v4;
	v8 =	vand.u32 @!p0 $0xFFFFFFF0, v8  }
0x152: {  	v4 =	vor.u32 @!p0 v4, v8  }
0x153: {  	v8 =	vperm.xlane @!p0 v4, v5;
	_ =	sdelay $0x1  }
0x154: {  	v4 =	vperm.xlane @!p0 v4, v6;
	v8 =	vadd.s32 @!p0 v7, v8;
	_ =	sdelay $0x1  }
0x155: {  	v4 =	vadd.s32 @!p0 v7, v4;
	_ =	sdelay $0x1  }
0x156: {  	s0 =	simm.s32 @!p0 $0x7800  }
0x157: {  	[tilespmem:s0], [sflag:$0x1] =	stream.indirect_vreg.gather @!p0 [hbm4b:s1+s9], $0x80, v8, vm1, $0xb8;
	[tilespmem:$0x14800] =	vst v63  }
0x158: {  	s0 =	simm.s32 @!p0 $0x8000  }
0x159: {  	[tilespmem:s0], [sflag:$0x1] =	stream.indirect_vreg.gather @!p0 [hbm4b:s1+s9], $0x80, v4, vm1, $0xb8;
	[tilespmem:$0x14800] =	vst v63  }
0x15a: {  	v4 =	vld @!p0 [tilespmem:s7+$0x1100];
	_ =	sdelay $0x4  }
0x15b: {  	v8 =	vshll.u32 @!p0 v4, $0x1  }
0x15c: {  	v4 =	vand.u32 @!p0 $0x7, v4;
	v8 =	vand.u32 @!p0 $0xFFFFFFF0, v8  }
0x15d: {  	v4 =	vor.u32 @!p0 v4, v8  }
0x15e: {  	v8 =	vperm.xlane @!p0 v4, v5;
	_ =	sdelay $0x1  }
0x15f: {  	v4 =	vperm.xlane @!p0 v4, v6;
	v8 =	vadd.s32 @!p0 v7, v8;
	_ =	sdelay $0x1  }
0x160: {  	v4 =	vadd.s32 @!p0 v7, v4;
	_ =	sdelay $0x1  }
0x161: {  	s0 =	simm.s32 @!p0 $0x8800  }
0x162: {  	[tilespmem:s0], [sflag:$0x1] =	stream.indirect_vreg.gather @!p0 [hbm4b:s1+s9], $0x80, v8, vm1, $0xb8;
	[tilespmem:$0x14800] =	vst v63  }
0x163: {  	s0 =	simm.s32 @!p0 $0x9000  }
0x164: {  	[tilespmem:s0], [sflag:$0x1] =	stream.indirect_vreg.gather @!p0 [hbm4b:s1+s9], $0x80, v4, vm1, $0xb8;
	[tilespmem:$0x14800] =	vst v63  }
0x165: {  	v4 =	vld @!p0 [tilespmem:s7+$0x1110];
	_ =	sdelay $0x4  }
0x166: {  	v8 =	vshll.u32 @!p0 v4, $0x1  }
0x167: {  	v4 =	vand.u32 @!p0 $0x7, v4;
	v8 =	vand.u32 @!p0 $0xFFFFFFF0, v8  }
0x168: {  	v4 =	vor.u32 @!p0 v4, v8  }
0x169: {  	v5 =	vperm.xlane @!p0 v4, v5;
	_ =	sdelay $0x1  }
0x16a: {  	v4 =	vperm.xlane @!p0 v4, v6;
	v5 =	vadd.s32 @!p0 v7, v5;
	_ =	sdelay $0x1  }
0x16b: {  	v4 =	vadd.s32 @!p0 v7, v4;
	_ =	sdelay $0x1  }
0x16c: {  	s0 =	simm.s32 @!p0 $0x9800  }
0x16d: {  	[tilespmem:s0], [sflag:$0x1] =	stream.indirect_vreg.gather @!p0 [hbm4b:s1+s9], $0x80, v5, vm1, $0xb8;
	[tilespmem:$0x14800] =	vst v63  }
0x16e: {  	p1 =	seq.s32 @!p0 s8, $0x0;
	s0 =	simm.s32 @!p0 $0xA000  }
0x16f: {  	[tilespmem:s0], [sflag:$0x1] =	stream.indirect_vreg.gather @!p0 [hbm4b:s1+s9], $0x80, v4, vm1, $0xb8;
	[tilespmem:$0x14800] =	vst v63  }
0x170: {  	p0 =	por p0, !p1  }
0x171: {  	s25 =	simm.s32 $0x0;
	_ =	swait.ge @p0 [sflag:s26], $0x2000  }
0x172: {  	s2 =	sand.u32 $0x1800, s25;
	s28 =	sand.u32 $0x380, s25;
	[sflag:s26] =	ssyncset.done @p0 $0x0  }
0x173: {  	s13 =	sor.u32 s28, s2;
	[sflag:s26] =	ssyncadd.s32 @p0 $0xFFFFE000  }
0x174: {  	v7 =	vld [tilespmem:s13+$0xCC00]  }
0x175: {  	v10 =	vld [tilespmem:s13+$0xEC10]  }
0x176: {  	v8 =	vld [tilespmem:s13+$0xC870]  }
0x177: {  	v12 =	vld [tilespmem:s13+$0xE860]  }
0x178: {  	v14 =	vld [tilespmem:s13+$0xC860]  }
0x179: {  	v16 =	vld [tilespmem:s13+$0xA860]  }
0x17a: {  	v15 =	vld [tilespmem:s13+$0xEC30]  }
0x17b: {  	v18 =	vld [tilespmem:s13+$0xC850]  }
0x17c: {  	v24 =	vld [tilespmem:s13+$0xA810]  }
0x17d: {  	v9 =	vld [tilespmem:s13+$0xEC20]  }
0x17e: {  	v22 =	vld [tilespmem:s13+$0xA850]  }
0x17f: {  	v20 =	vld [tilespmem:s13+$0xC840]  }
0x180: {  	v26 =	vld [tilespmem:s13+$0xA840]  }
0x181: {  	v17 =	vld [tilespmem:s13+$0xEC70]  }
0x182: {  	v19 =	vld [tilespmem:s13+$0xEC60]  }
0x183: {  	v13 =	vld [tilespmem:s13+$0xA830]  }
0x184: {  	s31 =	sadd.s32 $0x0, s29;
	v21 =	vld [tilespmem:s13+$0xEC40]  }
0x185: {  	s2 =	sand.u32 $0x70, s31;
	v11 =	vld [tilespmem:s13+$0xA800]  }
0x186: {  	v4 =	vld.idx.msk [tilespmem:v3+s2+$0x100 ss:$0x1], $0xffff  }
0x187: {  	v5 =	vld.idx.msk [tilespmem:v3+s2+$0x80 ss:$0x1], $0xffff  }
0x188: {  	v23 =	vld.idx.msk [tilespmem:v3+s2+$0x0 ss:$0x1], $0xffff  }
0x189: {  	v25 =	vld [tilespmem:s13+$0xAC10]  }
0x18a: {  	v27 =	vld [tilespmem:s13+$0xCC10]  }
0x18b: {  	v29 =	vld [tilespmem:s13+$0xCC20]  }
0x18c: {  	s0 =	sand.u32 $0xF, s25;
	v28 =	vld [tilespmem:s13+$0xAC20]  }
0x18d: {  	v51 =	vmov s0;
	v31 =	vld [tilespmem:s13+$0xCC30]  }
0x18e: {  	v30 =	vld [tilespmem:s13+$0xAC30];
	v6 =	vperm.xlane v5, v51  }
0x18f: {  	v49 =	vld [tilespmem:s13+$0xAC40];
	v5 =	vperm.xlane v23, v51;
	v4 =	vperm.xlane v4, v51  }
0x190: {  	v50 =	vld [tilespmem:s13+$0xCC40];
	v27 =	vmul.f32 v27, v6;
	v29 =	vmul.f32 v29, v6  }
0x191: {  	v52 =	vld [tilespmem:s13+$0xAC50];
	v11 =	vmul.f32 v11, v5;
	v38 =	vmul.f32 v9, v4  }
0x192: {  	v54 =	vld [tilespmem:s13+$0xCC60];
	v8 =	vmul.f32 v8, v6;
	v9 =	vmul.f32 v31, v6  }
0x193: {  	v39 =	vld [tilespmem:s13+$0xCC70];
	v28 =	vmul.f32 v28, v5;
	v7 =	vmul.f32 v7, v6  }
0x194: {  	v53 =	vld [tilespmem:s13+$0xCC50];
	v32 =	vmul.f32 v49, v5;
	v10 =	vmul.f32 v10, v4  }
0x195: {  	v57 =	vld [tilespmem:s13+$0xC830];
	v25 =	vmul.f32 v25, v5;
	v33 =	vmul.f32 v50, v6  }
0x196: {  	v61 =	vld [tilespmem:s13+$0xC800];
	v13 =	vmul.f32 v13, v5;
	v42 =	vmul.f32 v52, v5  }
0x197: {  	v23 =	vld [tilespmem:s13+$0xAC60];
	v34 =	vmul.f32 v54, v6;
	v56 =	vmul.f32 v12, v4  }
0x198: {  	v31 =	vld [tilespmem:s13+$0xE800];
	v58 =	vmul.f32 v17, v4;
	v59 =	vmul.f32 v39, v6  }
0x199: {  	v60 =	vld [tilespmem:s13+$0xEC50];
	v17 =	vmul.f32 v21, v4;
	v14 =	vmul.f32 v14, v6  }
0x19a: {  	v62 =	vld [tilespmem:s13+$0xC820];
	v20 =	vmul.f32 v20, v6;
	v63 =	vmul.f32 v53, v6;
	v25 =	vadd.f32 v27, v25  }
0x19b: {  	v37 =	vld [tilespmem:s13+$0xAC70];
	v35 =	vmul.f32 v61, v6;
	v36 =	vmul.f32 v57, v6;
	v28 =	vadd.f32 v29, v28  }
0x19c: {  	v29 =	vld [tilespmem:s13+$0xE820];
	v23 =	vmul.f32 v23, v5;
	v25 =	vadd.f32 v10, v25;
	v10 =	vmul.f32 v15, v4  }
0x19d: {  	v27 =	vadd.f32 v38, v28;
	v28 =	vld [tilespmem:s13+$0xE840];
	v15 =	vmul.f32 v19, v4;
	v19 =	vmul.f32 v31, v4  }
0x19e: {  	v40 =	vld [tilespmem:s13+$0xE810];
	v12 =	vadd.f32 v34, v23;
	v31 =	vmul.f32 v22, v5;
	v22 =	vmul.f32 v26, v5  }
0x19f: {  	v41 =	vld [tilespmem:s13+$0xE830];
	v23 =	vadd.f32 v33, v32;
	v26 =	vmul.f32 v60, v4;
	v33 =	vmul.f32 v62, v6;
	[tilespmem:s13+$0x12C20] =	vst v27  }
0x1a0: {  	v55 =	vld [tilespmem:s13+$0xE850];
	v27 =	vmul.f32 v37, v5;
	[tilespmem:s13+$0x12C10] =	vst v25;
	v25 =	vmul.f32 v16, v5  }
0x1a1: {  	v21 =	vadd.f32 v15, v12;
	v15 =	vmul.f32 v29, v4;
	v16 =	vadd.f32 v17, v23;
	v29 =	vld [tilespmem:s13+$0xA820]  }
0x1a2: {  	v23 =	vmul.f32 v18, v6;
	v18 =	vmul.f32 v28, v4;
	v28 =	vadd.f32 v59, v27;
	v27 =	vld [tilespmem:s13+$0xA870]  }
0x1a3: {  	v12 =	vmul.f32 v40, v4;
	[tilespmem:s13+$0x12C60] =	vst v21;
	v21 =	vmul.f32 v30, v5;
	v30 =	vadd.f32 v14, v25;
	v25 =	vld [tilespmem:s13+$0xC810]  }
0x1a4: {  	s11 =	sshll.u32 s11, $0x5;
	v32 =	vadd.f32 v63, v42;
	v17 =	vmul.f32 v41, v4;
	v14 =	vmul.f32 v24, v5;
	v24 =	vld [tilespmem:s13+$0xE870]  }
0x1a5: {  	s15 =	simm.s32 $0x100;
	s7 =	simm.s32 $0x80;
	s2 =	simm.s32 $0x1;
	[tilespmem:s13+$0x12C40] =	vst v16;
	v16 =	vmul.f32 v55, v4;
	v28 =	vadd.f32 v58, v28;
	v34 =	vadd.f32 v56, v30;
	v30 =	vld [tilespmem:s13+$0xAC00]  }
.LBB2_5:
0x1a6: {  	s0 =	sadd.s32 s2, s29  }
0x1a7: {  	s9 =	sand.u32 $0x1800, s15;
	s10 =	sand.u32 $0x380, s7;
	v11 =	vadd.f32 v35, v11;
	v29 =	vmul.f32 v29, v5;
	v23 =	vadd.f32 v23, v31;
	v31 =	vld [tilespmem:s13+$0xEC00];
	s25 =	smov.u32 s2  }
0x1a8: {  	v9 =	vadd.f32 v9, v21;
	s28 =	sand.u32 $0x70, s0;
	s0 =	sor.u32 s10, s9;
	s9 =	sadd.s32 $0x1, s2;
	v13 =	vadd.f32 v36, v13;
	[tilespmem:s13+$0x12860] =	vst v34;
	v27 =	vmul.f32 v27, v5  }
0x1a9: {  	p0 =	sne.s32 s2, $0x1F;
	v21 =	vld [tilespmem:s0+$0xCC00];
	v11 =	vadd.f32 v19, v11;
	v6 =	vmul.f32 v25, v6;
	v19 =	vadd.f32 v33, v29;
	[tilespmem:s13+$0x12C70] =	vst v28  }
0x1aa: {  	v25 =	vld [tilespmem:s0+$0xEC10];
	v13 =	vadd.f32 v17, v13;
	v8 =	vadd.f32 v8, v27;
	v17 =	vmul.f32 v24, v4  }
0x1ab: {  	v24 =	vld [tilespmem:s0+$0xC870];
	v6 =	vadd.f32 v6, v14;
	v5 =	vmul.f32 v30, v5;
	v14 =	vadd.f32 v26, v32  }
0x1ac: {  	v26 =	vld [tilespmem:s0+$0xE860];
	[tilespmem:s13+$0x12800] =	vst v11;
	v11 =	vadd.f32 v20, v22;
	v8 =	vadd.f32 v17, v8;
	v4 =	vmul.f32 v31, v4  }
0x1ad: {  	v15 =	vadd.f32 v15, v19;
	v17 =	vld [tilespmem:s0+$0xC860];
	[tilespmem:s13+$0x12830] =	vst v13;
	v5 =	vadd.f32 v7, v5  }
0x1ae: {  	v9 =	vadd.f32 v10, v9;
	v20 =	vld [tilespmem:s0+$0xA860];
	v7 =	vadd.f32 v18, v11;
	[tilespmem:s13+$0x12C50] =	vst v14  }
0x1af: {  	v6 =	vadd.f32 v12, v6;
	v10 =	vld [tilespmem:s0+$0xEC30];
	[tilespmem:s13+$0x12820] =	vst v15;
	v4 =	vadd.f32 v4, v5  }
0x1b0: {  	v5 =	vadd.f32 v16, v23;
	v18 =	vld [tilespmem:s0+$0xC850];
	[tilespmem:s13+$0x12840] =	vst v7  }
0x1b1: {  	v14 =	vld [tilespmem:s0+$0xA810];
	[tilespmem:s13+$0x12C30] =	vst v9  }
0x1b2: {  	v7 =	vld [tilespmem:s0+$0xEC20];
	[tilespmem:s13+$0x12850] =	vst v5  }
0x1b3: {  	v22 =	vld [tilespmem:s0+$0xA850];
	[tilespmem:s13+$0x12C00] =	vst v4  }
0x1b4: {  	v16 =	vld [tilespmem:s0+$0xC840];
	[tilespmem:s13+$0x12810] =	vst v6  }
0x1b5: {  	v28 =	vld [tilespmem:s0+$0xA840];
	[tilespmem:s13+$0x12870] =	vst v8;
	s13 =	smov.u32 s0  }
0x1b6: {  	v12 =	vld [tilespmem:s13+$0xEC70]  }
0x1b7: {  	v15 =	vld [tilespmem:s13+$0xEC60]  }
0x1b8: {  	v13 =	vld [tilespmem:s13+$0xA830]  }
0x1b9: {  	v23 =	vld [tilespmem:s13+$0xEC40]  }
0x1ba: {  	v8 =	vld [tilespmem:s13+$0xA800]  }
0x1bb: {  	v4 =	vld.idx.msk [tilespmem:v3+s28+$0x100 ss:$0x1], $0xffff  }
0x1bc: {  	v6 =	vld.idx.msk [tilespmem:v3+s28+$0x80 ss:$0x1], $0xffff  }
0x1bd: {  	v5 =	vld.idx.msk [tilespmem:v3+s28+$0x0 ss:$0x1], $0xffff  }
0x1be: {  	v19 =	vld [tilespmem:s13+$0xAC10]  }
0x1bf: {  	v9 =	vld [tilespmem:s13+$0xCC10]  }
0x1c0: {  	v27 =	vld [tilespmem:s13+$0xAC20]  }
0x1c1: {  	v11 =	vld [tilespmem:s13+$0xCC20]  }
0x1c2: {  	s0 =	sand.u32 $0xF, s25;
	v29 =	vld [tilespmem:s13+$0xAC30]  }
0x1c3: {  	v30 =	vmov s0;
	v31 =	vld [tilespmem:s13+$0xCC30]  }
0x1c4: {  	v6 =	vperm.xlane v6, v30;
	v5 =	vperm.xlane v5, v30;
	v32 =	vld [tilespmem:s13+$0xAC40]  }
0x1c5: {  	v4 =	vperm.xlane v4, v30;
	v30 =	vld [tilespmem:s13+$0xCC40]  }
0x1c6: {  	v33 =	vmul.f32 v9, v6;
	v34 =	vmul.f32 v11, v6;
	v35 =	vld [tilespmem:s13+$0xAC50]  }
0x1c7: {  	v36 =	vmul.f32 v7, v4;
	v11 =	vmul.f32 v8, v5;
	v37 =	vld [tilespmem:s13+$0xCC50]  }
0x1c8: {  	v8 =	vmul.f32 v24, v6;
	v9 =	vmul.f32 v31, v6;
	v24 =	vld [tilespmem:s13+$0xAC60]  }
0x1c9: {  	v7 =	vmul.f32 v21, v6;
	v21 =	vmul.f32 v32, v5;
	v31 =	vld [tilespmem:s13+$0xCC60]  }
0x1ca: {  	v25 =	vmul.f32 v25, v4;
	v30 =	vmul.f32 v30, v6;
	v32 =	vld [tilespmem:s13+$0xAC70]  }
0x1cb: {  	v13 =	vmul.f32 v13, v5;
	v27 =	vmul.f32 v27, v5;
	v38 =	vld [tilespmem:s13+$0xCC70]  }
0x1cc: {  	v19 =	vmul.f32 v19, v5;
	v40 =	vmul.f32 v35, v5;
	v39 =	vld [tilespmem:s13+$0xE800];
	v21 =	vadd.f32 v30, v21  }
0x1cd: {  	v10 =	vmul.f32 v10, v4;
	v27 =	vadd.f32 v34, v27;
	v30 =	vld [tilespmem:s13+$0xE810];
	v24 =	vmul.f32 v24, v5  }
0x1ce: {  	v41 =	vmul.f32 v26, v4;
	v26 =	vadd.f32 v33, v19;
	v34 =	vld [tilespmem:s13+$0xE820];
	v19 =	vmul.f32 v31, v6  }
0x1cf: {  	v33 =	vmul.f32 v12, v4;
	v27 =	vadd.f32 v36, v27;
	v31 =	vld [tilespmem:s13+$0xE830];
	v32 =	vmul.f32 v32, v5  }
0x1d0: {  	v15 =	vmul.f32 v15, v4;
	v35 =	vld [tilespmem:s13+$0xE840];
	v24 =	vadd.f32 v19, v24;
	v36 =	vmul.f32 v38, v6  }
0x1d1: {  	v23 =	vmul.f32 v23, v4;
	v25 =	vadd.f32 v25, v26;
	v19 =	vmul.f32 v39, v4;
	v38 =	vld [tilespmem:s13+$0xE850];
	[tilespmem:s13+$0x12C20] =	vst v27  }
0x1d2: {  	v26 =	vmul.f32 v17, v6;
	v12 =	vmul.f32 v30, v4;
	v30 =	vld [tilespmem:s13+$0xC830];
	v24 =	vadd.f32 v15, v24  }
0x1d3: {  	v27 =	vmul.f32 v20, v5;
	v20 =	vadd.f32 v23, v21;
	v15 =	vmul.f32 v34, v4;
	[tilespmem:s13+$0x12C10] =	vst v25;
	v34 =	vld [tilespmem:s13+$0xEC50]  }
0x1d4: {  	v23 =	vmul.f32 v18, v6;
	v39 =	vld [tilespmem:s13+$0xC800];
	v17 =	vmul.f32 v31, v4;
	[tilespmem:s13+$0x12C60] =	vst v24;
	v24 =	vadd.f32 v36, v32  }
0x1d5: {  	v21 =	vmul.f32 v29, v5;
	v32 =	vld [tilespmem:s13+$0xC820];
	v18 =	vmul.f32 v35, v4;
	[tilespmem:s13+$0x12C40] =	vst v20  }
.Ltmp1:
0x1d6: {  	v20 =	vmul.f32 v16, v6;
	v29 =	vld [tilespmem:s13+$0xA820];
	v16 =	vmul.f32 v38, v4;
	(pc) =	sbr.rel @p0 .LBB2_5-.Ltmp1, $4  }
0x1d7: {  	v37 =	vmul.f32 v37, v6;
	v31 =	vmul.f32 v22, v5;
	v36 =	vadd.f32 v26, v27;
	v27 =	vld [tilespmem:s13+$0xA870]  }
0x1d8: {  	v22 =	vmul.f32 v28, v5;
	v28 =	vadd.f32 v33, v24;
	v25 =	vld [tilespmem:s13+$0xC810];
	v26 =	vmul.f32 v34, v4  }
0x1d9: {  	v14 =	vmul.f32 v14, v5;
	v34 =	vadd.f32 v41, v36;
	v35 =	vmul.f32 v39, v6;
	v24 =	vld [tilespmem:s13+$0xE870]  }
0x1da: {  	s7 =	sadd.s32 $0x80, s7;
	s15 =	sadd.s32 $0x100, s15;
	s2 =	smov.u32 s9;
	v36 =	vmul.f32 v30, v6;
	v33 =	vmul.f32 v32, v6;
	v30 =	vld [tilespmem:s13+$0xAC00];
	v32 =	vadd.f32 v37, v40  }
0x1db: {  	v3 =	vadd.f32 v35, v11  }
0x1dc: {  	v57 =	vmul.f32 v29, v5;
	[tilespmem:s13+$0x12860] =	vst v34;
	v9 =	vadd.f32 v9, v21;
	v59 =	vadd.f32 v26, v32  }
0x1dd: {  	v58 =	vld [tilespmem:s13+$0xEC00];
	[tilespmem:s13+$0x12C70] =	vst v28;
	v13 =	vadd.f32 v36, v13;
	v3 =	vadd.f32 v19, v3  }
0x1de: {  	v11 =	vadd.f32 v33, v57;
	v6 =	vmul.f32 v25, v6;
	v9 =	vadd.f32 v10, v9;
	[tilespmem:s13+$0x12C50] =	vst v59  }
0x1df: {  	v13 =	vadd.f32 v17, v13;
	[tilespmem:s13+$0x12800] =	vst v3;
	v3 =	vadd.f32 v20, v22  }
0x1e0: {  	v60 =	vmul.f32 v30, v5;
	v11 =	vadd.f32 v15, v11;
	v6 =	vadd.f32 v6, v14;
	[tilespmem:s13+$0x12C30] =	vst v9  }
0x1e1: {  	v23 =	vadd.f32 v23, v31;
	v61 =	vmul.f32 v27, v5;
	[tilespmem:s13+$0x12830] =	vst v13;
	v3 =	vadd.f32 v18, v3  }
0x1e2: {  	s8 =	sadd.s32 $0x1, s8;
	v62 =	vmul.f32 v58, v4;
	v7 =	vadd.f32 v7, v60;
	[tilespmem:s13+$0x12820] =	vst v11;
	v6 =	vadd.f32 v12, v6  }
0x1e3: {  	p0 =	sne.s32 s8, $0x8;
	v63 =	vmul.f32 v24, v4;
	v5 =	vadd.f32 v8, v61;
	[tilespmem:s13+$0x12840] =	vst v3;
	v3 =	vadd.f32 v16, v23  }
.Ltmp2:
0x1e4: {  	v7 =	vadd.f32 v62, v7;
	[tilespmem:s13+$0x12810] =	vst v6;
	(pc) =	sbr.rel @p0 .LBB2_2-.Ltmp2, $4  }
0x1e5: {  	s0 =	sadd.s32 s5, s11;
	[tilespmem:s13+$0x12850] =	vst v3;
	v3 =	vadd.f32 v63, v5  }
0x1e6: {  	s0 =	sshll.u32 s0, $0x5;
	[tilespmem:s13+$0x12C00] =	vst v7  }
0x1e7: {  	s6 =	sadd.s32 $0x40, s6;
	s29 =	sadd.s32 $0x40, s29;
	s0 =	sadd.s32 s3, s0;
	[tilespmem:s13+$0x12870] =	vst v3  }
0x1e8: {  	[hbm4b:s0+s4] =	stream.linear.scatter [tilespmem:s24], [sflag:$0x4], $0x2000, $0x38;
	[tilespmem:$0x14800] =	vst v63  }
0x1e9: {  	s0 =	simm.s32 $0x3  }
0x1ea: {  	_ =	swait.ge [sflag:s0], $0x2000  }
0x1eb: {  	[sflag:s0] =	ssyncset.done $0x0  }
0x1ec: {  	[sflag:s0] =	ssyncadd.s32 $0xFFFFE000  }
0x1ed: {  	_ =	swait.ge [sflag:s26], $0x2000  }
0x1ee: {  	s2 =	rddreg [dreg:$0xa]  }
0x1ef: {  	s31 =	rddreg [dreg:$0x6];
	s2 =	sadd.s32 $0x1, s2  }
0x1f0: {  	p0 =	sne.s32 s2, s31  }
.Ltmp3:
0x1f1: {  	_ = 	snop;
	(pc) =	sbr.rel @p0 .LBB2_1-.Ltmp3, $3  }
0x1f2: {  	_ =	sdelay $0x1  }
0x1f3: {  	[sflag:s26] =	ssyncset.done $0x0  }
0x1f4: {  	[sflag:s26] =	ssyncadd.s32 $0xFFFFE000  }
0x1f5: {  	_ =	sfence.sel $0x180000  }
0x1f6: {  	[bflag:$0x0] =	sbarrier.arrive $0xFFFF  }
0x1f7: {  	_ =	strace $0x90000047  }
0x1f8: {  	s0 =	stileid.u32;
	[bflag:$0x2] =	sbarrier.arrive $0xFFFF  }
0x1f9: {  	p0 =	sne.s32 s0, $0x0;
	s0 =	rddreg [dreg:$0x3]  }
0x1fa: {  	s0 =	sadd.s32 @!p0 $0x100000, s0  }
0x1fb: {  	[sflag:s0] =	ssyncadd.tile.s32 @!p0 $0x1;
	_ =	shalt  }
.Lfunc_end2:
_tile_overlayer_lowered:
.L_overlay_start_2:
0x1fc: {  	(tag) =	ssettag $0x2  }
0x1fd: {  	s0 =	rddreg [dreg:$0x0];
	s2 =	stileid.u32  }
0x1fe: {  	s1 =	rddreg [dreg:$0x1];
	p0 =	sne.s32 s2, $0x0  }
0x1ff: {  	s3 =	rddreg [dreg:$0x2];
	[bflag:$0x3] =	sbarrier.arrive $0xFFFF;
	s2 =	simm.s32 @!p0 $0x1C05  }
0x200: {  	[timem:s3], [sflag:s2] =	dma.local @!p0 [hbm:s0], s1  }
0x201: {  	s0 =	simm.s32 @!p0 $0x5  }
0x202: {  	_ =	swait.ge @!p0 [sflag:s0], s1  }
0x203: {  	s1 =	ssub.s32 @!p0 $0x0, s1;
	[sflag:s0] =	ssyncset.done @!p0 $0x0  }
0x204: {  	[sflag:s0] =	ssyncadd.s32 @!p0 s1  }
0x205: {  	[bflag:$0x3] =	sbarrier.arrive $0xFFFF  }
0x206: {  	_ =	shalt  }

</sc_bundles>
